<compile_context>
chip_gen: v7x
topology: tpu7x:2x2x1
jax: 0.10.2.dev20260603
libtpu: 0.0.44.dev20260713+nightly
codegen_flags: <defaults>
</compile_context>

<pallas_src>
import functools

import jax
import jax.numpy as jnp
from jax import lax
from jax.experimental import pallas as pl
from jax.experimental.pallas import tpu as pltpu
from jax.experimental.pallas import tpu_sc as plsc

N_NODES = 10000
N_EDGES = 320000
D_FEAT = 128
D_EDGE = 16
D_OUT = 2 * D_FEAT + D_EDGE

NUM_CORES = 2
NUM_SUBCORES = 16
NW = NUM_CORES * NUM_SUBCORES
B_PER_W = N_EDGES // NW
CHUNK = 80
N_CHUNKS = B_PER_W // CHUNK
RING = 4
N_FULL_ROUNDS = 31

_mesh = plsc.VectorSubcoreMesh(core_axis_name="c", subcore_axis_name="s")


@functools.partial(
    pl.kernel,
    mesh=_mesh,
    out_type=jax.ShapeDtypeStruct((N_EDGES, D_OUT), jnp.float32),
    scratch_types=(
        [pltpu.VMEM((CHUNK,), jnp.int32) for _ in range(2 * RING)]
        + [
            pltpu.VMEM((2 * CHUNK,), jnp.int32),
            pltpu.VMEM((RING, CHUNK, D_OUT), jnp.float32),
            pltpu.SemaphoreType.DMA((RING,)),
            pltpu.SemaphoreType.DMA((RING,)),
            pltpu.SemaphoreType.DMA((RING,)),
        ]
    ),
)
def _join_sc(unary, binary, index1, index2, out, *refs):
    i1s = refs[0:RING]
    i2s = refs[RING:2 * RING]
    dummy_i, row_v, isem, gsem, wsem = refs[2 * RING:]

    wid = lax.axis_index("s") * NUM_CORES + lax.axis_index("c")
    w0 = wid * B_PER_W

    def start_idx(i, s):
        base = w0 + i * CHUNK
        pltpu.async_copy(index1.at[pl.ds(base, CHUNK)], i1s[s], isem.at[s])
        pltpu.async_copy(index2.at[pl.ds(base, CHUNK)], i2s[s], isem.at[s])

    def wait_idx(s):
        pltpu.make_async_copy(index1.at[pl.ds(w0, 2 * CHUNK)], dummy_i,
                              isem.at[s]).wait()

    def start_gathers(i, b):
        pltpu.async_copy(unary.at[i1s[b]],
                         row_v.at[b, pl.ds(0, CHUNK), pl.ds(0, D_FEAT)],
                         gsem.at[b])
        pltpu.async_copy(unary.at[i2s[b]],
                         row_v.at[b, pl.ds(0, CHUNK), pl.ds(D_FEAT, D_FEAT)],
                         gsem.at[b])
        pltpu.async_copy(binary.at[pl.ds(w0 + i * CHUNK, CHUNK)],
                         row_v.at[b, pl.ds(0, CHUNK), pl.ds(2 * D_FEAT, D_EDGE)],
                         gsem.at[b])

    def drain_gathers(b):
        pltpu.make_async_copy(unary.at[i1s[b]],
                              row_v.at[b, pl.ds(0, CHUNK), pl.ds(0, D_FEAT)],
                              gsem.at[b]).wait()
        pltpu.make_async_copy(unary.at[i2s[b]],
                              row_v.at[b, pl.ds(0, CHUNK), pl.ds(D_FEAT, D_FEAT)],
                              gsem.at[b]).wait()
        pltpu.make_async_copy(binary.at[pl.ds(w0, CHUNK)],
                              row_v.at[b, pl.ds(0, CHUNK), pl.ds(2 * D_FEAT, D_EDGE)],
                              gsem.at[b]).wait()

    def start_writes(i, b):
        pltpu.async_copy(row_v.at[b],
                         out.at[pl.ds(w0 + i * CHUNK, CHUNK)],
                         wsem.at[b])

    def drain_writes(b):
        pltpu.make_async_copy(row_v.at[b],
                              out.at[pl.ds(w0, CHUNK)],
                              wsem.at[b]).wait()

    def slot(i, b, drain_w=True, idx_i=True, gather_i=True):
        sA = (b + 2) % RING
        if drain_w:
            drain_writes(sA)
        if idx_i:
            start_idx(i + 3, (b + 3) % RING)
        if gather_i:
            wait_idx(sA)
            start_gathers(i + 2, sA)
        drain_gathers(b)
        start_writes(i, b)

    start_idx(0, 0)
    start_idx(1, 1)
    start_idx(2, 2)
    wait_idx(0)
    start_gathers(0, 0)
    wait_idx(1)
    start_gathers(1, 1)

    slot(0, 0, drain_w=False)
    slot(1, 1, drain_w=False)
    slot(2, 2)
    slot(3, 3)

    def round_body(r, carry):
        i0 = r * RING
        for b in range(RING):
            slot(i0 + b, b)
        return carry

    lax.fori_loop(1, N_FULL_ROUNDS - 1, round_body, 0)

    i0 = (N_FULL_ROUNDS - 1) * RING
    slot(i0 + 0, 0)
    slot(i0 + 1, 1)
    slot(i0 + 2, 2, idx_i=False)
    slot(i0 + 3, 3, idx_i=False, gather_i=False)
    slot(124, 0, idx_i=False, gather_i=False)

    drain_writes(3)
    drain_writes(0)


def kernel(unary, binary, index1, index2):
    return _join_sc(unary, binary, index1, index2)

# --- scband reference (transcript-rebuilt; emitter-appended) ---
"""Pipeline reference for scband-join-13271448944863 (READ-ONLY COPY).

The authoritative reference and input builder live on the scoring server;
editing this copy changes nothing except your own understanding.
"""

import jax, jax.numpy as jnp
import numpy as np

N_NODES = 10000
N_EDGES = 320000
D_FEAT = 128
D_EDGE = 16


def setup_inputs(seed: int = 0) -> dict:
    key = jax.random.key(seed)
    k1, k2, k3, k4 = jax.random.split(key, 4)
    unary = jax.random.normal(k1, (N_NODES, D_FEAT), dtype=jnp.float32)
    binary = jax.random.normal(k2, (N_EDGES, D_EDGE), dtype=jnp.float32)
    index1 = jax.random.randint(k3, (N_EDGES,), 0, N_NODES, dtype=jnp.int32)
    index2 = jax.random.randint(k4, (N_EDGES,), 0, N_NODES, dtype=jnp.int32)
    return {"unary": unary, "binary": binary, "index1": index1, "index2": index2}


def reference(unary, binary, index1, index2):
    # Faithful translation of Join.call:
    # index1/index2 squeezed (no-op for 1-D), gather rows of unary, concat with binary on axis=1
    idx1 = jnp.squeeze(index1)
    idx2 = jnp.squeeze(index2)
    g1 = jnp.take(unary, idx1, axis=0)
    g2 = jnp.take(unary, idx2, axis=0)
    return jnp.concatenate([g1, g2, binary], axis=1)

if __name__ == "__main__":
    import jax
    _d = setup_inputs()
    print(jax.jit(kernel)(*tuple(_d.values())))

</pallas_src>

<mosaic_0001>
#map = affine_map<(d0, d1) -> (0, 0)>
#map1 = affine_map<(d0, d1) -> (0)>
module attributes {stable_mosaic.version = 14 : i64} {
  func.func @_join_sc(%arg0: i32, %arg1: i32, %arg2: memref<10000x128xf32, #tpu.memory_space<hbm>>, %arg3: memref<320000x16xf32, #tpu.memory_space<hbm>>, %arg4: memref<320000xi32, #tpu.memory_space<hbm>>, %arg5: memref<320000xi32, #tpu.memory_space<hbm>>, %arg6: memref<320000x272xf32, #tpu.memory_space<hbm>>, %arg7: memref<80xi32, #tpu.memory_space<vmem>>, %arg8: memref<80xi32, #tpu.memory_space<vmem>>, %arg9: memref<80xi32, #tpu.memory_space<vmem>>, %arg10: memref<80xi32, #tpu.memory_space<vmem>>, %arg11: memref<80xi32, #tpu.memory_space<vmem>>, %arg12: memref<80xi32, #tpu.memory_space<vmem>>, %arg13: memref<80xi32, #tpu.memory_space<vmem>>, %arg14: memref<80xi32, #tpu.memory_space<vmem>>, %arg15: memref<160xi32, #tpu.memory_space<vmem>>, %arg16: memref<4x80x272xf32, #tpu.memory_space<vmem>>, %arg17: memref<4x!tpu.dma_semaphore, #tpu.memory_space<semaphore_mem>>, %arg18: memref<4x!tpu.dma_semaphore, #tpu.memory_space<semaphore_mem>>, %arg19: memref<4x!tpu.dma_semaphore, #tpu.memory_space<semaphore_mem>>) attributes {dimension_semantics = [#tpu.dimension_semantics<core_parallel>, #tpu.dimension_semantics<subcore_parallel>], iteration_bounds = array<i64: 2, 16>, scalar_prefetch = 0 : i64, scratch_operands = 13 : i64, tpu.core_type = #tpu.core_type<sc_vector_subcore>, window_params = [{transform_indices = #map}, {transform_indices = #map}, {transform_indices = #map1}, {transform_indices = #map1}, {transform_indices = #map}]} {
    %mul3A = arith.constant 2 : i32
    %mul3A_0 = arith.muli %arg1, %mul3A : i32
    %add3A = arith.addi %mul3A_0, %arg0 : i32
    %mul3A_1 = arith.constant 10000 : i32
    %mul3A_2 = arith.muli %add3A, %mul3A_1 : i32
    %add3A_3 = arith.constant 0 : i32
    %add3A_4 = arith.addi %mul3A_2, %add3A_3 : i32
    %dma_start3A = arith.constant 0 : i32
    %dma_start3A_5 = tpu.memref_slice %arg4[%add3A_4] : memref<320000xi32, #tpu.memory_space<hbm>> -> memref<80xi32, #tpu.memory_space<hbm>>
    %dma_start3A_6 = tpu.memref_slice %arg17[%dma_start3A] : memref<4x!tpu.dma_semaphore, #tpu.memory_space<semaphore_mem>> -> memref<1x!tpu.dma_semaphore, #tpu.memory_space<semaphore_mem>>
    %dma_start3A_7 = tpu.memref_squeeze %dma_start3A_6 : memref<1x!tpu.dma_semaphore, #tpu.memory_space<semaphore_mem>> -> memref<!tpu.dma_semaphore, #tpu.memory_space<semaphore_mem>>
    %dma_start3A_8 = tpu.memref_slice %arg4[%add3A_4] : memref<320000xi32, #tpu.memory_space<hbm>> -> memref<80xi32, #tpu.memory_space<hbm>>
    tpu.enqueue_dma source(%dma_start3A_8 : memref<80xi32, #tpu.memory_space<hbm>>) target(%arg7 : memref<80xi32, #tpu.memory_space<vmem>>) target_semaphore(%dma_start3A_7 : memref<!tpu.dma_semaphore, #tpu.memory_space<semaphore_mem>>)
    %dma_start3A_9 = arith.constant 0 : i32
    %dma_start3A_10 = tpu.memref_slice %arg5[%add3A_4] : memref<320000xi32, #tpu.memory_space<hbm>> -> memref<80xi32, #tpu.memory_space<hbm>>
    %dma_start3A_11 = tpu.memref_slice %arg17[%dma_start3A_9] : memref<4x!tpu.dma_semaphore, #tpu.memory_space<semaphore_mem>> -> memref<1x!tpu.dma_semaphore, #tpu.memory_space<semaphore_mem>>
    %dma_start3A_12 = tpu.memref_squeeze %dma_start3A_11 : memref<1x!tpu.dma_semaphore, #tpu.memory_space<semaphore_mem>> -> memref<!tpu.dma_semaphore, #tpu.memory_space<semaphore_mem>>
    %dma_start3A_13 = tpu.memref_slice %arg5[%add3A_4] : memref<320000xi32, #tpu.memory_space<hbm>> -> memref<80xi32, #tpu.memory_space<hbm>>
    tpu.enqueue_dma source(%dma_start3A_13 : memref<80xi32, #tpu.memory_space<hbm>>) target(%arg11 : memref<80xi32, #tpu.memory_space<vmem>>) target_semaphore(%dma_start3A_12 : memref<!tpu.dma_semaphore, #tpu.memory_space<semaphore_mem>>)
    %add3A_14 = arith.constant 80 : i32
    %add3A_15 = arith.addi %mul3A_2, %add3A_14 : i32
    %dma_start3A_16 = arith.constant 1 : i32
    %dma_start3A_17 = tpu.memref_slice %arg4[%add3A_15] : memref<320000xi32, #tpu.memory_space<hbm>> -> memref<80xi32, #tpu.memory_space<hbm>>
    %dma_start3A_18 = tpu.memref_slice %arg17[%dma_start3A_16] : memref<4x!tpu.dma_semaphore, #tpu.memory_space<semaphore_mem>> -> memref<1x!tpu.dma_semaphore, #tpu.memory_space<semaphore_mem>>
    %dma_start3A_19 = tpu.memref_squeeze %dma_start3A_18 : memref<1x!tpu.dma_semaphore, #tpu.memory_space<semaphore_mem>> -> memref<!tpu.dma_semaphore, #tpu.memory_space<semaphore_mem>>
    %dma_start3A_20 = tpu.memref_slice %arg4[%add3A_15] : memref<320000xi32, #tpu.memory_space<hbm>> -> memref<80xi32, #tpu.memory_space<hbm>>
    tpu.enqueue_dma source(%dma_start3A_20 : memref<80xi32, #tpu.memory_space<hbm>>) target(%arg8 : memref<80xi32, #tpu.memory_space<vmem>>) target_semaphore(%dma_start3A_19 : memref<!tpu.dma_semaphore, #tpu.memory_space<semaphore_mem>>)
    %dma_start3A_21 = arith.constant 1 : i32
    %dma_start3A_22 = tpu.memref_slice %arg5[%add3A_15] : memref<320000xi32, #tpu.memory_space<hbm>> -> memref<80xi32, #tpu.memory_space<hbm>>
    %dma_start3A_23 = tpu.memref_slice %arg17[%dma_start3A_21] : memref<4x!tpu.dma_semaphore, #tpu.memory_space<semaphore_mem>> -> memref<1x!tpu.dma_semaphore, #tpu.memory_space<semaphore_mem>>
    %dma_start3A_24 = tpu.memref_squeeze %dma_start3A_23 : memref<1x!tpu.dma_semaphore, #tpu.memory_space<semaphore_mem>> -> memref<!tpu.dma_semaphore, #tpu.memory_space<semaphore_mem>>
    %dma_start3A_25 = tpu.memref_slice %arg5[%add3A_15] : memref<320000xi32, #tpu.memory_space<hbm>> -> memref<80xi32, #tpu.memory_space<hbm>>
    tpu.enqueue_dma source(%dma_start3A_25 : memref<80xi32, #tpu.memory_space<hbm>>) target(%arg12 : memref<80xi32, #tpu.memory_space<vmem>>) target_semaphore(%dma_start3A_24 : memref<!tpu.dma_semaphore, #tpu.memory_space<semaphore_mem>>)
    %add3A_26 = arith.constant 160 : i32
    %add3A_27 = arith.addi %mul3A_2, %add3A_26 : i32
    %dma_start3A_28 = arith.constant 2 : i32
    %dma_start3A_29 = tpu.memref_slice %arg4[%add3A_27] : memref<320000xi32, #tpu.memory_space<hbm>> -> memref<80xi32, #tpu.memory_space<hbm>>
    %dma_start3A_30 = tpu.memref_slice %arg17[%dma_start3A_28] : memref<4x!tpu.dma_semaphore, #tpu.memory_space<semaphore_mem>> -> memref<1x!tpu.dma_semaphore, #tpu.memory_space<semaphore_mem>>
    %dma_start3A_31 = tpu.memref_squeeze %dma_start3A_30 : memref<1x!tpu.dma_semaphore, #tpu.memory_space<semaphore_mem>> -> memref<!tpu.dma_semaphore, #tpu.memory_space<semaphore_mem>>
    %dma_start3A_32 = tpu.memref_slice %arg4[%add3A_27] : memref<320000xi32, #tpu.memory_space<hbm>> -> memref<80xi32, #tpu.memory_space<hbm>>
    tpu.enqueue_dma source(%dma_start3A_32 : memref<80xi32, #tpu.memory_space<hbm>>) target(%arg9 : memref<80xi32, #tpu.memory_space<vmem>>) target_semaphore(%dma_start3A_31 : memref<!tpu.dma_semaphore, #tpu.memory_space<semaphore_mem>>)
    %dma_start3A_33 = arith.constant 2 : i32
    %dma_start3A_34 = tpu.memref_slice %arg5[%add3A_27] : memref<320000xi32, #tpu.memory_space<hbm>> -> memref<80xi32, #tpu.memory_space<hbm>>
    %dma_start3A_35 = tpu.memref_slice %arg17[%dma_start3A_33] : memref<4x!tpu.dma_semaphore, #tpu.memory_space<semaphore_mem>> -> memref<1x!tpu.dma_semaphore, #tpu.memory_space<semaphore_mem>>
    %dma_start3A_36 = tpu.memref_squeeze %dma_start3A_35 : memref<1x!tpu.dma_semaphore, #tpu.memory_space<semaphore_mem>> -> memref<!tpu.dma_semaphore, #tpu.memory_space<semaphore_mem>>
    %dma_start3A_37 = tpu.memref_slice %arg5[%add3A_27] : memref<320000xi32, #tpu.memory_space<hbm>> -> memref<80xi32, #tpu.memory_space<hbm>>
    tpu.enqueue_dma source(%dma_start3A_37 : memref<80xi32, #tpu.memory_space<hbm>>) target(%arg13 : memref<80xi32, #tpu.memory_space<vmem>>) target_semaphore(%dma_start3A_36 : memref<!tpu.dma_semaphore, #tpu.memory_space<semaphore_mem>>)
    %dma_wait3A = arith.constant 0 : i32
    %dma_wait3A_38 = tpu.memref_slice %arg4[%mul3A_2] : memref<320000xi32, #tpu.memory_space<hbm>> -> memref<160xi32, #tpu.memory_space<hbm>>
    %dma_wait3A_39 = tpu.memref_slice %arg17[%dma_wait3A] : memref<4x!tpu.dma_semaphore, #tpu.memory_space<semaphore_mem>> -> memref<1x!tpu.dma_semaphore, #tpu.memory_space<semaphore_mem>>
    %dma_wait3A_40 = tpu.memref_squeeze %dma_wait3A_39 : memref<1x!tpu.dma_semaphore, #tpu.memory_space<semaphore_mem>> -> memref<!tpu.dma_semaphore, #tpu.memory_space<semaphore_mem>>
    %dma_wait3A_41 = tpu.memref_slice %arg4[%mul3A_2] : memref<320000xi32, #tpu.memory_space<hbm>> -> memref<160xi32, #tpu.memory_space<hbm>>
    tpu.wait_dma2 semaphore(%dma_wait3A_40 : memref<!tpu.dma_semaphore, #tpu.memory_space<semaphore_mem>>) src(%dma_wait3A_41 : memref<160xi32, #tpu.memory_space<hbm>>) dst(%arg15 : memref<160xi32, #tpu.memory_space<vmem>>)
    %dma_start3A_42 = arith.constant 0 : i32
    %dma_start3A_43 = arith.constant 0 : i32
    %dma_start3A_44 = arith.constant 0 : i32
    %dma_start3A_45 = arith.constant 0 : i32
    %dma_start3A_46 = tpu.memref_slice %arg16[%dma_start3A_42, %dma_start3A_44, %dma_start3A_45] : memref<4x80x272xf32, #tpu.memory_space<vmem>> -> memref<1x80x128xf32, #tpu.memory_space<vmem>>
    %dma_start3A_47 = tpu.memref_squeeze %dma_start3A_46 : memref<1x80x128xf32, #tpu.memory_space<vmem>> -> memref<80x128xf32, #tpu.memory_space<vmem>>
    %dma_start3A_48 = arith.constant 0 : i32
    %dma_start3A_49 = arith.constant 0 : i32
    %dma_start3A_50 = tpu.memref_slice %arg2[%dma_start3A_48, %dma_start3A_49] : memref<10000x128xf32, #tpu.memory_space<hbm>> -> memref<10000x128xf32, #tpu.memory_space<hbm>>
    %dma_start3A_51 = tpu.memref_slice %arg18[%dma_start3A_43] : memref<4x!tpu.dma_semaphore, #tpu.memory_space<semaphore_mem>> -> memref<1x!tpu.dma_semaphore, #tpu.memory_space<semaphore_mem>>
    %dma_start3A_52 = tpu.memref_squeeze %dma_start3A_51 : memref<1x!tpu.dma_semaphore, #tpu.memory_space<semaphore_mem>> -> memref<!tpu.dma_semaphore, #tpu.memory_space<semaphore_mem>>
    tpu.enqueue_indirect_dma source(%dma_start3A_50 : memref<10000x128xf32, #tpu.memory_space<hbm>>) target(%dma_start3A_47 : memref<80x128xf32, #tpu.memory_space<vmem>>) offsets(%arg7 : memref<80xi32, #tpu.memory_space<vmem>>) semaphore(%dma_start3A_52 : memref<!tpu.dma_semaphore, #tpu.memory_space<semaphore_mem>>)
    %dma_start3A_53 = arith.constant 0 : i32
    %dma_start3A_54 = arith.constant 0 : i32
    %dma_start3A_55 = arith.constant 0 : i32
    %dma_start3A_56 = arith.constant 128 : i32
    %dma_start3A_57 = tpu.memref_slice %arg16[%dma_start3A_53, %dma_start3A_55, %dma_start3A_56] : memref<4x80x272xf32, #tpu.memory_space<vmem>> -> memref<1x80x128xf32, #tpu.memory_space<vmem>>
    %dma_start3A_58 = tpu.memref_squeeze %dma_start3A_57 : memref<1x80x128xf32, #tpu.memory_space<vmem>> -> memref<80x128xf32, #tpu.memory_space<vmem>>
    %dma_start3A_59 = arith.constant 0 : i32
    %dma_start3A_60 = arith.constant 0 : i32
    %dma_start3A_61 = tpu.memref_slice %arg2[%dma_start3A_59, %dma_start3A_60] : memref<10000x128xf32, #tpu.memory_space<hbm>> -> memref<10000x128xf32, #tpu.memory_space<hbm>>
    %dma_start3A_62 = tpu.memref_slice %arg18[%dma_start3A_54] : memref<4x!tpu.dma_semaphore, #tpu.memory_space<semaphore_mem>> -> memref<1x!tpu.dma_semaphore, #tpu.memory_space<semaphore_mem>>
    %dma_start3A_63 = tpu.memref_squeeze %dma_start3A_62 : memref<1x!tpu.dma_semaphore, #tpu.memory_space<semaphore_mem>> -> memref<!tpu.dma_semaphore, #tpu.memory_space<semaphore_mem>>
    tpu.enqueue_indirect_dma source(%dma_start3A_61 : memref<10000x128xf32, #tpu.memory_space<hbm>>) target(%dma_start3A_58 : memref<80x128xf32, #tpu.memory_space<vmem>>) offsets(%arg11 : memref<80xi32, #tpu.memory_space<vmem>>) semaphore(%dma_start3A_63 : memref<!tpu.dma_semaphore, #tpu.memory_space<semaphore_mem>>)
    %add3A_64 = arith.constant 0 : i32
    %add3A_65 = arith.addi %mul3A_2, %add3A_64 : i32
    %dma_start3A_66 = arith.constant 0 : i32
    %dma_start3A_67 = arith.constant 0 : i32
    %dma_start3A_68 = arith.constant 0 : i32
    %dma_start3A_69 = arith.constant 256 : i32
    %dma_start3A_70 = tpu.memref_slice %arg16[%dma_start3A_66, %dma_start3A_68, %dma_start3A_69] : memref<4x80x272xf32, #tpu.memory_space<vmem>> -> memref<1x80x16xf32, #tpu.memory_space<vmem>>
    %dma_start3A_71 = tpu.memref_squeeze %dma_start3A_70 : memref<1x80x16xf32, #tpu.memory_space<vmem>> -> memref<80x16xf32, #tpu.memory_space<vmem>>
    %dma_start3A_72 = arith.constant 0 : i32
    %dma_start3A_73 = tpu.memref_slice %arg3[%add3A_65, %dma_start3A_72] : memref<320000x16xf32, #tpu.memory_space<hbm>> -> memref<80x16xf32, #tpu.memory_space<hbm>>
    %dma_start3A_74 = tpu.memref_slice %arg18[%dma_start3A_67] : memref<4x!tpu.dma_semaphore, #tpu.memory_space<semaphore_mem>> -> memref<1x!tpu.dma_semaphore, #tpu.memory_space<semaphore_mem>>
    %dma_start3A_75 = tpu.memref_squeeze %dma_start3A_74 : memref<1x!tpu.dma_semaphore, #tpu.memory_space<semaphore_mem>> -> memref<!tpu.dma_semaphore, #tpu.memory_space<semaphore_mem>>
    %dma_start3A_76 = arith.constant 0 : i32
    %dma_start3A_77 = arith.constant 256 : i32
    %dma_start3A_78 = tpu.memref_slice %arg16[%dma_start3A_66, %dma_start3A_76, %dma_start3A_77] : memref<4x80x272xf32, #tpu.memory_space<vmem>> -> memref<1x80x16xf32, #tpu.memory_space<vmem>>
    %dma_start3A_79 = tpu.memref_squeeze %dma_start3A_78 : memref<1x80x16xf32, #tpu.memory_space<vmem>> -> memref<80x16xf32, #tpu.memory_space<vmem>>
    %dma_start3A_80 = arith.constant 0 : i32
    %dma_start3A_81 = tpu.memref_slice %arg3[%add3A_65, %dma_start3A_80] : memref<320000x16xf32, #tpu.memory_space<hbm>> -> memref<80x16xf32, #tpu.memory_space<hbm>>
    tpu.enqueue_dma source(%dma_start3A_81 : memref<80x16xf32, #tpu.memory_space<hbm>>) target(%dma_start3A_79 : memref<80x16xf32, #tpu.memory_space<vmem>>) target_semaphore(%dma_start3A_75 : memref<!tpu.dma_semaphore, #tpu.memory_space<semaphore_mem>>)
    %dma_wait3A_82 = arith.constant 1 : i32
    %dma_wait3A_83 = tpu.memref_slice %arg4[%mul3A_2] : memref<320000xi32, #tpu.memory_space<hbm>> -> memref<160xi32, #tpu.memory_space<hbm>>
    %dma_wait3A_84 = tpu.memref_slice %arg17[%dma_wait3A_82] : memref<4x!tpu.dma_semaphore, #tpu.memory_space<semaphore_mem>> -> memref<1x!tpu.dma_semaphore, #tpu.memory_space<semaphore_mem>>
    %dma_wait3A_85 = tpu.memref_squeeze %dma_wait3A_84 : memref<1x!tpu.dma_semaphore, #tpu.memory_space<semaphore_mem>> -> memref<!tpu.dma_semaphore, #tpu.memory_space<semaphore_mem>>
    %dma_wait3A_86 = tpu.memref_slice %arg4[%mul3A_2] : memref<320000xi32, #tpu.memory_space<hbm>> -> memref<160xi32, #tpu.memory_space<hbm>>
    tpu.wait_dma2 semaphore(%dma_wait3A_85 : memref<!tpu.dma_semaphore, #tpu.memory_space<semaphore_mem>>) src(%dma_wait3A_86 : memref<160xi32, #tpu.memory_space<hbm>>) dst(%arg15 : memref<160xi32, #tpu.memory_space<vmem>>)
    %dma_start3A_87 = arith.constant 1 : i32
    %dma_start3A_88 = arith.constant 1 : i32
    %dma_start3A_89 = arith.constant 0 : i32
    %dma_start3A_90 = arith.constant 0 : i32
    %dma_start3A_91 = tpu.memref_slice %arg16[%dma_start3A_87, %dma_start3A_89, %dma_start3A_90] : memref<4x80x272xf32, #tpu.memory_space<vmem>> -> memref<1x80x128xf32, #tpu.memory_space<vmem>>
    %dma_start3A_92 = tpu.memref_squeeze %dma_start3A_91 : memref<1x80x128xf32, #tpu.memory_space<vmem>> -> memref<80x128xf32, #tpu.memory_space<vmem>>
    %dma_start3A_93 = arith.constant 0 : i32
    %dma_start3A_94 = arith.constant 0 : i32
    %dma_start3A_95 = tpu.memref_slice %arg2[%dma_start3A_93, %dma_start3A_94] : memref<10000x128xf32, #tpu.memory_space<hbm>> -> memref<10000x128xf32, #tpu.memory_space<hbm>>
    %dma_start3A_96 = tpu.memref_slice %arg18[%dma_start3A_88] : memref<4x!tpu.dma_semaphore, #tpu.memory_space<semaphore_mem>> -> memref<1x!tpu.dma_semaphore, #tpu.memory_space<semaphore_mem>>
    %dma_start3A_97 = tpu.memref_squeeze %dma_start3A_96 : memref<1x!tpu.dma_semaphore, #tpu.memory_space<semaphore_mem>> -> memref<!tpu.dma_semaphore, #tpu.memory_space<semaphore_mem>>
    tpu.enqueue_indirect_dma source(%dma_start3A_95 : memref<10000x128xf32, #tpu.memory_space<hbm>>) target(%dma_start3A_92 : memref<80x128xf32, #tpu.memory_space<vmem>>) offsets(%arg8 : memref<80xi32, #tpu.memory_space<vmem>>) semaphore(%dma_start3A_97 : memref<!tpu.dma_semaphore, #tpu.memory_space<semaphore_mem>>)
    %dma_start3A_98 = arith.constant 1 : i32
    %dma_start3A_99 = arith.constant 1 : i32
    %dma_start3A_100 = arith.constant 0 : i32
    %dma_start3A_101 = arith.constant 128 : i32
    %dma_start3A_102 = tpu.memref_slice %arg16[%dma_start3A_98, %dma_start3A_100, %dma_start3A_101] : memref<4x80x272xf32, #tpu.memory_space<vmem>> -> memref<1x80x128xf32, #tpu.memory_space<vmem>>
    %dma_start3A_103 = tpu.memref_squeeze %dma_start3A_102 : memref<1x80x128xf32, #tpu.memory_space<vmem>> -> memref<80x128xf32, #tpu.memory_space<vmem>>
    %dma_start3A_104 = arith.constant 0 : i32
    %dma_start3A_105 = arith.constant 0 : i32
    %dma_start3A_106 = tpu.memref_slice %arg2[%dma_start3A_104, %dma_start3A_105] : memref<10000x128xf32, #tpu.memory_space<hbm>> -> memref<10000x128xf32, #tpu.memory_space<hbm>>
    %dma_start3A_107 = tpu.memref_slice %arg18[%dma_start3A_99] : memref<4x!tpu.dma_semaphore, #tpu.memory_space<semaphore_mem>> -> memref<1x!tpu.dma_semaphore, #tpu.memory_space<semaphore_mem>>
    %dma_start3A_108 = tpu.memref_squeeze %dma_start3A_107 : memref<1x!tpu.dma_semaphore, #tpu.memory_space<semaphore_mem>> -> memref<!tpu.dma_semaphore, #tpu.memory_space<semaphore_mem>>
    tpu.enqueue_indirect_dma source(%dma_start3A_106 : memref<10000x128xf32, #tpu.memory_space<hbm>>) target(%dma_start3A_103 : memref<80x128xf32, #tpu.memory_space<vmem>>) offsets(%arg12 : memref<80xi32, #tpu.memory_space<vmem>>) semaphore(%dma_start3A_108 : memref<!tpu.dma_semaphore, #tpu.memory_space<semaphore_mem>>)
    %add3A_109 = arith.constant 80 : i32
    %add3A_110 = arith.addi %mul3A_2, %add3A_109 : i32
    %dma_start3A_111 = arith.constant 1 : i32
    %dma_start3A_112 = arith.constant 1 : i32
    %dma_start3A_113 = arith.constant 0 : i32
    %dma_start3A_114 = arith.constant 256 : i32
    %dma_start3A_115 = tpu.memref_slice %arg16[%dma_start3A_111, %dma_start3A_113, %dma_start3A_114] : memref<4x80x272xf32, #tpu.memory_space<vmem>> -> memref<1x80x16xf32, #tpu.memory_space<vmem>>
    %dma_start3A_116 = tpu.memref_squeeze %dma_start3A_115 : memref<1x80x16xf32, #tpu.memory_space<vmem>> -> memref<80x16xf32, #tpu.memory_space<vmem>>
    %dma_start3A_117 = arith.constant 0 : i32
    %dma_start3A_118 = tpu.memref_slice %arg3[%add3A_110, %dma_start3A_117] : memref<320000x16xf32, #tpu.memory_space<hbm>> -> memref<80x16xf32, #tpu.memory_space<hbm>>
    %dma_start3A_119 = tpu.memref_slice %arg18[%dma_start3A_112] : memref<4x!tpu.dma_semaphore, #tpu.memory_space<semaphore_mem>> -> memref<1x!tpu.dma_semaphore, #tpu.memory_space<semaphore_mem>>
    %dma_start3A_120 = tpu.memref_squeeze %dma_start3A_119 : memref<1x!tpu.dma_semaphore, #tpu.memory_space<semaphore_mem>> -> memref<!tpu.dma_semaphore, #tpu.memory_space<semaphore_mem>>
    %dma_start3A_121 = arith.constant 0 : i32
    %dma_start3A_122 = arith.constant 256 : i32
    %dma_start3A_123 = tpu.memref_slice %arg16[%dma_start3A_111, %dma_start3A_121, %dma_start3A_122] : memref<4x80x272xf32, #tpu.memory_space<vmem>> -> memref<1x80x16xf32, #tpu.memory_space<vmem>>
    %dma_start3A_124 = tpu.memref_squeeze %dma_start3A_123 : memref<1x80x16xf32, #tpu.memory_space<vmem>> -> memref<80x16xf32, #tpu.memory_space<vmem>>
    %dma_start3A_125 = arith.constant 0 : i32
    %dma_start3A_126 = tpu.memref_slice %arg3[%add3A_110, %dma_start3A_125] : memref<320000x16xf32, #tpu.memory_space<hbm>> -> memref<80x16xf32, #tpu.memory_space<hbm>>
    tpu.enqueue_dma source(%dma_start3A_126 : memref<80x16xf32, #tpu.memory_space<hbm>>) target(%dma_start3A_124 : memref<80x16xf32, #tpu.memory_space<vmem>>) target_semaphore(%dma_start3A_120 : memref<!tpu.dma_semaphore, #tpu.memory_space<semaphore_mem>>)
    %add3A_127 = arith.constant 240 : i32
    %add3A_128 = arith.addi %mul3A_2, %add3A_127 : i32
    %dma_start3A_129 = arith.constant 3 : i32
    %dma_start3A_130 = tpu.memref_slice %arg4[%add3A_128] : memref<320000xi32, #tpu.memory_space<hbm>> -> memref<80xi32, #tpu.memory_space<hbm>>
    %dma_start3A_131 = tpu.memref_slice %arg17[%dma_start3A_129] : memref<4x!tpu.dma_semaphore, #tpu.memory_space<semaphore_mem>> -> memref<1x!tpu.dma_semaphore, #tpu.memory_space<semaphore_mem>>
    %dma_start3A_132 = tpu.memref_squeeze %dma_start3A_131 : memref<1x!tpu.dma_semaphore, #tpu.memory_space<semaphore_mem>> -> memref<!tpu.dma_semaphore, #tpu.memory_space<semaphore_mem>>
    %dma_start3A_133 = tpu.memref_slice %arg4[%add3A_128] : memref<320000xi32, #tpu.memory_space<hbm>> -> memref<80xi32, #tpu.memory_space<hbm>>
    tpu.enqueue_dma source(%dma_start3A_133 : memref<80xi32, #tpu.memory_space<hbm>>) target(%arg10 : memref<80xi32, #tpu.memory_space<vmem>>) target_semaphore(%dma_start3A_132 : memref<!tpu.dma_semaphore, #tpu.memory_space<semaphore_mem>>)
    %dma_start3A_134 = arith.constant 3 : i32
    %dma_start3A_135 = tpu.memref_slice %arg5[%add3A_128] : memref<320000xi32, #tpu.memory_space<hbm>> -> memref<80xi32, #tpu.memory_space<hbm>>
    %dma_start3A_136 = tpu.memref_slice %arg17[%dma_start3A_134] : memref<4x!tpu.dma_semaphore, #tpu.memory_space<semaphore_mem>> -> memref<1x!tpu.dma_semaphore, #tpu.memory_space<semaphore_mem>>
    %dma_start3A_137 = tpu.memref_squeeze %dma_start3A_136 : memref<1x!tpu.dma_semaphore, #tpu.memory_space<semaphore_mem>> -> memref<!tpu.dma_semaphore, #tpu.memory_space<semaphore_mem>>
    %dma_start3A_138 = tpu.memref_slice %arg5[%add3A_128] : memref<320000xi32, #tpu.memory_space<hbm>> -> memref<80xi32, #tpu.memory_space<hbm>>
    tpu.enqueue_dma source(%dma_start3A_138 : memref<80xi32, #tpu.memory_space<hbm>>) target(%arg14 : memref<80xi32, #tpu.memory_space<vmem>>) target_semaphore(%dma_start3A_137 : memref<!tpu.dma_semaphore, #tpu.memory_space<semaphore_mem>>)
    %dma_wait3A_139 = arith.constant 2 : i32
    %dma_wait3A_140 = tpu.memref_slice %arg4[%mul3A_2] : memref<320000xi32, #tpu.memory_space<hbm>> -> memref<160xi32, #tpu.memory_space<hbm>>
    %dma_wait3A_141 = tpu.memref_slice %arg17[%dma_wait3A_139] : memref<4x!tpu.dma_semaphore, #tpu.memory_space<semaphore_mem>> -> memref<1x!tpu.dma_semaphore, #tpu.memory_space<semaphore_mem>>
    %dma_wait3A_142 = tpu.memref_squeeze %dma_wait3A_141 : memref<1x!tpu.dma_semaphore, #tpu.memory_space<semaphore_mem>> -> memref<!tpu.dma_semaphore, #tpu.memory_space<semaphore_mem>>
    %dma_wait3A_143 = tpu.memref_slice %arg4[%mul3A_2] : memref<320000xi32, #tpu.memory_space<hbm>> -> memref<160xi32, #tpu.memory_space<hbm>>
    tpu.wait_dma2 semaphore(%dma_wait3A_142 : memref<!tpu.dma_semaphore, #tpu.memory_space<semaphore_mem>>) src(%dma_wait3A_143 : memref<160xi32, #tpu.memory_space<hbm>>) dst(%arg15 : memref<160xi32, #tpu.memory_space<vmem>>)
    %dma_start3A_144 = arith.constant 2 : i32
    %dma_start3A_145 = arith.constant 2 : i32
    %dma_start3A_146 = arith.constant 0 : i32
    %dma_start3A_147 = arith.constant 0 : i32
    %dma_start3A_148 = tpu.memref_slice %arg16[%dma_start3A_144, %dma_start3A_146, %dma_start3A_147] : memref<4x80x272xf32, #tpu.memory_space<vmem>> -> memref<1x80x128xf32, #tpu.memory_space<vmem>>
    %dma_start3A_149 = tpu.memref_squeeze %dma_start3A_148 : memref<1x80x128xf32, #tpu.memory_space<vmem>> -> memref<80x128xf32, #tpu.memory_space<vmem>>
    %dma_start3A_150 = arith.constant 0 : i32
    %dma_start3A_151 = arith.constant 0 : i32
    %dma_start3A_152 = tpu.memref_slice %arg2[%dma_start3A_150, %dma_start3A_151] : memref<10000x128xf32, #tpu.memory_space<hbm>> -> memref<10000x128xf32, #tpu.memory_space<hbm>>
    %dma_start3A_153 = tpu.memref_slice %arg18[%dma_start3A_145] : memref<4x!tpu.dma_semaphore, #tpu.memory_space<semaphore_mem>> -> memref<1x!tpu.dma_semaphore, #tpu.memory_space<semaphore_mem>>
    %dma_start3A_154 = tpu.memref_squeeze %dma_start3A_153 : memref<1x!tpu.dma_semaphore, #tpu.memory_space<semaphore_mem>> -> memref<!tpu.dma_semaphore, #tpu.memory_space<semaphore_mem>>
    tpu.enqueue_indirect_dma source(%dma_start3A_152 : memref<10000x128xf32, #tpu.memory_space<hbm>>) target(%dma_start3A_149 : memref<80x128xf32, #tpu.memory_space<vmem>>) offsets(%arg9 : memref<80xi32, #tpu.memory_space<vmem>>) semaphore(%dma_start3A_154 : memref<!tpu.dma_semaphore, #tpu.memory_space<semaphore_mem>>)
    %dma_start3A_155 = arith.constant 2 : i32
    %dma_start3A_156 = arith.constant 2 : i32
    %dma_start3A_157 = arith.constant 0 : i32
    %dma_start3A_158 = arith.constant 128 : i32
    %dma_start3A_159 = tpu.memref_slice %arg16[%dma_start3A_155, %dma_start3A_157, %dma_start3A_158] : memref<4x80x272xf32, #tpu.memory_space<vmem>> -> memref<1x80x128xf32, #tpu.memory_space<vmem>>
    %dma_start3A_160 = tpu.memref_squeeze %dma_start3A_159 : memref<1x80x128xf32, #tpu.memory_space<vmem>> -> memref<80x128xf32, #tpu.memory_space<vmem>>
    %dma_start3A_161 = arith.constant 0 : i32
    %dma_start3A_162 = arith.constant 0 : i32
    %dma_start3A_163 = tpu.memref_slice %arg2[%dma_start3A_161, %dma_start3A_162] : memref<10000x128xf32, #tpu.memory_space<hbm>> -> memref<10000x128xf32, #tpu.memory_space<hbm>>
    %dma_start3A_164 = tpu.memref_slice %arg18[%dma_start3A_156] : memref<4x!tpu.dma_semaphore, #tpu.memory_space<semaphore_mem>> -> memref<1x!tpu.dma_semaphore, #tpu.memory_space<semaphore_mem>>
    %dma_start3A_165 = tpu.memref_squeeze %dma_start3A_164 : memref<1x!tpu.dma_semaphore, #tpu.memory_space<semaphore_mem>> -> memref<!tpu.dma_semaphore, #tpu.memory_space<semaphore_mem>>
    tpu.enqueue_indirect_dma source(%dma_start3A_163 : memref<10000x128xf32, #tpu.memory_space<hbm>>) target(%dma_start3A_160 : memref<80x128xf32, #tpu.memory_space<vmem>>) offsets(%arg13 : memref<80xi32, #tpu.memory_space<vmem>>) semaphore(%dma_start3A_165 : memref<!tpu.dma_semaphore, #tpu.memory_space<semaphore_mem>>)
    %add3A_166 = arith.constant 160 : i32
    %add3A_167 = arith.addi %mul3A_2, %add3A_166 : i32
    %dma_start3A_168 = arith.constant 2 : i32
    %dma_start3A_169 = arith.constant 2 : i32
    %dma_start3A_170 = arith.constant 0 : i32
    %dma_start3A_171 = arith.constant 256 : i32
    %dma_start3A_172 = tpu.memref_slice %arg16[%dma_start3A_168, %dma_start3A_170, %dma_start3A_171] : memref<4x80x272xf32, #tpu.memory_space<vmem>> -> memref<1x80x16xf32, #tpu.memory_space<vmem>>
    %dma_start3A_173 = tpu.memref_squeeze %dma_start3A_172 : memref<1x80x16xf32, #tpu.memory_space<vmem>> -> memref<80x16xf32, #tpu.memory_space<vmem>>
    %dma_start3A_174 = arith.constant 0 : i32
    %dma_start3A_175 = tpu.memref_slice %arg3[%add3A_167, %dma_start3A_174] : memref<320000x16xf32, #tpu.memory_space<hbm>> -> memref<80x16xf32, #tpu.memory_space<hbm>>
    %dma_start3A_176 = tpu.memref_slice %arg18[%dma_start3A_169] : memref<4x!tpu.dma_semaphore, #tpu.memory_space<semaphore_mem>> -> memref<1x!tpu.dma_semaphore, #tpu.memory_space<semaphore_mem>>
    %dma_start3A_177 = tpu.memref_squeeze %dma_start3A_176 : memref<1x!tpu.dma_semaphore, #tpu.memory_space<semaphore_mem>> -> memref<!tpu.dma_semaphore, #tpu.memory_space<semaphore_mem>>
    %dma_start3A_178 = arith.constant 0 : i32
    %dma_start3A_179 = arith.constant 256 : i32
    %dma_start3A_180 = tpu.memref_slice %arg16[%dma_start3A_168, %dma_start3A_178, %dma_start3A_179] : memref<4x80x272xf32, #tpu.memory_space<vmem>> -> memref<1x80x16xf32, #tpu.memory_space<vmem>>
    %dma_start3A_181 = tpu.memref_squeeze %dma_start3A_180 : memref<1x80x16xf32, #tpu.memory_space<vmem>> -> memref<80x16xf32, #tpu.memory_space<vmem>>
    %dma_start3A_182 = arith.constant 0 : i32
    %dma_start3A_183 = tpu.memref_slice %arg3[%add3A_167, %dma_start3A_182] : memref<320000x16xf32, #tpu.memory_space<hbm>> -> memref<80x16xf32, #tpu.memory_space<hbm>>
    tpu.enqueue_dma source(%dma_start3A_183 : memref<80x16xf32, #tpu.memory_space<hbm>>) target(%dma_start3A_181 : memref<80x16xf32, #tpu.memory_space<vmem>>) target_semaphore(%dma_start3A_177 : memref<!tpu.dma_semaphore, #tpu.memory_space<semaphore_mem>>)
    %dma_wait3A_184 = arith.constant 0 : i32
    %dma_wait3A_185 = arith.constant 0 : i32
    %dma_wait3A_186 = arith.constant 0 : i32
    %dma_wait3A_187 = arith.constant 0 : i32
    %dma_wait3A_188 = tpu.memref_slice %arg16[%dma_wait3A_184, %dma_wait3A_186, %dma_wait3A_187] : memref<4x80x272xf32, #tpu.memory_space<vmem>> -> memref<1x80x128xf32, #tpu.memory_space<vmem>>
    %dma_wait3A_189 = tpu.memref_squeeze %dma_wait3A_188 : memref<1x80x128xf32, #tpu.memory_space<vmem>> -> memref<80x128xf32, #tpu.memory_space<vmem>>
    %dma_wait3A_190 = arith.constant 0 : i32
    %dma_wait3A_191 = arith.constant 0 : i32
    %dma_wait3A_192 = tpu.memref_slice %arg2[%dma_wait3A_190, %dma_wait3A_191] : memref<10000x128xf32, #tpu.memory_space<hbm>> -> memref<10000x128xf32, #tpu.memory_space<hbm>>
    %dma_wait3A_193 = tpu.memref_slice %arg18[%dma_wait3A_185] : memref<4x!tpu.dma_semaphore, #tpu.memory_space<semaphore_mem>> -> memref<1x!tpu.dma_semaphore, #tpu.memory_space<semaphore_mem>>
    %dma_wait3A_194 = tpu.memref_squeeze %dma_wait3A_193 : memref<1x!tpu.dma_semaphore, #tpu.memory_space<semaphore_mem>> -> memref<!tpu.dma_semaphore, #tpu.memory_space<semaphore_mem>>
    tpu.wait_indirect_dma semaphore(%dma_wait3A_194 : memref<!tpu.dma_semaphore, #tpu.memory_space<semaphore_mem>>) src(%dma_wait3A_192 : memref<10000x128xf32, #tpu.memory_space<hbm>>) dst(%dma_wait3A_189 : memref<80x128xf32, #tpu.memory_space<vmem>>)
    %dma_wait3A_195 = arith.constant 0 : i32
    %dma_wait3A_196 = arith.constant 0 : i32
    %dma_wait3A_197 = arith.constant 0 : i32
    %dma_wait3A_198 = arith.constant 128 : i32
    %dma_wait3A_199 = tpu.memref_slice %arg16[%dma_wait3A_195, %dma_wait3A_197, %dma_wait3A_198] : memref<4x80x272xf32, #tpu.memory_space<vmem>> -> memref<1x80x128xf32, #tpu.memory_space<vmem>>
    %dma_wait3A_200 = tpu.memref_squeeze %dma_wait3A_199 : memref<1x80x128xf32, #tpu.memory_space<vmem>> -> memref<80x128xf32, #tpu.memory_space<vmem>>
    %dma_wait3A_201 = arith.constant 0 : i32
    %dma_wait3A_202 = arith.constant 0 : i32
    %dma_wait3A_203 = tpu.memref_slice %arg2[%dma_wait3A_201, %dma_wait3A_202] : memref<10000x128xf32, #tpu.memory_space<hbm>> -> memref<10000x128xf32, #tpu.memory_space<hbm>>
    %dma_wait3A_204 = tpu.memref_slice %arg18[%dma_wait3A_196] : memref<4x!tpu.dma_semaphore, #tpu.memory_space<semaphore_mem>> -> memref<1x!tpu.dma_semaphore, #tpu.memory_space<semaphore_mem>>
    %dma_wait3A_205 = tpu.memref_squeeze %dma_wait3A_204 : memref<1x!tpu.dma_semaphore, #tpu.memory_space<semaphore_mem>> -> memref<!tpu.dma_semaphore, #tpu.memory_space<semaphore_mem>>
    tpu.wait_indirect_dma semaphore(%dma_wait3A_205 : memref<!tpu.dma_semaphore, #tpu.memory_space<semaphore_mem>>) src(%dma_wait3A_203 : memref<10000x128xf32, #tpu.memory_space<hbm>>) dst(%dma_wait3A_200 : memref<80x128xf32, #tpu.memory_space<vmem>>)
    %dma_wait3A_206 = arith.constant 0 : i32
    %dma_wait3A_207 = arith.constant 0 : i32
    %dma_wait3A_208 = arith.constant 0 : i32
    %dma_wait3A_209 = arith.constant 256 : i32
    %dma_wait3A_210 = tpu.memref_slice %arg16[%dma_wait3A_206, %dma_wait3A_208, %dma_wait3A_209] : memref<4x80x272xf32, #tpu.memory_space<vmem>> -> memref<1x80x16xf32, #tpu.memory_space<vmem>>
    %dma_wait3A_211 = tpu.memref_squeeze %dma_wait3A_210 : memref<1x80x16xf32, #tpu.memory_space<vmem>> -> memref<80x16xf32, #tpu.memory_space<vmem>>
    %dma_wait3A_212 = arith.constant 0 : i32
    %dma_wait3A_213 = tpu.memref_slice %arg3[%mul3A_2, %dma_wait3A_212] : memref<320000x16xf32, #tpu.memory_space<hbm>> -> memref<80x16xf32, #tpu.memory_space<hbm>>
    %dma_wait3A_214 = tpu.memref_slice %arg18[%dma_wait3A_207] : memref<4x!tpu.dma_semaphore, #tpu.memory_space<semaphore_mem>> -> memref<1x!tpu.dma_semaphore, #tpu.memory_space<semaphore_mem>>
    %dma_wait3A_215 = tpu.memref_squeeze %dma_wait3A_214 : memref<1x!tpu.dma_semaphore, #tpu.memory_space<semaphore_mem>> -> memref<!tpu.dma_semaphore, #tpu.memory_space<semaphore_mem>>
    %dma_wait3A_216 = arith.constant 0 : i32
    %dma_wait3A_217 = arith.constant 256 : i32
    %dma_wait3A_218 = tpu.memref_slice %arg16[%dma_wait3A_206, %dma_wait3A_216, %dma_wait3A_217] : memref<4x80x272xf32, #tpu.memory_space<vmem>> -> memref<1x80x16xf32, #tpu.memory_space<vmem>>
    %dma_wait3A_219 = tpu.memref_squeeze %dma_wait3A_218 : memref<1x80x16xf32, #tpu.memory_space<vmem>> -> memref<80x16xf32, #tpu.memory_space<vmem>>
    %dma_wait3A_220 = arith.constant 0 : i32
    %dma_wait3A_221 = tpu.memref_slice %arg3[%mul3A_2, %dma_wait3A_220] : memref<320000x16xf32, #tpu.memory_space<hbm>> -> memref<80x16xf32, #tpu.memory_space<hbm>>
    tpu.wait_dma2 semaphore(%dma_wait3A_215 : memref<!tpu.dma_semaphore, #tpu.memory_space<semaphore_mem>>) src(%dma_wait3A_221 : memref<80x16xf32, #tpu.memory_space<hbm>>) dst(%dma_wait3A_219 : memref<80x16xf32, #tpu.memory_space<vmem>>)
    %add3A_222 = arith.constant 0 : i32
    %add3A_223 = arith.addi %mul3A_2, %add3A_222 : i32
    %dma_start3A_224 = arith.constant 0 : i32
    %dma_start3A_225 = arith.constant 0 : i32
    %dma_start3A_226 = arith.constant 0 : i32
    %dma_start3A_227 = arith.constant 0 : i32
    %dma_start3A_228 = tpu.memref_slice %arg16[%dma_start3A_224, %dma_start3A_226, %dma_start3A_227] : memref<4x80x272xf32, #tpu.memory_space<vmem>> -> memref<1x80x272xf32, #tpu.memory_space<vmem>>
    %dma_start3A_229 = tpu.memref_squeeze %dma_start3A_228 : memref<1x80x272xf32, #tpu.memory_space<vmem>> -> memref<80x272xf32, #tpu.memory_space<vmem>>
    %dma_start3A_230 = arith.constant 0 : i32
    %dma_start3A_231 = tpu.memref_slice %arg6[%add3A_223, %dma_start3A_230] : memref<320000x272xf32, #tpu.memory_space<hbm>> -> memref<80x272xf32, #tpu.memory_space<hbm>>
    %dma_start3A_232 = tpu.memref_slice %arg19[%dma_start3A_225] : memref<4x!tpu.dma_semaphore, #tpu.memory_space<semaphore_mem>> -> memref<1x!tpu.dma_semaphore, #tpu.memory_space<semaphore_mem>>
    %dma_start3A_233 = tpu.memref_squeeze %dma_start3A_232 : memref<1x!tpu.dma_semaphore, #tpu.memory_space<semaphore_mem>> -> memref<!tpu.dma_semaphore, #tpu.memory_space<semaphore_mem>>
    %dma_start3A_234 = arith.constant 0 : i32
    %dma_start3A_235 = tpu.memref_slice %arg6[%add3A_223, %dma_start3A_234] : memref<320000x272xf32, #tpu.memory_space<hbm>> -> memref<80x272xf32, #tpu.memory_space<hbm>>
    %dma_start3A_236 = arith.constant 0 : i32
    %dma_start3A_237 = arith.constant 0 : i32
    %dma_start3A_238 = tpu.memref_slice %arg16[%dma_start3A_224, %dma_start3A_236, %dma_start3A_237] : memref<4x80x272xf32, #tpu.memory_space<vmem>> -> memref<1x80x272xf32, #tpu.memory_space<vmem>>
    %dma_start3A_239 = tpu.memref_squeeze %dma_start3A_238 : memref<1x80x272xf32, #tpu.memory_space<vmem>> -> memref<80x272xf32, #tpu.memory_space<vmem>>
    tpu.enqueue_dma source(%dma_start3A_239 : memref<80x272xf32, #tpu.memory_space<vmem>>) target(%dma_start3A_235 : memref<80x272xf32, #tpu.memory_space<hbm>>) target_semaphore(%dma_start3A_233 : memref<!tpu.dma_semaphore, #tpu.memory_space<semaphore_mem>>)
    %add3A_240 = arith.constant 320 : i32
    %add3A_241 = arith.addi %mul3A_2, %add3A_240 : i32
    %dma_start3A_242 = arith.constant 0 : i32
    %dma_start3A_243 = tpu.memref_slice %arg4[%add3A_241] : memref<320000xi32, #tpu.memory_space<hbm>> -> memref<80xi32, #tpu.memory_space<hbm>>
    %dma_start3A_244 = tpu.memref_slice %arg17[%dma_start3A_242] : memref<4x!tpu.dma_semaphore, #tpu.memory_space<semaphore_mem>> -> memref<1x!tpu.dma_semaphore, #tpu.memory_space<semaphore_mem>>
    %dma_start3A_245 = tpu.memref_squeeze %dma_start3A_244 : memref<1x!tpu.dma_semaphore, #tpu.memory_space<semaphore_mem>> -> memref<!tpu.dma_semaphore, #tpu.memory_space<semaphore_mem>>
    %dma_start3A_246 = tpu.memref_slice %arg4[%add3A_241] : memref<320000xi32, #tpu.memory_space<hbm>> -> memref<80xi32, #tpu.memory_space<hbm>>
    tpu.enqueue_dma source(%dma_start3A_246 : memref<80xi32, #tpu.memory_space<hbm>>) target(%arg7 : memref<80xi32, #tpu.memory_space<vmem>>) target_semaphore(%dma_start3A_245 : memref<!tpu.dma_semaphore, #tpu.memory_space<semaphore_mem>>)
    %dma_start3A_247 = arith.constant 0 : i32
    %dma_start3A_248 = tpu.memref_slice %arg5[%add3A_241] : memref<320000xi32, #tpu.memory_space<hbm>> -> memref<80xi32, #tpu.memory_space<hbm>>
    %dma_start3A_249 = tpu.memref_slice %arg17[%dma_start3A_247] : memref<4x!tpu.dma_semaphore, #tpu.memory_space<semaphore_mem>> -> memref<1x!tpu.dma_semaphore, #tpu.memory_space<semaphore_mem>>
    %dma_start3A_250 = tpu.memref_squeeze %dma_start3A_249 : memref<1x!tpu.dma_semaphore, #tpu.memory_space<semaphore_mem>> -> memref<!tpu.dma_semaphore, #tpu.memory_space<semaphore_mem>>
    %dma_start3A_251 = tpu.memref_slice %arg5[%add3A_241] : memref<320000xi32, #tpu.memory_space<hbm>> -> memref<80xi32, #tpu.memory_space<hbm>>
    tpu.enqueue_dma source(%dma_start3A_251 : memref<80xi32, #tpu.memory_space<hbm>>) target(%arg11 : memref<80xi32, #tpu.memory_space<vmem>>) target_semaphore(%dma_start3A_250 : memref<!tpu.dma_semaphore, #tpu.memory_space<semaphore_mem>>)
    %dma_wait3A_252 = arith.constant 3 : i32
    %dma_wait3A_253 = tpu.memref_slice %arg4[%mul3A_2] : memref<320000xi32, #tpu.memory_space<hbm>> -> memref<160xi32, #tpu.memory_space<hbm>>
    %dma_wait3A_254 = tpu.memref_slice %arg17[%dma_wait3A_252] : memref<4x!tpu.dma_semaphore, #tpu.memory_space<semaphore_mem>> -> memref<1x!tpu.dma_semaphore, #tpu.memory_space<semaphore_mem>>
    %dma_wait3A_255 = tpu.memref_squeeze %dma_wait3A_254 : memref<1x!tpu.dma_semaphore, #tpu.memory_space<semaphore_mem>> -> memref<!tpu.dma_semaphore, #tpu.memory_space<semaphore_mem>>
    %dma_wait3A_256 = tpu.memref_slice %arg4[%mul3A_2] : memref<320000xi32, #tpu.memory_space<hbm>> -> memref<160xi32, #tpu.memory_space<hbm>>
    tpu.wait_dma2 semaphore(%dma_wait3A_255 : memref<!tpu.dma_semaphore, #tpu.memory_space<semaphore_mem>>) src(%dma_wait3A_256 : memref<160xi32, #tpu.memory_space<hbm>>) dst(%arg15 : memref<160xi32, #tpu.memory_space<vmem>>)
    %dma_start3A_257 = arith.constant 3 : i32
    %dma_start3A_258 = arith.constant 3 : i32
    %dma_start3A_259 = arith.constant 0 : i32
    %dma_start3A_260 = arith.constant 0 : i32
    %dma_start3A_261 = tpu.memref_slice %arg16[%dma_start3A_257, %dma_start3A_259, %dma_start3A_260] : memref<4x80x272xf32, #tpu.memory_space<vmem>> -> memref<1x80x128xf32, #tpu.memory_space<vmem>>
    %dma_start3A_262 = tpu.memref_squeeze %dma_start3A_261 : memref<1x80x128xf32, #tpu.memory_space<vmem>> -> memref<80x128xf32, #tpu.memory_space<vmem>>
    %dma_start3A_263 = arith.constant 0 : i32
    %dma_start3A_264 = arith.constant 0 : i32
    %dma_start3A_265 = tpu.memref_slice %arg2[%dma_start3A_263, %dma_start3A_264] : memref<10000x128xf32, #tpu.memory_space<hbm>> -> memref<10000x128xf32, #tpu.memory_space<hbm>>
    %dma_start3A_266 = tpu.memref_slice %arg18[%dma_start3A_258] : memref<4x!tpu.dma_semaphore, #tpu.memory_space<semaphore_mem>> -> memref<1x!tpu.dma_semaphore, #tpu.memory_space<semaphore_mem>>
    %dma_start3A_267 = tpu.memref_squeeze %dma_start3A_266 : memref<1x!tpu.dma_semaphore, #tpu.memory_space<semaphore_mem>> -> memref<!tpu.dma_semaphore, #tpu.memory_space<semaphore_mem>>
    tpu.enqueue_indirect_dma source(%dma_start3A_265 : memref<10000x128xf32, #tpu.memory_space<hbm>>) target(%dma_start3A_262 : memref<80x128xf32, #tpu.memory_space<vmem>>) offsets(%arg10 : memref<80xi32, #tpu.memory_space<vmem>>) semaphore(%dma_start3A_267 : memref<!tpu.dma_semaphore, #tpu.memory_space<semaphore_mem>>)
    %dma_start3A_268 = arith.constant 3 : i32
    %dma_start3A_269 = arith.constant 3 : i32
    %dma_start3A_270 = arith.constant 0 : i32
    %dma_start3A_271 = arith.constant 128 : i32
    %dma_start3A_272 = tpu.memref_slice %arg16[%dma_start3A_268, %dma_start3A_270, %dma_start3A_271] : memref<4x80x272xf32, #tpu.memory_space<vmem>> -> memref<1x80x128xf32, #tpu.memory_space<vmem>>
    %dma_start3A_273 = tpu.memref_squeeze %dma_start3A_272 : memref<1x80x128xf32, #tpu.memory_space<vmem>> -> memref<80x128xf32, #tpu.memory_space<vmem>>
    %dma_start3A_274 = arith.constant 0 : i32
    %dma_start3A_275 = arith.constant 0 : i32
    %dma_start3A_276 = tpu.memref_slice %arg2[%dma_start3A_274, %dma_start3A_275] : memref<10000x128xf32, #tpu.memory_space<hbm>> -> memref<10000x128xf32, #tpu.memory_space<hbm>>
    %dma_start3A_277 = tpu.memref_slice %arg18[%dma_start3A_269] : memref<4x!tpu.dma_semaphore, #tpu.memory_space<semaphore_mem>> -> memref<1x!tpu.dma_semaphore, #tpu.memory_space<semaphore_mem>>
    %dma_start3A_278 = tpu.memref_squeeze %dma_start3A_277 : memref<1x!tpu.dma_semaphore, #tpu.memory_space<semaphore_mem>> -> memref<!tpu.dma_semaphore, #tpu.memory_space<semaphore_mem>>
    tpu.enqueue_indirect_dma source(%dma_start3A_276 : memref<10000x128xf32, #tpu.memory_space<hbm>>) target(%dma_start3A_273 : memref<80x128xf32, #tpu.memory_space<vmem>>) offsets(%arg14 : memref<80xi32, #tpu.memory_space<vmem>>) semaphore(%dma_start3A_278 : memref<!tpu.dma_semaphore, #tpu.memory_space<semaphore_mem>>)
    %add3A_279 = arith.constant 240 : i32
    %add3A_280 = arith.addi %mul3A_2, %add3A_279 : i32
    %dma_start3A_281 = arith.constant 3 : i32
    %dma_start3A_282 = arith.constant 3 : i32
    %dma_start3A_283 = arith.constant 0 : i32
    %dma_start3A_284 = arith.constant 256 : i32
    %dma_start3A_285 = tpu.memref_slice %arg16[%dma_start3A_281, %dma_start3A_283, %dma_start3A_284] : memref<4x80x272xf32, #tpu.memory_space<vmem>> -> memref<1x80x16xf32, #tpu.memory_space<vmem>>
    %dma_start3A_286 = tpu.memref_squeeze %dma_start3A_285 : memref<1x80x16xf32, #tpu.memory_space<vmem>> -> memref<80x16xf32, #tpu.memory_space<vmem>>
    %dma_start3A_287 = arith.constant 0 : i32
    %dma_start3A_288 = tpu.memref_slice %arg3[%add3A_280, %dma_start3A_287] : memref<320000x16xf32, #tpu.memory_space<hbm>> -> memref<80x16xf32, #tpu.memory_space<hbm>>
    %dma_start3A_289 = tpu.memref_slice %arg18[%dma_start3A_282] : memref<4x!tpu.dma_semaphore, #tpu.memory_space<semaphore_mem>> -> memref<1x!tpu.dma_semaphore, #tpu.memory_space<semaphore_mem>>
    %dma_start3A_290 = tpu.memref_squeeze %dma_start3A_289 : memref<1x!tpu.dma_semaphore, #tpu.memory_space<semaphore_mem>> -> memref<!tpu.dma_semaphore, #tpu.memory_space<semaphore_mem>>
    %dma_start3A_291 = arith.constant 0 : i32
    %dma_start3A_292 = arith.constant 256 : i32
    %dma_start3A_293 = tpu.memref_slice %arg16[%dma_start3A_281, %dma_start3A_291, %dma_start3A_292] : memref<4x80x272xf32, #tpu.memory_space<vmem>> -> memref<1x80x16xf32, #tpu.memory_space<vmem>>
    %dma_start3A_294 = tpu.memref_squeeze %dma_start3A_293 : memref<1x80x16xf32, #tpu.memory_space<vmem>> -> memref<80x16xf32, #tpu.memory_space<vmem>>
    %dma_start3A_295 = arith.constant 0 : i32
    %dma_start3A_296 = tpu.memref_slice %arg3[%add3A_280, %dma_start3A_295] : memref<320000x16xf32, #tpu.memory_space<hbm>> -> memref<80x16xf32, #tpu.memory_space<hbm>>
    tpu.enqueue_dma source(%dma_start3A_296 : memref<80x16xf32, #tpu.memory_space<hbm>>) target(%dma_start3A_294 : memref<80x16xf32, #tpu.memory_space<vmem>>) target_semaphore(%dma_start3A_290 : memref<!tpu.dma_semaphore, #tpu.memory_space<semaphore_mem>>)
    %dma_wait3A_297 = arith.constant 1 : i32
    %dma_wait3A_298 = arith.constant 1 : i32
    %dma_wait3A_299 = arith.constant 0 : i32
    %dma_wait3A_300 = arith.constant 0 : i32
    %dma_wait3A_301 = tpu.memref_slice %arg16[%dma_wait3A_297, %dma_wait3A_299, %dma_wait3A_300] : memref<4x80x272xf32, #tpu.memory_space<vmem>> -> memref<1x80x128xf32, #tpu.memory_space<vmem>>
    %dma_wait3A_302 = tpu.memref_squeeze %dma_wait3A_301 : memref<1x80x128xf32, #tpu.memory_space<vmem>> -> memref<80x128xf32, #tpu.memory_space<vmem>>
    %dma_wait3A_303 = arith.constant 0 : i32
    %dma_wait3A_304 = arith.constant 0 : i32
    %dma_wait3A_305 = tpu.memref_slice %arg2[%dma_wait3A_303, %dma_wait3A_304] : memref<10000x128xf32, #tpu.memory_space<hbm>> -> memref<10000x128xf32, #tpu.memory_space<hbm>>
    %dma_wait3A_306 = tpu.memref_slice %arg18[%dma_wait3A_298] : memref<4x!tpu.dma_semaphore, #tpu.memory_space<semaphore_mem>> -> memref<1x!tpu.dma_semaphore, #tpu.memory_space<semaphore_mem>>
    %dma_wait3A_307 = tpu.memref_squeeze %dma_wait3A_306 : memref<1x!tpu.dma_semaphore, #tpu.memory_space<semaphore_mem>> -> memref<!tpu.dma_semaphore, #tpu.memory_space<semaphore_mem>>
    tpu.wait_indirect_dma semaphore(%dma_wait3A_307 : memref<!tpu.dma_semaphore, #tpu.memory_space<semaphore_mem>>) src(%dma_wait3A_305 : memref<10000x128xf32, #tpu.memory_space<hbm>>) dst(%dma_wait3A_302 : memref<80x128xf32, #tpu.memory_space<vmem>>)
    %dma_wait3A_308 = arith.constant 1 : i32
    %dma_wait3A_309 = arith.constant 1 : i32
    %dma_wait3A_310 = arith.constant 0 : i32
    %dma_wait3A_311 = arith.constant 128 : i32
    %dma_wait3A_312 = tpu.memref_slice %arg16[%dma_wait3A_308, %dma_wait3A_310, %dma_wait3A_311] : memref<4x80x272xf32, #tpu.memory_space<vmem>> -> memref<1x80x128xf32, #tpu.memory_space<vmem>>
    %dma_wait3A_313 = tpu.memref_squeeze %dma_wait3A_312 : memref<1x80x128xf32, #tpu.memory_space<vmem>> -> memref<80x128xf32, #tpu.memory_space<vmem>>
    %dma_wait3A_314 = arith.constant 0 : i32
    %dma_wait3A_315 = arith.constant 0 : i32
    %dma_wait3A_316 = tpu.memref_slice %arg2[%dma_wait3A_314, %dma_wait3A_315] : memref<10000x128xf32, #tpu.memory_space<hbm>> -> memref<10000x128xf32, #tpu.memory_space<hbm>>
    %dma_wait3A_317 = tpu.memref_slice %arg18[%dma_wait3A_309] : memref<4x!tpu.dma_semaphore, #tpu.memory_space<semaphore_mem>> -> memref<1x!tpu.dma_semaphore, #tpu.memory_space<semaphore_mem>>
    %dma_wait3A_318 = tpu.memref_squeeze %dma_wait3A_317 : memref<1x!tpu.dma_semaphore, #tpu.memory_space<semaphore_mem>> -> memref<!tpu.dma_semaphore, #tpu.memory_space<semaphore_mem>>
    tpu.wait_indirect_dma semaphore(%dma_wait3A_318 : memref<!tpu.dma_semaphore, #tpu.memory_space<semaphore_mem>>) src(%dma_wait3A_316 : memref<10000x128xf32, #tpu.memory_space<hbm>>) dst(%dma_wait3A_313 : memref<80x128xf32, #tpu.memory_space<vmem>>)
    %dma_wait3A_319 = arith.constant 1 : i32
    %dma_wait3A_320 = arith.constant 1 : i32
    %dma_wait3A_321 = arith.constant 0 : i32
    %dma_wait3A_322 = arith.constant 256 : i32
    %dma_wait3A_323 = tpu.memref_slice %arg16[%dma_wait3A_319, %dma_wait3A_321, %dma_wait3A_322] : memref<4x80x272xf32, #tpu.memory_space<vmem>> -> memref<1x80x16xf32, #tpu.memory_space<vmem>>
    %dma_wait3A_324 = tpu.memref_squeeze %dma_wait3A_323 : memref<1x80x16xf32, #tpu.memory_space<vmem>> -> memref<80x16xf32, #tpu.memory_space<vmem>>
    %dma_wait3A_325 = arith.constant 0 : i32
    %dma_wait3A_326 = tpu.memref_slice %arg3[%mul3A_2, %dma_wait3A_325] : memref<320000x16xf32, #tpu.memory_space<hbm>> -> memref<80x16xf32, #tpu.memory_space<hbm>>
    %dma_wait3A_327 = tpu.memref_slice %arg18[%dma_wait3A_320] : memref<4x!tpu.dma_semaphore, #tpu.memory_space<semaphore_mem>> -> memref<1x!tpu.dma_semaphore, #tpu.memory_space<semaphore_mem>>
    %dma_wait3A_328 = tpu.memref_squeeze %dma_wait3A_327 : memref<1x!tpu.dma_semaphore, #tpu.memory_space<semaphore_mem>> -> memref<!tpu.dma_semaphore, #tpu.memory_space<semaphore_mem>>
    %dma_wait3A_329 = arith.constant 0 : i32
    %dma_wait3A_330 = arith.constant 256 : i32
    %dma_wait3A_331 = tpu.memref_slice %arg16[%dma_wait3A_319, %dma_wait3A_329, %dma_wait3A_330] : memref<4x80x272xf32, #tpu.memory_space<vmem>> -> memref<1x80x16xf32, #tpu.memory_space<vmem>>
    %dma_wait3A_332 = tpu.memref_squeeze %dma_wait3A_331 : memref<1x80x16xf32, #tpu.memory_space<vmem>> -> memref<80x16xf32, #tpu.memory_space<vmem>>
    %dma_wait3A_333 = arith.constant 0 : i32
    %dma_wait3A_334 = tpu.memref_slice %arg3[%mul3A_2, %dma_wait3A_333] : memref<320000x16xf32, #tpu.memory_space<hbm>> -> memref<80x16xf32, #tpu.memory_space<hbm>>
    tpu.wait_dma2 semaphore(%dma_wait3A_328 : memref<!tpu.dma_semaphore, #tpu.memory_space<semaphore_mem>>) src(%dma_wait3A_334 : memref<80x16xf32, #tpu.memory_space<hbm>>) dst(%dma_wait3A_332 : memref<80x16xf32, #tpu.memory_space<vmem>>)
    %add3A_335 = arith.constant 80 : i32
    %add3A_336 = arith.addi %mul3A_2, %add3A_335 : i32
    %dma_start3A_337 = arith.constant 1 : i32
    %dma_start3A_338 = arith.constant 1 : i32
    %dma_start3A_339 = arith.constant 0 : i32
    %dma_start3A_340 = arith.constant 0 : i32
    %dma_start3A_341 = tpu.memref_slice %arg16[%dma_start3A_337, %dma_start3A_339, %dma_start3A_340] : memref<4x80x272xf32, #tpu.memory_space<vmem>> -> memref<1x80x272xf32, #tpu.memory_space<vmem>>
    %dma_start3A_342 = tpu.memref_squeeze %dma_start3A_341 : memref<1x80x272xf32, #tpu.memory_space<vmem>> -> memref<80x272xf32, #tpu.memory_space<vmem>>
    %dma_start3A_343 = arith.constant 0 : i32
    %dma_start3A_344 = tpu.memref_slice %arg6[%add3A_336, %dma_start3A_343] : memref<320000x272xf32, #tpu.memory_space<hbm>> -> memref<80x272xf32, #tpu.memory_space<hbm>>
    %dma_start3A_345 = tpu.memref_slice %arg19[%dma_start3A_338] : memref<4x!tpu.dma_semaphore, #tpu.memory_space<semaphore_mem>> -> memref<1x!tpu.dma_semaphore, #tpu.memory_space<semaphore_mem>>
    %dma_start3A_346 = tpu.memref_squeeze %dma_start3A_345 : memref<1x!tpu.dma_semaphore, #tpu.memory_space<semaphore_mem>> -> memref<!tpu.dma_semaphore, #tpu.memory_space<semaphore_mem>>
    %dma_start3A_347 = arith.constant 0 : i32
    %dma_start3A_348 = tpu.memref_slice %arg6[%add3A_336, %dma_start3A_347] : memref<320000x272xf32, #tpu.memory_space<hbm>> -> memref<80x272xf32, #tpu.memory_space<hbm>>
    %dma_start3A_349 = arith.constant 0 : i32
    %dma_start3A_350 = arith.constant 0 : i32
    %dma_start3A_351 = tpu.memref_slice %arg16[%dma_start3A_337, %dma_start3A_349, %dma_start3A_350] : memref<4x80x272xf32, #tpu.memory_space<vmem>> -> memref<1x80x272xf32, #tpu.memory_space<vmem>>
    %dma_start3A_352 = tpu.memref_squeeze %dma_start3A_351 : memref<1x80x272xf32, #tpu.memory_space<vmem>> -> memref<80x272xf32, #tpu.memory_space<vmem>>
    tpu.enqueue_dma source(%dma_start3A_352 : memref<80x272xf32, #tpu.memory_space<vmem>>) target(%dma_start3A_348 : memref<80x272xf32, #tpu.memory_space<hbm>>) target_semaphore(%dma_start3A_346 : memref<!tpu.dma_semaphore, #tpu.memory_space<semaphore_mem>>)
    %dma_wait3A_353 = arith.constant 0 : i32
    %dma_wait3A_354 = arith.constant 0 : i32
    %dma_wait3A_355 = arith.constant 0 : i32
    %dma_wait3A_356 = arith.constant 0 : i32
    %dma_wait3A_357 = tpu.memref_slice %arg16[%dma_wait3A_353, %dma_wait3A_355, %dma_wait3A_356] : memref<4x80x272xf32, #tpu.memory_space<vmem>> -> memref<1x80x272xf32, #tpu.memory_space<vmem>>
    %dma_wait3A_358 = tpu.memref_squeeze %dma_wait3A_357 : memref<1x80x272xf32, #tpu.memory_space<vmem>> -> memref<80x272xf32, #tpu.memory_space<vmem>>
    %dma_wait3A_359 = arith.constant 0 : i32
    %dma_wait3A_360 = tpu.memref_slice %arg6[%mul3A_2, %dma_wait3A_359] : memref<320000x272xf32, #tpu.memory_space<hbm>> -> memref<80x272xf32, #tpu.memory_space<hbm>>
    %dma_wait3A_361 = tpu.memref_slice %arg19[%dma_wait3A_354] : memref<4x!tpu.dma_semaphore, #tpu.memory_space<semaphore_mem>> -> memref<1x!tpu.dma_semaphore, #tpu.memory_space<semaphore_mem>>
    %dma_wait3A_362 = tpu.memref_squeeze %dma_wait3A_361 : memref<1x!tpu.dma_semaphore, #tpu.memory_space<semaphore_mem>> -> memref<!tpu.dma_semaphore, #tpu.memory_space<semaphore_mem>>
    %dma_wait3A_363 = arith.constant 0 : i32
    %dma_wait3A_364 = tpu.memref_slice %arg6[%mul3A_2, %dma_wait3A_363] : memref<320000x272xf32, #tpu.memory_space<hbm>> -> memref<80x272xf32, #tpu.memory_space<hbm>>
    %dma_wait3A_365 = arith.constant 0 : i32
    %dma_wait3A_366 = arith.constant 0 : i32
    %dma_wait3A_367 = tpu.memref_slice %arg16[%dma_wait3A_353, %dma_wait3A_365, %dma_wait3A_366] : memref<4x80x272xf32, #tpu.memory_space<vmem>> -> memref<1x80x272xf32, #tpu.memory_space<vmem>>
    %dma_wait3A_368 = tpu.memref_squeeze %dma_wait3A_367 : memref<1x80x272xf32, #tpu.memory_space<vmem>> -> memref<80x272xf32, #tpu.memory_space<vmem>>
    tpu.wait_dma2 semaphore(%dma_wait3A_362 : memref<!tpu.dma_semaphore, #tpu.memory_space<semaphore_mem>>) src(%dma_wait3A_368 : memref<80x272xf32, #tpu.memory_space<vmem>>) dst(%dma_wait3A_364 : memref<80x272xf32, #tpu.memory_space<hbm>>)
    %add3A_369 = arith.constant 400 : i32
    %add3A_370 = arith.addi %mul3A_2, %add3A_369 : i32
    %dma_start3A_371 = arith.constant 1 : i32
    %dma_start3A_372 = tpu.memref_slice %arg4[%add3A_370] : memref<320000xi32, #tpu.memory_space<hbm>> -> memref<80xi32, #tpu.memory_space<hbm>>
    %dma_start3A_373 = tpu.memref_slice %arg17[%dma_start3A_371] : memref<4x!tpu.dma_semaphore, #tpu.memory_space<semaphore_mem>> -> memref<1x!tpu.dma_semaphore, #tpu.memory_space<semaphore_mem>>
    %dma_start3A_374 = tpu.memref_squeeze %dma_start3A_373 : memref<1x!tpu.dma_semaphore, #tpu.memory_space<semaphore_mem>> -> memref<!tpu.dma_semaphore, #tpu.memory_space<semaphore_mem>>
    %dma_start3A_375 = tpu.memref_slice %arg4[%add3A_370] : memref<320000xi32, #tpu.memory_space<hbm>> -> memref<80xi32, #tpu.memory_space<hbm>>
    tpu.enqueue_dma source(%dma_start3A_375 : memref<80xi32, #tpu.memory_space<hbm>>) target(%arg8 : memref<80xi32, #tpu.memory_space<vmem>>) target_semaphore(%dma_start3A_374 : memref<!tpu.dma_semaphore, #tpu.memory_space<semaphore_mem>>)
    %dma_start3A_376 = arith.constant 1 : i32
    %dma_start3A_377 = tpu.memref_slice %arg5[%add3A_370] : memref<320000xi32, #tpu.memory_space<hbm>> -> memref<80xi32, #tpu.memory_space<hbm>>
    %dma_start3A_378 = tpu.memref_slice %arg17[%dma_start3A_376] : memref<4x!tpu.dma_semaphore, #tpu.memory_space<semaphore_mem>> -> memref<1x!tpu.dma_semaphore, #tpu.memory_space<semaphore_mem>>
    %dma_start3A_379 = tpu.memref_squeeze %dma_start3A_378 : memref<1x!tpu.dma_semaphore, #tpu.memory_space<semaphore_mem>> -> memref<!tpu.dma_semaphore, #tpu.memory_space<semaphore_mem>>
    %dma_start3A_380 = tpu.memref_slice %arg5[%add3A_370] : memref<320000xi32, #tpu.memory_space<hbm>> -> memref<80xi32, #tpu.memory_space<hbm>>
    tpu.enqueue_dma source(%dma_start3A_380 : memref<80xi32, #tpu.memory_space<hbm>>) target(%arg12 : memref<80xi32, #tpu.memory_space<vmem>>) target_semaphore(%dma_start3A_379 : memref<!tpu.dma_semaphore, #tpu.memory_space<semaphore_mem>>)
    %dma_wait3A_381 = arith.constant 0 : i32
    %dma_wait3A_382 = tpu.memref_slice %arg4[%mul3A_2] : memref<320000xi32, #tpu.memory_space<hbm>> -> memref<160xi32, #tpu.memory_space<hbm>>
    %dma_wait3A_383 = tpu.memref_slice %arg17[%dma_wait3A_381] : memref<4x!tpu.dma_semaphore, #tpu.memory_space<semaphore_mem>> -> memref<1x!tpu.dma_semaphore, #tpu.memory_space<semaphore_mem>>
    %dma_wait3A_384 = tpu.memref_squeeze %dma_wait3A_383 : memref<1x!tpu.dma_semaphore, #tpu.memory_space<semaphore_mem>> -> memref<!tpu.dma_semaphore, #tpu.memory_space<semaphore_mem>>
    %dma_wait3A_385 = tpu.memref_slice %arg4[%mul3A_2] : memref<320000xi32, #tpu.memory_space<hbm>> -> memref<160xi32, #tpu.memory_space<hbm>>
    tpu.wait_dma2 semaphore(%dma_wait3A_384 : memref<!tpu.dma_semaphore, #tpu.memory_space<semaphore_mem>>) src(%dma_wait3A_385 : memref<160xi32, #tpu.memory_space<hbm>>) dst(%arg15 : memref<160xi32, #tpu.memory_space<vmem>>)
    %dma_start3A_386 = arith.constant 0 : i32
    %dma_start3A_387 = arith.constant 0 : i32
    %dma_start3A_388 = arith.constant 0 : i32
    %dma_start3A_389 = arith.constant 0 : i32
    %dma_start3A_390 = tpu.memref_slice %arg16[%dma_start3A_386, %dma_start3A_388, %dma_start3A_389] : memref<4x80x272xf32, #tpu.memory_space<vmem>> -> memref<1x80x128xf32, #tpu.memory_space<vmem>>
    %dma_start3A_391 = tpu.memref_squeeze %dma_start3A_390 : memref<1x80x128xf32, #tpu.memory_space<vmem>> -> memref<80x128xf32, #tpu.memory_space<vmem>>
    %dma_start3A_392 = arith.constant 0 : i32
    %dma_start3A_393 = arith.constant 0 : i32
    %dma_start3A_394 = tpu.memref_slice %arg2[%dma_start3A_392, %dma_start3A_393] : memref<10000x128xf32, #tpu.memory_space<hbm>> -> memref<10000x128xf32, #tpu.memory_space<hbm>>
    %dma_start3A_395 = tpu.memref_slice %arg18[%dma_start3A_387] : memref<4x!tpu.dma_semaphore, #tpu.memory_space<semaphore_mem>> -> memref<1x!tpu.dma_semaphore, #tpu.memory_space<semaphore_mem>>
    %dma_start3A_396 = tpu.memref_squeeze %dma_start3A_395 : memref<1x!tpu.dma_semaphore, #tpu.memory_space<semaphore_mem>> -> memref<!tpu.dma_semaphore, #tpu.memory_space<semaphore_mem>>
    tpu.enqueue_indirect_dma source(%dma_start3A_394 : memref<10000x128xf32, #tpu.memory_space<hbm>>) target(%dma_start3A_391 : memref<80x128xf32, #tpu.memory_space<vmem>>) offsets(%arg7 : memref<80xi32, #tpu.memory_space<vmem>>) semaphore(%dma_start3A_396 : memref<!tpu.dma_semaphore, #tpu.memory_space<semaphore_mem>>)
    %dma_start3A_397 = arith.constant 0 : i32
    %dma_start3A_398 = arith.constant 0 : i32
    %dma_start3A_399 = arith.constant 0 : i32
    %dma_start3A_400 = arith.constant 128 : i32
    %dma_start3A_401 = tpu.memref_slice %arg16[%dma_start3A_397, %dma_start3A_399, %dma_start3A_400] : memref<4x80x272xf32, #tpu.memory_space<vmem>> -> memref<1x80x128xf32, #tpu.memory_space<vmem>>
    %dma_start3A_402 = tpu.memref_squeeze %dma_start3A_401 : memref<1x80x128xf32, #tpu.memory_space<vmem>> -> memref<80x128xf32, #tpu.memory_space<vmem>>
    %dma_start3A_403 = arith.constant 0 : i32
    %dma_start3A_404 = arith.constant 0 : i32
    %dma_start3A_405 = tpu.memref_slice %arg2[%dma_start3A_403, %dma_start3A_404] : memref<10000x128xf32, #tpu.memory_space<hbm>> -> memref<10000x128xf32, #tpu.memory_space<hbm>>
    %dma_start3A_406 = tpu.memref_slice %arg18[%dma_start3A_398] : memref<4x!tpu.dma_semaphore, #tpu.memory_space<semaphore_mem>> -> memref<1x!tpu.dma_semaphore, #tpu.memory_space<semaphore_mem>>
    %dma_start3A_407 = tpu.memref_squeeze %dma_start3A_406 : memref<1x!tpu.dma_semaphore, #tpu.memory_space<semaphore_mem>> -> memref<!tpu.dma_semaphore, #tpu.memory_space<semaphore_mem>>
    tpu.enqueue_indirect_dma source(%dma_start3A_405 : memref<10000x128xf32, #tpu.memory_space<hbm>>) target(%dma_start3A_402 : memref<80x128xf32, #tpu.memory_space<vmem>>) offsets(%arg11 : memref<80xi32, #tpu.memory_space<vmem>>) semaphore(%dma_start3A_407 : memref<!tpu.dma_semaphore, #tpu.memory_space<semaphore_mem>>)
    %add3A_408 = arith.constant 320 : i32
    %add3A_409 = arith.addi %mul3A_2, %add3A_408 : i32
    %dma_start3A_410 = arith.constant 0 : i32
    %dma_start3A_411 = arith.constant 0 : i32
    %dma_start3A_412 = arith.constant 0 : i32
    %dma_start3A_413 = arith.constant 256 : i32
    %dma_start3A_414 = tpu.memref_slice %arg16[%dma_start3A_410, %dma_start3A_412, %dma_start3A_413] : memref<4x80x272xf32, #tpu.memory_space<vmem>> -> memref<1x80x16xf32, #tpu.memory_space<vmem>>
    %dma_start3A_415 = tpu.memref_squeeze %dma_start3A_414 : memref<1x80x16xf32, #tpu.memory_space<vmem>> -> memref<80x16xf32, #tpu.memory_space<vmem>>
    %dma_start3A_416 = arith.constant 0 : i32
    %dma_start3A_417 = tpu.memref_slice %arg3[%add3A_409, %dma_start3A_416] : memref<320000x16xf32, #tpu.memory_space<hbm>> -> memref<80x16xf32, #tpu.memory_space<hbm>>
    %dma_start3A_418 = tpu.memref_slice %arg18[%dma_start3A_411] : memref<4x!tpu.dma_semaphore, #tpu.memory_space<semaphore_mem>> -> memref<1x!tpu.dma_semaphore, #tpu.memory_space<semaphore_mem>>
    %dma_start3A_419 = tpu.memref_squeeze %dma_start3A_418 : memref<1x!tpu.dma_semaphore, #tpu.memory_space<semaphore_mem>> -> memref<!tpu.dma_semaphore, #tpu.memory_space<semaphore_mem>>
    %dma_start3A_420 = arith.constant 0 : i32
    %dma_start3A_421 = arith.constant 256 : i32
    %dma_start3A_422 = tpu.memref_slice %arg16[%dma_start3A_410, %dma_start3A_420, %dma_start3A_421] : memref<4x80x272xf32, #tpu.memory_space<vmem>> -> memref<1x80x16xf32, #tpu.memory_space<vmem>>
    %dma_start3A_423 = tpu.memref_squeeze %dma_start3A_422 : memref<1x80x16xf32, #tpu.memory_space<vmem>> -> memref<80x16xf32, #tpu.memory_space<vmem>>
    %dma_start3A_424 = arith.constant 0 : i32
    %dma_start3A_425 = tpu.memref_slice %arg3[%add3A_409, %dma_start3A_424] : memref<320000x16xf32, #tpu.memory_space<hbm>> -> memref<80x16xf32, #tpu.memory_space<hbm>>
    tpu.enqueue_dma source(%dma_start3A_425 : memref<80x16xf32, #tpu.memory_space<hbm>>) target(%dma_start3A_423 : memref<80x16xf32, #tpu.memory_space<vmem>>) target_semaphore(%dma_start3A_419 : memref<!tpu.dma_semaphore, #tpu.memory_space<semaphore_mem>>)
    %dma_wait3A_426 = arith.constant 2 : i32
    %dma_wait3A_427 = arith.constant 2 : i32
    %dma_wait3A_428 = arith.constant 0 : i32
    %dma_wait3A_429 = arith.constant 0 : i32
    %dma_wait3A_430 = tpu.memref_slice %arg16[%dma_wait3A_426, %dma_wait3A_428, %dma_wait3A_429] : memref<4x80x272xf32, #tpu.memory_space<vmem>> -> memref<1x80x128xf32, #tpu.memory_space<vmem>>
    %dma_wait3A_431 = tpu.memref_squeeze %dma_wait3A_430 : memref<1x80x128xf32, #tpu.memory_space<vmem>> -> memref<80x128xf32, #tpu.memory_space<vmem>>
    %dma_wait3A_432 = arith.constant 0 : i32
    %dma_wait3A_433 = arith.constant 0 : i32
    %dma_wait3A_434 = tpu.memref_slice %arg2[%dma_wait3A_432, %dma_wait3A_433] : memref<10000x128xf32, #tpu.memory_space<hbm>> -> memref<10000x128xf32, #tpu.memory_space<hbm>>
    %dma_wait3A_435 = tpu.memref_slice %arg18[%dma_wait3A_427] : memref<4x!tpu.dma_semaphore, #tpu.memory_space<semaphore_mem>> -> memref<1x!tpu.dma_semaphore, #tpu.memory_space<semaphore_mem>>
    %dma_wait3A_436 = tpu.memref_squeeze %dma_wait3A_435 : memref<1x!tpu.dma_semaphore, #tpu.memory_space<semaphore_mem>> -> memref<!tpu.dma_semaphore, #tpu.memory_space<semaphore_mem>>
    tpu.wait_indirect_dma semaphore(%dma_wait3A_436 : memref<!tpu.dma_semaphore, #tpu.memory_space<semaphore_mem>>) src(%dma_wait3A_434 : memref<10000x128xf32, #tpu.memory_space<hbm>>) dst(%dma_wait3A_431 : memref<80x128xf32, #tpu.memory_space<vmem>>)
    %dma_wait3A_437 = arith.constant 2 : i32
    %dma_wait3A_438 = arith.constant 2 : i32
    %dma_wait3A_439 = arith.constant 0 : i32
    %dma_wait3A_440 = arith.constant 128 : i32
    %dma_wait3A_441 = tpu.memref_slice %arg16[%dma_wait3A_437, %dma_wait3A_439, %dma_wait3A_440] : memref<4x80x272xf32, #tpu.memory_space<vmem>> -> memref<1x80x128xf32, #tpu.memory_space<vmem>>
    %dma_wait3A_442 = tpu.memref_squeeze %dma_wait3A_441 : memref<1x80x128xf32, #tpu.memory_space<vmem>> -> memref<80x128xf32, #tpu.memory_space<vmem>>
    %dma_wait3A_443 = arith.constant 0 : i32
    %dma_wait3A_444 = arith.constant 0 : i32
    %dma_wait3A_445 = tpu.memref_slice %arg2[%dma_wait3A_443, %dma_wait3A_444] : memref<10000x128xf32, #tpu.memory_space<hbm>> -> memref<10000x128xf32, #tpu.memory_space<hbm>>
    %dma_wait3A_446 = tpu.memref_slice %arg18[%dma_wait3A_438] : memref<4x!tpu.dma_semaphore, #tpu.memory_space<semaphore_mem>> -> memref<1x!tpu.dma_semaphore, #tpu.memory_space<semaphore_mem>>
    %dma_wait3A_447 = tpu.memref_squeeze %dma_wait3A_446 : memref<1x!tpu.dma_semaphore, #tpu.memory_space<semaphore_mem>> -> memref<!tpu.dma_semaphore, #tpu.memory_space<semaphore_mem>>
    tpu.wait_indirect_dma semaphore(%dma_wait3A_447 : memref<!tpu.dma_semaphore, #tpu.memory_space<semaphore_mem>>) src(%dma_wait3A_445 : memref<10000x128xf32, #tpu.memory_space<hbm>>) dst(%dma_wait3A_442 : memref<80x128xf32, #tpu.memory_space<vmem>>)
    %dma_wait3A_448 = arith.constant 2 : i32
    %dma_wait3A_449 = arith.constant 2 : i32
    %dma_wait3A_450 = arith.constant 0 : i32
    %dma_wait3A_451 = arith.constant 256 : i32
    %dma_wait3A_452 = tpu.memref_slice %arg16[%dma_wait3A_448, %dma_wait3A_450, %dma_wait3A_451] : memref<4x80x272xf32, #tpu.memory_space<vmem>> -> memref<1x80x16xf32, #tpu.memory_space<vmem>>
    %dma_wait3A_453 = tpu.memref_squeeze %dma_wait3A_452 : memref<1x80x16xf32, #tpu.memory_space<vmem>> -> memref<80x16xf32, #tpu.memory_space<vmem>>
    %dma_wait3A_454 = arith.constant 0 : i32
    %dma_wait3A_455 = tpu.memref_slice %arg3[%mul3A_2, %dma_wait3A_454] : memref<320000x16xf32, #tpu.memory_space<hbm>> -> memref<80x16xf32, #tpu.memory_space<hbm>>
    %dma_wait3A_456 = tpu.memref_slice %arg18[%dma_wait3A_449] : memref<4x!tpu.dma_semaphore, #tpu.memory_space<semaphore_mem>> -> memref<1x!tpu.dma_semaphore, #tpu.memory_space<semaphore_mem>>
    %dma_wait3A_457 = tpu.memref_squeeze %dma_wait3A_456 : memref<1x!tpu.dma_semaphore, #tpu.memory_space<semaphore_mem>> -> memref<!tpu.dma_semaphore, #tpu.memory_space<semaphore_mem>>
    %dma_wait3A_458 = arith.constant 0 : i32
    %dma_wait3A_459 = arith.constant 256 : i32
    %dma_wait3A_460 = tpu.memref_slice %arg16[%dma_wait3A_448, %dma_wait3A_458, %dma_wait3A_459] : memref<4x80x272xf32, #tpu.memory_space<vmem>> -> memref<1x80x16xf32, #tpu.memory_space<vmem>>
    %dma_wait3A_461 = tpu.memref_squeeze %dma_wait3A_460 : memref<1x80x16xf32, #tpu.memory_space<vmem>> -> memref<80x16xf32, #tpu.memory_space<vmem>>
    %dma_wait3A_462 = arith.constant 0 : i32
    %dma_wait3A_463 = tpu.memref_slice %arg3[%mul3A_2, %dma_wait3A_462] : memref<320000x16xf32, #tpu.memory_space<hbm>> -> memref<80x16xf32, #tpu.memory_space<hbm>>
    tpu.wait_dma2 semaphore(%dma_wait3A_457 : memref<!tpu.dma_semaphore, #tpu.memory_space<semaphore_mem>>) src(%dma_wait3A_463 : memref<80x16xf32, #tpu.memory_space<hbm>>) dst(%dma_wait3A_461 : memref<80x16xf32, #tpu.memory_space<vmem>>)
    %add3A_464 = arith.constant 160 : i32
    %add3A_465 = arith.addi %mul3A_2, %add3A_464 : i32
    %dma_start3A_466 = arith.constant 2 : i32
    %dma_start3A_467 = arith.constant 2 : i32
    %dma_start3A_468 = arith.constant 0 : i32
    %dma_start3A_469 = arith.constant 0 : i32
    %dma_start3A_470 = tpu.memref_slice %arg16[%dma_start3A_466, %dma_start3A_468, %dma_start3A_469] : memref<4x80x272xf32, #tpu.memory_space<vmem>> -> memref<1x80x272xf32, #tpu.memory_space<vmem>>
    %dma_start3A_471 = tpu.memref_squeeze %dma_start3A_470 : memref<1x80x272xf32, #tpu.memory_space<vmem>> -> memref<80x272xf32, #tpu.memory_space<vmem>>
    %dma_start3A_472 = arith.constant 0 : i32
    %dma_start3A_473 = tpu.memref_slice %arg6[%add3A_465, %dma_start3A_472] : memref<320000x272xf32, #tpu.memory_space<hbm>> -> memref<80x272xf32, #tpu.memory_space<hbm>>
    %dma_start3A_474 = tpu.memref_slice %arg19[%dma_start3A_467] : memref<4x!tpu.dma_semaphore, #tpu.memory_space<semaphore_mem>> -> memref<1x!tpu.dma_semaphore, #tpu.memory_space<semaphore_mem>>
    %dma_start3A_475 = tpu.memref_squeeze %dma_start3A_474 : memref<1x!tpu.dma_semaphore, #tpu.memory_space<semaphore_mem>> -> memref<!tpu.dma_semaphore, #tpu.memory_space<semaphore_mem>>
    %dma_start3A_476 = arith.constant 0 : i32
    %dma_start3A_477 = tpu.memref_slice %arg6[%add3A_465, %dma_start3A_476] : memref<320000x272xf32, #tpu.memory_space<hbm>> -> memref<80x272xf32, #tpu.memory_space<hbm>>
    %dma_start3A_478 = arith.constant 0 : i32
    %dma_start3A_479 = arith.constant 0 : i32
    %dma_start3A_480 = tpu.memref_slice %arg16[%dma_start3A_466, %dma_start3A_478, %dma_start3A_479] : memref<4x80x272xf32, #tpu.memory_space<vmem>> -> memref<1x80x272xf32, #tpu.memory_space<vmem>>
    %dma_start3A_481 = tpu.memref_squeeze %dma_start3A_480 : memref<1x80x272xf32, #tpu.memory_space<vmem>> -> memref<80x272xf32, #tpu.memory_space<vmem>>
    tpu.enqueue_dma source(%dma_start3A_481 : memref<80x272xf32, #tpu.memory_space<vmem>>) target(%dma_start3A_477 : memref<80x272xf32, #tpu.memory_space<hbm>>) target_semaphore(%dma_start3A_475 : memref<!tpu.dma_semaphore, #tpu.memory_space<semaphore_mem>>)
    %dma_wait3A_482 = arith.constant 1 : i32
    %dma_wait3A_483 = arith.constant 1 : i32
    %dma_wait3A_484 = arith.constant 0 : i32
    %dma_wait3A_485 = arith.constant 0 : i32
    %dma_wait3A_486 = tpu.memref_slice %arg16[%dma_wait3A_482, %dma_wait3A_484, %dma_wait3A_485] : memref<4x80x272xf32, #tpu.memory_space<vmem>> -> memref<1x80x272xf32, #tpu.memory_space<vmem>>
    %dma_wait3A_487 = tpu.memref_squeeze %dma_wait3A_486 : memref<1x80x272xf32, #tpu.memory_space<vmem>> -> memref<80x272xf32, #tpu.memory_space<vmem>>
    %dma_wait3A_488 = arith.constant 0 : i32
    %dma_wait3A_489 = tpu.memref_slice %arg6[%mul3A_2, %dma_wait3A_488] : memref<320000x272xf32, #tpu.memory_space<hbm>> -> memref<80x272xf32, #tpu.memory_space<hbm>>
    %dma_wait3A_490 = tpu.memref_slice %arg19[%dma_wait3A_483] : memref<4x!tpu.dma_semaphore, #tpu.memory_space<semaphore_mem>> -> memref<1x!tpu.dma_semaphore, #tpu.memory_space<semaphore_mem>>
    %dma_wait3A_491 = tpu.memref_squeeze %dma_wait3A_490 : memref<1x!tpu.dma_semaphore, #tpu.memory_space<semaphore_mem>> -> memref<!tpu.dma_semaphore, #tpu.memory_space<semaphore_mem>>
    %dma_wait3A_492 = arith.constant 0 : i32
    %dma_wait3A_493 = tpu.memref_slice %arg6[%mul3A_2, %dma_wait3A_492] : memref<320000x272xf32, #tpu.memory_space<hbm>> -> memref<80x272xf32, #tpu.memory_space<hbm>>
    %dma_wait3A_494 = arith.constant 0 : i32
    %dma_wait3A_495 = arith.constant 0 : i32
    %dma_wait3A_496 = tpu.memref_slice %arg16[%dma_wait3A_482, %dma_wait3A_494, %dma_wait3A_495] : memref<4x80x272xf32, #tpu.memory_space<vmem>> -> memref<1x80x272xf32, #tpu.memory_space<vmem>>
    %dma_wait3A_497 = tpu.memref_squeeze %dma_wait3A_496 : memref<1x80x272xf32, #tpu.memory_space<vmem>> -> memref<80x272xf32, #tpu.memory_space<vmem>>
    tpu.wait_dma2 semaphore(%dma_wait3A_491 : memref<!tpu.dma_semaphore, #tpu.memory_space<semaphore_mem>>) src(%dma_wait3A_497 : memref<80x272xf32, #tpu.memory_space<vmem>>) dst(%dma_wait3A_493 : memref<80x272xf32, #tpu.memory_space<hbm>>)
    %add3A_498 = arith.constant 480 : i32
    %add3A_499 = arith.addi %mul3A_2, %add3A_498 : i32
    %dma_start3A_500 = arith.constant 2 : i32
    %dma_start3A_501 = tpu.memref_slice %arg4[%add3A_499] : memref<320000xi32, #tpu.memory_space<hbm>> -> memref<80xi32, #tpu.memory_space<hbm>>
    %dma_start3A_502 = tpu.memref_slice %arg17[%dma_start3A_500] : memref<4x!tpu.dma_semaphore, #tpu.memory_space<semaphore_mem>> -> memref<1x!tpu.dma_semaphore, #tpu.memory_space<semaphore_mem>>
    %dma_start3A_503 = tpu.memref_squeeze %dma_start3A_502 : memref<1x!tpu.dma_semaphore, #tpu.memory_space<semaphore_mem>> -> memref<!tpu.dma_semaphore, #tpu.memory_space<semaphore_mem>>
    %dma_start3A_504 = tpu.memref_slice %arg4[%add3A_499] : memref<320000xi32, #tpu.memory_space<hbm>> -> memref<80xi32, #tpu.memory_space<hbm>>
    tpu.enqueue_dma source(%dma_start3A_504 : memref<80xi32, #tpu.memory_space<hbm>>) target(%arg9 : memref<80xi32, #tpu.memory_space<vmem>>) target_semaphore(%dma_start3A_503 : memref<!tpu.dma_semaphore, #tpu.memory_space<semaphore_mem>>)
    %dma_start3A_505 = arith.constant 2 : i32
    %dma_start3A_506 = tpu.memref_slice %arg5[%add3A_499] : memref<320000xi32, #tpu.memory_space<hbm>> -> memref<80xi32, #tpu.memory_space<hbm>>
    %dma_start3A_507 = tpu.memref_slice %arg17[%dma_start3A_505] : memref<4x!tpu.dma_semaphore, #tpu.memory_space<semaphore_mem>> -> memref<1x!tpu.dma_semaphore, #tpu.memory_space<semaphore_mem>>
    %dma_start3A_508 = tpu.memref_squeeze %dma_start3A_507 : memref<1x!tpu.dma_semaphore, #tpu.memory_space<semaphore_mem>> -> memref<!tpu.dma_semaphore, #tpu.memory_space<semaphore_mem>>
    %dma_start3A_509 = tpu.memref_slice %arg5[%add3A_499] : memref<320000xi32, #tpu.memory_space<hbm>> -> memref<80xi32, #tpu.memory_space<hbm>>
    tpu.enqueue_dma source(%dma_start3A_509 : memref<80xi32, #tpu.memory_space<hbm>>) target(%arg13 : memref<80xi32, #tpu.memory_space<vmem>>) target_semaphore(%dma_start3A_508 : memref<!tpu.dma_semaphore, #tpu.memory_space<semaphore_mem>>)
    %dma_wait3A_510 = arith.constant 1 : i32
    %dma_wait3A_511 = tpu.memref_slice %arg4[%mul3A_2] : memref<320000xi32, #tpu.memory_space<hbm>> -> memref<160xi32, #tpu.memory_space<hbm>>
    %dma_wait3A_512 = tpu.memref_slice %arg17[%dma_wait3A_510] : memref<4x!tpu.dma_semaphore, #tpu.memory_space<semaphore_mem>> -> memref<1x!tpu.dma_semaphore, #tpu.memory_space<semaphore_mem>>
    %dma_wait3A_513 = tpu.memref_squeeze %dma_wait3A_512 : memref<1x!tpu.dma_semaphore, #tpu.memory_space<semaphore_mem>> -> memref<!tpu.dma_semaphore, #tpu.memory_space<semaphore_mem>>
    %dma_wait3A_514 = tpu.memref_slice %arg4[%mul3A_2] : memref<320000xi32, #tpu.memory_space<hbm>> -> memref<160xi32, #tpu.memory_space<hbm>>
    tpu.wait_dma2 semaphore(%dma_wait3A_513 : memref<!tpu.dma_semaphore, #tpu.memory_space<semaphore_mem>>) src(%dma_wait3A_514 : memref<160xi32, #tpu.memory_space<hbm>>) dst(%arg15 : memref<160xi32, #tpu.memory_space<vmem>>)
    %dma_start3A_515 = arith.constant 1 : i32
    %dma_start3A_516 = arith.constant 1 : i32
    %dma_start3A_517 = arith.constant 0 : i32
    %dma_start3A_518 = arith.constant 0 : i32
    %dma_start3A_519 = tpu.memref_slice %arg16[%dma_start3A_515, %dma_start3A_517, %dma_start3A_518] : memref<4x80x272xf32, #tpu.memory_space<vmem>> -> memref<1x80x128xf32, #tpu.memory_space<vmem>>
    %dma_start3A_520 = tpu.memref_squeeze %dma_start3A_519 : memref<1x80x128xf32, #tpu.memory_space<vmem>> -> memref<80x128xf32, #tpu.memory_space<vmem>>
    %dma_start3A_521 = arith.constant 0 : i32
    %dma_start3A_522 = arith.constant 0 : i32
    %dma_start3A_523 = tpu.memref_slice %arg2[%dma_start3A_521, %dma_start3A_522] : memref<10000x128xf32, #tpu.memory_space<hbm>> -> memref<10000x128xf32, #tpu.memory_space<hbm>>
    %dma_start3A_524 = tpu.memref_slice %arg18[%dma_start3A_516] : memref<4x!tpu.dma_semaphore, #tpu.memory_space<semaphore_mem>> -> memref<1x!tpu.dma_semaphore, #tpu.memory_space<semaphore_mem>>
    %dma_start3A_525 = tpu.memref_squeeze %dma_start3A_524 : memref<1x!tpu.dma_semaphore, #tpu.memory_space<semaphore_mem>> -> memref<!tpu.dma_semaphore, #tpu.memory_space<semaphore_mem>>
    tpu.enqueue_indirect_dma source(%dma_start3A_523 : memref<10000x128xf32, #tpu.memory_space<hbm>>) target(%dma_start3A_520 : memref<80x128xf32, #tpu.memory_space<vmem>>) offsets(%arg8 : memref<80xi32, #tpu.memory_space<vmem>>) semaphore(%dma_start3A_525 : memref<!tpu.dma_semaphore, #tpu.memory_space<semaphore_mem>>)
    %dma_start3A_526 = arith.constant 1 : i32
    %dma_start3A_527 = arith.constant 1 : i32
    %dma_start3A_528 = arith.constant 0 : i32
    %dma_start3A_529 = arith.constant 128 : i32
    %dma_start3A_530 = tpu.memref_slice %arg16[%dma_start3A_526, %dma_start3A_528, %dma_start3A_529] : memref<4x80x272xf32, #tpu.memory_space<vmem>> -> memref<1x80x128xf32, #tpu.memory_space<vmem>>
    %dma_start3A_531 = tpu.memref_squeeze %dma_start3A_530 : memref<1x80x128xf32, #tpu.memory_space<vmem>> -> memref<80x128xf32, #tpu.memory_space<vmem>>
    %dma_start3A_532 = arith.constant 0 : i32
    %dma_start3A_533 = arith.constant 0 : i32
    %dma_start3A_534 = tpu.memref_slice %arg2[%dma_start3A_532, %dma_start3A_533] : memref<10000x128xf32, #tpu.memory_space<hbm>> -> memref<10000x128xf32, #tpu.memory_space<hbm>>
    %dma_start3A_535 = tpu.memref_slice %arg18[%dma_start3A_527] : memref<4x!tpu.dma_semaphore, #tpu.memory_space<semaphore_mem>> -> memref<1x!tpu.dma_semaphore, #tpu.memory_space<semaphore_mem>>
    %dma_start3A_536 = tpu.memref_squeeze %dma_start3A_535 : memref<1x!tpu.dma_semaphore, #tpu.memory_space<semaphore_mem>> -> memref<!tpu.dma_semaphore, #tpu.memory_space<semaphore_mem>>
    tpu.enqueue_indirect_dma source(%dma_start3A_534 : memref<10000x128xf32, #tpu.memory_space<hbm>>) target(%dma_start3A_531 : memref<80x128xf32, #tpu.memory_space<vmem>>) offsets(%arg12 : memref<80xi32, #tpu.memory_space<vmem>>) semaphore(%dma_start3A_536 : memref<!tpu.dma_semaphore, #tpu.memory_space<semaphore_mem>>)
    %add3A_537 = arith.constant 400 : i32
    %add3A_538 = arith.addi %mul3A_2, %add3A_537 : i32
    %dma_start3A_539 = arith.constant 1 : i32
    %dma_start3A_540 = arith.constant 1 : i32
    %dma_start3A_541 = arith.constant 0 : i32
    %dma_start3A_542 = arith.constant 256 : i32
    %dma_start3A_543 = tpu.memref_slice %arg16[%dma_start3A_539, %dma_start3A_541, %dma_start3A_542] : memref<4x80x272xf32, #tpu.memory_space<vmem>> -> memref<1x80x16xf32, #tpu.memory_space<vmem>>
    %dma_start3A_544 = tpu.memref_squeeze %dma_start3A_543 : memref<1x80x16xf32, #tpu.memory_space<vmem>> -> memref<80x16xf32, #tpu.memory_space<vmem>>
    %dma_start3A_545 = arith.constant 0 : i32
    %dma_start3A_546 = tpu.memref_slice %arg3[%add3A_538, %dma_start3A_545] : memref<320000x16xf32, #tpu.memory_space<hbm>> -> memref<80x16xf32, #tpu.memory_space<hbm>>
    %dma_start3A_547 = tpu.memref_slice %arg18[%dma_start3A_540] : memref<4x!tpu.dma_semaphore, #tpu.memory_space<semaphore_mem>> -> memref<1x!tpu.dma_semaphore, #tpu.memory_space<semaphore_mem>>
    %dma_start3A_548 = tpu.memref_squeeze %dma_start3A_547 : memref<1x!tpu.dma_semaphore, #tpu.memory_space<semaphore_mem>> -> memref<!tpu.dma_semaphore, #tpu.memory_space<semaphore_mem>>
    %dma_start3A_549 = arith.constant 0 : i32
    %dma_start3A_550 = arith.constant 256 : i32
    %dma_start3A_551 = tpu.memref_slice %arg16[%dma_start3A_539, %dma_start3A_549, %dma_start3A_550] : memref<4x80x272xf32, #tpu.memory_space<vmem>> -> memref<1x80x16xf32, #tpu.memory_space<vmem>>
    %dma_start3A_552 = tpu.memref_squeeze %dma_start3A_551 : memref<1x80x16xf32, #tpu.memory_space<vmem>> -> memref<80x16xf32, #tpu.memory_space<vmem>>
    %dma_start3A_553 = arith.constant 0 : i32
    %dma_start3A_554 = tpu.memref_slice %arg3[%add3A_538, %dma_start3A_553] : memref<320000x16xf32, #tpu.memory_space<hbm>> -> memref<80x16xf32, #tpu.memory_space<hbm>>
    tpu.enqueue_dma source(%dma_start3A_554 : memref<80x16xf32, #tpu.memory_space<hbm>>) target(%dma_start3A_552 : memref<80x16xf32, #tpu.memory_space<vmem>>) target_semaphore(%dma_start3A_548 : memref<!tpu.dma_semaphore, #tpu.memory_space<semaphore_mem>>)
    %dma_wait3A_555 = arith.constant 3 : i32
    %dma_wait3A_556 = arith.constant 3 : i32
    %dma_wait3A_557 = arith.constant 0 : i32
    %dma_wait3A_558 = arith.constant 0 : i32
    %dma_wait3A_559 = tpu.memref_slice %arg16[%dma_wait3A_555, %dma_wait3A_557, %dma_wait3A_558] : memref<4x80x272xf32, #tpu.memory_space<vmem>> -> memref<1x80x128xf32, #tpu.memory_space<vmem>>
    %dma_wait3A_560 = tpu.memref_squeeze %dma_wait3A_559 : memref<1x80x128xf32, #tpu.memory_space<vmem>> -> memref<80x128xf32, #tpu.memory_space<vmem>>
    %dma_wait3A_561 = arith.constant 0 : i32
    %dma_wait3A_562 = arith.constant 0 : i32
    %dma_wait3A_563 = tpu.memref_slice %arg2[%dma_wait3A_561, %dma_wait3A_562] : memref<10000x128xf32, #tpu.memory_space<hbm>> -> memref<10000x128xf32, #tpu.memory_space<hbm>>
    %dma_wait3A_564 = tpu.memref_slice %arg18[%dma_wait3A_556] : memref<4x!tpu.dma_semaphore, #tpu.memory_space<semaphore_mem>> -> memref<1x!tpu.dma_semaphore, #tpu.memory_space<semaphore_mem>>
    %dma_wait3A_565 = tpu.memref_squeeze %dma_wait3A_564 : memref<1x!tpu.dma_semaphore, #tpu.memory_space<semaphore_mem>> -> memref<!tpu.dma_semaphore, #tpu.memory_space<semaphore_mem>>
    tpu.wait_indirect_dma semaphore(%dma_wait3A_565 : memref<!tpu.dma_semaphore, #tpu.memory_space<semaphore_mem>>) src(%dma_wait3A_563 : memref<10000x128xf32, #tpu.memory_space<hbm>>) dst(%dma_wait3A_560 : memref<80x128xf32, #tpu.memory_space<vmem>>)
    %dma_wait3A_566 = arith.constant 3 : i32
    %dma_wait3A_567 = arith.constant 3 : i32
    %dma_wait3A_568 = arith.constant 0 : i32
    %dma_wait3A_569 = arith.constant 128 : i32
    %dma_wait3A_570 = tpu.memref_slice %arg16[%dma_wait3A_566, %dma_wait3A_568, %dma_wait3A_569] : memref<4x80x272xf32, #tpu.memory_space<vmem>> -> memref<1x80x128xf32, #tpu.memory_space<vmem>>
    %dma_wait3A_571 = tpu.memref_squeeze %dma_wait3A_570 : memref<1x80x128xf32, #tpu.memory_space<vmem>> -> memref<80x128xf32, #tpu.memory_space<vmem>>
    %dma_wait3A_572 = arith.constant 0 : i32
    %dma_wait3A_573 = arith.constant 0 : i32
    %dma_wait3A_574 = tpu.memref_slice %arg2[%dma_wait3A_572, %dma_wait3A_573] : memref<10000x128xf32, #tpu.memory_space<hbm>> -> memref<10000x128xf32, #tpu.memory_space<hbm>>
    %dma_wait3A_575 = tpu.memref_slice %arg18[%dma_wait3A_567] : memref<4x!tpu.dma_semaphore, #tpu.memory_space<semaphore_mem>> -> memref<1x!tpu.dma_semaphore, #tpu.memory_space<semaphore_mem>>
    %dma_wait3A_576 = tpu.memref_squeeze %dma_wait3A_575 : memref<1x!tpu.dma_semaphore, #tpu.memory_space<semaphore_mem>> -> memref<!tpu.dma_semaphore, #tpu.memory_space<semaphore_mem>>
    tpu.wait_indirect_dma semaphore(%dma_wait3A_576 : memref<!tpu.dma_semaphore, #tpu.memory_space<semaphore_mem>>) src(%dma_wait3A_574 : memref<10000x128xf32, #tpu.memory_space<hbm>>) dst(%dma_wait3A_571 : memref<80x128xf32, #tpu.memory_space<vmem>>)
    %dma_wait3A_577 = arith.constant 3 : i32
    %dma_wait3A_578 = arith.constant 3 : i32
    %dma_wait3A_579 = arith.constant 0 : i32
    %dma_wait3A_580 = arith.constant 256 : i32
    %dma_wait3A_581 = tpu.memref_slice %arg16[%dma_wait3A_577, %dma_wait3A_579, %dma_wait3A_580] : memref<4x80x272xf32, #tpu.memory_space<vmem>> -> memref<1x80x16xf32, #tpu.memory_space<vmem>>
    %dma_wait3A_582 = tpu.memref_squeeze %dma_wait3A_581 : memref<1x80x16xf32, #tpu.memory_space<vmem>> -> memref<80x16xf32, #tpu.memory_space<vmem>>
    %dma_wait3A_583 = arith.constant 0 : i32
    %dma_wait3A_584 = tpu.memref_slice %arg3[%mul3A_2, %dma_wait3A_583] : memref<320000x16xf32, #tpu.memory_space<hbm>> -> memref<80x16xf32, #tpu.memory_space<hbm>>
    %dma_wait3A_585 = tpu.memref_slice %arg18[%dma_wait3A_578] : memref<4x!tpu.dma_semaphore, #tpu.memory_space<semaphore_mem>> -> memref<1x!tpu.dma_semaphore, #tpu.memory_space<semaphore_mem>>
    %dma_wait3A_586 = tpu.memref_squeeze %dma_wait3A_585 : memref<1x!tpu.dma_semaphore, #tpu.memory_space<semaphore_mem>> -> memref<!tpu.dma_semaphore, #tpu.memory_space<semaphore_mem>>
    %dma_wait3A_587 = arith.constant 0 : i32
    %dma_wait3A_588 = arith.constant 256 : i32
    %dma_wait3A_589 = tpu.memref_slice %arg16[%dma_wait3A_577, %dma_wait3A_587, %dma_wait3A_588] : memref<4x80x272xf32, #tpu.memory_space<vmem>> -> memref<1x80x16xf32, #tpu.memory_space<vmem>>
    %dma_wait3A_590 = tpu.memref_squeeze %dma_wait3A_589 : memref<1x80x16xf32, #tpu.memory_space<vmem>> -> memref<80x16xf32, #tpu.memory_space<vmem>>
    %dma_wait3A_591 = arith.constant 0 : i32
    %dma_wait3A_592 = tpu.memref_slice %arg3[%mul3A_2, %dma_wait3A_591] : memref<320000x16xf32, #tpu.memory_space<hbm>> -> memref<80x16xf32, #tpu.memory_space<hbm>>
    tpu.wait_dma2 semaphore(%dma_wait3A_586 : memref<!tpu.dma_semaphore, #tpu.memory_space<semaphore_mem>>) src(%dma_wait3A_592 : memref<80x16xf32, #tpu.memory_space<hbm>>) dst(%dma_wait3A_590 : memref<80x16xf32, #tpu.memory_space<vmem>>)
    %add3A_593 = arith.constant 240 : i32
    %add3A_594 = arith.addi %mul3A_2, %add3A_593 : i32
    %dma_start3A_595 = arith.constant 3 : i32
    %dma_start3A_596 = arith.constant 3 : i32
    %dma_start3A_597 = arith.constant 0 : i32
    %dma_start3A_598 = arith.constant 0 : i32
    %dma_start3A_599 = tpu.memref_slice %arg16[%dma_start3A_595, %dma_start3A_597, %dma_start3A_598] : memref<4x80x272xf32, #tpu.memory_space<vmem>> -> memref<1x80x272xf32, #tpu.memory_space<vmem>>
    %dma_start3A_600 = tpu.memref_squeeze %dma_start3A_599 : memref<1x80x272xf32, #tpu.memory_space<vmem>> -> memref<80x272xf32, #tpu.memory_space<vmem>>
    %dma_start3A_601 = arith.constant 0 : i32
    %dma_start3A_602 = tpu.memref_slice %arg6[%add3A_594, %dma_start3A_601] : memref<320000x272xf32, #tpu.memory_space<hbm>> -> memref<80x272xf32, #tpu.memory_space<hbm>>
    %dma_start3A_603 = tpu.memref_slice %arg19[%dma_start3A_596] : memref<4x!tpu.dma_semaphore, #tpu.memory_space<semaphore_mem>> -> memref<1x!tpu.dma_semaphore, #tpu.memory_space<semaphore_mem>>
    %dma_start3A_604 = tpu.memref_squeeze %dma_start3A_603 : memref<1x!tpu.dma_semaphore, #tpu.memory_space<semaphore_mem>> -> memref<!tpu.dma_semaphore, #tpu.memory_space<semaphore_mem>>
    %dma_start3A_605 = arith.constant 0 : i32
    %dma_start3A_606 = tpu.memref_slice %arg6[%add3A_594, %dma_start3A_605] : memref<320000x272xf32, #tpu.memory_space<hbm>> -> memref<80x272xf32, #tpu.memory_space<hbm>>
    %dma_start3A_607 = arith.constant 0 : i32
    %dma_start3A_608 = arith.constant 0 : i32
    %dma_start3A_609 = tpu.memref_slice %arg16[%dma_start3A_595, %dma_start3A_607, %dma_start3A_608] : memref<4x80x272xf32, #tpu.memory_space<vmem>> -> memref<1x80x272xf32, #tpu.memory_space<vmem>>
    %dma_start3A_610 = tpu.memref_squeeze %dma_start3A_609 : memref<1x80x272xf32, #tpu.memory_space<vmem>> -> memref<80x272xf32, #tpu.memory_space<vmem>>
    tpu.enqueue_dma source(%dma_start3A_610 : memref<80x272xf32, #tpu.memory_space<vmem>>) target(%dma_start3A_606 : memref<80x272xf32, #tpu.memory_space<hbm>>) target_semaphore(%dma_start3A_604 : memref<!tpu.dma_semaphore, #tpu.memory_space<semaphore_mem>>)
    %scan3A = arith.constant 0 : i32
    %scan3A_611 = arith.constant 1 : i32
    %scan3A_612 = arith.constant 29 : i32
    %scan3A_613 = arith.addi %scan3A_611, %scan3A_612 : i32
    %scan3A_614 = arith.constant 1 : i32
    scf.for %scan3A_1167 = %scan3A_611 to %scan3A_613 step %scan3A_614  : i32 {
      %mul3A_1168 = arith.constant 4 : i32
      %mul3A_1169 = arith.muli %scan3A_1167, %mul3A_1168 : i32
      %add3A_1170 = arith.constant 0 : i32
      %add3A_1171 = arith.addi %mul3A_1169, %add3A_1170 : i32
      %dma_wait3A_1172 = arith.constant 2 : i32
      %dma_wait3A_1173 = arith.constant 2 : i32
      %dma_wait3A_1174 = arith.constant 0 : i32
      %dma_wait3A_1175 = arith.constant 0 : i32
      %dma_wait3A_1176 = tpu.memref_slice %arg16[%dma_wait3A_1172, %dma_wait3A_1174, %dma_wait3A_1175] : memref<4x80x272xf32, #tpu.memory_space<vmem>> -> memref<1x80x272xf32, #tpu.memory_space<vmem>>
      %dma_wait3A_1177 = tpu.memref_squeeze %dma_wait3A_1176 : memref<1x80x272xf32, #tpu.memory_space<vmem>> -> memref<80x272xf32, #tpu.memory_space<vmem>>
      %dma_wait3A_1178 = arith.constant 0 : i32
      %dma_wait3A_1179 = tpu.memref_slice %arg6[%mul3A_2, %dma_wait3A_1178] : memref<320000x272xf32, #tpu.memory_space<hbm>> -> memref<80x272xf32, #tpu.memory_space<hbm>>
      %dma_wait3A_1180 = tpu.memref_slice %arg19[%dma_wait3A_1173] : memref<4x!tpu.dma_semaphore, #tpu.memory_space<semaphore_mem>> -> memref<1x!tpu.dma_semaphore, #tpu.memory_space<semaphore_mem>>
      %dma_wait3A_1181 = tpu.memref_squeeze %dma_wait3A_1180 : memref<1x!tpu.dma_semaphore, #tpu.memory_space<semaphore_mem>> -> memref<!tpu.dma_semaphore, #tpu.memory_space<semaphore_mem>>
      %dma_wait3A_1182 = arith.constant 0 : i32
      %dma_wait3A_1183 = tpu.memref_slice %arg6[%mul3A_2, %dma_wait3A_1182] : memref<320000x272xf32, #tpu.memory_space<hbm>> -> memref<80x272xf32, #tpu.memory_space<hbm>>
      %dma_wait3A_1184 = arith.constant 0 : i32
      %dma_wait3A_1185 = arith.constant 0 : i32
      %dma_wait3A_1186 = tpu.memref_slice %arg16[%dma_wait3A_1172, %dma_wait3A_1184, %dma_wait3A_1185] : memref<4x80x272xf32, #tpu.memory_space<vmem>> -> memref<1x80x272xf32, #tpu.memory_space<vmem>>
      %dma_wait3A_1187 = tpu.memref_squeeze %dma_wait3A_1186 : memref<1x80x272xf32, #tpu.memory_space<vmem>> -> memref<80x272xf32, #tpu.memory_space<vmem>>
      tpu.wait_dma2 semaphore(%dma_wait3A_1181 : memref<!tpu.dma_semaphore, #tpu.memory_space<semaphore_mem>>) src(%dma_wait3A_1187 : memref<80x272xf32, #tpu.memory_space<vmem>>) dst(%dma_wait3A_1183 : memref<80x272xf32, #tpu.memory_space<hbm>>)
      %add3A_1188 = arith.constant 3 : i32
      %add3A_1189 = arith.addi %add3A_1171, %add3A_1188 : i32
      %mul3A_1190 = arith.constant 80 : i32
      %mul3A_1191 = arith.muli %add3A_1189, %mul3A_1190 : i32
      %add3A_1192 = arith.addi %mul3A_2, %mul3A_1191 : i32
      %dma_start3A_1193 = arith.constant 3 : i32
      %dma_start3A_1194 = tpu.memref_slice %arg4[%add3A_1192] : memref<320000xi32, #tpu.memory_space<hbm>> -> memref<80xi32, #tpu.memory_space<hbm>>
      %dma_start3A_1195 = tpu.memref_slice %arg17[%dma_start3A_1193] : memref<4x!tpu.dma_semaphore, #tpu.memory_space<semaphore_mem>> -> memref<1x!tpu.dma_semaphore, #tpu.memory_space<semaphore_mem>>
      %dma_start3A_1196 = tpu.memref_squeeze %dma_start3A_1195 : memref<1x!tpu.dma_semaphore, #tpu.memory_space<semaphore_mem>> -> memref<!tpu.dma_semaphore, #tpu.memory_space<semaphore_mem>>
      %dma_start3A_1197 = tpu.memref_slice %arg4[%add3A_1192] : memref<320000xi32, #tpu.memory_space<hbm>> -> memref<80xi32, #tpu.memory_space<hbm>>
      tpu.enqueue_dma source(%dma_start3A_1197 : memref<80xi32, #tpu.memory_space<hbm>>) target(%arg10 : memref<80xi32, #tpu.memory_space<vmem>>) target_semaphore(%dma_start3A_1196 : memref<!tpu.dma_semaphore, #tpu.memory_space<semaphore_mem>>)
      %dma_start3A_1198 = arith.constant 3 : i32
      %dma_start3A_1199 = tpu.memref_slice %arg5[%add3A_1192] : memref<320000xi32, #tpu.memory_space<hbm>> -> memref<80xi32, #tpu.memory_space<hbm>>
      %dma_start3A_1200 = tpu.memref_slice %arg17[%dma_start3A_1198] : memref<4x!tpu.dma_semaphore, #tpu.memory_space<semaphore_mem>> -> memref<1x!tpu.dma_semaphore, #tpu.memory_space<semaphore_mem>>
      %dma_start3A_1201 = tpu.memref_squeeze %dma_start3A_1200 : memref<1x!tpu.dma_semaphore, #tpu.memory_space<semaphore_mem>> -> memref<!tpu.dma_semaphore, #tpu.memory_space<semaphore_mem>>
      %dma_start3A_1202 = tpu.memref_slice %arg5[%add3A_1192] : memref<320000xi32, #tpu.memory_space<hbm>> -> memref<80xi32, #tpu.memory_space<hbm>>
      tpu.enqueue_dma source(%dma_start3A_1202 : memref<80xi32, #tpu.memory_space<hbm>>) target(%arg14 : memref<80xi32, #tpu.memory_space<vmem>>) target_semaphore(%dma_start3A_1201 : memref<!tpu.dma_semaphore, #tpu.memory_space<semaphore_mem>>)
      %dma_wait3A_1203 = arith.constant 2 : i32
      %dma_wait3A_1204 = tpu.memref_slice %arg4[%mul3A_2] : memref<320000xi32, #tpu.memory_space<hbm>> -> memref<160xi32, #tpu.memory_space<hbm>>
      %dma_wait3A_1205 = tpu.memref_slice %arg17[%dma_wait3A_1203] : memref<4x!tpu.dma_semaphore, #tpu.memory_space<semaphore_mem>> -> memref<1x!tpu.dma_semaphore, #tpu.memory_space<semaphore_mem>>
      %dma_wait3A_1206 = tpu.memref_squeeze %dma_wait3A_1205 : memref<1x!tpu.dma_semaphore, #tpu.memory_space<semaphore_mem>> -> memref<!tpu.dma_semaphore, #tpu.memory_space<semaphore_mem>>
      %dma_wait3A_1207 = tpu.memref_slice %arg4[%mul3A_2] : memref<320000xi32, #tpu.memory_space<hbm>> -> memref<160xi32, #tpu.memory_space<hbm>>
      tpu.wait_dma2 semaphore(%dma_wait3A_1206 : memref<!tpu.dma_semaphore, #tpu.memory_space<semaphore_mem>>) src(%dma_wait3A_1207 : memref<160xi32, #tpu.memory_space<hbm>>) dst(%arg15 : memref<160xi32, #tpu.memory_space<vmem>>)
      %add3A_1208 = arith.constant 2 : i32
      %add3A_1209 = arith.addi %add3A_1171, %add3A_1208 : i32
      %dma_start3A_1210 = arith.constant 2 : i32
      %dma_start3A_1211 = arith.constant 2 : i32
      %dma_start3A_1212 = arith.constant 0 : i32
      %dma_start3A_1213 = arith.constant 0 : i32
      %dma_start3A_1214 = tpu.memref_slice %arg16[%dma_start3A_1210, %dma_start3A_1212, %dma_start3A_1213] : memref<4x80x272xf32, #tpu.memory_space<vmem>> -> memref<1x80x128xf32, #tpu.memory_space<vmem>>
      %dma_start3A_1215 = tpu.memref_squeeze %dma_start3A_1214 : memref<1x80x128xf32, #tpu.memory_space<vmem>> -> memref<80x128xf32, #tpu.memory_space<vmem>>
      %dma_start3A_1216 = arith.constant 0 : i32
      %dma_start3A_1217 = arith.constant 0 : i32
      %dma_start3A_1218 = tpu.memref_slice %arg2[%dma_start3A_1216, %dma_start3A_1217] : memref<10000x128xf32, #tpu.memory_space<hbm>> -> memref<10000x128xf32, #tpu.memory_space<hbm>>
      %dma_start3A_1219 = tpu.memref_slice %arg18[%dma_start3A_1211] : memref<4x!tpu.dma_semaphore, #tpu.memory_space<semaphore_mem>> -> memref<1x!tpu.dma_semaphore, #tpu.memory_space<semaphore_mem>>
      %dma_start3A_1220 = tpu.memref_squeeze %dma_start3A_1219 : memref<1x!tpu.dma_semaphore, #tpu.memory_space<semaphore_mem>> -> memref<!tpu.dma_semaphore, #tpu.memory_space<semaphore_mem>>
      tpu.enqueue_indirect_dma source(%dma_start3A_1218 : memref<10000x128xf32, #tpu.memory_space<hbm>>) target(%dma_start3A_1215 : memref<80x128xf32, #tpu.memory_space<vmem>>) offsets(%arg9 : memref<80xi32, #tpu.memory_space<vmem>>) semaphore(%dma_start3A_1220 : memref<!tpu.dma_semaphore, #tpu.memory_space<semaphore_mem>>)
      %dma_start3A_1221 = arith.constant 2 : i32
      %dma_start3A_1222 = arith.constant 2 : i32
      %dma_start3A_1223 = arith.constant 0 : i32
      %dma_start3A_1224 = arith.constant 128 : i32
      %dma_start3A_1225 = tpu.memref_slice %arg16[%dma_start3A_1221, %dma_start3A_1223, %dma_start3A_1224] : memref<4x80x272xf32, #tpu.memory_space<vmem>> -> memref<1x80x128xf32, #tpu.memory_space<vmem>>
      %dma_start3A_1226 = tpu.memref_squeeze %dma_start3A_1225 : memref<1x80x128xf32, #tpu.memory_space<vmem>> -> memref<80x128xf32, #tpu.memory_space<vmem>>
      %dma_start3A_1227 = arith.constant 0 : i32
      %dma_start3A_1228 = arith.constant 0 : i32
      %dma_start3A_1229 = tpu.memref_slice %arg2[%dma_start3A_1227, %dma_start3A_1228] : memref<10000x128xf32, #tpu.memory_space<hbm>> -> memref<10000x128xf32, #tpu.memory_space<hbm>>
      %dma_start3A_1230 = tpu.memref_slice %arg18[%dma_start3A_1222] : memref<4x!tpu.dma_semaphore, #tpu.memory_space<semaphore_mem>> -> memref<1x!tpu.dma_semaphore, #tpu.memory_space<semaphore_mem>>
      %dma_start3A_1231 = tpu.memref_squeeze %dma_start3A_1230 : memref<1x!tpu.dma_semaphore, #tpu.memory_space<semaphore_mem>> -> memref<!tpu.dma_semaphore, #tpu.memory_space<semaphore_mem>>
      tpu.enqueue_indirect_dma source(%dma_start3A_1229 : memref<10000x128xf32, #tpu.memory_space<hbm>>) target(%dma_start3A_1226 : memref<80x128xf32, #tpu.memory_space<vmem>>) offsets(%arg13 : memref<80xi32, #tpu.memory_space<vmem>>) semaphore(%dma_start3A_1231 : memref<!tpu.dma_semaphore, #tpu.memory_space<semaphore_mem>>)
      %mul3A_1232 = arith.constant 80 : i32
      %mul3A_1233 = arith.muli %add3A_1209, %mul3A_1232 : i32
      %add3A_1234 = arith.addi %mul3A_2, %mul3A_1233 : i32
      %dma_start3A_1235 = arith.constant 2 : i32
      %dma_start3A_1236 = arith.constant 2 : i32
      %dma_start3A_1237 = arith.constant 0 : i32
      %dma_start3A_1238 = arith.constant 256 : i32
      %dma_start3A_1239 = tpu.memref_slice %arg16[%dma_start3A_1235, %dma_start3A_1237, %dma_start3A_1238] : memref<4x80x272xf32, #tpu.memory_space<vmem>> -> memref<1x80x16xf32, #tpu.memory_space<vmem>>
      %dma_start3A_1240 = tpu.memref_squeeze %dma_start3A_1239 : memref<1x80x16xf32, #tpu.memory_space<vmem>> -> memref<80x16xf32, #tpu.memory_space<vmem>>
      %dma_start3A_1241 = arith.constant 0 : i32
      %dma_start3A_1242 = tpu.memref_slice %arg3[%add3A_1234, %dma_start3A_1241] : memref<320000x16xf32, #tpu.memory_space<hbm>> -> memref<80x16xf32, #tpu.memory_space<hbm>>
      %dma_start3A_1243 = tpu.memref_slice %arg18[%dma_start3A_1236] : memref<4x!tpu.dma_semaphore, #tpu.memory_space<semaphore_mem>> -> memref<1x!tpu.dma_semaphore, #tpu.memory_space<semaphore_mem>>
      %dma_start3A_1244 = tpu.memref_squeeze %dma_start3A_1243 : memref<1x!tpu.dma_semaphore, #tpu.memory_space<semaphore_mem>> -> memref<!tpu.dma_semaphore, #tpu.memory_space<semaphore_mem>>
      %dma_start3A_1245 = arith.constant 0 : i32
      %dma_start3A_1246 = arith.constant 256 : i32
      %dma_start3A_1247 = tpu.memref_slice %arg16[%dma_start3A_1235, %dma_start3A_1245, %dma_start3A_1246] : memref<4x80x272xf32, #tpu.memory_space<vmem>> -> memref<1x80x16xf32, #tpu.memory_space<vmem>>
      %dma_start3A_1248 = tpu.memref_squeeze %dma_start3A_1247 : memref<1x80x16xf32, #tpu.memory_space<vmem>> -> memref<80x16xf32, #tpu.memory_space<vmem>>
      %dma_start3A_1249 = arith.constant 0 : i32
      %dma_start3A_1250 = tpu.memref_slice %arg3[%add3A_1234, %dma_start3A_1249] : memref<320000x16xf32, #tpu.memory_space<hbm>> -> memref<80x16xf32, #tpu.memory_space<hbm>>
      tpu.enqueue_dma source(%dma_start3A_1250 : memref<80x16xf32, #tpu.memory_space<hbm>>) target(%dma_start3A_1248 : memref<80x16xf32, #tpu.memory_space<vmem>>) target_semaphore(%dma_start3A_1244 : memref<!tpu.dma_semaphore, #tpu.memory_space<semaphore_mem>>)
      %dma_wait3A_1251 = arith.constant 0 : i32
      %dma_wait3A_1252 = arith.constant 0 : i32
      %dma_wait3A_1253 = arith.constant 0 : i32
      %dma_wait3A_1254 = arith.constant 0 : i32
      %dma_wait3A_1255 = tpu.memref_slice %arg16[%dma_wait3A_1251, %dma_wait3A_1253, %dma_wait3A_1254] : memref<4x80x272xf32, #tpu.memory_space<vmem>> -> memref<1x80x128xf32, #tpu.memory_space<vmem>>
      %dma_wait3A_1256 = tpu.memref_squeeze %dma_wait3A_1255 : memref<1x80x128xf32, #tpu.memory_space<vmem>> -> memref<80x128xf32, #tpu.memory_space<vmem>>
      %dma_wait3A_1257 = arith.constant 0 : i32
      %dma_wait3A_1258 = arith.constant 0 : i32
      %dma_wait3A_1259 = tpu.memref_slice %arg2[%dma_wait3A_1257, %dma_wait3A_1258] : memref<10000x128xf32, #tpu.memory_space<hbm>> -> memref<10000x128xf32, #tpu.memory_space<hbm>>
      %dma_wait3A_1260 = tpu.memref_slice %arg18[%dma_wait3A_1252] : memref<4x!tpu.dma_semaphore, #tpu.memory_space<semaphore_mem>> -> memref<1x!tpu.dma_semaphore, #tpu.memory_space<semaphore_mem>>
      %dma_wait3A_1261 = tpu.memref_squeeze %dma_wait3A_1260 : memref<1x!tpu.dma_semaphore, #tpu.memory_space<semaphore_mem>> -> memref<!tpu.dma_semaphore, #tpu.memory_space<semaphore_mem>>
      tpu.wait_indirect_dma semaphore(%dma_wait3A_1261 : memref<!tpu.dma_semaphore, #tpu.memory_space<semaphore_mem>>) src(%dma_wait3A_1259 : memref<10000x128xf32, #tpu.memory_space<hbm>>) dst(%dma_wait3A_1256 : memref<80x128xf32, #tpu.memory_space<vmem>>)
      %dma_wait3A_1262 = arith.constant 0 : i32
      %dma_wait3A_1263 = arith.constant 0 : i32
      %dma_wait3A_1264 = arith.constant 0 : i32
      %dma_wait3A_1265 = arith.constant 128 : i32
      %dma_wait3A_1266 = tpu.memref_slice %arg16[%dma_wait3A_1262, %dma_wait3A_1264, %dma_wait3A_1265] : memref<4x80x272xf32, #tpu.memory_space<vmem>> -> memref<1x80x128xf32, #tpu.memory_space<vmem>>
      %dma_wait3A_1267 = tpu.memref_squeeze %dma_wait3A_1266 : memref<1x80x128xf32, #tpu.memory_space<vmem>> -> memref<80x128xf32, #tpu.memory_space<vmem>>
      %dma_wait3A_1268 = arith.constant 0 : i32
      %dma_wait3A_1269 = arith.constant 0 : i32
      %dma_wait3A_1270 = tpu.memref_slice %arg2[%dma_wait3A_1268, %dma_wait3A_1269] : memref<10000x128xf32, #tpu.memory_space<hbm>> -> memref<10000x128xf32, #tpu.memory_space<hbm>>
      %dma_wait3A_1271 = tpu.memref_slice %arg18[%dma_wait3A_1263] : memref<4x!tpu.dma_semaphore, #tpu.memory_space<semaphore_mem>> -> memref<1x!tpu.dma_semaphore, #tpu.memory_space<semaphore_mem>>
      %dma_wait3A_1272 = tpu.memref_squeeze %dma_wait3A_1271 : memref<1x!tpu.dma_semaphore, #tpu.memory_space<semaphore_mem>> -> memref<!tpu.dma_semaphore, #tpu.memory_space<semaphore_mem>>
      tpu.wait_indirect_dma semaphore(%dma_wait3A_1272 : memref<!tpu.dma_semaphore, #tpu.memory_space<semaphore_mem>>) src(%dma_wait3A_1270 : memref<10000x128xf32, #tpu.memory_space<hbm>>) dst(%dma_wait3A_1267 : memref<80x128xf32, #tpu.memory_space<vmem>>)
      %dma_wait3A_1273 = arith.constant 0 : i32
      %dma_wait3A_1274 = arith.constant 0 : i32
      %dma_wait3A_1275 = arith.constant 0 : i32
      %dma_wait3A_1276 = arith.constant 256 : i32
      %dma_wait3A_1277 = tpu.memref_slice %arg16[%dma_wait3A_1273, %dma_wait3A_1275, %dma_wait3A_1276] : memref<4x80x272xf32, #tpu.memory_space<vmem>> -> memref<1x80x16xf32, #tpu.memory_space<vmem>>
      %dma_wait3A_1278 = tpu.memref_squeeze %dma_wait3A_1277 : memref<1x80x16xf32, #tpu.memory_space<vmem>> -> memref<80x16xf32, #tpu.memory_space<vmem>>
      %dma_wait3A_1279 = arith.constant 0 : i32
      %dma_wait3A_1280 = tpu.memref_slice %arg3[%mul3A_2, %dma_wait3A_1279] : memref<320000x16xf32, #tpu.memory_space<hbm>> -> memref<80x16xf32, #tpu.memory_space<hbm>>
      %dma_wait3A_1281 = tpu.memref_slice %arg18[%dma_wait3A_1274] : memref<4x!tpu.dma_semaphore, #tpu.memory_space<semaphore_mem>> -> memref<1x!tpu.dma_semaphore, #tpu.memory_space<semaphore_mem>>
      %dma_wait3A_1282 = tpu.memref_squeeze %dma_wait3A_1281 : memref<1x!tpu.dma_semaphore, #tpu.memory_space<semaphore_mem>> -> memref<!tpu.dma_semaphore, #tpu.memory_space<semaphore_mem>>
      %dma_wait3A_1283 = arith.constant 0 : i32
      %dma_wait3A_1284 = arith.constant 256 : i32
      %dma_wait3A_1285 = tpu.memref_slice %arg16[%dma_wait3A_1273, %dma_wait3A_1283, %dma_wait3A_1284] : memref<4x80x272xf32, #tpu.memory_space<vmem>> -> memref<1x80x16xf32, #tpu.memory_space<vmem>>
      %dma_wait3A_1286 = tpu.memref_squeeze %dma_wait3A_1285 : memref<1x80x16xf32, #tpu.memory_space<vmem>> -> memref<80x16xf32, #tpu.memory_space<vmem>>
      %dma_wait3A_1287 = arith.constant 0 : i32
      %dma_wait3A_1288 = tpu.memref_slice %arg3[%mul3A_2, %dma_wait3A_1287] : memref<320000x16xf32, #tpu.memory_space<hbm>> -> memref<80x16xf32, #tpu.memory_space<hbm>>
      tpu.wait_dma2 semaphore(%dma_wait3A_1282 : memref<!tpu.dma_semaphore, #tpu.memory_space<semaphore_mem>>) src(%dma_wait3A_1288 : memref<80x16xf32, #tpu.memory_space<hbm>>) dst(%dma_wait3A_1286 : memref<80x16xf32, #tpu.memory_space<vmem>>)
      %mul3A_1289 = arith.constant 80 : i32
      %mul3A_1290 = arith.muli %add3A_1171, %mul3A_1289 : i32
      %add3A_1291 = arith.addi %mul3A_2, %mul3A_1290 : i32
      %dma_start3A_1292 = arith.constant 0 : i32
      %dma_start3A_1293 = arith.constant 0 : i32
      %dma_start3A_1294 = arith.constant 0 : i32
      %dma_start3A_1295 = arith.constant 0 : i32
      %dma_start3A_1296 = tpu.memref_slice %arg16[%dma_start3A_1292, %dma_start3A_1294, %dma_start3A_1295] : memref<4x80x272xf32, #tpu.memory_space<vmem>> -> memref<1x80x272xf32, #tpu.memory_space<vmem>>
      %dma_start3A_1297 = tpu.memref_squeeze %dma_start3A_1296 : memref<1x80x272xf32, #tpu.memory_space<vmem>> -> memref<80x272xf32, #tpu.memory_space<vmem>>
      %dma_start3A_1298 = arith.constant 0 : i32
      %dma_start3A_1299 = tpu.memref_slice %arg6[%add3A_1291, %dma_start3A_1298] : memref<320000x272xf32, #tpu.memory_space<hbm>> -> memref<80x272xf32, #tpu.memory_space<hbm>>
      %dma_start3A_1300 = tpu.memref_slice %arg19[%dma_start3A_1293] : memref<4x!tpu.dma_semaphore, #tpu.memory_space<semaphore_mem>> -> memref<1x!tpu.dma_semaphore, #tpu.memory_space<semaphore_mem>>
      %dma_start3A_1301 = tpu.memref_squeeze %dma_start3A_1300 : memref<1x!tpu.dma_semaphore, #tpu.memory_space<semaphore_mem>> -> memref<!tpu.dma_semaphore, #tpu.memory_space<semaphore_mem>>
      %dma_start3A_1302 = arith.constant 0 : i32
      %dma_start3A_1303 = tpu.memref_slice %arg6[%add3A_1291, %dma_start3A_1302] : memref<320000x272xf32, #tpu.memory_space<hbm>> -> memref<80x272xf32, #tpu.memory_space<hbm>>
      %dma_start3A_1304 = arith.constant 0 : i32
      %dma_start3A_1305 = arith.constant 0 : i32
      %dma_start3A_1306 = tpu.memref_slice %arg16[%dma_start3A_1292, %dma_start3A_1304, %dma_start3A_1305] : memref<4x80x272xf32, #tpu.memory_space<vmem>> -> memref<1x80x272xf32, #tpu.memory_space<vmem>>
      %dma_start3A_1307 = tpu.memref_squeeze %dma_start3A_1306 : memref<1x80x272xf32, #tpu.memory_space<vmem>> -> memref<80x272xf32, #tpu.memory_space<vmem>>
      tpu.enqueue_dma source(%dma_start3A_1307 : memref<80x272xf32, #tpu.memory_space<vmem>>) target(%dma_start3A_1303 : memref<80x272xf32, #tpu.memory_space<hbm>>) target_semaphore(%dma_start3A_1301 : memref<!tpu.dma_semaphore, #tpu.memory_space<semaphore_mem>>)
      %add3A_1308 = arith.constant 1 : i32
      %add3A_1309 = arith.addi %mul3A_1169, %add3A_1308 : i32
      %dma_wait3A_1310 = arith.constant 3 : i32
      %dma_wait3A_1311 = arith.constant 3 : i32
      %dma_wait3A_1312 = arith.constant 0 : i32
      %dma_wait3A_1313 = arith.constant 0 : i32
      %dma_wait3A_1314 = tpu.memref_slice %arg16[%dma_wait3A_1310, %dma_wait3A_1312, %dma_wait3A_1313] : memref<4x80x272xf32, #tpu.memory_space<vmem>> -> memref<1x80x272xf32, #tpu.memory_space<vmem>>
      %dma_wait3A_1315 = tpu.memref_squeeze %dma_wait3A_1314 : memref<1x80x272xf32, #tpu.memory_space<vmem>> -> memref<80x272xf32, #tpu.memory_space<vmem>>
      %dma_wait3A_1316 = arith.constant 0 : i32
      %dma_wait3A_1317 = tpu.memref_slice %arg6[%mul3A_2, %dma_wait3A_1316] : memref<320000x272xf32, #tpu.memory_space<hbm>> -> memref<80x272xf32, #tpu.memory_space<hbm>>
      %dma_wait3A_1318 = tpu.memref_slice %arg19[%dma_wait3A_1311] : memref<4x!tpu.dma_semaphore, #tpu.memory_space<semaphore_mem>> -> memref<1x!tpu.dma_semaphore, #tpu.memory_space<semaphore_mem>>
      %dma_wait3A_1319 = tpu.memref_squeeze %dma_wait3A_1318 : memref<1x!tpu.dma_semaphore, #tpu.memory_space<semaphore_mem>> -> memref<!tpu.dma_semaphore, #tpu.memory_space<semaphore_mem>>
      %dma_wait3A_1320 = arith.constant 0 : i32
      %dma_wait3A_1321 = tpu.memref_slice %arg6[%mul3A_2, %dma_wait3A_1320] : memref<320000x272xf32, #tpu.memory_space<hbm>> -> memref<80x272xf32, #tpu.memory_space<hbm>>
      %dma_wait3A_1322 = arith.constant 0 : i32
      %dma_wait3A_1323 = arith.constant 0 : i32
      %dma_wait3A_1324 = tpu.memref_slice %arg16[%dma_wait3A_1310, %dma_wait3A_1322, %dma_wait3A_1323] : memref<4x80x272xf32, #tpu.memory_space<vmem>> -> memref<1x80x272xf32, #tpu.memory_space<vmem>>
      %dma_wait3A_1325 = tpu.memref_squeeze %dma_wait3A_1324 : memref<1x80x272xf32, #tpu.memory_space<vmem>> -> memref<80x272xf32, #tpu.memory_space<vmem>>
      tpu.wait_dma2 semaphore(%dma_wait3A_1319 : memref<!tpu.dma_semaphore, #tpu.memory_space<semaphore_mem>>) src(%dma_wait3A_1325 : memref<80x272xf32, #tpu.memory_space<vmem>>) dst(%dma_wait3A_1321 : memref<80x272xf32, #tpu.memory_space<hbm>>)
      %add3A_1326 = arith.constant 3 : i32
      %add3A_1327 = arith.addi %add3A_1309, %add3A_1326 : i32
      %mul3A_1328 = arith.constant 80 : i32
      %mul3A_1329 = arith.muli %add3A_1327, %mul3A_1328 : i32
      %add3A_1330 = arith.addi %mul3A_2, %mul3A_1329 : i32
      %dma_start3A_1331 = arith.constant 0 : i32
      %dma_start3A_1332 = tpu.memref_slice %arg4[%add3A_1330] : memref<320000xi32, #tpu.memory_space<hbm>> -> memref<80xi32, #tpu.memory_space<hbm>>
      %dma_start3A_1333 = tpu.memref_slice %arg17[%dma_start3A_1331] : memref<4x!tpu.dma_semaphore, #tpu.memory_space<semaphore_mem>> -> memref<1x!tpu.dma_semaphore, #tpu.memory_space<semaphore_mem>>
      %dma_start3A_1334 = tpu.memref_squeeze %dma_start3A_1333 : memref<1x!tpu.dma_semaphore, #tpu.memory_space<semaphore_mem>> -> memref<!tpu.dma_semaphore, #tpu.memory_space<semaphore_mem>>
      %dma_start3A_1335 = tpu.memref_slice %arg4[%add3A_1330] : memref<320000xi32, #tpu.memory_space<hbm>> -> memref<80xi32, #tpu.memory_space<hbm>>
      tpu.enqueue_dma source(%dma_start3A_1335 : memref<80xi32, #tpu.memory_space<hbm>>) target(%arg7 : memref<80xi32, #tpu.memory_space<vmem>>) target_semaphore(%dma_start3A_1334 : memref<!tpu.dma_semaphore, #tpu.memory_space<semaphore_mem>>)
      %dma_start3A_1336 = arith.constant 0 : i32
      %dma_start3A_1337 = tpu.memref_slice %arg5[%add3A_1330] : memref<320000xi32, #tpu.memory_space<hbm>> -> memref<80xi32, #tpu.memory_space<hbm>>
      %dma_start3A_1338 = tpu.memref_slice %arg17[%dma_start3A_1336] : memref<4x!tpu.dma_semaphore, #tpu.memory_space<semaphore_mem>> -> memref<1x!tpu.dma_semaphore, #tpu.memory_space<semaphore_mem>>
      %dma_start3A_1339 = tpu.memref_squeeze %dma_start3A_1338 : memref<1x!tpu.dma_semaphore, #tpu.memory_space<semaphore_mem>> -> memref<!tpu.dma_semaphore, #tpu.memory_space<semaphore_mem>>
      %dma_start3A_1340 = tpu.memref_slice %arg5[%add3A_1330] : memref<320000xi32, #tpu.memory_space<hbm>> -> memref<80xi32, #tpu.memory_space<hbm>>
      tpu.enqueue_dma source(%dma_start3A_1340 : memref<80xi32, #tpu.memory_space<hbm>>) target(%arg11 : memref<80xi32, #tpu.memory_space<vmem>>) target_semaphore(%dma_start3A_1339 : memref<!tpu.dma_semaphore, #tpu.memory_space<semaphore_mem>>)
      %dma_wait3A_1341 = arith.constant 3 : i32
      %dma_wait3A_1342 = tpu.memref_slice %arg4[%mul3A_2] : memref<320000xi32, #tpu.memory_space<hbm>> -> memref<160xi32, #tpu.memory_space<hbm>>
      %dma_wait3A_1343 = tpu.memref_slice %arg17[%dma_wait3A_1341] : memref<4x!tpu.dma_semaphore, #tpu.memory_space<semaphore_mem>> -> memref<1x!tpu.dma_semaphore, #tpu.memory_space<semaphore_mem>>
      %dma_wait3A_1344 = tpu.memref_squeeze %dma_wait3A_1343 : memref<1x!tpu.dma_semaphore, #tpu.memory_space<semaphore_mem>> -> memref<!tpu.dma_semaphore, #tpu.memory_space<semaphore_mem>>
      %dma_wait3A_1345 = tpu.memref_slice %arg4[%mul3A_2] : memref<320000xi32, #tpu.memory_space<hbm>> -> memref<160xi32, #tpu.memory_space<hbm>>
      tpu.wait_dma2 semaphore(%dma_wait3A_1344 : memref<!tpu.dma_semaphore, #tpu.memory_space<semaphore_mem>>) src(%dma_wait3A_1345 : memref<160xi32, #tpu.memory_space<hbm>>) dst(%arg15 : memref<160xi32, #tpu.memory_space<vmem>>)
      %add3A_1346 = arith.constant 2 : i32
      %add3A_1347 = arith.addi %add3A_1309, %add3A_1346 : i32
      %dma_start3A_1348 = arith.constant 3 : i32
      %dma_start3A_1349 = arith.constant 3 : i32
      %dma_start3A_1350 = arith.constant 0 : i32
      %dma_start3A_1351 = arith.constant 0 : i32
      %dma_start3A_1352 = tpu.memref_slice %arg16[%dma_start3A_1348, %dma_start3A_1350, %dma_start3A_1351] : memref<4x80x272xf32, #tpu.memory_space<vmem>> -> memref<1x80x128xf32, #tpu.memory_space<vmem>>
      %dma_start3A_1353 = tpu.memref_squeeze %dma_start3A_1352 : memref<1x80x128xf32, #tpu.memory_space<vmem>> -> memref<80x128xf32, #tpu.memory_space<vmem>>
      %dma_start3A_1354 = arith.constant 0 : i32
      %dma_start3A_1355 = arith.constant 0 : i32
      %dma_start3A_1356 = tpu.memref_slice %arg2[%dma_start3A_1354, %dma_start3A_1355] : memref<10000x128xf32, #tpu.memory_space<hbm>> -> memref<10000x128xf32, #tpu.memory_space<hbm>>
      %dma_start3A_1357 = tpu.memref_slice %arg18[%dma_start3A_1349] : memref<4x!tpu.dma_semaphore, #tpu.memory_space<semaphore_mem>> -> memref<1x!tpu.dma_semaphore, #tpu.memory_space<semaphore_mem>>
      %dma_start3A_1358 = tpu.memref_squeeze %dma_start3A_1357 : memref<1x!tpu.dma_semaphore, #tpu.memory_space<semaphore_mem>> -> memref<!tpu.dma_semaphore, #tpu.memory_space<semaphore_mem>>
      tpu.enqueue_indirect_dma source(%dma_start3A_1356 : memref<10000x128xf32, #tpu.memory_space<hbm>>) target(%dma_start3A_1353 : memref<80x128xf32, #tpu.memory_space<vmem>>) offsets(%arg10 : memref<80xi32, #tpu.memory_space<vmem>>) semaphore(%dma_start3A_1358 : memref<!tpu.dma_semaphore, #tpu.memory_space<semaphore_mem>>)
      %dma_start3A_1359 = arith.constant 3 : i32
      %dma_start3A_1360 = arith.constant 3 : i32
      %dma_start3A_1361 = arith.constant 0 : i32
      %dma_start3A_1362 = arith.constant 128 : i32
      %dma_start3A_1363 = tpu.memref_slice %arg16[%dma_start3A_1359, %dma_start3A_1361, %dma_start3A_1362] : memref<4x80x272xf32, #tpu.memory_space<vmem>> -> memref<1x80x128xf32, #tpu.memory_space<vmem>>
      %dma_start3A_1364 = tpu.memref_squeeze %dma_start3A_1363 : memref<1x80x128xf32, #tpu.memory_space<vmem>> -> memref<80x128xf32, #tpu.memory_space<vmem>>
      %dma_start3A_1365 = arith.constant 0 : i32
      %dma_start3A_1366 = arith.constant 0 : i32
      %dma_start3A_1367 = tpu.memref_slice %arg2[%dma_start3A_1365, %dma_start3A_1366] : memref<10000x128xf32, #tpu.memory_space<hbm>> -> memref<10000x128xf32, #tpu.memory_space<hbm>>
      %dma_start3A_1368 = tpu.memref_slice %arg18[%dma_start3A_1360] : memref<4x!tpu.dma_semaphore, #tpu.memory_space<semaphore_mem>> -> memref<1x!tpu.dma_semaphore, #tpu.memory_space<semaphore_mem>>
      %dma_start3A_1369 = tpu.memref_squeeze %dma_start3A_1368 : memref<1x!tpu.dma_semaphore, #tpu.memory_space<semaphore_mem>> -> memref<!tpu.dma_semaphore, #tpu.memory_space<semaphore_mem>>
      tpu.enqueue_indirect_dma source(%dma_start3A_1367 : memref<10000x128xf32, #tpu.memory_space<hbm>>) target(%dma_start3A_1364 : memref<80x128xf32, #tpu.memory_space<vmem>>) offsets(%arg14 : memref<80xi32, #tpu.memory_space<vmem>>) semaphore(%dma_start3A_1369 : memref<!tpu.dma_semaphore, #tpu.memory_space<semaphore_mem>>)
      %mul3A_1370 = arith.constant 80 : i32
      %mul3A_1371 = arith.muli %add3A_1347, %mul3A_1370 : i32
      %add3A_1372 = arith.addi %mul3A_2, %mul3A_1371 : i32
      %dma_start3A_1373 = arith.constant 3 : i32
      %dma_start3A_1374 = arith.constant 3 : i32
      %dma_start3A_1375 = arith.constant 0 : i32
      %dma_start3A_1376 = arith.constant 256 : i32
      %dma_start3A_1377 = tpu.memref_slice %arg16[%dma_start3A_1373, %dma_start3A_1375, %dma_start3A_1376] : memref<4x80x272xf32, #tpu.memory_space<vmem>> -> memref<1x80x16xf32, #tpu.memory_space<vmem>>
      %dma_start3A_1378 = tpu.memref_squeeze %dma_start3A_1377 : memref<1x80x16xf32, #tpu.memory_space<vmem>> -> memref<80x16xf32, #tpu.memory_space<vmem>>
      %dma_start3A_1379 = arith.constant 0 : i32
      %dma_start3A_1380 = tpu.memref_slice %arg3[%add3A_1372, %dma_start3A_1379] : memref<320000x16xf32, #tpu.memory_space<hbm>> -> memref<80x16xf32, #tpu.memory_space<hbm>>
      %dma_start3A_1381 = tpu.memref_slice %arg18[%dma_start3A_1374] : memref<4x!tpu.dma_semaphore, #tpu.memory_space<semaphore_mem>> -> memref<1x!tpu.dma_semaphore, #tpu.memory_space<semaphore_mem>>
      %dma_start3A_1382 = tpu.memref_squeeze %dma_start3A_1381 : memref<1x!tpu.dma_semaphore, #tpu.memory_space<semaphore_mem>> -> memref<!tpu.dma_semaphore, #tpu.memory_space<semaphore_mem>>
      %dma_start3A_1383 = arith.constant 0 : i32
      %dma_start3A_1384 = arith.constant 256 : i32
      %dma_start3A_1385 = tpu.memref_slice %arg16[%dma_start3A_1373, %dma_start3A_1383, %dma_start3A_1384] : memref<4x80x272xf32, #tpu.memory_space<vmem>> -> memref<1x80x16xf32, #tpu.memory_space<vmem>>
      %dma_start3A_1386 = tpu.memref_squeeze %dma_start3A_1385 : memref<1x80x16xf32, #tpu.memory_space<vmem>> -> memref<80x16xf32, #tpu.memory_space<vmem>>
      %dma_start3A_1387 = arith.constant 0 : i32
      %dma_start3A_1388 = tpu.memref_slice %arg3[%add3A_1372, %dma_start3A_1387] : memref<320000x16xf32, #tpu.memory_space<hbm>> -> memref<80x16xf32, #tpu.memory_space<hbm>>
      tpu.enqueue_dma source(%dma_start3A_1388 : memref<80x16xf32, #tpu.memory_space<hbm>>) target(%dma_start3A_1386 : memref<80x16xf32, #tpu.memory_space<vmem>>) target_semaphore(%dma_start3A_1382 : memref<!tpu.dma_semaphore, #tpu.memory_space<semaphore_mem>>)
      %dma_wait3A_1389 = arith.constant 1 : i32
      %dma_wait3A_1390 = arith.constant 1 : i32
      %dma_wait3A_1391 = arith.constant 0 : i32
      %dma_wait3A_1392 = arith.constant 0 : i32
      %dma_wait3A_1393 = tpu.memref_slice %arg16[%dma_wait3A_1389, %dma_wait3A_1391, %dma_wait3A_1392] : memref<4x80x272xf32, #tpu.memory_space<vmem>> -> memref<1x80x128xf32, #tpu.memory_space<vmem>>
      %dma_wait3A_1394 = tpu.memref_squeeze %dma_wait3A_1393 : memref<1x80x128xf32, #tpu.memory_space<vmem>> -> memref<80x128xf32, #tpu.memory_space<vmem>>
      %dma_wait3A_1395 = arith.constant 0 : i32
      %dma_wait3A_1396 = arith.constant 0 : i32
      %dma_wait3A_1397 = tpu.memref_slice %arg2[%dma_wait3A_1395, %dma_wait3A_1396] : memref<10000x128xf32, #tpu.memory_space<hbm>> -> memref<10000x128xf32, #tpu.memory_space<hbm>>
      %dma_wait3A_1398 = tpu.memref_slice %arg18[%dma_wait3A_1390] : memref<4x!tpu.dma_semaphore, #tpu.memory_space<semaphore_mem>> -> memref<1x!tpu.dma_semaphore, #tpu.memory_space<semaphore_mem>>
      %dma_wait3A_1399 = tpu.memref_squeeze %dma_wait3A_1398 : memref<1x!tpu.dma_semaphore, #tpu.memory_space<semaphore_mem>> -> memref<!tpu.dma_semaphore, #tpu.memory_space<semaphore_mem>>
      tpu.wait_indirect_dma semaphore(%dma_wait3A_1399 : memref<!tpu.dma_semaphore, #tpu.memory_space<semaphore_mem>>) src(%dma_wait3A_1397 : memref<10000x128xf32, #tpu.memory_space<hbm>>) dst(%dma_wait3A_1394 : memref<80x128xf32, #tpu.memory_space<vmem>>)
      %dma_wait3A_1400 = arith.constant 1 : i32
      %dma_wait3A_1401 = arith.constant 1 : i32
      %dma_wait3A_1402 = arith.constant 0 : i32
      %dma_wait3A_1403 = arith.constant 128 : i32
      %dma_wait3A_1404 = tpu.memref_slice %arg16[%dma_wait3A_1400, %dma_wait3A_1402, %dma_wait3A_1403] : memref<4x80x272xf32, #tpu.memory_space<vmem>> -> memref<1x80x128xf32, #tpu.memory_space<vmem>>
      %dma_wait3A_1405 = tpu.memref_squeeze %dma_wait3A_1404 : memref<1x80x128xf32, #tpu.memory_space<vmem>> -> memref<80x128xf32, #tpu.memory_space<vmem>>
      %dma_wait3A_1406 = arith.constant 0 : i32
      %dma_wait3A_1407 = arith.constant 0 : i32
      %dma_wait3A_1408 = tpu.memref_slice %arg2[%dma_wait3A_1406, %dma_wait3A_1407] : memref<10000x128xf32, #tpu.memory_space<hbm>> -> memref<10000x128xf32, #tpu.memory_space<hbm>>
      %dma_wait3A_1409 = tpu.memref_slice %arg18[%dma_wait3A_1401] : memref<4x!tpu.dma_semaphore, #tpu.memory_space<semaphore_mem>> -> memref<1x!tpu.dma_semaphore, #tpu.memory_space<semaphore_mem>>
      %dma_wait3A_1410 = tpu.memref_squeeze %dma_wait3A_1409 : memref<1x!tpu.dma_semaphore, #tpu.memory_space<semaphore_mem>> -> memref<!tpu.dma_semaphore, #tpu.memory_space<semaphore_mem>>
      tpu.wait_indirect_dma semaphore(%dma_wait3A_1410 : memref<!tpu.dma_semaphore, #tpu.memory_space<semaphore_mem>>) src(%dma_wait3A_1408 : memref<10000x128xf32, #tpu.memory_space<hbm>>) dst(%dma_wait3A_1405 : memref<80x128xf32, #tpu.memory_space<vmem>>)
      %dma_wait3A_1411 = arith.constant 1 : i32
      %dma_wait3A_1412 = arith.constant 1 : i32
      %dma_wait3A_1413 = arith.constant 0 : i32
      %dma_wait3A_1414 = arith.constant 256 : i32
      %dma_wait3A_1415 = tpu.memref_slice %arg16[%dma_wait3A_1411, %dma_wait3A_1413, %dma_wait3A_1414] : memref<4x80x272xf32, #tpu.memory_space<vmem>> -> memref<1x80x16xf32, #tpu.memory_space<vmem>>
      %dma_wait3A_1416 = tpu.memref_squeeze %dma_wait3A_1415 : memref<1x80x16xf32, #tpu.memory_space<vmem>> -> memref<80x16xf32, #tpu.memory_space<vmem>>
      %dma_wait3A_1417 = arith.constant 0 : i32
      %dma_wait3A_1418 = tpu.memref_slice %arg3[%mul3A_2, %dma_wait3A_1417] : memref<320000x16xf32, #tpu.memory_space<hbm>> -> memref<80x16xf32, #tpu.memory_space<hbm>>
      %dma_wait3A_1419 = tpu.memref_slice %arg18[%dma_wait3A_1412] : memref<4x!tpu.dma_semaphore, #tpu.memory_space<semaphore_mem>> -> memref<1x!tpu.dma_semaphore, #tpu.memory_space<semaphore_mem>>
      %dma_wait3A_1420 = tpu.memref_squeeze %dma_wait3A_1419 : memref<1x!tpu.dma_semaphore, #tpu.memory_space<semaphore_mem>> -> memref<!tpu.dma_semaphore, #tpu.memory_space<semaphore_mem>>
      %dma_wait3A_1421 = arith.constant 0 : i32
      %dma_wait3A_1422 = arith.constant 256 : i32
      %dma_wait3A_1423 = tpu.memref_slice %arg16[%dma_wait3A_1411, %dma_wait3A_1421, %dma_wait3A_1422] : memref<4x80x272xf32, #tpu.memory_space<vmem>> -> memref<1x80x16xf32, #tpu.memory_space<vmem>>
      %dma_wait3A_1424 = tpu.memref_squeeze %dma_wait3A_1423 : memref<1x80x16xf32, #tpu.memory_space<vmem>> -> memref<80x16xf32, #tpu.memory_space<vmem>>
      %dma_wait3A_1425 = arith.constant 0 : i32
      %dma_wait3A_1426 = tpu.memref_slice %arg3[%mul3A_2, %dma_wait3A_1425] : memref<320000x16xf32, #tpu.memory_space<hbm>> -> memref<80x16xf32, #tpu.memory_space<hbm>>
      tpu.wait_dma2 semaphore(%dma_wait3A_1420 : memref<!tpu.dma_semaphore, #tpu.memory_space<semaphore_mem>>) src(%dma_wait3A_1426 : memref<80x16xf32, #tpu.memory_space<hbm>>) dst(%dma_wait3A_1424 : memref<80x16xf32, #tpu.memory_space<vmem>>)
      %mul3A_1427 = arith.constant 80 : i32
      %mul3A_1428 = arith.muli %add3A_1309, %mul3A_1427 : i32
      %add3A_1429 = arith.addi %mul3A_2, %mul3A_1428 : i32
      %dma_start3A_1430 = arith.constant 1 : i32
      %dma_start3A_1431 = arith.constant 1 : i32
      %dma_start3A_1432 = arith.constant 0 : i32
      %dma_start3A_1433 = arith.constant 0 : i32
      %dma_start3A_1434 = tpu.memref_slice %arg16[%dma_start3A_1430, %dma_start3A_1432, %dma_start3A_1433] : memref<4x80x272xf32, #tpu.memory_space<vmem>> -> memref<1x80x272xf32, #tpu.memory_space<vmem>>
      %dma_start3A_1435 = tpu.memref_squeeze %dma_start3A_1434 : memref<1x80x272xf32, #tpu.memory_space<vmem>> -> memref<80x272xf32, #tpu.memory_space<vmem>>
      %dma_start3A_1436 = arith.constant 0 : i32
      %dma_start3A_1437 = tpu.memref_slice %arg6[%add3A_1429, %dma_start3A_1436] : memref<320000x272xf32, #tpu.memory_space<hbm>> -> memref<80x272xf32, #tpu.memory_space<hbm>>
      %dma_start3A_1438 = tpu.memref_slice %arg19[%dma_start3A_1431] : memref<4x!tpu.dma_semaphore, #tpu.memory_space<semaphore_mem>> -> memref<1x!tpu.dma_semaphore, #tpu.memory_space<semaphore_mem>>
      %dma_start3A_1439 = tpu.memref_squeeze %dma_start3A_1438 : memref<1x!tpu.dma_semaphore, #tpu.memory_space<semaphore_mem>> -> memref<!tpu.dma_semaphore, #tpu.memory_space<semaphore_mem>>
      %dma_start3A_1440 = arith.constant 0 : i32
      %dma_start3A_1441 = tpu.memref_slice %arg6[%add3A_1429, %dma_start3A_1440] : memref<320000x272xf32, #tpu.memory_space<hbm>> -> memref<80x272xf32, #tpu.memory_space<hbm>>
      %dma_start3A_1442 = arith.constant 0 : i32
      %dma_start3A_1443 = arith.constant 0 : i32
      %dma_start3A_1444 = tpu.memref_slice %arg16[%dma_start3A_1430, %dma_start3A_1442, %dma_start3A_1443] : memref<4x80x272xf32, #tpu.memory_space<vmem>> -> memref<1x80x272xf32, #tpu.memory_space<vmem>>
      %dma_start3A_1445 = tpu.memref_squeeze %dma_start3A_1444 : memref<1x80x272xf32, #tpu.memory_space<vmem>> -> memref<80x272xf32, #tpu.memory_space<vmem>>
      tpu.enqueue_dma source(%dma_start3A_1445 : memref<80x272xf32, #tpu.memory_space<vmem>>) target(%dma_start3A_1441 : memref<80x272xf32, #tpu.memory_space<hbm>>) target_semaphore(%dma_start3A_1439 : memref<!tpu.dma_semaphore, #tpu.memory_space<semaphore_mem>>)
      %add3A_1446 = arith.constant 2 : i32
      %add3A_1447 = arith.addi %mul3A_1169, %add3A_1446 : i32
      %dma_wait3A_1448 = arith.constant 0 : i32
      %dma_wait3A_1449 = arith.constant 0 : i32
      %dma_wait3A_1450 = arith.constant 0 : i32
      %dma_wait3A_1451 = arith.constant 0 : i32
      %dma_wait3A_1452 = tpu.memref_slice %arg16[%dma_wait3A_1448, %dma_wait3A_1450, %dma_wait3A_1451] : memref<4x80x272xf32, #tpu.memory_space<vmem>> -> memref<1x80x272xf32, #tpu.memory_space<vmem>>
      %dma_wait3A_1453 = tpu.memref_squeeze %dma_wait3A_1452 : memref<1x80x272xf32, #tpu.memory_space<vmem>> -> memref<80x272xf32, #tpu.memory_space<vmem>>
      %dma_wait3A_1454 = arith.constant 0 : i32
      %dma_wait3A_1455 = tpu.memref_slice %arg6[%mul3A_2, %dma_wait3A_1454] : memref<320000x272xf32, #tpu.memory_space<hbm>> -> memref<80x272xf32, #tpu.memory_space<hbm>>
      %dma_wait3A_1456 = tpu.memref_slice %arg19[%dma_wait3A_1449] : memref<4x!tpu.dma_semaphore, #tpu.memory_space<semaphore_mem>> -> memref<1x!tpu.dma_semaphore, #tpu.memory_space<semaphore_mem>>
      %dma_wait3A_1457 = tpu.memref_squeeze %dma_wait3A_1456 : memref<1x!tpu.dma_semaphore, #tpu.memory_space<semaphore_mem>> -> memref<!tpu.dma_semaphore, #tpu.memory_space<semaphore_mem>>
      %dma_wait3A_1458 = arith.constant 0 : i32
      %dma_wait3A_1459 = tpu.memref_slice %arg6[%mul3A_2, %dma_wait3A_1458] : memref<320000x272xf32, #tpu.memory_space<hbm>> -> memref<80x272xf32, #tpu.memory_space<hbm>>
      %dma_wait3A_1460 = arith.constant 0 : i32
      %dma_wait3A_1461 = arith.constant 0 : i32
      %dma_wait3A_1462 = tpu.memref_slice %arg16[%dma_wait3A_1448, %dma_wait3A_1460, %dma_wait3A_1461] : memref<4x80x272xf32, #tpu.memory_space<vmem>> -> memref<1x80x272xf32, #tpu.memory_space<vmem>>
      %dma_wait3A_1463 = tpu.memref_squeeze %dma_wait3A_1462 : memref<1x80x272xf32, #tpu.memory_space<vmem>> -> memref<80x272xf32, #tpu.memory_space<vmem>>
      tpu.wait_dma2 semaphore(%dma_wait3A_1457 : memref<!tpu.dma_semaphore, #tpu.memory_space<semaphore_mem>>) src(%dma_wait3A_1463 : memref<80x272xf32, #tpu.memory_space<vmem>>) dst(%dma_wait3A_1459 : memref<80x272xf32, #tpu.memory_space<hbm>>)
      %add3A_1464 = arith.constant 3 : i32
      %add3A_1465 = arith.addi %add3A_1447, %add3A_1464 : i32
      %mul3A_1466 = arith.constant 80 : i32
      %mul3A_1467 = arith.muli %add3A_1465, %mul3A_1466 : i32
      %add3A_1468 = arith.addi %mul3A_2, %mul3A_1467 : i32
      %dma_start3A_1469 = arith.constant 1 : i32
      %dma_start3A_1470 = tpu.memref_slice %arg4[%add3A_1468] : memref<320000xi32, #tpu.memory_space<hbm>> -> memref<80xi32, #tpu.memory_space<hbm>>
      %dma_start3A_1471 = tpu.memref_slice %arg17[%dma_start3A_1469] : memref<4x!tpu.dma_semaphore, #tpu.memory_space<semaphore_mem>> -> memref<1x!tpu.dma_semaphore, #tpu.memory_space<semaphore_mem>>
      %dma_start3A_1472 = tpu.memref_squeeze %dma_start3A_1471 : memref<1x!tpu.dma_semaphore, #tpu.memory_space<semaphore_mem>> -> memref<!tpu.dma_semaphore, #tpu.memory_space<semaphore_mem>>
      %dma_start3A_1473 = tpu.memref_slice %arg4[%add3A_1468] : memref<320000xi32, #tpu.memory_space<hbm>> -> memref<80xi32, #tpu.memory_space<hbm>>
      tpu.enqueue_dma source(%dma_start3A_1473 : memref<80xi32, #tpu.memory_space<hbm>>) target(%arg8 : memref<80xi32, #tpu.memory_space<vmem>>) target_semaphore(%dma_start3A_1472 : memref<!tpu.dma_semaphore, #tpu.memory_space<semaphore_mem>>)
      %dma_start3A_1474 = arith.constant 1 : i32
      %dma_start3A_1475 = tpu.memref_slice %arg5[%add3A_1468] : memref<320000xi32, #tpu.memory_space<hbm>> -> memref<80xi32, #tpu.memory_space<hbm>>
      %dma_start3A_1476 = tpu.memref_slice %arg17[%dma_start3A_1474] : memref<4x!tpu.dma_semaphore, #tpu.memory_space<semaphore_mem>> -> memref<1x!tpu.dma_semaphore, #tpu.memory_space<semaphore_mem>>
      %dma_start3A_1477 = tpu.memref_squeeze %dma_start3A_1476 : memref<1x!tpu.dma_semaphore, #tpu.memory_space<semaphore_mem>> -> memref<!tpu.dma_semaphore, #tpu.memory_space<semaphore_mem>>
      %dma_start3A_1478 = tpu.memref_slice %arg5[%add3A_1468] : memref<320000xi32, #tpu.memory_space<hbm>> -> memref<80xi32, #tpu.memory_space<hbm>>
      tpu.enqueue_dma source(%dma_start3A_1478 : memref<80xi32, #tpu.memory_space<hbm>>) target(%arg12 : memref<80xi32, #tpu.memory_space<vmem>>) target_semaphore(%dma_start3A_1477 : memref<!tpu.dma_semaphore, #tpu.memory_space<semaphore_mem>>)
      %dma_wait3A_1479 = arith.constant 0 : i32
      %dma_wait3A_1480 = tpu.memref_slice %arg4[%mul3A_2] : memref<320000xi32, #tpu.memory_space<hbm>> -> memref<160xi32, #tpu.memory_space<hbm>>
      %dma_wait3A_1481 = tpu.memref_slice %arg17[%dma_wait3A_1479] : memref<4x!tpu.dma_semaphore, #tpu.memory_space<semaphore_mem>> -> memref<1x!tpu.dma_semaphore, #tpu.memory_space<semaphore_mem>>
      %dma_wait3A_1482 = tpu.memref_squeeze %dma_wait3A_1481 : memref<1x!tpu.dma_semaphore, #tpu.memory_space<semaphore_mem>> -> memref<!tpu.dma_semaphore, #tpu.memory_space<semaphore_mem>>
      %dma_wait3A_1483 = tpu.memref_slice %arg4[%mul3A_2] : memref<320000xi32, #tpu.memory_space<hbm>> -> memref<160xi32, #tpu.memory_space<hbm>>
      tpu.wait_dma2 semaphore(%dma_wait3A_1482 : memref<!tpu.dma_semaphore, #tpu.memory_space<semaphore_mem>>) src(%dma_wait3A_1483 : memref<160xi32, #tpu.memory_space<hbm>>) dst(%arg15 : memref<160xi32, #tpu.memory_space<vmem>>)
      %add3A_1484 = arith.constant 2 : i32
      %add3A_1485 = arith.addi %add3A_1447, %add3A_1484 : i32
      %dma_start3A_1486 = arith.constant 0 : i32
      %dma_start3A_1487 = arith.constant 0 : i32
      %dma_start3A_1488 = arith.constant 0 : i32
      %dma_start3A_1489 = arith.constant 0 : i32
      %dma_start3A_1490 = tpu.memref_slice %arg16[%dma_start3A_1486, %dma_start3A_1488, %dma_start3A_1489] : memref<4x80x272xf32, #tpu.memory_space<vmem>> -> memref<1x80x128xf32, #tpu.memory_space<vmem>>
      %dma_start3A_1491 = tpu.memref_squeeze %dma_start3A_1490 : memref<1x80x128xf32, #tpu.memory_space<vmem>> -> memref<80x128xf32, #tpu.memory_space<vmem>>
      %dma_start3A_1492 = arith.constant 0 : i32
      %dma_start3A_1493 = arith.constant 0 : i32
      %dma_start3A_1494 = tpu.memref_slice %arg2[%dma_start3A_1492, %dma_start3A_1493] : memref<10000x128xf32, #tpu.memory_space<hbm>> -> memref<10000x128xf32, #tpu.memory_space<hbm>>
      %dma_start3A_1495 = tpu.memref_slice %arg18[%dma_start3A_1487] : memref<4x!tpu.dma_semaphore, #tpu.memory_space<semaphore_mem>> -> memref<1x!tpu.dma_semaphore, #tpu.memory_space<semaphore_mem>>
      %dma_start3A_1496 = tpu.memref_squeeze %dma_start3A_1495 : memref<1x!tpu.dma_semaphore, #tpu.memory_space<semaphore_mem>> -> memref<!tpu.dma_semaphore, #tpu.memory_space<semaphore_mem>>
      tpu.enqueue_indirect_dma source(%dma_start3A_1494 : memref<10000x128xf32, #tpu.memory_space<hbm>>) target(%dma_start3A_1491 : memref<80x128xf32, #tpu.memory_space<vmem>>) offsets(%arg7 : memref<80xi32, #tpu.memory_space<vmem>>) semaphore(%dma_start3A_1496 : memref<!tpu.dma_semaphore, #tpu.memory_space<semaphore_mem>>)
      %dma_start3A_1497 = arith.constant 0 : i32
      %dma_start3A_1498 = arith.constant 0 : i32
      %dma_start3A_1499 = arith.constant 0 : i32
      %dma_start3A_1500 = arith.constant 128 : i32
      %dma_start3A_1501 = tpu.memref_slice %arg16[%dma_start3A_1497, %dma_start3A_1499, %dma_start3A_1500] : memref<4x80x272xf32, #tpu.memory_space<vmem>> -> memref<1x80x128xf32, #tpu.memory_space<vmem>>
      %dma_start3A_1502 = tpu.memref_squeeze %dma_start3A_1501 : memref<1x80x128xf32, #tpu.memory_space<vmem>> -> memref<80x128xf32, #tpu.memory_space<vmem>>
      %dma_start3A_1503 = arith.constant 0 : i32
      %dma_start3A_1504 = arith.constant 0 : i32
      %dma_start3A_1505 = tpu.memref_slice %arg2[%dma_start3A_1503, %dma_start3A_1504] : memref<10000x128xf32, #tpu.memory_space<hbm>> -> memref<10000x128xf32, #tpu.memory_space<hbm>>
      %dma_start3A_1506 = tpu.memref_slice %arg18[%dma_start3A_1498] : memref<4x!tpu.dma_semaphore, #tpu.memory_space<semaphore_mem>> -> memref<1x!tpu.dma_semaphore, #tpu.memory_space<semaphore_mem>>
      %dma_start3A_1507 = tpu.memref_squeeze %dma_start3A_1506 : memref<1x!tpu.dma_semaphore, #tpu.memory_space<semaphore_mem>> -> memref<!tpu.dma_semaphore, #tpu.memory_space<semaphore_mem>>
      tpu.enqueue_indirect_dma source(%dma_start3A_1505 : memref<10000x128xf32, #tpu.memory_space<hbm>>) target(%dma_start3A_1502 : memref<80x128xf32, #tpu.memory_space<vmem>>) offsets(%arg11 : memref<80xi32, #tpu.memory_space<vmem>>) semaphore(%dma_start3A_1507 : memref<!tpu.dma_semaphore, #tpu.memory_space<semaphore_mem>>)
      %mul3A_1508 = arith.constant 80 : i32
      %mul3A_1509 = arith.muli %add3A_1485, %mul3A_1508 : i32
      %add3A_1510 = arith.addi %mul3A_2, %mul3A_1509 : i32
      %dma_start3A_1511 = arith.constant 0 : i32
      %dma_start3A_1512 = arith.constant 0 : i32
      %dma_start3A_1513 = arith.constant 0 : i32
      %dma_start3A_1514 = arith.constant 256 : i32
      %dma_start3A_1515 = tpu.memref_slice %arg16[%dma_start3A_1511, %dma_start3A_1513, %dma_start3A_1514] : memref<4x80x272xf32, #tpu.memory_space<vmem>> -> memref<1x80x16xf32, #tpu.memory_space<vmem>>
      %dma_start3A_1516 = tpu.memref_squeeze %dma_start3A_1515 : memref<1x80x16xf32, #tpu.memory_space<vmem>> -> memref<80x16xf32, #tpu.memory_space<vmem>>
      %dma_start3A_1517 = arith.constant 0 : i32
      %dma_start3A_1518 = tpu.memref_slice %arg3[%add3A_1510, %dma_start3A_1517] : memref<320000x16xf32, #tpu.memory_space<hbm>> -> memref<80x16xf32, #tpu.memory_space<hbm>>
      %dma_start3A_1519 = tpu.memref_slice %arg18[%dma_start3A_1512] : memref<4x!tpu.dma_semaphore, #tpu.memory_space<semaphore_mem>> -> memref<1x!tpu.dma_semaphore, #tpu.memory_space<semaphore_mem>>
      %dma_start3A_1520 = tpu.memref_squeeze %dma_start3A_1519 : memref<1x!tpu.dma_semaphore, #tpu.memory_space<semaphore_mem>> -> memref<!tpu.dma_semaphore, #tpu.memory_space<semaphore_mem>>
      %dma_start3A_1521 = arith.constant 0 : i32
      %dma_start3A_1522 = arith.constant 256 : i32
      %dma_start3A_1523 = tpu.memref_slice %arg16[%dma_start3A_1511, %dma_start3A_1521, %dma_start3A_1522] : memref<4x80x272xf32, #tpu.memory_space<vmem>> -> memref<1x80x16xf32, #tpu.memory_space<vmem>>
      %dma_start3A_1524 = tpu.memref_squeeze %dma_start3A_1523 : memref<1x80x16xf32, #tpu.memory_space<vmem>> -> memref<80x16xf32, #tpu.memory_space<vmem>>
      %dma_start3A_1525 = arith.constant 0 : i32
      %dma_start3A_1526 = tpu.memref_slice %arg3[%add3A_1510, %dma_start3A_1525] : memref<320000x16xf32, #tpu.memory_space<hbm>> -> memref<80x16xf32, #tpu.memory_space<hbm>>
      tpu.enqueue_dma source(%dma_start3A_1526 : memref<80x16xf32, #tpu.memory_space<hbm>>) target(%dma_start3A_1524 : memref<80x16xf32, #tpu.memory_space<vmem>>) target_semaphore(%dma_start3A_1520 : memref<!tpu.dma_semaphore, #tpu.memory_space<semaphore_mem>>)
      %dma_wait3A_1527 = arith.constant 2 : i32
      %dma_wait3A_1528 = arith.constant 2 : i32
      %dma_wait3A_1529 = arith.constant 0 : i32
      %dma_wait3A_1530 = arith.constant 0 : i32
      %dma_wait3A_1531 = tpu.memref_slice %arg16[%dma_wait3A_1527, %dma_wait3A_1529, %dma_wait3A_1530] : memref<4x80x272xf32, #tpu.memory_space<vmem>> -> memref<1x80x128xf32, #tpu.memory_space<vmem>>
      %dma_wait3A_1532 = tpu.memref_squeeze %dma_wait3A_1531 : memref<1x80x128xf32, #tpu.memory_space<vmem>> -> memref<80x128xf32, #tpu.memory_space<vmem>>
      %dma_wait3A_1533 = arith.constant 0 : i32
      %dma_wait3A_1534 = arith.constant 0 : i32
      %dma_wait3A_1535 = tpu.memref_slice %arg2[%dma_wait3A_1533, %dma_wait3A_1534] : memref<10000x128xf32, #tpu.memory_space<hbm>> -> memref<10000x128xf32, #tpu.memory_space<hbm>>
      %dma_wait3A_1536 = tpu.memref_slice %arg18[%dma_wait3A_1528] : memref<4x!tpu.dma_semaphore, #tpu.memory_space<semaphore_mem>> -> memref<1x!tpu.dma_semaphore, #tpu.memory_space<semaphore_mem>>
      %dma_wait3A_1537 = tpu.memref_squeeze %dma_wait3A_1536 : memref<1x!tpu.dma_semaphore, #tpu.memory_space<semaphore_mem>> -> memref<!tpu.dma_semaphore, #tpu.memory_space<semaphore_mem>>
      tpu.wait_indirect_dma semaphore(%dma_wait3A_1537 : memref<!tpu.dma_semaphore, #tpu.memory_space<semaphore_mem>>) src(%dma_wait3A_1535 : memref<10000x128xf32, #tpu.memory_space<hbm>>) dst(%dma_wait3A_1532 : memref<80x128xf32, #tpu.memory_space<vmem>>)
      %dma_wait3A_1538 = arith.constant 2 : i32
      %dma_wait3A_1539 = arith.constant 2 : i32
      %dma_wait3A_1540 = arith.constant 0 : i32
      %dma_wait3A_1541 = arith.constant 128 : i32
      %dma_wait3A_1542 = tpu.memref_slice %arg16[%dma_wait3A_1538, %dma_wait3A_1540, %dma_wait3A_1541] : memref<4x80x272xf32, #tpu.memory_space<vmem>> -> memref<1x80x128xf32, #tpu.memory_space<vmem>>
      %dma_wait3A_1543 = tpu.memref_squeeze %dma_wait3A_1542 : memref<1x80x128xf32, #tpu.memory_space<vmem>> -> memref<80x128xf32, #tpu.memory_space<vmem>>
      %dma_wait3A_1544 = arith.constant 0 : i32
      %dma_wait3A_1545 = arith.constant 0 : i32
      %dma_wait3A_1546 = tpu.memref_slice %arg2[%dma_wait3A_1544, %dma_wait3A_1545] : memref<10000x128xf32, #tpu.memory_space<hbm>> -> memref<10000x128xf32, #tpu.memory_space<hbm>>
      %dma_wait3A_1547 = tpu.memref_slice %arg18[%dma_wait3A_1539] : memref<4x!tpu.dma_semaphore, #tpu.memory_space<semaphore_mem>> -> memref<1x!tpu.dma_semaphore, #tpu.memory_space<semaphore_mem>>
      %dma_wait3A_1548 = tpu.memref_squeeze %dma_wait3A_1547 : memref<1x!tpu.dma_semaphore, #tpu.memory_space<semaphore_mem>> -> memref<!tpu.dma_semaphore, #tpu.memory_space<semaphore_mem>>
      tpu.wait_indirect_dma semaphore(%dma_wait3A_1548 : memref<!tpu.dma_semaphore, #tpu.memory_space<semaphore_mem>>) src(%dma_wait3A_1546 : memref<10000x128xf32, #tpu.memory_space<hbm>>) dst(%dma_wait3A_1543 : memref<80x128xf32, #tpu.memory_space<vmem>>)
      %dma_wait3A_1549 = arith.constant 2 : i32
      %dma_wait3A_1550 = arith.constant 2 : i32
      %dma_wait3A_1551 = arith.constant 0 : i32
      %dma_wait3A_1552 = arith.constant 256 : i32
      %dma_wait3A_1553 = tpu.memref_slice %arg16[%dma_wait3A_1549, %dma_wait3A_1551, %dma_wait3A_1552] : memref<4x80x272xf32, #tpu.memory_space<vmem>> -> memref<1x80x16xf32, #tpu.memory_space<vmem>>
      %dma_wait3A_1554 = tpu.memref_squeeze %dma_wait3A_1553 : memref<1x80x16xf32, #tpu.memory_space<vmem>> -> memref<80x16xf32, #tpu.memory_space<vmem>>
      %dma_wait3A_1555 = arith.constant 0 : i32
      %dma_wait3A_1556 = tpu.memref_slice %arg3[%mul3A_2, %dma_wait3A_1555] : memref<320000x16xf32, #tpu.memory_space<hbm>> -> memref<80x16xf32, #tpu.memory_space<hbm>>
      %dma_wait3A_1557 = tpu.memref_slice %arg18[%dma_wait3A_1550] : memref<4x!tpu.dma_semaphore, #tpu.memory_space<semaphore_mem>> -> memref<1x!tpu.dma_semaphore, #tpu.memory_space<semaphore_mem>>
      %dma_wait3A_1558 = tpu.memref_squeeze %dma_wait3A_1557 : memref<1x!tpu.dma_semaphore, #tpu.memory_space<semaphore_mem>> -> memref<!tpu.dma_semaphore, #tpu.memory_space<semaphore_mem>>
      %dma_wait3A_1559 = arith.constant 0 : i32
      %dma_wait3A_1560 = arith.constant 256 : i32
      %dma_wait3A_1561 = tpu.memref_slice %arg16[%dma_wait3A_1549, %dma_wait3A_1559, %dma_wait3A_1560] : memref<4x80x272xf32, #tpu.memory_space<vmem>> -> memref<1x80x16xf32, #tpu.memory_space<vmem>>
      %dma_wait3A_1562 = tpu.memref_squeeze %dma_wait3A_1561 : memref<1x80x16xf32, #tpu.memory_space<vmem>> -> memref<80x16xf32, #tpu.memory_space<vmem>>
      %dma_wait3A_1563 = arith.constant 0 : i32
      %dma_wait3A_1564 = tpu.memref_slice %arg3[%mul3A_2, %dma_wait3A_1563] : memref<320000x16xf32, #tpu.memory_space<hbm>> -> memref<80x16xf32, #tpu.memory_space<hbm>>
      tpu.wait_dma2 semaphore(%dma_wait3A_1558 : memref<!tpu.dma_semaphore, #tpu.memory_space<semaphore_mem>>) src(%dma_wait3A_1564 : memref<80x16xf32, #tpu.memory_space<hbm>>) dst(%dma_wait3A_1562 : memref<80x16xf32, #tpu.memory_space<vmem>>)
      %mul3A_1565 = arith.constant 80 : i32
      %mul3A_1566 = arith.muli %add3A_1447, %mul3A_1565 : i32
      %add3A_1567 = arith.addi %mul3A_2, %mul3A_1566 : i32
      %dma_start3A_1568 = arith.constant 2 : i32
      %dma_start3A_1569 = arith.constant 2 : i32
      %dma_start3A_1570 = arith.constant 0 : i32
      %dma_start3A_1571 = arith.constant 0 : i32
      %dma_start3A_1572 = tpu.memref_slice %arg16[%dma_start3A_1568, %dma_start3A_1570, %dma_start3A_1571] : memref<4x80x272xf32, #tpu.memory_space<vmem>> -> memref<1x80x272xf32, #tpu.memory_space<vmem>>
      %dma_start3A_1573 = tpu.memref_squeeze %dma_start3A_1572 : memref<1x80x272xf32, #tpu.memory_space<vmem>> -> memref<80x272xf32, #tpu.memory_space<vmem>>
      %dma_start3A_1574 = arith.constant 0 : i32
      %dma_start3A_1575 = tpu.memref_slice %arg6[%add3A_1567, %dma_start3A_1574] : memref<320000x272xf32, #tpu.memory_space<hbm>> -> memref<80x272xf32, #tpu.memory_space<hbm>>
      %dma_start3A_1576 = tpu.memref_slice %arg19[%dma_start3A_1569] : memref<4x!tpu.dma_semaphore, #tpu.memory_space<semaphore_mem>> -> memref<1x!tpu.dma_semaphore, #tpu.memory_space<semaphore_mem>>
      %dma_start3A_1577 = tpu.memref_squeeze %dma_start3A_1576 : memref<1x!tpu.dma_semaphore, #tpu.memory_space<semaphore_mem>> -> memref<!tpu.dma_semaphore, #tpu.memory_space<semaphore_mem>>
      %dma_start3A_1578 = arith.constant 0 : i32
      %dma_start3A_1579 = tpu.memref_slice %arg6[%add3A_1567, %dma_start3A_1578] : memref<320000x272xf32, #tpu.memory_space<hbm>> -> memref<80x272xf32, #tpu.memory_space<hbm>>
      %dma_start3A_1580 = arith.constant 0 : i32
      %dma_start3A_1581 = arith.constant 0 : i32
      %dma_start3A_1582 = tpu.memref_slice %arg16[%dma_start3A_1568, %dma_start3A_1580, %dma_start3A_1581] : memref<4x80x272xf32, #tpu.memory_space<vmem>> -> memref<1x80x272xf32, #tpu.memory_space<vmem>>
      %dma_start3A_1583 = tpu.memref_squeeze %dma_start3A_1582 : memref<1x80x272xf32, #tpu.memory_space<vmem>> -> memref<80x272xf32, #tpu.memory_space<vmem>>
      tpu.enqueue_dma source(%dma_start3A_1583 : memref<80x272xf32, #tpu.memory_space<vmem>>) target(%dma_start3A_1579 : memref<80x272xf32, #tpu.memory_space<hbm>>) target_semaphore(%dma_start3A_1577 : memref<!tpu.dma_semaphore, #tpu.memory_space<semaphore_mem>>)
      %add3A_1584 = arith.constant 3 : i32
      %add3A_1585 = arith.addi %mul3A_1169, %add3A_1584 : i32
      %dma_wait3A_1586 = arith.constant 1 : i32
      %dma_wait3A_1587 = arith.constant 1 : i32
      %dma_wait3A_1588 = arith.constant 0 : i32
      %dma_wait3A_1589 = arith.constant 0 : i32
      %dma_wait3A_1590 = tpu.memref_slice %arg16[%dma_wait3A_1586, %dma_wait3A_1588, %dma_wait3A_1589] : memref<4x80x272xf32, #tpu.memory_space<vmem>> -> memref<1x80x272xf32, #tpu.memory_space<vmem>>
      %dma_wait3A_1591 = tpu.memref_squeeze %dma_wait3A_1590 : memref<1x80x272xf32, #tpu.memory_space<vmem>> -> memref<80x272xf32, #tpu.memory_space<vmem>>
      %dma_wait3A_1592 = arith.constant 0 : i32
      %dma_wait3A_1593 = tpu.memref_slice %arg6[%mul3A_2, %dma_wait3A_1592] : memref<320000x272xf32, #tpu.memory_space<hbm>> -> memref<80x272xf32, #tpu.memory_space<hbm>>
      %dma_wait3A_1594 = tpu.memref_slice %arg19[%dma_wait3A_1587] : memref<4x!tpu.dma_semaphore, #tpu.memory_space<semaphore_mem>> -> memref<1x!tpu.dma_semaphore, #tpu.memory_space<semaphore_mem>>
      %dma_wait3A_1595 = tpu.memref_squeeze %dma_wait3A_1594 : memref<1x!tpu.dma_semaphore, #tpu.memory_space<semaphore_mem>> -> memref<!tpu.dma_semaphore, #tpu.memory_space<semaphore_mem>>
      %dma_wait3A_1596 = arith.constant 0 : i32
      %dma_wait3A_1597 = tpu.memref_slice %arg6[%mul3A_2, %dma_wait3A_1596] : memref<320000x272xf32, #tpu.memory_space<hbm>> -> memref<80x272xf32, #tpu.memory_space<hbm>>
      %dma_wait3A_1598 = arith.constant 0 : i32
      %dma_wait3A_1599 = arith.constant 0 : i32
      %dma_wait3A_1600 = tpu.memref_slice %arg16[%dma_wait3A_1586, %dma_wait3A_1598, %dma_wait3A_1599] : memref<4x80x272xf32, #tpu.memory_space<vmem>> -> memref<1x80x272xf32, #tpu.memory_space<vmem>>
      %dma_wait3A_1601 = tpu.memref_squeeze %dma_wait3A_1600 : memref<1x80x272xf32, #tpu.memory_space<vmem>> -> memref<80x272xf32, #tpu.memory_space<vmem>>
      tpu.wait_dma2 semaphore(%dma_wait3A_1595 : memref<!tpu.dma_semaphore, #tpu.memory_space<semaphore_mem>>) src(%dma_wait3A_1601 : memref<80x272xf32, #tpu.memory_space<vmem>>) dst(%dma_wait3A_1597 : memref<80x272xf32, #tpu.memory_space<hbm>>)
      %add3A_1602 = arith.constant 3 : i32
      %add3A_1603 = arith.addi %add3A_1585, %add3A_1602 : i32
      %mul3A_1604 = arith.constant 80 : i32
      %mul3A_1605 = arith.muli %add3A_1603, %mul3A_1604 : i32
      %add3A_1606 = arith.addi %mul3A_2, %mul3A_1605 : i32
      %dma_start3A_1607 = arith.constant 2 : i32
      %dma_start3A_1608 = tpu.memref_slice %arg4[%add3A_1606] : memref<320000xi32, #tpu.memory_space<hbm>> -> memref<80xi32, #tpu.memory_space<hbm>>
      %dma_start3A_1609 = tpu.memref_slice %arg17[%dma_start3A_1607] : memref<4x!tpu.dma_semaphore, #tpu.memory_space<semaphore_mem>> -> memref<1x!tpu.dma_semaphore, #tpu.memory_space<semaphore_mem>>
      %dma_start3A_1610 = tpu.memref_squeeze %dma_start3A_1609 : memref<1x!tpu.dma_semaphore, #tpu.memory_space<semaphore_mem>> -> memref<!tpu.dma_semaphore, #tpu.memory_space<semaphore_mem>>
      %dma_start3A_1611 = tpu.memref_slice %arg4[%add3A_1606] : memref<320000xi32, #tpu.memory_space<hbm>> -> memref<80xi32, #tpu.memory_space<hbm>>
      tpu.enqueue_dma source(%dma_start3A_1611 : memref<80xi32, #tpu.memory_space<hbm>>) target(%arg9 : memref<80xi32, #tpu.memory_space<vmem>>) target_semaphore(%dma_start3A_1610 : memref<!tpu.dma_semaphore, #tpu.memory_space<semaphore_mem>>)
      %dma_start3A_1612 = arith.constant 2 : i32
      %dma_start3A_1613 = tpu.memref_slice %arg5[%add3A_1606] : memref<320000xi32, #tpu.memory_space<hbm>> -> memref<80xi32, #tpu.memory_space<hbm>>
      %dma_start3A_1614 = tpu.memref_slice %arg17[%dma_start3A_1612] : memref<4x!tpu.dma_semaphore, #tpu.memory_space<semaphore_mem>> -> memref<1x!tpu.dma_semaphore, #tpu.memory_space<semaphore_mem>>
      %dma_start3A_1615 = tpu.memref_squeeze %dma_start3A_1614 : memref<1x!tpu.dma_semaphore, #tpu.memory_space<semaphore_mem>> -> memref<!tpu.dma_semaphore, #tpu.memory_space<semaphore_mem>>
      %dma_start3A_1616 = tpu.memref_slice %arg5[%add3A_1606] : memref<320000xi32, #tpu.memory_space<hbm>> -> memref<80xi32, #tpu.memory_space<hbm>>
      tpu.enqueue_dma source(%dma_start3A_1616 : memref<80xi32, #tpu.memory_space<hbm>>) target(%arg13 : memref<80xi32, #tpu.memory_space<vmem>>) target_semaphore(%dma_start3A_1615 : memref<!tpu.dma_semaphore, #tpu.memory_space<semaphore_mem>>)
      %dma_wait3A_1617 = arith.constant 1 : i32
      %dma_wait3A_1618 = tpu.memref_slice %arg4[%mul3A_2] : memref<320000xi32, #tpu.memory_space<hbm>> -> memref<160xi32, #tpu.memory_space<hbm>>
      %dma_wait3A_1619 = tpu.memref_slice %arg17[%dma_wait3A_1617] : memref<4x!tpu.dma_semaphore, #tpu.memory_space<semaphore_mem>> -> memref<1x!tpu.dma_semaphore, #tpu.memory_space<semaphore_mem>>
      %dma_wait3A_1620 = tpu.memref_squeeze %dma_wait3A_1619 : memref<1x!tpu.dma_semaphore, #tpu.memory_space<semaphore_mem>> -> memref<!tpu.dma_semaphore, #tpu.memory_space<semaphore_mem>>
      %dma_wait3A_1621 = tpu.memref_slice %arg4[%mul3A_2] : memref<320000xi32, #tpu.memory_space<hbm>> -> memref<160xi32, #tpu.memory_space<hbm>>
      tpu.wait_dma2 semaphore(%dma_wait3A_1620 : memref<!tpu.dma_semaphore, #tpu.memory_space<semaphore_mem>>) src(%dma_wait3A_1621 : memref<160xi32, #tpu.memory_space<hbm>>) dst(%arg15 : memref<160xi32, #tpu.memory_space<vmem>>)
      %add3A_1622 = arith.constant 2 : i32
      %add3A_1623 = arith.addi %add3A_1585, %add3A_1622 : i32
      %dma_start3A_1624 = arith.constant 1 : i32
      %dma_start3A_1625 = arith.constant 1 : i32
      %dma_start3A_1626 = arith.constant 0 : i32
      %dma_start3A_1627 = arith.constant 0 : i32
      %dma_start3A_1628 = tpu.memref_slice %arg16[%dma_start3A_1624, %dma_start3A_1626, %dma_start3A_1627] : memref<4x80x272xf32, #tpu.memory_space<vmem>> -> memref<1x80x128xf32, #tpu.memory_space<vmem>>
      %dma_start3A_1629 = tpu.memref_squeeze %dma_start3A_1628 : memref<1x80x128xf32, #tpu.memory_space<vmem>> -> memref<80x128xf32, #tpu.memory_space<vmem>>
      %dma_start3A_1630 = arith.constant 0 : i32
      %dma_start3A_1631 = arith.constant 0 : i32
      %dma_start3A_1632 = tpu.memref_slice %arg2[%dma_start3A_1630, %dma_start3A_1631] : memref<10000x128xf32, #tpu.memory_space<hbm>> -> memref<10000x128xf32, #tpu.memory_space<hbm>>
      %dma_start3A_1633 = tpu.memref_slice %arg18[%dma_start3A_1625] : memref<4x!tpu.dma_semaphore, #tpu.memory_space<semaphore_mem>> -> memref<1x!tpu.dma_semaphore, #tpu.memory_space<semaphore_mem>>
      %dma_start3A_1634 = tpu.memref_squeeze %dma_start3A_1633 : memref<1x!tpu.dma_semaphore, #tpu.memory_space<semaphore_mem>> -> memref<!tpu.dma_semaphore, #tpu.memory_space<semaphore_mem>>
      tpu.enqueue_indirect_dma source(%dma_start3A_1632 : memref<10000x128xf32, #tpu.memory_space<hbm>>) target(%dma_start3A_1629 : memref<80x128xf32, #tpu.memory_space<vmem>>) offsets(%arg8 : memref<80xi32, #tpu.memory_space<vmem>>) semaphore(%dma_start3A_1634 : memref<!tpu.dma_semaphore, #tpu.memory_space<semaphore_mem>>)
      %dma_start3A_1635 = arith.constant 1 : i32
      %dma_start3A_1636 = arith.constant 1 : i32
      %dma_start3A_1637 = arith.constant 0 : i32
      %dma_start3A_1638 = arith.constant 128 : i32
      %dma_start3A_1639 = tpu.memref_slice %arg16[%dma_start3A_1635, %dma_start3A_1637, %dma_start3A_1638] : memref<4x80x272xf32, #tpu.memory_space<vmem>> -> memref<1x80x128xf32, #tpu.memory_space<vmem>>
      %dma_start3A_1640 = tpu.memref_squeeze %dma_start3A_1639 : memref<1x80x128xf32, #tpu.memory_space<vmem>> -> memref<80x128xf32, #tpu.memory_space<vmem>>
      %dma_start3A_1641 = arith.constant 0 : i32
      %dma_start3A_1642 = arith.constant 0 : i32
      %dma_start3A_1643 = tpu.memref_slice %arg2[%dma_start3A_1641, %dma_start3A_1642] : memref<10000x128xf32, #tpu.memory_space<hbm>> -> memref<10000x128xf32, #tpu.memory_space<hbm>>
      %dma_start3A_1644 = tpu.memref_slice %arg18[%dma_start3A_1636] : memref<4x!tpu.dma_semaphore, #tpu.memory_space<semaphore_mem>> -> memref<1x!tpu.dma_semaphore, #tpu.memory_space<semaphore_mem>>
      %dma_start3A_1645 = tpu.memref_squeeze %dma_start3A_1644 : memref<1x!tpu.dma_semaphore, #tpu.memory_space<semaphore_mem>> -> memref<!tpu.dma_semaphore, #tpu.memory_space<semaphore_mem>>
      tpu.enqueue_indirect_dma source(%dma_start3A_1643 : memref<10000x128xf32, #tpu.memory_space<hbm>>) target(%dma_start3A_1640 : memref<80x128xf32, #tpu.memory_space<vmem>>) offsets(%arg12 : memref<80xi32, #tpu.memory_space<vmem>>) semaphore(%dma_start3A_1645 : memref<!tpu.dma_semaphore, #tpu.memory_space<semaphore_mem>>)
      %mul3A_1646 = arith.constant 80 : i32
      %mul3A_1647 = arith.muli %add3A_1623, %mul3A_1646 : i32
      %add3A_1648 = arith.addi %mul3A_2, %mul3A_1647 : i32
      %dma_start3A_1649 = arith.constant 1 : i32
      %dma_start3A_1650 = arith.constant 1 : i32
      %dma_start3A_1651 = arith.constant 0 : i32
      %dma_start3A_1652 = arith.constant 256 : i32
      %dma_start3A_1653 = tpu.memref_slice %arg16[%dma_start3A_1649, %dma_start3A_1651, %dma_start3A_1652] : memref<4x80x272xf32, #tpu.memory_space<vmem>> -> memref<1x80x16xf32, #tpu.memory_space<vmem>>
      %dma_start3A_1654 = tpu.memref_squeeze %dma_start3A_1653 : memref<1x80x16xf32, #tpu.memory_space<vmem>> -> memref<80x16xf32, #tpu.memory_space<vmem>>
      %dma_start3A_1655 = arith.constant 0 : i32
      %dma_start3A_1656 = tpu.memref_slice %arg3[%add3A_1648, %dma_start3A_1655] : memref<320000x16xf32, #tpu.memory_space<hbm>> -> memref<80x16xf32, #tpu.memory_space<hbm>>
      %dma_start3A_1657 = tpu.memref_slice %arg18[%dma_start3A_1650] : memref<4x!tpu.dma_semaphore, #tpu.memory_space<semaphore_mem>> -> memref<1x!tpu.dma_semaphore, #tpu.memory_space<semaphore_mem>>
      %dma_start3A_1658 = tpu.memref_squeeze %dma_start3A_1657 : memref<1x!tpu.dma_semaphore, #tpu.memory_space<semaphore_mem>> -> memref<!tpu.dma_semaphore, #tpu.memory_space<semaphore_mem>>
      %dma_start3A_1659 = arith.constant 0 : i32
      %dma_start3A_1660 = arith.constant 256 : i32
      %dma_start3A_1661 = tpu.memref_slice %arg16[%dma_start3A_1649, %dma_start3A_1659, %dma_start3A_1660] : memref<4x80x272xf32, #tpu.memory_space<vmem>> -> memref<1x80x16xf32, #tpu.memory_space<vmem>>
      %dma_start3A_1662 = tpu.memref_squeeze %dma_start3A_1661 : memref<1x80x16xf32, #tpu.memory_space<vmem>> -> memref<80x16xf32, #tpu.memory_space<vmem>>
      %dma_start3A_1663 = arith.constant 0 : i32
      %dma_start3A_1664 = tpu.memref_slice %arg3[%add3A_1648, %dma_start3A_1663] : memref<320000x16xf32, #tpu.memory_space<hbm>> -> memref<80x16xf32, #tpu.memory_space<hbm>>
      tpu.enqueue_dma source(%dma_start3A_1664 : memref<80x16xf32, #tpu.memory_space<hbm>>) target(%dma_start3A_1662 : memref<80x16xf32, #tpu.memory_space<vmem>>) target_semaphore(%dma_start3A_1658 : memref<!tpu.dma_semaphore, #tpu.memory_space<semaphore_mem>>)
      %dma_wait3A_1665 = arith.constant 3 : i32
      %dma_wait3A_1666 = arith.constant 3 : i32
      %dma_wait3A_1667 = arith.constant 0 : i32
      %dma_wait3A_1668 = arith.constant 0 : i32
      %dma_wait3A_1669 = tpu.memref_slice %arg16[%dma_wait3A_1665, %dma_wait3A_1667, %dma_wait3A_1668] : memref<4x80x272xf32, #tpu.memory_space<vmem>> -> memref<1x80x128xf32, #tpu.memory_space<vmem>>
      %dma_wait3A_1670 = tpu.memref_squeeze %dma_wait3A_1669 : memref<1x80x128xf32, #tpu.memory_space<vmem>> -> memref<80x128xf32, #tpu.memory_space<vmem>>
      %dma_wait3A_1671 = arith.constant 0 : i32
      %dma_wait3A_1672 = arith.constant 0 : i32
      %dma_wait3A_1673 = tpu.memref_slice %arg2[%dma_wait3A_1671, %dma_wait3A_1672] : memref<10000x128xf32, #tpu.memory_space<hbm>> -> memref<10000x128xf32, #tpu.memory_space<hbm>>
      %dma_wait3A_1674 = tpu.memref_slice %arg18[%dma_wait3A_1666] : memref<4x!tpu.dma_semaphore, #tpu.memory_space<semaphore_mem>> -> memref<1x!tpu.dma_semaphore, #tpu.memory_space<semaphore_mem>>
      %dma_wait3A_1675 = tpu.memref_squeeze %dma_wait3A_1674 : memref<1x!tpu.dma_semaphore, #tpu.memory_space<semaphore_mem>> -> memref<!tpu.dma_semaphore, #tpu.memory_space<semaphore_mem>>
      tpu.wait_indirect_dma semaphore(%dma_wait3A_1675 : memref<!tpu.dma_semaphore, #tpu.memory_space<semaphore_mem>>) src(%dma_wait3A_1673 : memref<10000x128xf32, #tpu.memory_space<hbm>>) dst(%dma_wait3A_1670 : memref<80x128xf32, #tpu.memory_space<vmem>>)
      %dma_wait3A_1676 = arith.constant 3 : i32
      %dma_wait3A_1677 = arith.constant 3 : i32
      %dma_wait3A_1678 = arith.constant 0 : i32
      %dma_wait3A_1679 = arith.constant 128 : i32
      %dma_wait3A_1680 = tpu.memref_slice %arg16[%dma_wait3A_1676, %dma_wait3A_1678, %dma_wait3A_1679] : memref<4x80x272xf32, #tpu.memory_space<vmem>> -> memref<1x80x128xf32, #tpu.memory_space<vmem>>
      %dma_wait3A_1681 = tpu.memref_squeeze %dma_wait3A_1680 : memref<1x80x128xf32, #tpu.memory_space<vmem>> -> memref<80x128xf32, #tpu.memory_space<vmem>>
      %dma_wait3A_1682 = arith.constant 0 : i32
      %dma_wait3A_1683 = arith.constant 0 : i32
      %dma_wait3A_1684 = tpu.memref_slice %arg2[%dma_wait3A_1682, %dma_wait3A_1683] : memref<10000x128xf32, #tpu.memory_space<hbm>> -> memref<10000x128xf32, #tpu.memory_space<hbm>>
      %dma_wait3A_1685 = tpu.memref_slice %arg18[%dma_wait3A_1677] : memref<4x!tpu.dma_semaphore, #tpu.memory_space<semaphore_mem>> -> memref<1x!tpu.dma_semaphore, #tpu.memory_space<semaphore_mem>>
      %dma_wait3A_1686 = tpu.memref_squeeze %dma_wait3A_1685 : memref<1x!tpu.dma_semaphore, #tpu.memory_space<semaphore_mem>> -> memref<!tpu.dma_semaphore, #tpu.memory_space<semaphore_mem>>
      tpu.wait_indirect_dma semaphore(%dma_wait3A_1686 : memref<!tpu.dma_semaphore, #tpu.memory_space<semaphore_mem>>) src(%dma_wait3A_1684 : memref<10000x128xf32, #tpu.memory_space<hbm>>) dst(%dma_wait3A_1681 : memref<80x128xf32, #tpu.memory_space<vmem>>)
      %dma_wait3A_1687 = arith.constant 3 : i32
      %dma_wait3A_1688 = arith.constant 3 : i32
      %dma_wait3A_1689 = arith.constant 0 : i32
      %dma_wait3A_1690 = arith.constant 256 : i32
      %dma_wait3A_1691 = tpu.memref_slice %arg16[%dma_wait3A_1687, %dma_wait3A_1689, %dma_wait3A_1690] : memref<4x80x272xf32, #tpu.memory_space<vmem>> -> memref<1x80x16xf32, #tpu.memory_space<vmem>>
      %dma_wait3A_1692 = tpu.memref_squeeze %dma_wait3A_1691 : memref<1x80x16xf32, #tpu.memory_space<vmem>> -> memref<80x16xf32, #tpu.memory_space<vmem>>
      %dma_wait3A_1693 = arith.constant 0 : i32
      %dma_wait3A_1694 = tpu.memref_slice %arg3[%mul3A_2, %dma_wait3A_1693] : memref<320000x16xf32, #tpu.memory_space<hbm>> -> memref<80x16xf32, #tpu.memory_space<hbm>>
      %dma_wait3A_1695 = tpu.memref_slice %arg18[%dma_wait3A_1688] : memref<4x!tpu.dma_semaphore, #tpu.memory_space<semaphore_mem>> -> memref<1x!tpu.dma_semaphore, #tpu.memory_space<semaphore_mem>>
      %dma_wait3A_1696 = tpu.memref_squeeze %dma_wait3A_1695 : memref<1x!tpu.dma_semaphore, #tpu.memory_space<semaphore_mem>> -> memref<!tpu.dma_semaphore, #tpu.memory_space<semaphore_mem>>
      %dma_wait3A_1697 = arith.constant 0 : i32
      %dma_wait3A_1698 = arith.constant 256 : i32
      %dma_wait3A_1699 = tpu.memref_slice %arg16[%dma_wait3A_1687, %dma_wait3A_1697, %dma_wait3A_1698] : memref<4x80x272xf32, #tpu.memory_space<vmem>> -> memref<1x80x16xf32, #tpu.memory_space<vmem>>
      %dma_wait3A_1700 = tpu.memref_squeeze %dma_wait3A_1699 : memref<1x80x16xf32, #tpu.memory_space<vmem>> -> memref<80x16xf32, #tpu.memory_space<vmem>>
      %dma_wait3A_1701 = arith.constant 0 : i32
      %dma_wait3A_1702 = tpu.memref_slice %arg3[%mul3A_2, %dma_wait3A_1701] : memref<320000x16xf32, #tpu.memory_space<hbm>> -> memref<80x16xf32, #tpu.memory_space<hbm>>
      tpu.wait_dma2 semaphore(%dma_wait3A_1696 : memref<!tpu.dma_semaphore, #tpu.memory_space<semaphore_mem>>) src(%dma_wait3A_1702 : memref<80x16xf32, #tpu.memory_space<hbm>>) dst(%dma_wait3A_1700 : memref<80x16xf32, #tpu.memory_space<vmem>>)
      %mul3A_1703 = arith.constant 80 : i32
      %mul3A_1704 = arith.muli %add3A_1585, %mul3A_1703 : i32
      %add3A_1705 = arith.addi %mul3A_2, %mul3A_1704 : i32
      %dma_start3A_1706 = arith.constant 3 : i32
      %dma_start3A_1707 = arith.constant 3 : i32
      %dma_start3A_1708 = arith.constant 0 : i32
      %dma_start3A_1709 = arith.constant 0 : i32
      %dma_start3A_1710 = tpu.memref_slice %arg16[%dma_start3A_1706, %dma_start3A_1708, %dma_start3A_1709] : memref<4x80x272xf32, #tpu.memory_space<vmem>> -> memref<1x80x272xf32, #tpu.memory_space<vmem>>
      %dma_start3A_1711 = tpu.memref_squeeze %dma_start3A_1710 : memref<1x80x272xf32, #tpu.memory_space<vmem>> -> memref<80x272xf32, #tpu.memory_space<vmem>>
      %dma_start3A_1712 = arith.constant 0 : i32
      %dma_start3A_1713 = tpu.memref_slice %arg6[%add3A_1705, %dma_start3A_1712] : memref<320000x272xf32, #tpu.memory_space<hbm>> -> memref<80x272xf32, #tpu.memory_space<hbm>>
      %dma_start3A_1714 = tpu.memref_slice %arg19[%dma_start3A_1707] : memref<4x!tpu.dma_semaphore, #tpu.memory_space<semaphore_mem>> -> memref<1x!tpu.dma_semaphore, #tpu.memory_space<semaphore_mem>>
      %dma_start3A_1715 = tpu.memref_squeeze %dma_start3A_1714 : memref<1x!tpu.dma_semaphore, #tpu.memory_space<semaphore_mem>> -> memref<!tpu.dma_semaphore, #tpu.memory_space<semaphore_mem>>
      %dma_start3A_1716 = arith.constant 0 : i32
      %dma_start3A_1717 = tpu.memref_slice %arg6[%add3A_1705, %dma_start3A_1716] : memref<320000x272xf32, #tpu.memory_space<hbm>> -> memref<80x272xf32, #tpu.memory_space<hbm>>
      %dma_start3A_1718 = arith.constant 0 : i32
      %dma_start3A_1719 = arith.constant 0 : i32
      %dma_start3A_1720 = tpu.memref_slice %arg16[%dma_start3A_1706, %dma_start3A_1718, %dma_start3A_1719] : memref<4x80x272xf32, #tpu.memory_space<vmem>> -> memref<1x80x272xf32, #tpu.memory_space<vmem>>
      %dma_start3A_1721 = tpu.memref_squeeze %dma_start3A_1720 : memref<1x80x272xf32, #tpu.memory_space<vmem>> -> memref<80x272xf32, #tpu.memory_space<vmem>>
      tpu.enqueue_dma source(%dma_start3A_1721 : memref<80x272xf32, #tpu.memory_space<vmem>>) target(%dma_start3A_1717 : memref<80x272xf32, #tpu.memory_space<hbm>>) target_semaphore(%dma_start3A_1715 : memref<!tpu.dma_semaphore, #tpu.memory_space<semaphore_mem>>)
    }
    %scan3A_615 = arith.constant 29 : i32
    %dma_wait3A_616 = arith.constant 2 : i32
    %dma_wait3A_617 = arith.constant 2 : i32
    %dma_wait3A_618 = arith.constant 0 : i32
    %dma_wait3A_619 = arith.constant 0 : i32
    %dma_wait3A_620 = tpu.memref_slice %arg16[%dma_wait3A_616, %dma_wait3A_618, %dma_wait3A_619] : memref<4x80x272xf32, #tpu.memory_space<vmem>> -> memref<1x80x272xf32, #tpu.memory_space<vmem>>
    %dma_wait3A_621 = tpu.memref_squeeze %dma_wait3A_620 : memref<1x80x272xf32, #tpu.memory_space<vmem>> -> memref<80x272xf32, #tpu.memory_space<vmem>>
    %dma_wait3A_622 = arith.constant 0 : i32
    %dma_wait3A_623 = tpu.memref_slice %arg6[%mul3A_2, %dma_wait3A_622] : memref<320000x272xf32, #tpu.memory_space<hbm>> -> memref<80x272xf32, #tpu.memory_space<hbm>>
    %dma_wait3A_624 = tpu.memref_slice %arg19[%dma_wait3A_617] : memref<4x!tpu.dma_semaphore, #tpu.memory_space<semaphore_mem>> -> memref<1x!tpu.dma_semaphore, #tpu.memory_space<semaphore_mem>>
    %dma_wait3A_625 = tpu.memref_squeeze %dma_wait3A_624 : memref<1x!tpu.dma_semaphore, #tpu.memory_space<semaphore_mem>> -> memref<!tpu.dma_semaphore, #tpu.memory_space<semaphore_mem>>
    %dma_wait3A_626 = arith.constant 0 : i32
    %dma_wait3A_627 = tpu.memref_slice %arg6[%mul3A_2, %dma_wait3A_626] : memref<320000x272xf32, #tpu.memory_space<hbm>> -> memref<80x272xf32, #tpu.memory_space<hbm>>
    %dma_wait3A_628 = arith.constant 0 : i32
    %dma_wait3A_629 = arith.constant 0 : i32
    %dma_wait3A_630 = tpu.memref_slice %arg16[%dma_wait3A_616, %dma_wait3A_628, %dma_wait3A_629] : memref<4x80x272xf32, #tpu.memory_space<vmem>> -> memref<1x80x272xf32, #tpu.memory_space<vmem>>
    %dma_wait3A_631 = tpu.memref_squeeze %dma_wait3A_630 : memref<1x80x272xf32, #tpu.memory_space<vmem>> -> memref<80x272xf32, #tpu.memory_space<vmem>>
    tpu.wait_dma2 semaphore(%dma_wait3A_625 : memref<!tpu.dma_semaphore, #tpu.memory_space<semaphore_mem>>) src(%dma_wait3A_631 : memref<80x272xf32, #tpu.memory_space<vmem>>) dst(%dma_wait3A_627 : memref<80x272xf32, #tpu.memory_space<hbm>>)
    %add3A_632 = arith.constant 9840 : i32
    %add3A_633 = arith.addi %mul3A_2, %add3A_632 : i32
    %dma_start3A_634 = arith.constant 3 : i32
    %dma_start3A_635 = tpu.memref_slice %arg4[%add3A_633] : memref<320000xi32, #tpu.memory_space<hbm>> -> memref<80xi32, #tpu.memory_space<hbm>>
    %dma_start3A_636 = tpu.memref_slice %arg17[%dma_start3A_634] : memref<4x!tpu.dma_semaphore, #tpu.memory_space<semaphore_mem>> -> memref<1x!tpu.dma_semaphore, #tpu.memory_space<semaphore_mem>>
    %dma_start3A_637 = tpu.memref_squeeze %dma_start3A_636 : memref<1x!tpu.dma_semaphore, #tpu.memory_space<semaphore_mem>> -> memref<!tpu.dma_semaphore, #tpu.memory_space<semaphore_mem>>
    %dma_start3A_638 = tpu.memref_slice %arg4[%add3A_633] : memref<320000xi32, #tpu.memory_space<hbm>> -> memref<80xi32, #tpu.memory_space<hbm>>
    tpu.enqueue_dma source(%dma_start3A_638 : memref<80xi32, #tpu.memory_space<hbm>>) target(%arg10 : memref<80xi32, #tpu.memory_space<vmem>>) target_semaphore(%dma_start3A_637 : memref<!tpu.dma_semaphore, #tpu.memory_space<semaphore_mem>>)
    %dma_start3A_639 = arith.constant 3 : i32
    %dma_start3A_640 = tpu.memref_slice %arg5[%add3A_633] : memref<320000xi32, #tpu.memory_space<hbm>> -> memref<80xi32, #tpu.memory_space<hbm>>
    %dma_start3A_641 = tpu.memref_slice %arg17[%dma_start3A_639] : memref<4x!tpu.dma_semaphore, #tpu.memory_space<semaphore_mem>> -> memref<1x!tpu.dma_semaphore, #tpu.memory_space<semaphore_mem>>
    %dma_start3A_642 = tpu.memref_squeeze %dma_start3A_641 : memref<1x!tpu.dma_semaphore, #tpu.memory_space<semaphore_mem>> -> memref<!tpu.dma_semaphore, #tpu.memory_space<semaphore_mem>>
    %dma_start3A_643 = tpu.memref_slice %arg5[%add3A_633] : memref<320000xi32, #tpu.memory_space<hbm>> -> memref<80xi32, #tpu.memory_space<hbm>>
    tpu.enqueue_dma source(%dma_start3A_643 : memref<80xi32, #tpu.memory_space<hbm>>) target(%arg14 : memref<80xi32, #tpu.memory_space<vmem>>) target_semaphore(%dma_start3A_642 : memref<!tpu.dma_semaphore, #tpu.memory_space<semaphore_mem>>)
    %dma_wait3A_644 = arith.constant 2 : i32
    %dma_wait3A_645 = tpu.memref_slice %arg4[%mul3A_2] : memref<320000xi32, #tpu.memory_space<hbm>> -> memref<160xi32, #tpu.memory_space<hbm>>
    %dma_wait3A_646 = tpu.memref_slice %arg17[%dma_wait3A_644] : memref<4x!tpu.dma_semaphore, #tpu.memory_space<semaphore_mem>> -> memref<1x!tpu.dma_semaphore, #tpu.memory_space<semaphore_mem>>
    %dma_wait3A_647 = tpu.memref_squeeze %dma_wait3A_646 : memref<1x!tpu.dma_semaphore, #tpu.memory_space<semaphore_mem>> -> memref<!tpu.dma_semaphore, #tpu.memory_space<semaphore_mem>>
    %dma_wait3A_648 = tpu.memref_slice %arg4[%mul3A_2] : memref<320000xi32, #tpu.memory_space<hbm>> -> memref<160xi32, #tpu.memory_space<hbm>>
    tpu.wait_dma2 semaphore(%dma_wait3A_647 : memref<!tpu.dma_semaphore, #tpu.memory_space<semaphore_mem>>) src(%dma_wait3A_648 : memref<160xi32, #tpu.memory_space<hbm>>) dst(%arg15 : memref<160xi32, #tpu.memory_space<vmem>>)
    %dma_start3A_649 = arith.constant 2 : i32
    %dma_start3A_650 = arith.constant 2 : i32
    %dma_start3A_651 = arith.constant 0 : i32
    %dma_start3A_652 = arith.constant 0 : i32
    %dma_start3A_653 = tpu.memref_slice %arg16[%dma_start3A_649, %dma_start3A_651, %dma_start3A_652] : memref<4x80x272xf32, #tpu.memory_space<vmem>> -> memref<1x80x128xf32, #tpu.memory_space<vmem>>
    %dma_start3A_654 = tpu.memref_squeeze %dma_start3A_653 : memref<1x80x128xf32, #tpu.memory_space<vmem>> -> memref<80x128xf32, #tpu.memory_space<vmem>>
    %dma_start3A_655 = arith.constant 0 : i32
    %dma_start3A_656 = arith.constant 0 : i32
    %dma_start3A_657 = tpu.memref_slice %arg2[%dma_start3A_655, %dma_start3A_656] : memref<10000x128xf32, #tpu.memory_space<hbm>> -> memref<10000x128xf32, #tpu.memory_space<hbm>>
    %dma_start3A_658 = tpu.memref_slice %arg18[%dma_start3A_650] : memref<4x!tpu.dma_semaphore, #tpu.memory_space<semaphore_mem>> -> memref<1x!tpu.dma_semaphore, #tpu.memory_space<semaphore_mem>>
    %dma_start3A_659 = tpu.memref_squeeze %dma_start3A_658 : memref<1x!tpu.dma_semaphore, #tpu.memory_space<semaphore_mem>> -> memref<!tpu.dma_semaphore, #tpu.memory_space<semaphore_mem>>
    tpu.enqueue_indirect_dma source(%dma_start3A_657 : memref<10000x128xf32, #tpu.memory_space<hbm>>) target(%dma_start3A_654 : memref<80x128xf32, #tpu.memory_space<vmem>>) offsets(%arg9 : memref<80xi32, #tpu.memory_space<vmem>>) semaphore(%dma_start3A_659 : memref<!tpu.dma_semaphore, #tpu.memory_space<semaphore_mem>>)
    %dma_start3A_660 = arith.constant 2 : i32
    %dma_start3A_661 = arith.constant 2 : i32
    %dma_start3A_662 = arith.constant 0 : i32
    %dma_start3A_663 = arith.constant 128 : i32
    %dma_start3A_664 = tpu.memref_slice %arg16[%dma_start3A_660, %dma_start3A_662, %dma_start3A_663] : memref<4x80x272xf32, #tpu.memory_space<vmem>> -> memref<1x80x128xf32, #tpu.memory_space<vmem>>
    %dma_start3A_665 = tpu.memref_squeeze %dma_start3A_664 : memref<1x80x128xf32, #tpu.memory_space<vmem>> -> memref<80x128xf32, #tpu.memory_space<vmem>>
    %dma_start3A_666 = arith.constant 0 : i32
    %dma_start3A_667 = arith.constant 0 : i32
    %dma_start3A_668 = tpu.memref_slice %arg2[%dma_start3A_666, %dma_start3A_667] : memref<10000x128xf32, #tpu.memory_space<hbm>> -> memref<10000x128xf32, #tpu.memory_space<hbm>>
    %dma_start3A_669 = tpu.memref_slice %arg18[%dma_start3A_661] : memref<4x!tpu.dma_semaphore, #tpu.memory_space<semaphore_mem>> -> memref<1x!tpu.dma_semaphore, #tpu.memory_space<semaphore_mem>>
    %dma_start3A_670 = tpu.memref_squeeze %dma_start3A_669 : memref<1x!tpu.dma_semaphore, #tpu.memory_space<semaphore_mem>> -> memref<!tpu.dma_semaphore, #tpu.memory_space<semaphore_mem>>
    tpu.enqueue_indirect_dma source(%dma_start3A_668 : memref<10000x128xf32, #tpu.memory_space<hbm>>) target(%dma_start3A_665 : memref<80x128xf32, #tpu.memory_space<vmem>>) offsets(%arg13 : memref<80xi32, #tpu.memory_space<vmem>>) semaphore(%dma_start3A_670 : memref<!tpu.dma_semaphore, #tpu.memory_space<semaphore_mem>>)
    %add3A_671 = arith.constant 9760 : i32
    %add3A_672 = arith.addi %mul3A_2, %add3A_671 : i32
    %dma_start3A_673 = arith.constant 2 : i32
    %dma_start3A_674 = arith.constant 2 : i32
    %dma_start3A_675 = arith.constant 0 : i32
    %dma_start3A_676 = arith.constant 256 : i32
    %dma_start3A_677 = tpu.memref_slice %arg16[%dma_start3A_673, %dma_start3A_675, %dma_start3A_676] : memref<4x80x272xf32, #tpu.memory_space<vmem>> -> memref<1x80x16xf32, #tpu.memory_space<vmem>>
    %dma_start3A_678 = tpu.memref_squeeze %dma_start3A_677 : memref<1x80x16xf32, #tpu.memory_space<vmem>> -> memref<80x16xf32, #tpu.memory_space<vmem>>
    %dma_start3A_679 = arith.constant 0 : i32
    %dma_start3A_680 = tpu.memref_slice %arg3[%add3A_672, %dma_start3A_679] : memref<320000x16xf32, #tpu.memory_space<hbm>> -> memref<80x16xf32, #tpu.memory_space<hbm>>
    %dma_start3A_681 = tpu.memref_slice %arg18[%dma_start3A_674] : memref<4x!tpu.dma_semaphore, #tpu.memory_space<semaphore_mem>> -> memref<1x!tpu.dma_semaphore, #tpu.memory_space<semaphore_mem>>
    %dma_start3A_682 = tpu.memref_squeeze %dma_start3A_681 : memref<1x!tpu.dma_semaphore, #tpu.memory_space<semaphore_mem>> -> memref<!tpu.dma_semaphore, #tpu.memory_space<semaphore_mem>>
    %dma_start3A_683 = arith.constant 0 : i32
    %dma_start3A_684 = arith.constant 256 : i32
    %dma_start3A_685 = tpu.memref_slice %arg16[%dma_start3A_673, %dma_start3A_683, %dma_start3A_684] : memref<4x80x272xf32, #tpu.memory_space<vmem>> -> memref<1x80x16xf32, #tpu.memory_space<vmem>>
    %dma_start3A_686 = tpu.memref_squeeze %dma_start3A_685 : memref<1x80x16xf32, #tpu.memory_space<vmem>> -> memref<80x16xf32, #tpu.memory_space<vmem>>
    %dma_start3A_687 = arith.constant 0 : i32
    %dma_start3A_688 = tpu.memref_slice %arg3[%add3A_672, %dma_start3A_687] : memref<320000x16xf32, #tpu.memory_space<hbm>> -> memref<80x16xf32, #tpu.memory_space<hbm>>
    tpu.enqueue_dma source(%dma_start3A_688 : memref<80x16xf32, #tpu.memory_space<hbm>>) target(%dma_start3A_686 : memref<80x16xf32, #tpu.memory_space<vmem>>) target_semaphore(%dma_start3A_682 : memref<!tpu.dma_semaphore, #tpu.memory_space<semaphore_mem>>)
    %dma_wait3A_689 = arith.constant 0 : i32
    %dma_wait3A_690 = arith.constant 0 : i32
    %dma_wait3A_691 = arith.constant 0 : i32
    %dma_wait3A_692 = arith.constant 0 : i32
    %dma_wait3A_693 = tpu.memref_slice %arg16[%dma_wait3A_689, %dma_wait3A_691, %dma_wait3A_692] : memref<4x80x272xf32, #tpu.memory_space<vmem>> -> memref<1x80x128xf32, #tpu.memory_space<vmem>>
    %dma_wait3A_694 = tpu.memref_squeeze %dma_wait3A_693 : memref<1x80x128xf32, #tpu.memory_space<vmem>> -> memref<80x128xf32, #tpu.memory_space<vmem>>
    %dma_wait3A_695 = arith.constant 0 : i32
    %dma_wait3A_696 = arith.constant 0 : i32
    %dma_wait3A_697 = tpu.memref_slice %arg2[%dma_wait3A_695, %dma_wait3A_696] : memref<10000x128xf32, #tpu.memory_space<hbm>> -> memref<10000x128xf32, #tpu.memory_space<hbm>>
    %dma_wait3A_698 = tpu.memref_slice %arg18[%dma_wait3A_690] : memref<4x!tpu.dma_semaphore, #tpu.memory_space<semaphore_mem>> -> memref<1x!tpu.dma_semaphore, #tpu.memory_space<semaphore_mem>>
    %dma_wait3A_699 = tpu.memref_squeeze %dma_wait3A_698 : memref<1x!tpu.dma_semaphore, #tpu.memory_space<semaphore_mem>> -> memref<!tpu.dma_semaphore, #tpu.memory_space<semaphore_mem>>
    tpu.wait_indirect_dma semaphore(%dma_wait3A_699 : memref<!tpu.dma_semaphore, #tpu.memory_space<semaphore_mem>>) src(%dma_wait3A_697 : memref<10000x128xf32, #tpu.memory_space<hbm>>) dst(%dma_wait3A_694 : memref<80x128xf32, #tpu.memory_space<vmem>>)
    %dma_wait3A_700 = arith.constant 0 : i32
    %dma_wait3A_701 = arith.constant 0 : i32
    %dma_wait3A_702 = arith.constant 0 : i32
    %dma_wait3A_703 = arith.constant 128 : i32
    %dma_wait3A_704 = tpu.memref_slice %arg16[%dma_wait3A_700, %dma_wait3A_702, %dma_wait3A_703] : memref<4x80x272xf32, #tpu.memory_space<vmem>> -> memref<1x80x128xf32, #tpu.memory_space<vmem>>
    %dma_wait3A_705 = tpu.memref_squeeze %dma_wait3A_704 : memref<1x80x128xf32, #tpu.memory_space<vmem>> -> memref<80x128xf32, #tpu.memory_space<vmem>>
    %dma_wait3A_706 = arith.constant 0 : i32
    %dma_wait3A_707 = arith.constant 0 : i32
    %dma_wait3A_708 = tpu.memref_slice %arg2[%dma_wait3A_706, %dma_wait3A_707] : memref<10000x128xf32, #tpu.memory_space<hbm>> -> memref<10000x128xf32, #tpu.memory_space<hbm>>
    %dma_wait3A_709 = tpu.memref_slice %arg18[%dma_wait3A_701] : memref<4x!tpu.dma_semaphore, #tpu.memory_space<semaphore_mem>> -> memref<1x!tpu.dma_semaphore, #tpu.memory_space<semaphore_mem>>
    %dma_wait3A_710 = tpu.memref_squeeze %dma_wait3A_709 : memref<1x!tpu.dma_semaphore, #tpu.memory_space<semaphore_mem>> -> memref<!tpu.dma_semaphore, #tpu.memory_space<semaphore_mem>>
    tpu.wait_indirect_dma semaphore(%dma_wait3A_710 : memref<!tpu.dma_semaphore, #tpu.memory_space<semaphore_mem>>) src(%dma_wait3A_708 : memref<10000x128xf32, #tpu.memory_space<hbm>>) dst(%dma_wait3A_705 : memref<80x128xf32, #tpu.memory_space<vmem>>)
    %dma_wait3A_711 = arith.constant 0 : i32
    %dma_wait3A_712 = arith.constant 0 : i32
    %dma_wait3A_713 = arith.constant 0 : i32
    %dma_wait3A_714 = arith.constant 256 : i32
    %dma_wait3A_715 = tpu.memref_slice %arg16[%dma_wait3A_711, %dma_wait3A_713, %dma_wait3A_714] : memref<4x80x272xf32, #tpu.memory_space<vmem>> -> memref<1x80x16xf32, #tpu.memory_space<vmem>>
    %dma_wait3A_716 = tpu.memref_squeeze %dma_wait3A_715 : memref<1x80x16xf32, #tpu.memory_space<vmem>> -> memref<80x16xf32, #tpu.memory_space<vmem>>
    %dma_wait3A_717 = arith.constant 0 : i32
    %dma_wait3A_718 = tpu.memref_slice %arg3[%mul3A_2, %dma_wait3A_717] : memref<320000x16xf32, #tpu.memory_space<hbm>> -> memref<80x16xf32, #tpu.memory_space<hbm>>
    %dma_wait3A_719 = tpu.memref_slice %arg18[%dma_wait3A_712] : memref<4x!tpu.dma_semaphore, #tpu.memory_space<semaphore_mem>> -> memref<1x!tpu.dma_semaphore, #tpu.memory_space<semaphore_mem>>
    %dma_wait3A_720 = tpu.memref_squeeze %dma_wait3A_719 : memref<1x!tpu.dma_semaphore, #tpu.memory_space<semaphore_mem>> -> memref<!tpu.dma_semaphore, #tpu.memory_space<semaphore_mem>>
    %dma_wait3A_721 = arith.constant 0 : i32
    %dma_wait3A_722 = arith.constant 256 : i32
    %dma_wait3A_723 = tpu.memref_slice %arg16[%dma_wait3A_711, %dma_wait3A_721, %dma_wait3A_722] : memref<4x80x272xf32, #tpu.memory_space<vmem>> -> memref<1x80x16xf32, #tpu.memory_space<vmem>>
    %dma_wait3A_724 = tpu.memref_squeeze %dma_wait3A_723 : memref<1x80x16xf32, #tpu.memory_space<vmem>> -> memref<80x16xf32, #tpu.memory_space<vmem>>
    %dma_wait3A_725 = arith.constant 0 : i32
    %dma_wait3A_726 = tpu.memref_slice %arg3[%mul3A_2, %dma_wait3A_725] : memref<320000x16xf32, #tpu.memory_space<hbm>> -> memref<80x16xf32, #tpu.memory_space<hbm>>
    tpu.wait_dma2 semaphore(%dma_wait3A_720 : memref<!tpu.dma_semaphore, #tpu.memory_space<semaphore_mem>>) src(%dma_wait3A_726 : memref<80x16xf32, #tpu.memory_space<hbm>>) dst(%dma_wait3A_724 : memref<80x16xf32, #tpu.memory_space<vmem>>)
    %add3A_727 = arith.constant 9600 : i32
    %add3A_728 = arith.addi %mul3A_2, %add3A_727 : i32
    %dma_start3A_729 = arith.constant 0 : i32
    %dma_start3A_730 = arith.constant 0 : i32
    %dma_start3A_731 = arith.constant 0 : i32
    %dma_start3A_732 = arith.constant 0 : i32
    %dma_start3A_733 = tpu.memref_slice %arg16[%dma_start3A_729, %dma_start3A_731, %dma_start3A_732] : memref<4x80x272xf32, #tpu.memory_space<vmem>> -> memref<1x80x272xf32, #tpu.memory_space<vmem>>
    %dma_start3A_734 = tpu.memref_squeeze %dma_start3A_733 : memref<1x80x272xf32, #tpu.memory_space<vmem>> -> memref<80x272xf32, #tpu.memory_space<vmem>>
    %dma_start3A_735 = arith.constant 0 : i32
    %dma_start3A_736 = tpu.memref_slice %arg6[%add3A_728, %dma_start3A_735] : memref<320000x272xf32, #tpu.memory_space<hbm>> -> memref<80x272xf32, #tpu.memory_space<hbm>>
    %dma_start3A_737 = tpu.memref_slice %arg19[%dma_start3A_730] : memref<4x!tpu.dma_semaphore, #tpu.memory_space<semaphore_mem>> -> memref<1x!tpu.dma_semaphore, #tpu.memory_space<semaphore_mem>>
    %dma_start3A_738 = tpu.memref_squeeze %dma_start3A_737 : memref<1x!tpu.dma_semaphore, #tpu.memory_space<semaphore_mem>> -> memref<!tpu.dma_semaphore, #tpu.memory_space<semaphore_mem>>
    %dma_start3A_739 = arith.constant 0 : i32
    %dma_start3A_740 = tpu.memref_slice %arg6[%add3A_728, %dma_start3A_739] : memref<320000x272xf32, #tpu.memory_space<hbm>> -> memref<80x272xf32, #tpu.memory_space<hbm>>
    %dma_start3A_741 = arith.constant 0 : i32
    %dma_start3A_742 = arith.constant 0 : i32
    %dma_start3A_743 = tpu.memref_slice %arg16[%dma_start3A_729, %dma_start3A_741, %dma_start3A_742] : memref<4x80x272xf32, #tpu.memory_space<vmem>> -> memref<1x80x272xf32, #tpu.memory_space<vmem>>
    %dma_start3A_744 = tpu.memref_squeeze %dma_start3A_743 : memref<1x80x272xf32, #tpu.memory_space<vmem>> -> memref<80x272xf32, #tpu.memory_space<vmem>>
    tpu.enqueue_dma source(%dma_start3A_744 : memref<80x272xf32, #tpu.memory_space<vmem>>) target(%dma_start3A_740 : memref<80x272xf32, #tpu.memory_space<hbm>>) target_semaphore(%dma_start3A_738 : memref<!tpu.dma_semaphore, #tpu.memory_space<semaphore_mem>>)
    %dma_wait3A_745 = arith.constant 3 : i32
    %dma_wait3A_746 = arith.constant 3 : i32
    %dma_wait3A_747 = arith.constant 0 : i32
    %dma_wait3A_748 = arith.constant 0 : i32
    %dma_wait3A_749 = tpu.memref_slice %arg16[%dma_wait3A_745, %dma_wait3A_747, %dma_wait3A_748] : memref<4x80x272xf32, #tpu.memory_space<vmem>> -> memref<1x80x272xf32, #tpu.memory_space<vmem>>
    %dma_wait3A_750 = tpu.memref_squeeze %dma_wait3A_749 : memref<1x80x272xf32, #tpu.memory_space<vmem>> -> memref<80x272xf32, #tpu.memory_space<vmem>>
    %dma_wait3A_751 = arith.constant 0 : i32
    %dma_wait3A_752 = tpu.memref_slice %arg6[%mul3A_2, %dma_wait3A_751] : memref<320000x272xf32, #tpu.memory_space<hbm>> -> memref<80x272xf32, #tpu.memory_space<hbm>>
    %dma_wait3A_753 = tpu.memref_slice %arg19[%dma_wait3A_746] : memref<4x!tpu.dma_semaphore, #tpu.memory_space<semaphore_mem>> -> memref<1x!tpu.dma_semaphore, #tpu.memory_space<semaphore_mem>>
    %dma_wait3A_754 = tpu.memref_squeeze %dma_wait3A_753 : memref<1x!tpu.dma_semaphore, #tpu.memory_space<semaphore_mem>> -> memref<!tpu.dma_semaphore, #tpu.memory_space<semaphore_mem>>
    %dma_wait3A_755 = arith.constant 0 : i32
    %dma_wait3A_756 = tpu.memref_slice %arg6[%mul3A_2, %dma_wait3A_755] : memref<320000x272xf32, #tpu.memory_space<hbm>> -> memref<80x272xf32, #tpu.memory_space<hbm>>
    %dma_wait3A_757 = arith.constant 0 : i32
    %dma_wait3A_758 = arith.constant 0 : i32
    %dma_wait3A_759 = tpu.memref_slice %arg16[%dma_wait3A_745, %dma_wait3A_757, %dma_wait3A_758] : memref<4x80x272xf32, #tpu.memory_space<vmem>> -> memref<1x80x272xf32, #tpu.memory_space<vmem>>
    %dma_wait3A_760 = tpu.memref_squeeze %dma_wait3A_759 : memref<1x80x272xf32, #tpu.memory_space<vmem>> -> memref<80x272xf32, #tpu.memory_space<vmem>>
    tpu.wait_dma2 semaphore(%dma_wait3A_754 : memref<!tpu.dma_semaphore, #tpu.memory_space<semaphore_mem>>) src(%dma_wait3A_760 : memref<80x272xf32, #tpu.memory_space<vmem>>) dst(%dma_wait3A_756 : memref<80x272xf32, #tpu.memory_space<hbm>>)
    %add3A_761 = arith.constant 9920 : i32
    %add3A_762 = arith.addi %mul3A_2, %add3A_761 : i32
    %dma_start3A_763 = arith.constant 0 : i32
    %dma_start3A_764 = tpu.memref_slice %arg4[%add3A_762] : memref<320000xi32, #tpu.memory_space<hbm>> -> memref<80xi32, #tpu.memory_space<hbm>>
    %dma_start3A_765 = tpu.memref_slice %arg17[%dma_start3A_763] : memref<4x!tpu.dma_semaphore, #tpu.memory_space<semaphore_mem>> -> memref<1x!tpu.dma_semaphore, #tpu.memory_space<semaphore_mem>>
    %dma_start3A_766 = tpu.memref_squeeze %dma_start3A_765 : memref<1x!tpu.dma_semaphore, #tpu.memory_space<semaphore_mem>> -> memref<!tpu.dma_semaphore, #tpu.memory_space<semaphore_mem>>
    %dma_start3A_767 = tpu.memref_slice %arg4[%add3A_762] : memref<320000xi32, #tpu.memory_space<hbm>> -> memref<80xi32, #tpu.memory_space<hbm>>
    tpu.enqueue_dma source(%dma_start3A_767 : memref<80xi32, #tpu.memory_space<hbm>>) target(%arg7 : memref<80xi32, #tpu.memory_space<vmem>>) target_semaphore(%dma_start3A_766 : memref<!tpu.dma_semaphore, #tpu.memory_space<semaphore_mem>>)
    %dma_start3A_768 = arith.constant 0 : i32
    %dma_start3A_769 = tpu.memref_slice %arg5[%add3A_762] : memref<320000xi32, #tpu.memory_space<hbm>> -> memref<80xi32, #tpu.memory_space<hbm>>
    %dma_start3A_770 = tpu.memref_slice %arg17[%dma_start3A_768] : memref<4x!tpu.dma_semaphore, #tpu.memory_space<semaphore_mem>> -> memref<1x!tpu.dma_semaphore, #tpu.memory_space<semaphore_mem>>
    %dma_start3A_771 = tpu.memref_squeeze %dma_start3A_770 : memref<1x!tpu.dma_semaphore, #tpu.memory_space<semaphore_mem>> -> memref<!tpu.dma_semaphore, #tpu.memory_space<semaphore_mem>>
    %dma_start3A_772 = tpu.memref_slice %arg5[%add3A_762] : memref<320000xi32, #tpu.memory_space<hbm>> -> memref<80xi32, #tpu.memory_space<hbm>>
    tpu.enqueue_dma source(%dma_start3A_772 : memref<80xi32, #tpu.memory_space<hbm>>) target(%arg11 : memref<80xi32, #tpu.memory_space<vmem>>) target_semaphore(%dma_start3A_771 : memref<!tpu.dma_semaphore, #tpu.memory_space<semaphore_mem>>)
    %dma_wait3A_773 = arith.constant 3 : i32
    %dma_wait3A_774 = tpu.memref_slice %arg4[%mul3A_2] : memref<320000xi32, #tpu.memory_space<hbm>> -> memref<160xi32, #tpu.memory_space<hbm>>
    %dma_wait3A_775 = tpu.memref_slice %arg17[%dma_wait3A_773] : memref<4x!tpu.dma_semaphore, #tpu.memory_space<semaphore_mem>> -> memref<1x!tpu.dma_semaphore, #tpu.memory_space<semaphore_mem>>
    %dma_wait3A_776 = tpu.memref_squeeze %dma_wait3A_775 : memref<1x!tpu.dma_semaphore, #tpu.memory_space<semaphore_mem>> -> memref<!tpu.dma_semaphore, #tpu.memory_space<semaphore_mem>>
    %dma_wait3A_777 = tpu.memref_slice %arg4[%mul3A_2] : memref<320000xi32, #tpu.memory_space<hbm>> -> memref<160xi32, #tpu.memory_space<hbm>>
    tpu.wait_dma2 semaphore(%dma_wait3A_776 : memref<!tpu.dma_semaphore, #tpu.memory_space<semaphore_mem>>) src(%dma_wait3A_777 : memref<160xi32, #tpu.memory_space<hbm>>) dst(%arg15 : memref<160xi32, #tpu.memory_space<vmem>>)
    %dma_start3A_778 = arith.constant 3 : i32
    %dma_start3A_779 = arith.constant 3 : i32
    %dma_start3A_780 = arith.constant 0 : i32
    %dma_start3A_781 = arith.constant 0 : i32
    %dma_start3A_782 = tpu.memref_slice %arg16[%dma_start3A_778, %dma_start3A_780, %dma_start3A_781] : memref<4x80x272xf32, #tpu.memory_space<vmem>> -> memref<1x80x128xf32, #tpu.memory_space<vmem>>
    %dma_start3A_783 = tpu.memref_squeeze %dma_start3A_782 : memref<1x80x128xf32, #tpu.memory_space<vmem>> -> memref<80x128xf32, #tpu.memory_space<vmem>>
    %dma_start3A_784 = arith.constant 0 : i32
    %dma_start3A_785 = arith.constant 0 : i32
    %dma_start3A_786 = tpu.memref_slice %arg2[%dma_start3A_784, %dma_start3A_785] : memref<10000x128xf32, #tpu.memory_space<hbm>> -> memref<10000x128xf32, #tpu.memory_space<hbm>>
    %dma_start3A_787 = tpu.memref_slice %arg18[%dma_start3A_779] : memref<4x!tpu.dma_semaphore, #tpu.memory_space<semaphore_mem>> -> memref<1x!tpu.dma_semaphore, #tpu.memory_space<semaphore_mem>>
    %dma_start3A_788 = tpu.memref_squeeze %dma_start3A_787 : memref<1x!tpu.dma_semaphore, #tpu.memory_space<semaphore_mem>> -> memref<!tpu.dma_semaphore, #tpu.memory_space<semaphore_mem>>
    tpu.enqueue_indirect_dma source(%dma_start3A_786 : memref<10000x128xf32, #tpu.memory_space<hbm>>) target(%dma_start3A_783 : memref<80x128xf32, #tpu.memory_space<vmem>>) offsets(%arg10 : memref<80xi32, #tpu.memory_space<vmem>>) semaphore(%dma_start3A_788 : memref<!tpu.dma_semaphore, #tpu.memory_space<semaphore_mem>>)
    %dma_start3A_789 = arith.constant 3 : i32
    %dma_start3A_790 = arith.constant 3 : i32
    %dma_start3A_791 = arith.constant 0 : i32
    %dma_start3A_792 = arith.constant 128 : i32
    %dma_start3A_793 = tpu.memref_slice %arg16[%dma_start3A_789, %dma_start3A_791, %dma_start3A_792] : memref<4x80x272xf32, #tpu.memory_space<vmem>> -> memref<1x80x128xf32, #tpu.memory_space<vmem>>
    %dma_start3A_794 = tpu.memref_squeeze %dma_start3A_793 : memref<1x80x128xf32, #tpu.memory_space<vmem>> -> memref<80x128xf32, #tpu.memory_space<vmem>>
    %dma_start3A_795 = arith.constant 0 : i32
    %dma_start3A_796 = arith.constant 0 : i32
    %dma_start3A_797 = tpu.memref_slice %arg2[%dma_start3A_795, %dma_start3A_796] : memref<10000x128xf32, #tpu.memory_space<hbm>> -> memref<10000x128xf32, #tpu.memory_space<hbm>>
    %dma_start3A_798 = tpu.memref_slice %arg18[%dma_start3A_790] : memref<4x!tpu.dma_semaphore, #tpu.memory_space<semaphore_mem>> -> memref<1x!tpu.dma_semaphore, #tpu.memory_space<semaphore_mem>>
    %dma_start3A_799 = tpu.memref_squeeze %dma_start3A_798 : memref<1x!tpu.dma_semaphore, #tpu.memory_space<semaphore_mem>> -> memref<!tpu.dma_semaphore, #tpu.memory_space<semaphore_mem>>
    tpu.enqueue_indirect_dma source(%dma_start3A_797 : memref<10000x128xf32, #tpu.memory_space<hbm>>) target(%dma_start3A_794 : memref<80x128xf32, #tpu.memory_space<vmem>>) offsets(%arg14 : memref<80xi32, #tpu.memory_space<vmem>>) semaphore(%dma_start3A_799 : memref<!tpu.dma_semaphore, #tpu.memory_space<semaphore_mem>>)
    %add3A_800 = arith.constant 9840 : i32
    %add3A_801 = arith.addi %mul3A_2, %add3A_800 : i32
    %dma_start3A_802 = arith.constant 3 : i32
    %dma_start3A_803 = arith.constant 3 : i32
    %dma_start3A_804 = arith.constant 0 : i32
    %dma_start3A_805 = arith.constant 256 : i32
    %dma_start3A_806 = tpu.memref_slice %arg16[%dma_start3A_802, %dma_start3A_804, %dma_start3A_805] : memref<4x80x272xf32, #tpu.memory_space<vmem>> -> memref<1x80x16xf32, #tpu.memory_space<vmem>>
    %dma_start3A_807 = tpu.memref_squeeze %dma_start3A_806 : memref<1x80x16xf32, #tpu.memory_space<vmem>> -> memref<80x16xf32, #tpu.memory_space<vmem>>
    %dma_start3A_808 = arith.constant 0 : i32
    %dma_start3A_809 = tpu.memref_slice %arg3[%add3A_801, %dma_start3A_808] : memref<320000x16xf32, #tpu.memory_space<hbm>> -> memref<80x16xf32, #tpu.memory_space<hbm>>
    %dma_start3A_810 = tpu.memref_slice %arg18[%dma_start3A_803] : memref<4x!tpu.dma_semaphore, #tpu.memory_space<semaphore_mem>> -> memref<1x!tpu.dma_semaphore, #tpu.memory_space<semaphore_mem>>
    %dma_start3A_811 = tpu.memref_squeeze %dma_start3A_810 : memref<1x!tpu.dma_semaphore, #tpu.memory_space<semaphore_mem>> -> memref<!tpu.dma_semaphore, #tpu.memory_space<semaphore_mem>>
    %dma_start3A_812 = arith.constant 0 : i32
    %dma_start3A_813 = arith.constant 256 : i32
    %dma_start3A_814 = tpu.memref_slice %arg16[%dma_start3A_802, %dma_start3A_812, %dma_start3A_813] : memref<4x80x272xf32, #tpu.memory_space<vmem>> -> memref<1x80x16xf32, #tpu.memory_space<vmem>>
    %dma_start3A_815 = tpu.memref_squeeze %dma_start3A_814 : memref<1x80x16xf32, #tpu.memory_space<vmem>> -> memref<80x16xf32, #tpu.memory_space<vmem>>
    %dma_start3A_816 = arith.constant 0 : i32
    %dma_start3A_817 = tpu.memref_slice %arg3[%add3A_801, %dma_start3A_816] : memref<320000x16xf32, #tpu.memory_space<hbm>> -> memref<80x16xf32, #tpu.memory_space<hbm>>
    tpu.enqueue_dma source(%dma_start3A_817 : memref<80x16xf32, #tpu.memory_space<hbm>>) target(%dma_start3A_815 : memref<80x16xf32, #tpu.memory_space<vmem>>) target_semaphore(%dma_start3A_811 : memref<!tpu.dma_semaphore, #tpu.memory_space<semaphore_mem>>)
    %dma_wait3A_818 = arith.constant 1 : i32
    %dma_wait3A_819 = arith.constant 1 : i32
    %dma_wait3A_820 = arith.constant 0 : i32
    %dma_wait3A_821 = arith.constant 0 : i32
    %dma_wait3A_822 = tpu.memref_slice %arg16[%dma_wait3A_818, %dma_wait3A_820, %dma_wait3A_821] : memref<4x80x272xf32, #tpu.memory_space<vmem>> -> memref<1x80x128xf32, #tpu.memory_space<vmem>>
    %dma_wait3A_823 = tpu.memref_squeeze %dma_wait3A_822 : memref<1x80x128xf32, #tpu.memory_space<vmem>> -> memref<80x128xf32, #tpu.memory_space<vmem>>
    %dma_wait3A_824 = arith.constant 0 : i32
    %dma_wait3A_825 = arith.constant 0 : i32
    %dma_wait3A_826 = tpu.memref_slice %arg2[%dma_wait3A_824, %dma_wait3A_825] : memref<10000x128xf32, #tpu.memory_space<hbm>> -> memref<10000x128xf32, #tpu.memory_space<hbm>>
    %dma_wait3A_827 = tpu.memref_slice %arg18[%dma_wait3A_819] : memref<4x!tpu.dma_semaphore, #tpu.memory_space<semaphore_mem>> -> memref<1x!tpu.dma_semaphore, #tpu.memory_space<semaphore_mem>>
    %dma_wait3A_828 = tpu.memref_squeeze %dma_wait3A_827 : memref<1x!tpu.dma_semaphore, #tpu.memory_space<semaphore_mem>> -> memref<!tpu.dma_semaphore, #tpu.memory_space<semaphore_mem>>
    tpu.wait_indirect_dma semaphore(%dma_wait3A_828 : memref<!tpu.dma_semaphore, #tpu.memory_space<semaphore_mem>>) src(%dma_wait3A_826 : memref<10000x128xf32, #tpu.memory_space<hbm>>) dst(%dma_wait3A_823 : memref<80x128xf32, #tpu.memory_space<vmem>>)
    %dma_wait3A_829 = arith.constant 1 : i32
    %dma_wait3A_830 = arith.constant 1 : i32
    %dma_wait3A_831 = arith.constant 0 : i32
    %dma_wait3A_832 = arith.constant 128 : i32
    %dma_wait3A_833 = tpu.memref_slice %arg16[%dma_wait3A_829, %dma_wait3A_831, %dma_wait3A_832] : memref<4x80x272xf32, #tpu.memory_space<vmem>> -> memref<1x80x128xf32, #tpu.memory_space<vmem>>
    %dma_wait3A_834 = tpu.memref_squeeze %dma_wait3A_833 : memref<1x80x128xf32, #tpu.memory_space<vmem>> -> memref<80x128xf32, #tpu.memory_space<vmem>>
    %dma_wait3A_835 = arith.constant 0 : i32
    %dma_wait3A_836 = arith.constant 0 : i32
    %dma_wait3A_837 = tpu.memref_slice %arg2[%dma_wait3A_835, %dma_wait3A_836] : memref<10000x128xf32, #tpu.memory_space<hbm>> -> memref<10000x128xf32, #tpu.memory_space<hbm>>
    %dma_wait3A_838 = tpu.memref_slice %arg18[%dma_wait3A_830] : memref<4x!tpu.dma_semaphore, #tpu.memory_space<semaphore_mem>> -> memref<1x!tpu.dma_semaphore, #tpu.memory_space<semaphore_mem>>
    %dma_wait3A_839 = tpu.memref_squeeze %dma_wait3A_838 : memref<1x!tpu.dma_semaphore, #tpu.memory_space<semaphore_mem>> -> memref<!tpu.dma_semaphore, #tpu.memory_space<semaphore_mem>>
    tpu.wait_indirect_dma semaphore(%dma_wait3A_839 : memref<!tpu.dma_semaphore, #tpu.memory_space<semaphore_mem>>) src(%dma_wait3A_837 : memref<10000x128xf32, #tpu.memory_space<hbm>>) dst(%dma_wait3A_834 : memref<80x128xf32, #tpu.memory_space<vmem>>)
    %dma_wait3A_840 = arith.constant 1 : i32
    %dma_wait3A_841 = arith.constant 1 : i32
    %dma_wait3A_842 = arith.constant 0 : i32
    %dma_wait3A_843 = arith.constant 256 : i32
    %dma_wait3A_844 = tpu.memref_slice %arg16[%dma_wait3A_840, %dma_wait3A_842, %dma_wait3A_843] : memref<4x80x272xf32, #tpu.memory_space<vmem>> -> memref<1x80x16xf32, #tpu.memory_space<vmem>>
    %dma_wait3A_845 = tpu.memref_squeeze %dma_wait3A_844 : memref<1x80x16xf32, #tpu.memory_space<vmem>> -> memref<80x16xf32, #tpu.memory_space<vmem>>
    %dma_wait3A_846 = arith.constant 0 : i32
    %dma_wait3A_847 = tpu.memref_slice %arg3[%mul3A_2, %dma_wait3A_846] : memref<320000x16xf32, #tpu.memory_space<hbm>> -> memref<80x16xf32, #tpu.memory_space<hbm>>
    %dma_wait3A_848 = tpu.memref_slice %arg18[%dma_wait3A_841] : memref<4x!tpu.dma_semaphore, #tpu.memory_space<semaphore_mem>> -> memref<1x!tpu.dma_semaphore, #tpu.memory_space<semaphore_mem>>
    %dma_wait3A_849 = tpu.memref_squeeze %dma_wait3A_848 : memref<1x!tpu.dma_semaphore, #tpu.memory_space<semaphore_mem>> -> memref<!tpu.dma_semaphore, #tpu.memory_space<semaphore_mem>>
    %dma_wait3A_850 = arith.constant 0 : i32
    %dma_wait3A_851 = arith.constant 256 : i32
    %dma_wait3A_852 = tpu.memref_slice %arg16[%dma_wait3A_840, %dma_wait3A_850, %dma_wait3A_851] : memref<4x80x272xf32, #tpu.memory_space<vmem>> -> memref<1x80x16xf32, #tpu.memory_space<vmem>>
    %dma_wait3A_853 = tpu.memref_squeeze %dma_wait3A_852 : memref<1x80x16xf32, #tpu.memory_space<vmem>> -> memref<80x16xf32, #tpu.memory_space<vmem>>
    %dma_wait3A_854 = arith.constant 0 : i32
    %dma_wait3A_855 = tpu.memref_slice %arg3[%mul3A_2, %dma_wait3A_854] : memref<320000x16xf32, #tpu.memory_space<hbm>> -> memref<80x16xf32, #tpu.memory_space<hbm>>
    tpu.wait_dma2 semaphore(%dma_wait3A_849 : memref<!tpu.dma_semaphore, #tpu.memory_space<semaphore_mem>>) src(%dma_wait3A_855 : memref<80x16xf32, #tpu.memory_space<hbm>>) dst(%dma_wait3A_853 : memref<80x16xf32, #tpu.memory_space<vmem>>)
    %add3A_856 = arith.constant 9680 : i32
    %add3A_857 = arith.addi %mul3A_2, %add3A_856 : i32
    %dma_start3A_858 = arith.constant 1 : i32
    %dma_start3A_859 = arith.constant 1 : i32
    %dma_start3A_860 = arith.constant 0 : i32
    %dma_start3A_861 = arith.constant 0 : i32
    %dma_start3A_862 = tpu.memref_slice %arg16[%dma_start3A_858, %dma_start3A_860, %dma_start3A_861] : memref<4x80x272xf32, #tpu.memory_space<vmem>> -> memref<1x80x272xf32, #tpu.memory_space<vmem>>
    %dma_start3A_863 = tpu.memref_squeeze %dma_start3A_862 : memref<1x80x272xf32, #tpu.memory_space<vmem>> -> memref<80x272xf32, #tpu.memory_space<vmem>>
    %dma_start3A_864 = arith.constant 0 : i32
    %dma_start3A_865 = tpu.memref_slice %arg6[%add3A_857, %dma_start3A_864] : memref<320000x272xf32, #tpu.memory_space<hbm>> -> memref<80x272xf32, #tpu.memory_space<hbm>>
    %dma_start3A_866 = tpu.memref_slice %arg19[%dma_start3A_859] : memref<4x!tpu.dma_semaphore, #tpu.memory_space<semaphore_mem>> -> memref<1x!tpu.dma_semaphore, #tpu.memory_space<semaphore_mem>>
    %dma_start3A_867 = tpu.memref_squeeze %dma_start3A_866 : memref<1x!tpu.dma_semaphore, #tpu.memory_space<semaphore_mem>> -> memref<!tpu.dma_semaphore, #tpu.memory_space<semaphore_mem>>
    %dma_start3A_868 = arith.constant 0 : i32
    %dma_start3A_869 = tpu.memref_slice %arg6[%add3A_857, %dma_start3A_868] : memref<320000x272xf32, #tpu.memory_space<hbm>> -> memref<80x272xf32, #tpu.memory_space<hbm>>
    %dma_start3A_870 = arith.constant 0 : i32
    %dma_start3A_871 = arith.constant 0 : i32
    %dma_start3A_872 = tpu.memref_slice %arg16[%dma_start3A_858, %dma_start3A_870, %dma_start3A_871] : memref<4x80x272xf32, #tpu.memory_space<vmem>> -> memref<1x80x272xf32, #tpu.memory_space<vmem>>
    %dma_start3A_873 = tpu.memref_squeeze %dma_start3A_872 : memref<1x80x272xf32, #tpu.memory_space<vmem>> -> memref<80x272xf32, #tpu.memory_space<vmem>>
    tpu.enqueue_dma source(%dma_start3A_873 : memref<80x272xf32, #tpu.memory_space<vmem>>) target(%dma_start3A_869 : memref<80x272xf32, #tpu.memory_space<hbm>>) target_semaphore(%dma_start3A_867 : memref<!tpu.dma_semaphore, #tpu.memory_space<semaphore_mem>>)
    %dma_wait3A_874 = arith.constant 0 : i32
    %dma_wait3A_875 = arith.constant 0 : i32
    %dma_wait3A_876 = arith.constant 0 : i32
    %dma_wait3A_877 = arith.constant 0 : i32
    %dma_wait3A_878 = tpu.memref_slice %arg16[%dma_wait3A_874, %dma_wait3A_876, %dma_wait3A_877] : memref<4x80x272xf32, #tpu.memory_space<vmem>> -> memref<1x80x272xf32, #tpu.memory_space<vmem>>
    %dma_wait3A_879 = tpu.memref_squeeze %dma_wait3A_878 : memref<1x80x272xf32, #tpu.memory_space<vmem>> -> memref<80x272xf32, #tpu.memory_space<vmem>>
    %dma_wait3A_880 = arith.constant 0 : i32
    %dma_wait3A_881 = tpu.memref_slice %arg6[%mul3A_2, %dma_wait3A_880] : memref<320000x272xf32, #tpu.memory_space<hbm>> -> memref<80x272xf32, #tpu.memory_space<hbm>>
    %dma_wait3A_882 = tpu.memref_slice %arg19[%dma_wait3A_875] : memref<4x!tpu.dma_semaphore, #tpu.memory_space<semaphore_mem>> -> memref<1x!tpu.dma_semaphore, #tpu.memory_space<semaphore_mem>>
    %dma_wait3A_883 = tpu.memref_squeeze %dma_wait3A_882 : memref<1x!tpu.dma_semaphore, #tpu.memory_space<semaphore_mem>> -> memref<!tpu.dma_semaphore, #tpu.memory_space<semaphore_mem>>
    %dma_wait3A_884 = arith.constant 0 : i32
    %dma_wait3A_885 = tpu.memref_slice %arg6[%mul3A_2, %dma_wait3A_884] : memref<320000x272xf32, #tpu.memory_space<hbm>> -> memref<80x272xf32, #tpu.memory_space<hbm>>
    %dma_wait3A_886 = arith.constant 0 : i32
    %dma_wait3A_887 = arith.constant 0 : i32
    %dma_wait3A_888 = tpu.memref_slice %arg16[%dma_wait3A_874, %dma_wait3A_886, %dma_wait3A_887] : memref<4x80x272xf32, #tpu.memory_space<vmem>> -> memref<1x80x272xf32, #tpu.memory_space<vmem>>
    %dma_wait3A_889 = tpu.memref_squeeze %dma_wait3A_888 : memref<1x80x272xf32, #tpu.memory_space<vmem>> -> memref<80x272xf32, #tpu.memory_space<vmem>>
    tpu.wait_dma2 semaphore(%dma_wait3A_883 : memref<!tpu.dma_semaphore, #tpu.memory_space<semaphore_mem>>) src(%dma_wait3A_889 : memref<80x272xf32, #tpu.memory_space<vmem>>) dst(%dma_wait3A_885 : memref<80x272xf32, #tpu.memory_space<hbm>>)
    %dma_wait3A_890 = arith.constant 0 : i32
    %dma_wait3A_891 = tpu.memref_slice %arg4[%mul3A_2] : memref<320000xi32, #tpu.memory_space<hbm>> -> memref<160xi32, #tpu.memory_space<hbm>>
    %dma_wait3A_892 = tpu.memref_slice %arg17[%dma_wait3A_890] : memref<4x!tpu.dma_semaphore, #tpu.memory_space<semaphore_mem>> -> memref<1x!tpu.dma_semaphore, #tpu.memory_space<semaphore_mem>>
    %dma_wait3A_893 = tpu.memref_squeeze %dma_wait3A_892 : memref<1x!tpu.dma_semaphore, #tpu.memory_space<semaphore_mem>> -> memref<!tpu.dma_semaphore, #tpu.memory_space<semaphore_mem>>
    %dma_wait3A_894 = tpu.memref_slice %arg4[%mul3A_2] : memref<320000xi32, #tpu.memory_space<hbm>> -> memref<160xi32, #tpu.memory_space<hbm>>
    tpu.wait_dma2 semaphore(%dma_wait3A_893 : memref<!tpu.dma_semaphore, #tpu.memory_space<semaphore_mem>>) src(%dma_wait3A_894 : memref<160xi32, #tpu.memory_space<hbm>>) dst(%arg15 : memref<160xi32, #tpu.memory_space<vmem>>)
    %dma_start3A_895 = arith.constant 0 : i32
    %dma_start3A_896 = arith.constant 0 : i32
    %dma_start3A_897 = arith.constant 0 : i32
    %dma_start3A_898 = arith.constant 0 : i32
    %dma_start3A_899 = tpu.memref_slice %arg16[%dma_start3A_895, %dma_start3A_897, %dma_start3A_898] : memref<4x80x272xf32, #tpu.memory_space<vmem>> -> memref<1x80x128xf32, #tpu.memory_space<vmem>>
    %dma_start3A_900 = tpu.memref_squeeze %dma_start3A_899 : memref<1x80x128xf32, #tpu.memory_space<vmem>> -> memref<80x128xf32, #tpu.memory_space<vmem>>
    %dma_start3A_901 = arith.constant 0 : i32
    %dma_start3A_902 = arith.constant 0 : i32
    %dma_start3A_903 = tpu.memref_slice %arg2[%dma_start3A_901, %dma_start3A_902] : memref<10000x128xf32, #tpu.memory_space<hbm>> -> memref<10000x128xf32, #tpu.memory_space<hbm>>
    %dma_start3A_904 = tpu.memref_slice %arg18[%dma_start3A_896] : memref<4x!tpu.dma_semaphore, #tpu.memory_space<semaphore_mem>> -> memref<1x!tpu.dma_semaphore, #tpu.memory_space<semaphore_mem>>
    %dma_start3A_905 = tpu.memref_squeeze %dma_start3A_904 : memref<1x!tpu.dma_semaphore, #tpu.memory_space<semaphore_mem>> -> memref<!tpu.dma_semaphore, #tpu.memory_space<semaphore_mem>>
    tpu.enqueue_indirect_dma source(%dma_start3A_903 : memref<10000x128xf32, #tpu.memory_space<hbm>>) target(%dma_start3A_900 : memref<80x128xf32, #tpu.memory_space<vmem>>) offsets(%arg7 : memref<80xi32, #tpu.memory_space<vmem>>) semaphore(%dma_start3A_905 : memref<!tpu.dma_semaphore, #tpu.memory_space<semaphore_mem>>)
    %dma_start3A_906 = arith.constant 0 : i32
    %dma_start3A_907 = arith.constant 0 : i32
    %dma_start3A_908 = arith.constant 0 : i32
    %dma_start3A_909 = arith.constant 128 : i32
    %dma_start3A_910 = tpu.memref_slice %arg16[%dma_start3A_906, %dma_start3A_908, %dma_start3A_909] : memref<4x80x272xf32, #tpu.memory_space<vmem>> -> memref<1x80x128xf32, #tpu.memory_space<vmem>>
    %dma_start3A_911 = tpu.memref_squeeze %dma_start3A_910 : memref<1x80x128xf32, #tpu.memory_space<vmem>> -> memref<80x128xf32, #tpu.memory_space<vmem>>
    %dma_start3A_912 = arith.constant 0 : i32
    %dma_start3A_913 = arith.constant 0 : i32
    %dma_start3A_914 = tpu.memref_slice %arg2[%dma_start3A_912, %dma_start3A_913] : memref<10000x128xf32, #tpu.memory_space<hbm>> -> memref<10000x128xf32, #tpu.memory_space<hbm>>
    %dma_start3A_915 = tpu.memref_slice %arg18[%dma_start3A_907] : memref<4x!tpu.dma_semaphore, #tpu.memory_space<semaphore_mem>> -> memref<1x!tpu.dma_semaphore, #tpu.memory_space<semaphore_mem>>
    %dma_start3A_916 = tpu.memref_squeeze %dma_start3A_915 : memref<1x!tpu.dma_semaphore, #tpu.memory_space<semaphore_mem>> -> memref<!tpu.dma_semaphore, #tpu.memory_space<semaphore_mem>>
    tpu.enqueue_indirect_dma source(%dma_start3A_914 : memref<10000x128xf32, #tpu.memory_space<hbm>>) target(%dma_start3A_911 : memref<80x128xf32, #tpu.memory_space<vmem>>) offsets(%arg11 : memref<80xi32, #tpu.memory_space<vmem>>) semaphore(%dma_start3A_916 : memref<!tpu.dma_semaphore, #tpu.memory_space<semaphore_mem>>)
    %add3A_917 = arith.constant 9920 : i32
    %add3A_918 = arith.addi %mul3A_2, %add3A_917 : i32
    %dma_start3A_919 = arith.constant 0 : i32
    %dma_start3A_920 = arith.constant 0 : i32
    %dma_start3A_921 = arith.constant 0 : i32
    %dma_start3A_922 = arith.constant 256 : i32
    %dma_start3A_923 = tpu.memref_slice %arg16[%dma_start3A_919, %dma_start3A_921, %dma_start3A_922] : memref<4x80x272xf32, #tpu.memory_space<vmem>> -> memref<1x80x16xf32, #tpu.memory_space<vmem>>
    %dma_start3A_924 = tpu.memref_squeeze %dma_start3A_923 : memref<1x80x16xf32, #tpu.memory_space<vmem>> -> memref<80x16xf32, #tpu.memory_space<vmem>>
    %dma_start3A_925 = arith.constant 0 : i32
    %dma_start3A_926 = tpu.memref_slice %arg3[%add3A_918, %dma_start3A_925] : memref<320000x16xf32, #tpu.memory_space<hbm>> -> memref<80x16xf32, #tpu.memory_space<hbm>>
    %dma_start3A_927 = tpu.memref_slice %arg18[%dma_start3A_920] : memref<4x!tpu.dma_semaphore, #tpu.memory_space<semaphore_mem>> -> memref<1x!tpu.dma_semaphore, #tpu.memory_space<semaphore_mem>>
    %dma_start3A_928 = tpu.memref_squeeze %dma_start3A_927 : memref<1x!tpu.dma_semaphore, #tpu.memory_space<semaphore_mem>> -> memref<!tpu.dma_semaphore, #tpu.memory_space<semaphore_mem>>
    %dma_start3A_929 = arith.constant 0 : i32
    %dma_start3A_930 = arith.constant 256 : i32
    %dma_start3A_931 = tpu.memref_slice %arg16[%dma_start3A_919, %dma_start3A_929, %dma_start3A_930] : memref<4x80x272xf32, #tpu.memory_space<vmem>> -> memref<1x80x16xf32, #tpu.memory_space<vmem>>
    %dma_start3A_932 = tpu.memref_squeeze %dma_start3A_931 : memref<1x80x16xf32, #tpu.memory_space<vmem>> -> memref<80x16xf32, #tpu.memory_space<vmem>>
    %dma_start3A_933 = arith.constant 0 : i32
    %dma_start3A_934 = tpu.memref_slice %arg3[%add3A_918, %dma_start3A_933] : memref<320000x16xf32, #tpu.memory_space<hbm>> -> memref<80x16xf32, #tpu.memory_space<hbm>>
    tpu.enqueue_dma source(%dma_start3A_934 : memref<80x16xf32, #tpu.memory_space<hbm>>) target(%dma_start3A_932 : memref<80x16xf32, #tpu.memory_space<vmem>>) target_semaphore(%dma_start3A_928 : memref<!tpu.dma_semaphore, #tpu.memory_space<semaphore_mem>>)
    %dma_wait3A_935 = arith.constant 2 : i32
    %dma_wait3A_936 = arith.constant 2 : i32
    %dma_wait3A_937 = arith.constant 0 : i32
    %dma_wait3A_938 = arith.constant 0 : i32
    %dma_wait3A_939 = tpu.memref_slice %arg16[%dma_wait3A_935, %dma_wait3A_937, %dma_wait3A_938] : memref<4x80x272xf32, #tpu.memory_space<vmem>> -> memref<1x80x128xf32, #tpu.memory_space<vmem>>
    %dma_wait3A_940 = tpu.memref_squeeze %dma_wait3A_939 : memref<1x80x128xf32, #tpu.memory_space<vmem>> -> memref<80x128xf32, #tpu.memory_space<vmem>>
    %dma_wait3A_941 = arith.constant 0 : i32
    %dma_wait3A_942 = arith.constant 0 : i32
    %dma_wait3A_943 = tpu.memref_slice %arg2[%dma_wait3A_941, %dma_wait3A_942] : memref<10000x128xf32, #tpu.memory_space<hbm>> -> memref<10000x128xf32, #tpu.memory_space<hbm>>
    %dma_wait3A_944 = tpu.memref_slice %arg18[%dma_wait3A_936] : memref<4x!tpu.dma_semaphore, #tpu.memory_space<semaphore_mem>> -> memref<1x!tpu.dma_semaphore, #tpu.memory_space<semaphore_mem>>
    %dma_wait3A_945 = tpu.memref_squeeze %dma_wait3A_944 : memref<1x!tpu.dma_semaphore, #tpu.memory_space<semaphore_mem>> -> memref<!tpu.dma_semaphore, #tpu.memory_space<semaphore_mem>>
    tpu.wait_indirect_dma semaphore(%dma_wait3A_945 : memref<!tpu.dma_semaphore, #tpu.memory_space<semaphore_mem>>) src(%dma_wait3A_943 : memref<10000x128xf32, #tpu.memory_space<hbm>>) dst(%dma_wait3A_940 : memref<80x128xf32, #tpu.memory_space<vmem>>)
    %dma_wait3A_946 = arith.constant 2 : i32
    %dma_wait3A_947 = arith.constant 2 : i32
    %dma_wait3A_948 = arith.constant 0 : i32
    %dma_wait3A_949 = arith.constant 128 : i32
    %dma_wait3A_950 = tpu.memref_slice %arg16[%dma_wait3A_946, %dma_wait3A_948, %dma_wait3A_949] : memref<4x80x272xf32, #tpu.memory_space<vmem>> -> memref<1x80x128xf32, #tpu.memory_space<vmem>>
    %dma_wait3A_951 = tpu.memref_squeeze %dma_wait3A_950 : memref<1x80x128xf32, #tpu.memory_space<vmem>> -> memref<80x128xf32, #tpu.memory_space<vmem>>
    %dma_wait3A_952 = arith.constant 0 : i32
    %dma_wait3A_953 = arith.constant 0 : i32
    %dma_wait3A_954 = tpu.memref_slice %arg2[%dma_wait3A_952, %dma_wait3A_953] : memref<10000x128xf32, #tpu.memory_space<hbm>> -> memref<10000x128xf32, #tpu.memory_space<hbm>>
    %dma_wait3A_955 = tpu.memref_slice %arg18[%dma_wait3A_947] : memref<4x!tpu.dma_semaphore, #tpu.memory_space<semaphore_mem>> -> memref<1x!tpu.dma_semaphore, #tpu.memory_space<semaphore_mem>>
    %dma_wait3A_956 = tpu.memref_squeeze %dma_wait3A_955 : memref<1x!tpu.dma_semaphore, #tpu.memory_space<semaphore_mem>> -> memref<!tpu.dma_semaphore, #tpu.memory_space<semaphore_mem>>
    tpu.wait_indirect_dma semaphore(%dma_wait3A_956 : memref<!tpu.dma_semaphore, #tpu.memory_space<semaphore_mem>>) src(%dma_wait3A_954 : memref<10000x128xf32, #tpu.memory_space<hbm>>) dst(%dma_wait3A_951 : memref<80x128xf32, #tpu.memory_space<vmem>>)
    %dma_wait3A_957 = arith.constant 2 : i32
    %dma_wait3A_958 = arith.constant 2 : i32
    %dma_wait3A_959 = arith.constant 0 : i32
    %dma_wait3A_960 = arith.constant 256 : i32
    %dma_wait3A_961 = tpu.memref_slice %arg16[%dma_wait3A_957, %dma_wait3A_959, %dma_wait3A_960] : memref<4x80x272xf32, #tpu.memory_space<vmem>> -> memref<1x80x16xf32, #tpu.memory_space<vmem>>
    %dma_wait3A_962 = tpu.memref_squeeze %dma_wait3A_961 : memref<1x80x16xf32, #tpu.memory_space<vmem>> -> memref<80x16xf32, #tpu.memory_space<vmem>>
    %dma_wait3A_963 = arith.constant 0 : i32
    %dma_wait3A_964 = tpu.memref_slice %arg3[%mul3A_2, %dma_wait3A_963] : memref<320000x16xf32, #tpu.memory_space<hbm>> -> memref<80x16xf32, #tpu.memory_space<hbm>>
    %dma_wait3A_965 = tpu.memref_slice %arg18[%dma_wait3A_958] : memref<4x!tpu.dma_semaphore, #tpu.memory_space<semaphore_mem>> -> memref<1x!tpu.dma_semaphore, #tpu.memory_space<semaphore_mem>>
    %dma_wait3A_966 = tpu.memref_squeeze %dma_wait3A_965 : memref<1x!tpu.dma_semaphore, #tpu.memory_space<semaphore_mem>> -> memref<!tpu.dma_semaphore, #tpu.memory_space<semaphore_mem>>
    %dma_wait3A_967 = arith.constant 0 : i32
    %dma_wait3A_968 = arith.constant 256 : i32
    %dma_wait3A_969 = tpu.memref_slice %arg16[%dma_wait3A_957, %dma_wait3A_967, %dma_wait3A_968] : memref<4x80x272xf32, #tpu.memory_space<vmem>> -> memref<1x80x16xf32, #tpu.memory_space<vmem>>
    %dma_wait3A_970 = tpu.memref_squeeze %dma_wait3A_969 : memref<1x80x16xf32, #tpu.memory_space<vmem>> -> memref<80x16xf32, #tpu.memory_space<vmem>>
    %dma_wait3A_971 = arith.constant 0 : i32
    %dma_wait3A_972 = tpu.memref_slice %arg3[%mul3A_2, %dma_wait3A_971] : memref<320000x16xf32, #tpu.memory_space<hbm>> -> memref<80x16xf32, #tpu.memory_space<hbm>>
    tpu.wait_dma2 semaphore(%dma_wait3A_966 : memref<!tpu.dma_semaphore, #tpu.memory_space<semaphore_mem>>) src(%dma_wait3A_972 : memref<80x16xf32, #tpu.memory_space<hbm>>) dst(%dma_wait3A_970 : memref<80x16xf32, #tpu.memory_space<vmem>>)
    %add3A_973 = arith.constant 9760 : i32
    %add3A_974 = arith.addi %mul3A_2, %add3A_973 : i32
    %dma_start3A_975 = arith.constant 2 : i32
    %dma_start3A_976 = arith.constant 2 : i32
    %dma_start3A_977 = arith.constant 0 : i32
    %dma_start3A_978 = arith.constant 0 : i32
    %dma_start3A_979 = tpu.memref_slice %arg16[%dma_start3A_975, %dma_start3A_977, %dma_start3A_978] : memref<4x80x272xf32, #tpu.memory_space<vmem>> -> memref<1x80x272xf32, #tpu.memory_space<vmem>>
    %dma_start3A_980 = tpu.memref_squeeze %dma_start3A_979 : memref<1x80x272xf32, #tpu.memory_space<vmem>> -> memref<80x272xf32, #tpu.memory_space<vmem>>
    %dma_start3A_981 = arith.constant 0 : i32
    %dma_start3A_982 = tpu.memref_slice %arg6[%add3A_974, %dma_start3A_981] : memref<320000x272xf32, #tpu.memory_space<hbm>> -> memref<80x272xf32, #tpu.memory_space<hbm>>
    %dma_start3A_983 = tpu.memref_slice %arg19[%dma_start3A_976] : memref<4x!tpu.dma_semaphore, #tpu.memory_space<semaphore_mem>> -> memref<1x!tpu.dma_semaphore, #tpu.memory_space<semaphore_mem>>
    %dma_start3A_984 = tpu.memref_squeeze %dma_start3A_983 : memref<1x!tpu.dma_semaphore, #tpu.memory_space<semaphore_mem>> -> memref<!tpu.dma_semaphore, #tpu.memory_space<semaphore_mem>>
    %dma_start3A_985 = arith.constant 0 : i32
    %dma_start3A_986 = tpu.memref_slice %arg6[%add3A_974, %dma_start3A_985] : memref<320000x272xf32, #tpu.memory_space<hbm>> -> memref<80x272xf32, #tpu.memory_space<hbm>>
    %dma_start3A_987 = arith.constant 0 : i32
    %dma_start3A_988 = arith.constant 0 : i32
    %dma_start3A_989 = tpu.memref_slice %arg16[%dma_start3A_975, %dma_start3A_987, %dma_start3A_988] : memref<4x80x272xf32, #tpu.memory_space<vmem>> -> memref<1x80x272xf32, #tpu.memory_space<vmem>>
    %dma_start3A_990 = tpu.memref_squeeze %dma_start3A_989 : memref<1x80x272xf32, #tpu.memory_space<vmem>> -> memref<80x272xf32, #tpu.memory_space<vmem>>
    tpu.enqueue_dma source(%dma_start3A_990 : memref<80x272xf32, #tpu.memory_space<vmem>>) target(%dma_start3A_986 : memref<80x272xf32, #tpu.memory_space<hbm>>) target_semaphore(%dma_start3A_984 : memref<!tpu.dma_semaphore, #tpu.memory_space<semaphore_mem>>)
    %dma_wait3A_991 = arith.constant 1 : i32
    %dma_wait3A_992 = arith.constant 1 : i32
    %dma_wait3A_993 = arith.constant 0 : i32
    %dma_wait3A_994 = arith.constant 0 : i32
    %dma_wait3A_995 = tpu.memref_slice %arg16[%dma_wait3A_991, %dma_wait3A_993, %dma_wait3A_994] : memref<4x80x272xf32, #tpu.memory_space<vmem>> -> memref<1x80x272xf32, #tpu.memory_space<vmem>>
    %dma_wait3A_996 = tpu.memref_squeeze %dma_wait3A_995 : memref<1x80x272xf32, #tpu.memory_space<vmem>> -> memref<80x272xf32, #tpu.memory_space<vmem>>
    %dma_wait3A_997 = arith.constant 0 : i32
    %dma_wait3A_998 = tpu.memref_slice %arg6[%mul3A_2, %dma_wait3A_997] : memref<320000x272xf32, #tpu.memory_space<hbm>> -> memref<80x272xf32, #tpu.memory_space<hbm>>
    %dma_wait3A_999 = tpu.memref_slice %arg19[%dma_wait3A_992] : memref<4x!tpu.dma_semaphore, #tpu.memory_space<semaphore_mem>> -> memref<1x!tpu.dma_semaphore, #tpu.memory_space<semaphore_mem>>
    %dma_wait3A_1000 = tpu.memref_squeeze %dma_wait3A_999 : memref<1x!tpu.dma_semaphore, #tpu.memory_space<semaphore_mem>> -> memref<!tpu.dma_semaphore, #tpu.memory_space<semaphore_mem>>
    %dma_wait3A_1001 = arith.constant 0 : i32
    %dma_wait3A_1002 = tpu.memref_slice %arg6[%mul3A_2, %dma_wait3A_1001] : memref<320000x272xf32, #tpu.memory_space<hbm>> -> memref<80x272xf32, #tpu.memory_space<hbm>>
    %dma_wait3A_1003 = arith.constant 0 : i32
    %dma_wait3A_1004 = arith.constant 0 : i32
    %dma_wait3A_1005 = tpu.memref_slice %arg16[%dma_wait3A_991, %dma_wait3A_1003, %dma_wait3A_1004] : memref<4x80x272xf32, #tpu.memory_space<vmem>> -> memref<1x80x272xf32, #tpu.memory_space<vmem>>
    %dma_wait3A_1006 = tpu.memref_squeeze %dma_wait3A_1005 : memref<1x80x272xf32, #tpu.memory_space<vmem>> -> memref<80x272xf32, #tpu.memory_space<vmem>>
    tpu.wait_dma2 semaphore(%dma_wait3A_1000 : memref<!tpu.dma_semaphore, #tpu.memory_space<semaphore_mem>>) src(%dma_wait3A_1006 : memref<80x272xf32, #tpu.memory_space<vmem>>) dst(%dma_wait3A_1002 : memref<80x272xf32, #tpu.memory_space<hbm>>)
    %dma_wait3A_1007 = arith.constant 3 : i32
    %dma_wait3A_1008 = arith.constant 3 : i32
    %dma_wait3A_1009 = arith.constant 0 : i32
    %dma_wait3A_1010 = arith.constant 0 : i32
    %dma_wait3A_1011 = tpu.memref_slice %arg16[%dma_wait3A_1007, %dma_wait3A_1009, %dma_wait3A_1010] : memref<4x80x272xf32, #tpu.memory_space<vmem>> -> memref<1x80x128xf32, #tpu.memory_space<vmem>>
    %dma_wait3A_1012 = tpu.memref_squeeze %dma_wait3A_1011 : memref<1x80x128xf32, #tpu.memory_space<vmem>> -> memref<80x128xf32, #tpu.memory_space<vmem>>
    %dma_wait3A_1013 = arith.constant 0 : i32
    %dma_wait3A_1014 = arith.constant 0 : i32
    %dma_wait3A_1015 = tpu.memref_slice %arg2[%dma_wait3A_1013, %dma_wait3A_1014] : memref<10000x128xf32, #tpu.memory_space<hbm>> -> memref<10000x128xf32, #tpu.memory_space<hbm>>
    %dma_wait3A_1016 = tpu.memref_slice %arg18[%dma_wait3A_1008] : memref<4x!tpu.dma_semaphore, #tpu.memory_space<semaphore_mem>> -> memref<1x!tpu.dma_semaphore, #tpu.memory_space<semaphore_mem>>
    %dma_wait3A_1017 = tpu.memref_squeeze %dma_wait3A_1016 : memref<1x!tpu.dma_semaphore, #tpu.memory_space<semaphore_mem>> -> memref<!tpu.dma_semaphore, #tpu.memory_space<semaphore_mem>>
    tpu.wait_indirect_dma semaphore(%dma_wait3A_1017 : memref<!tpu.dma_semaphore, #tpu.memory_space<semaphore_mem>>) src(%dma_wait3A_1015 : memref<10000x128xf32, #tpu.memory_space<hbm>>) dst(%dma_wait3A_1012 : memref<80x128xf32, #tpu.memory_space<vmem>>)
    %dma_wait3A_1018 = arith.constant 3 : i32
    %dma_wait3A_1019 = arith.constant 3 : i32
    %dma_wait3A_1020 = arith.constant 0 : i32
    %dma_wait3A_1021 = arith.constant 128 : i32
    %dma_wait3A_1022 = tpu.memref_slice %arg16[%dma_wait3A_1018, %dma_wait3A_1020, %dma_wait3A_1021] : memref<4x80x272xf32, #tpu.memory_space<vmem>> -> memref<1x80x128xf32, #tpu.memory_space<vmem>>
    %dma_wait3A_1023 = tpu.memref_squeeze %dma_wait3A_1022 : memref<1x80x128xf32, #tpu.memory_space<vmem>> -> memref<80x128xf32, #tpu.memory_space<vmem>>
    %dma_wait3A_1024 = arith.constant 0 : i32
    %dma_wait3A_1025 = arith.constant 0 : i32
    %dma_wait3A_1026 = tpu.memref_slice %arg2[%dma_wait3A_1024, %dma_wait3A_1025] : memref<10000x128xf32, #tpu.memory_space<hbm>> -> memref<10000x128xf32, #tpu.memory_space<hbm>>
    %dma_wait3A_1027 = tpu.memref_slice %arg18[%dma_wait3A_1019] : memref<4x!tpu.dma_semaphore, #tpu.memory_space<semaphore_mem>> -> memref<1x!tpu.dma_semaphore, #tpu.memory_space<semaphore_mem>>
    %dma_wait3A_1028 = tpu.memref_squeeze %dma_wait3A_1027 : memref<1x!tpu.dma_semaphore, #tpu.memory_space<semaphore_mem>> -> memref<!tpu.dma_semaphore, #tpu.memory_space<semaphore_mem>>
    tpu.wait_indirect_dma semaphore(%dma_wait3A_1028 : memref<!tpu.dma_semaphore, #tpu.memory_space<semaphore_mem>>) src(%dma_wait3A_1026 : memref<10000x128xf32, #tpu.memory_space<hbm>>) dst(%dma_wait3A_1023 : memref<80x128xf32, #tpu.memory_space<vmem>>)
    %dma_wait3A_1029 = arith.constant 3 : i32
    %dma_wait3A_1030 = arith.constant 3 : i32
    %dma_wait3A_1031 = arith.constant 0 : i32
    %dma_wait3A_1032 = arith.constant 256 : i32
    %dma_wait3A_1033 = tpu.memref_slice %arg16[%dma_wait3A_1029, %dma_wait3A_1031, %dma_wait3A_1032] : memref<4x80x272xf32, #tpu.memory_space<vmem>> -> memref<1x80x16xf32, #tpu.memory_space<vmem>>
    %dma_wait3A_1034 = tpu.memref_squeeze %dma_wait3A_1033 : memref<1x80x16xf32, #tpu.memory_space<vmem>> -> memref<80x16xf32, #tpu.memory_space<vmem>>
    %dma_wait3A_1035 = arith.constant 0 : i32
    %dma_wait3A_1036 = tpu.memref_slice %arg3[%mul3A_2, %dma_wait3A_1035] : memref<320000x16xf32, #tpu.memory_space<hbm>> -> memref<80x16xf32, #tpu.memory_space<hbm>>
    %dma_wait3A_1037 = tpu.memref_slice %arg18[%dma_wait3A_1030] : memref<4x!tpu.dma_semaphore, #tpu.memory_space<semaphore_mem>> -> memref<1x!tpu.dma_semaphore, #tpu.memory_space<semaphore_mem>>
    %dma_wait3A_1038 = tpu.memref_squeeze %dma_wait3A_1037 : memref<1x!tpu.dma_semaphore, #tpu.memory_space<semaphore_mem>> -> memref<!tpu.dma_semaphore, #tpu.memory_space<semaphore_mem>>
    %dma_wait3A_1039 = arith.constant 0 : i32
    %dma_wait3A_1040 = arith.constant 256 : i32
    %dma_wait3A_1041 = tpu.memref_slice %arg16[%dma_wait3A_1029, %dma_wait3A_1039, %dma_wait3A_1040] : memref<4x80x272xf32, #tpu.memory_space<vmem>> -> memref<1x80x16xf32, #tpu.memory_space<vmem>>
    %dma_wait3A_1042 = tpu.memref_squeeze %dma_wait3A_1041 : memref<1x80x16xf32, #tpu.memory_space<vmem>> -> memref<80x16xf32, #tpu.memory_space<vmem>>
    %dma_wait3A_1043 = arith.constant 0 : i32
    %dma_wait3A_1044 = tpu.memref_slice %arg3[%mul3A_2, %dma_wait3A_1043] : memref<320000x16xf32, #tpu.memory_space<hbm>> -> memref<80x16xf32, #tpu.memory_space<hbm>>
    tpu.wait_dma2 semaphore(%dma_wait3A_1038 : memref<!tpu.dma_semaphore, #tpu.memory_space<semaphore_mem>>) src(%dma_wait3A_1044 : memref<80x16xf32, #tpu.memory_space<hbm>>) dst(%dma_wait3A_1042 : memref<80x16xf32, #tpu.memory_space<vmem>>)
    %add3A_1045 = arith.constant 9840 : i32
    %add3A_1046 = arith.addi %mul3A_2, %add3A_1045 : i32
    %dma_start3A_1047 = arith.constant 3 : i32
    %dma_start3A_1048 = arith.constant 3 : i32
    %dma_start3A_1049 = arith.constant 0 : i32
    %dma_start3A_1050 = arith.constant 0 : i32
    %dma_start3A_1051 = tpu.memref_slice %arg16[%dma_start3A_1047, %dma_start3A_1049, %dma_start3A_1050] : memref<4x80x272xf32, #tpu.memory_space<vmem>> -> memref<1x80x272xf32, #tpu.memory_space<vmem>>
    %dma_start3A_1052 = tpu.memref_squeeze %dma_start3A_1051 : memref<1x80x272xf32, #tpu.memory_space<vmem>> -> memref<80x272xf32, #tpu.memory_space<vmem>>
    %dma_start3A_1053 = arith.constant 0 : i32
    %dma_start3A_1054 = tpu.memref_slice %arg6[%add3A_1046, %dma_start3A_1053] : memref<320000x272xf32, #tpu.memory_space<hbm>> -> memref<80x272xf32, #tpu.memory_space<hbm>>
    %dma_start3A_1055 = tpu.memref_slice %arg19[%dma_start3A_1048] : memref<4x!tpu.dma_semaphore, #tpu.memory_space<semaphore_mem>> -> memref<1x!tpu.dma_semaphore, #tpu.memory_space<semaphore_mem>>
    %dma_start3A_1056 = tpu.memref_squeeze %dma_start3A_1055 : memref<1x!tpu.dma_semaphore, #tpu.memory_space<semaphore_mem>> -> memref<!tpu.dma_semaphore, #tpu.memory_space<semaphore_mem>>
    %dma_start3A_1057 = arith.constant 0 : i32
    %dma_start3A_1058 = tpu.memref_slice %arg6[%add3A_1046, %dma_start3A_1057] : memref<320000x272xf32, #tpu.memory_space<hbm>> -> memref<80x272xf32, #tpu.memory_space<hbm>>
    %dma_start3A_1059 = arith.constant 0 : i32
    %dma_start3A_1060 = arith.constant 0 : i32
    %dma_start3A_1061 = tpu.memref_slice %arg16[%dma_start3A_1047, %dma_start3A_1059, %dma_start3A_1060] : memref<4x80x272xf32, #tpu.memory_space<vmem>> -> memref<1x80x272xf32, #tpu.memory_space<vmem>>
    %dma_start3A_1062 = tpu.memref_squeeze %dma_start3A_1061 : memref<1x80x272xf32, #tpu.memory_space<vmem>> -> memref<80x272xf32, #tpu.memory_space<vmem>>
    tpu.enqueue_dma source(%dma_start3A_1062 : memref<80x272xf32, #tpu.memory_space<vmem>>) target(%dma_start3A_1058 : memref<80x272xf32, #tpu.memory_space<hbm>>) target_semaphore(%dma_start3A_1056 : memref<!tpu.dma_semaphore, #tpu.memory_space<semaphore_mem>>)
    %dma_wait3A_1063 = arith.constant 2 : i32
    %dma_wait3A_1064 = arith.constant 2 : i32
    %dma_wait3A_1065 = arith.constant 0 : i32
    %dma_wait3A_1066 = arith.constant 0 : i32
    %dma_wait3A_1067 = tpu.memref_slice %arg16[%dma_wait3A_1063, %dma_wait3A_1065, %dma_wait3A_1066] : memref<4x80x272xf32, #tpu.memory_space<vmem>> -> memref<1x80x272xf32, #tpu.memory_space<vmem>>
    %dma_wait3A_1068 = tpu.memref_squeeze %dma_wait3A_1067 : memref<1x80x272xf32, #tpu.memory_space<vmem>> -> memref<80x272xf32, #tpu.memory_space<vmem>>
    %dma_wait3A_1069 = arith.constant 0 : i32
    %dma_wait3A_1070 = tpu.memref_slice %arg6[%mul3A_2, %dma_wait3A_1069] : memref<320000x272xf32, #tpu.memory_space<hbm>> -> memref<80x272xf32, #tpu.memory_space<hbm>>
    %dma_wait3A_1071 = tpu.memref_slice %arg19[%dma_wait3A_1064] : memref<4x!tpu.dma_semaphore, #tpu.memory_space<semaphore_mem>> -> memref<1x!tpu.dma_semaphore, #tpu.memory_space<semaphore_mem>>
    %dma_wait3A_1072 = tpu.memref_squeeze %dma_wait3A_1071 : memref<1x!tpu.dma_semaphore, #tpu.memory_space<semaphore_mem>> -> memref<!tpu.dma_semaphore, #tpu.memory_space<semaphore_mem>>
    %dma_wait3A_1073 = arith.constant 0 : i32
    %dma_wait3A_1074 = tpu.memref_slice %arg6[%mul3A_2, %dma_wait3A_1073] : memref<320000x272xf32, #tpu.memory_space<hbm>> -> memref<80x272xf32, #tpu.memory_space<hbm>>
    %dma_wait3A_1075 = arith.constant 0 : i32
    %dma_wait3A_1076 = arith.constant 0 : i32
    %dma_wait3A_1077 = tpu.memref_slice %arg16[%dma_wait3A_1063, %dma_wait3A_1075, %dma_wait3A_1076] : memref<4x80x272xf32, #tpu.memory_space<vmem>> -> memref<1x80x272xf32, #tpu.memory_space<vmem>>
    %dma_wait3A_1078 = tpu.memref_squeeze %dma_wait3A_1077 : memref<1x80x272xf32, #tpu.memory_space<vmem>> -> memref<80x272xf32, #tpu.memory_space<vmem>>
    tpu.wait_dma2 semaphore(%dma_wait3A_1072 : memref<!tpu.dma_semaphore, #tpu.memory_space<semaphore_mem>>) src(%dma_wait3A_1078 : memref<80x272xf32, #tpu.memory_space<vmem>>) dst(%dma_wait3A_1074 : memref<80x272xf32, #tpu.memory_space<hbm>>)
    %dma_wait3A_1079 = arith.constant 0 : i32
    %dma_wait3A_1080 = arith.constant 0 : i32
    %dma_wait3A_1081 = arith.constant 0 : i32
    %dma_wait3A_1082 = arith.constant 0 : i32
    %dma_wait3A_1083 = tpu.memref_slice %arg16[%dma_wait3A_1079, %dma_wait3A_1081, %dma_wait3A_1082] : memref<4x80x272xf32, #tpu.memory_space<vmem>> -> memref<1x80x128xf32, #tpu.memory_space<vmem>>
    %dma_wait3A_1084 = tpu.memref_squeeze %dma_wait3A_1083 : memref<1x80x128xf32, #tpu.memory_space<vmem>> -> memref<80x128xf32, #tpu.memory_space<vmem>>
    %dma_wait3A_1085 = arith.constant 0 : i32
    %dma_wait3A_1086 = arith.constant 0 : i32
    %dma_wait3A_1087 = tpu.memref_slice %arg2[%dma_wait3A_1085, %dma_wait3A_1086] : memref<10000x128xf32, #tpu.memory_space<hbm>> -> memref<10000x128xf32, #tpu.memory_space<hbm>>
    %dma_wait3A_1088 = tpu.memref_slice %arg18[%dma_wait3A_1080] : memref<4x!tpu.dma_semaphore, #tpu.memory_space<semaphore_mem>> -> memref<1x!tpu.dma_semaphore, #tpu.memory_space<semaphore_mem>>
    %dma_wait3A_1089 = tpu.memref_squeeze %dma_wait3A_1088 : memref<1x!tpu.dma_semaphore, #tpu.memory_space<semaphore_mem>> -> memref<!tpu.dma_semaphore, #tpu.memory_space<semaphore_mem>>
    tpu.wait_indirect_dma semaphore(%dma_wait3A_1089 : memref<!tpu.dma_semaphore, #tpu.memory_space<semaphore_mem>>) src(%dma_wait3A_1087 : memref<10000x128xf32, #tpu.memory_space<hbm>>) dst(%dma_wait3A_1084 : memref<80x128xf32, #tpu.memory_space<vmem>>)
    %dma_wait3A_1090 = arith.constant 0 : i32
    %dma_wait3A_1091 = arith.constant 0 : i32
    %dma_wait3A_1092 = arith.constant 0 : i32
    %dma_wait3A_1093 = arith.constant 128 : i32
    %dma_wait3A_1094 = tpu.memref_slice %arg16[%dma_wait3A_1090, %dma_wait3A_1092, %dma_wait3A_1093] : memref<4x80x272xf32, #tpu.memory_space<vmem>> -> memref<1x80x128xf32, #tpu.memory_space<vmem>>
    %dma_wait3A_1095 = tpu.memref_squeeze %dma_wait3A_1094 : memref<1x80x128xf32, #tpu.memory_space<vmem>> -> memref<80x128xf32, #tpu.memory_space<vmem>>
    %dma_wait3A_1096 = arith.constant 0 : i32
    %dma_wait3A_1097 = arith.constant 0 : i32
    %dma_wait3A_1098 = tpu.memref_slice %arg2[%dma_wait3A_1096, %dma_wait3A_1097] : memref<10000x128xf32, #tpu.memory_space<hbm>> -> memref<10000x128xf32, #tpu.memory_space<hbm>>
    %dma_wait3A_1099 = tpu.memref_slice %arg18[%dma_wait3A_1091] : memref<4x!tpu.dma_semaphore, #tpu.memory_space<semaphore_mem>> -> memref<1x!tpu.dma_semaphore, #tpu.memory_space<semaphore_mem>>
    %dma_wait3A_1100 = tpu.memref_squeeze %dma_wait3A_1099 : memref<1x!tpu.dma_semaphore, #tpu.memory_space<semaphore_mem>> -> memref<!tpu.dma_semaphore, #tpu.memory_space<semaphore_mem>>
    tpu.wait_indirect_dma semaphore(%dma_wait3A_1100 : memref<!tpu.dma_semaphore, #tpu.memory_space<semaphore_mem>>) src(%dma_wait3A_1098 : memref<10000x128xf32, #tpu.memory_space<hbm>>) dst(%dma_wait3A_1095 : memref<80x128xf32, #tpu.memory_space<vmem>>)
    %dma_wait3A_1101 = arith.constant 0 : i32
    %dma_wait3A_1102 = arith.constant 0 : i32
    %dma_wait3A_1103 = arith.constant 0 : i32
    %dma_wait3A_1104 = arith.constant 256 : i32
    %dma_wait3A_1105 = tpu.memref_slice %arg16[%dma_wait3A_1101, %dma_wait3A_1103, %dma_wait3A_1104] : memref<4x80x272xf32, #tpu.memory_space<vmem>> -> memref<1x80x16xf32, #tpu.memory_space<vmem>>
    %dma_wait3A_1106 = tpu.memref_squeeze %dma_wait3A_1105 : memref<1x80x16xf32, #tpu.memory_space<vmem>> -> memref<80x16xf32, #tpu.memory_space<vmem>>
    %dma_wait3A_1107 = arith.constant 0 : i32
    %dma_wait3A_1108 = tpu.memref_slice %arg3[%mul3A_2, %dma_wait3A_1107] : memref<320000x16xf32, #tpu.memory_space<hbm>> -> memref<80x16xf32, #tpu.memory_space<hbm>>
    %dma_wait3A_1109 = tpu.memref_slice %arg18[%dma_wait3A_1102] : memref<4x!tpu.dma_semaphore, #tpu.memory_space<semaphore_mem>> -> memref<1x!tpu.dma_semaphore, #tpu.memory_space<semaphore_mem>>
    %dma_wait3A_1110 = tpu.memref_squeeze %dma_wait3A_1109 : memref<1x!tpu.dma_semaphore, #tpu.memory_space<semaphore_mem>> -> memref<!tpu.dma_semaphore, #tpu.memory_space<semaphore_mem>>
    %dma_wait3A_1111 = arith.constant 0 : i32
    %dma_wait3A_1112 = arith.constant 256 : i32
    %dma_wait3A_1113 = tpu.memref_slice %arg16[%dma_wait3A_1101, %dma_wait3A_1111, %dma_wait3A_1112] : memref<4x80x272xf32, #tpu.memory_space<vmem>> -> memref<1x80x16xf32, #tpu.memory_space<vmem>>
    %dma_wait3A_1114 = tpu.memref_squeeze %dma_wait3A_1113 : memref<1x80x16xf32, #tpu.memory_space<vmem>> -> memref<80x16xf32, #tpu.memory_space<vmem>>
    %dma_wait3A_1115 = arith.constant 0 : i32
    %dma_wait3A_1116 = tpu.memref_slice %arg3[%mul3A_2, %dma_wait3A_1115] : memref<320000x16xf32, #tpu.memory_space<hbm>> -> memref<80x16xf32, #tpu.memory_space<hbm>>
    tpu.wait_dma2 semaphore(%dma_wait3A_1110 : memref<!tpu.dma_semaphore, #tpu.memory_space<semaphore_mem>>) src(%dma_wait3A_1116 : memref<80x16xf32, #tpu.memory_space<hbm>>) dst(%dma_wait3A_1114 : memref<80x16xf32, #tpu.memory_space<vmem>>)
    %add3A_1117 = arith.constant 9920 : i32
    %add3A_1118 = arith.addi %mul3A_2, %add3A_1117 : i32
    %dma_start3A_1119 = arith.constant 0 : i32
    %dma_start3A_1120 = arith.constant 0 : i32
    %dma_start3A_1121 = arith.constant 0 : i32
    %dma_start3A_1122 = arith.constant 0 : i32
    %dma_start3A_1123 = tpu.memref_slice %arg16[%dma_start3A_1119, %dma_start3A_1121, %dma_start3A_1122] : memref<4x80x272xf32, #tpu.memory_space<vmem>> -> memref<1x80x272xf32, #tpu.memory_space<vmem>>
    %dma_start3A_1124 = tpu.memref_squeeze %dma_start3A_1123 : memref<1x80x272xf32, #tpu.memory_space<vmem>> -> memref<80x272xf32, #tpu.memory_space<vmem>>
    %dma_start3A_1125 = arith.constant 0 : i32
    %dma_start3A_1126 = tpu.memref_slice %arg6[%add3A_1118, %dma_start3A_1125] : memref<320000x272xf32, #tpu.memory_space<hbm>> -> memref<80x272xf32, #tpu.memory_space<hbm>>
    %dma_start3A_1127 = tpu.memref_slice %arg19[%dma_start3A_1120] : memref<4x!tpu.dma_semaphore, #tpu.memory_space<semaphore_mem>> -> memref<1x!tpu.dma_semaphore, #tpu.memory_space<semaphore_mem>>
    %dma_start3A_1128 = tpu.memref_squeeze %dma_start3A_1127 : memref<1x!tpu.dma_semaphore, #tpu.memory_space<semaphore_mem>> -> memref<!tpu.dma_semaphore, #tpu.memory_space<semaphore_mem>>
    %dma_start3A_1129 = arith.constant 0 : i32
    %dma_start3A_1130 = tpu.memref_slice %arg6[%add3A_1118, %dma_start3A_1129] : memref<320000x272xf32, #tpu.memory_space<hbm>> -> memref<80x272xf32, #tpu.memory_space<hbm>>
    %dma_start3A_1131 = arith.constant 0 : i32
    %dma_start3A_1132 = arith.constant 0 : i32
    %dma_start3A_1133 = tpu.memref_slice %arg16[%dma_start3A_1119, %dma_start3A_1131, %dma_start3A_1132] : memref<4x80x272xf32, #tpu.memory_space<vmem>> -> memref<1x80x272xf32, #tpu.memory_space<vmem>>
    %dma_start3A_1134 = tpu.memref_squeeze %dma_start3A_1133 : memref<1x80x272xf32, #tpu.memory_space<vmem>> -> memref<80x272xf32, #tpu.memory_space<vmem>>
    tpu.enqueue_dma source(%dma_start3A_1134 : memref<80x272xf32, #tpu.memory_space<vmem>>) target(%dma_start3A_1130 : memref<80x272xf32, #tpu.memory_space<hbm>>) target_semaphore(%dma_start3A_1128 : memref<!tpu.dma_semaphore, #tpu.memory_space<semaphore_mem>>)
    %dma_wait3A_1135 = arith.constant 3 : i32
    %dma_wait3A_1136 = arith.constant 3 : i32
    %dma_wait3A_1137 = arith.constant 0 : i32
    %dma_wait3A_1138 = arith.constant 0 : i32
    %dma_wait3A_1139 = tpu.memref_slice %arg16[%dma_wait3A_1135, %dma_wait3A_1137, %dma_wait3A_1138] : memref<4x80x272xf32, #tpu.memory_space<vmem>> -> memref<1x80x272xf32, #tpu.memory_space<vmem>>
    %dma_wait3A_1140 = tpu.memref_squeeze %dma_wait3A_1139 : memref<1x80x272xf32, #tpu.memory_space<vmem>> -> memref<80x272xf32, #tpu.memory_space<vmem>>
    %dma_wait3A_1141 = arith.constant 0 : i32
    %dma_wait3A_1142 = tpu.memref_slice %arg6[%mul3A_2, %dma_wait3A_1141] : memref<320000x272xf32, #tpu.memory_space<hbm>> -> memref<80x272xf32, #tpu.memory_space<hbm>>
    %dma_wait3A_1143 = tpu.memref_slice %arg19[%dma_wait3A_1136] : memref<4x!tpu.dma_semaphore, #tpu.memory_space<semaphore_mem>> -> memref<1x!tpu.dma_semaphore, #tpu.memory_space<semaphore_mem>>
    %dma_wait3A_1144 = tpu.memref_squeeze %dma_wait3A_1143 : memref<1x!tpu.dma_semaphore, #tpu.memory_space<semaphore_mem>> -> memref<!tpu.dma_semaphore, #tpu.memory_space<semaphore_mem>>
    %dma_wait3A_1145 = arith.constant 0 : i32
    %dma_wait3A_1146 = tpu.memref_slice %arg6[%mul3A_2, %dma_wait3A_1145] : memref<320000x272xf32, #tpu.memory_space<hbm>> -> memref<80x272xf32, #tpu.memory_space<hbm>>
    %dma_wait3A_1147 = arith.constant 0 : i32
    %dma_wait3A_1148 = arith.constant 0 : i32
    %dma_wait3A_1149 = tpu.memref_slice %arg16[%dma_wait3A_1135, %dma_wait3A_1147, %dma_wait3A_1148] : memref<4x80x272xf32, #tpu.memory_space<vmem>> -> memref<1x80x272xf32, #tpu.memory_space<vmem>>
    %dma_wait3A_1150 = tpu.memref_squeeze %dma_wait3A_1149 : memref<1x80x272xf32, #tpu.memory_space<vmem>> -> memref<80x272xf32, #tpu.memory_space<vmem>>
    tpu.wait_dma2 semaphore(%dma_wait3A_1144 : memref<!tpu.dma_semaphore, #tpu.memory_space<semaphore_mem>>) src(%dma_wait3A_1150 : memref<80x272xf32, #tpu.memory_space<vmem>>) dst(%dma_wait3A_1146 : memref<80x272xf32, #tpu.memory_space<hbm>>)
    %dma_wait3A_1151 = arith.constant 0 : i32
    %dma_wait3A_1152 = arith.constant 0 : i32
    %dma_wait3A_1153 = arith.constant 0 : i32
    %dma_wait3A_1154 = arith.constant 0 : i32
    %dma_wait3A_1155 = tpu.memref_slice %arg16[%dma_wait3A_1151, %dma_wait3A_1153, %dma_wait3A_1154] : memref<4x80x272xf32, #tpu.memory_space<vmem>> -> memref<1x80x272xf32, #tpu.memory_space<vmem>>
    %dma_wait3A_1156 = tpu.memref_squeeze %dma_wait3A_1155 : memref<1x80x272xf32, #tpu.memory_space<vmem>> -> memref<80x272xf32, #tpu.memory_space<vmem>>
    %dma_wait3A_1157 = arith.constant 0 : i32
    %dma_wait3A_1158 = tpu.memref_slice %arg6[%mul3A_2, %dma_wait3A_1157] : memref<320000x272xf32, #tpu.memory_space<hbm>> -> memref<80x272xf32, #tpu.memory_space<hbm>>
    %dma_wait3A_1159 = tpu.memref_slice %arg19[%dma_wait3A_1152] : memref<4x!tpu.dma_semaphore, #tpu.memory_space<semaphore_mem>> -> memref<1x!tpu.dma_semaphore, #tpu.memory_space<semaphore_mem>>
    %dma_wait3A_1160 = tpu.memref_squeeze %dma_wait3A_1159 : memref<1x!tpu.dma_semaphore, #tpu.memory_space<semaphore_mem>> -> memref<!tpu.dma_semaphore, #tpu.memory_space<semaphore_mem>>
    %dma_wait3A_1161 = arith.constant 0 : i32
    %dma_wait3A_1162 = tpu.memref_slice %arg6[%mul3A_2, %dma_wait3A_1161] : memref<320000x272xf32, #tpu.memory_space<hbm>> -> memref<80x272xf32, #tpu.memory_space<hbm>>
    %dma_wait3A_1163 = arith.constant 0 : i32
    %dma_wait3A_1164 = arith.constant 0 : i32
    %dma_wait3A_1165 = tpu.memref_slice %arg16[%dma_wait3A_1151, %dma_wait3A_1163, %dma_wait3A_1164] : memref<4x80x272xf32, #tpu.memory_space<vmem>> -> memref<1x80x272xf32, #tpu.memory_space<vmem>>
    %dma_wait3A_1166 = tpu.memref_squeeze %dma_wait3A_1165 : memref<1x80x272xf32, #tpu.memory_space<vmem>> -> memref<80x272xf32, #tpu.memory_space<vmem>>
    tpu.wait_dma2 semaphore(%dma_wait3A_1160 : memref<!tpu.dma_semaphore, #tpu.memory_space<semaphore_mem>>) src(%dma_wait3A_1166 : memref<80x272xf32, #tpu.memory_space<vmem>>) dst(%dma_wait3A_1162 : memref<80x272xf32, #tpu.memory_space<hbm>>)
    return
  }
}

</mosaic_0001>

<sc_bundles>
// kernel: kernel.3.cloned.1.call-start
scs
__scs_entry_jumppad:
0x0: {  	(pc) =	sbr.rel $0x88, $3  }
0x1: {  	(tag) =	ssettag $0x0;
	lr =	simm.s32 $0x1  }
0x2: {  	[smem:$0x3F9D] =	sst lr;
	_ =	strace $0xD0000000  }
0x3: {  	_ = 	snop  }
0x4: {  	_ = 	snop  }
0x5: {  	_ = 	snop  }
0x6: {  	_ = 	snop  }
0x7: {  	_ = 	snop  }
__scs_overlays_trampoline_lowered:
0x8: {  	[smem:$0x3FAC] =	sst s0  }
0x9: {  	[smem:$0x3FAD] =	sst s1  }
0xa: {  	[smem:$0x3FAE] =	sst s2  }
0xb: {  	[smem:$0x3FAF] =	sst s3  }
0xc: {  	[smem:$0x3FB0] =	sst s4  }
0xd: {  	[smem:$0x3FB1] =	sst s5  }
0xe: {  	[smem:$0x3FB2] =	sst s6  }
0xf: {  	[smem:$0x3FB3] =	sst s7  }
0x10: {  	[smem:$0x3FB4] =	sst s8  }
0x11: {  	[smem:$0x3FB5] =	sst s9;
	s0 =	simm.s32 @!p0 $0x0  }
0x12: {  	s1 =	sld [smem:$0x3F9B];
	s0 =	simm.s32 @p0 $0x1  }
0x13: {  	[smem:$0x3FB6] =	sst s0;
	s0 =	simm.s32 @!p1 $0x0  }
0x14: {  	s2 =	sld [smem:$0x3F9A];
	s0 =	simm.s32 @p1 $0x1  }
0x15: {  	[smem:$0x3FB7] =	sst s0;
	s0 =	simm.s32 @!p2 $0x0  }
0x16: {  	s3 =	sld [smem:$0x3FDB];
	s0 =	simm.s32 @p2 $0x1  }
0x17: {  	s4 =	simm.s32 $0x1BF5;
	[smem:$0x3FB9] =	sst s0  }
0x18: {  	s0 =	sld [smem:$0x3F9C];
	_ =	swait.ge [sflag:s4], $0x0  }
0x19: {  	s7 =	sld [smem:$0x3F9D]  }
0x1a: {  	s8 =	sadd.s32 $0xFFFFE003, lr  }
0x1b: {  	s9 =	sadd.s32 $0xFFFFFEF7, lr;
	s5 =	simm.s32 $0xFFFFFFFF;
	p2 =	slt.u32 s8, $0xFFFFF086  }
0x1c: {  	p1 =	slt.u32 s9, $0xF7A;
	s5 =	simm.s32 @!p2 $0x0  }
0x1d: {  	s5 =	simm.s32 @p1 $0x1;
	p0 =	seq.s32 s7, s2  }
0x1e: {  	s7 =	smul.u32 @!p0 $0xF7A, s2;
	p2 =	seq.s32 @!p0 s5, $0x0  }
0x1f: {  	s9 =	smul.u32 $0xF7A, s1;
	s8 =	simm.s32 @!p0 $0x1BF5;
	p2 =	por !p2, p0  }
0x20: {  	[sflag:s8] =	ssyncset.s32 @!p0 $0xFFFFF086;
	s6 =	sadd.s32 @!p0 s3, s7;
	s7 =	simm.s32 @!p0 $0x108  }
0x21: {  	s3 =	sadd.s32 s3, s9;
	s6 =	sadd.s32 @!p0 $0x88, s6;
	s7 =	simm.s32 @p2 $0x1082  }
0x22: {  	[simem:s7], [sflag:s8] =	dma.local @!p0 [hbm:s6], $0xF7A  }
0x23: {  	s9 =	sor.u32 $0xD0000000, s2;
	s6 =	simm.s32 $0x108;
	_ =	swait.ge @!p0 [sflag:s8], $0x0  }
0x24: {  	s3 =	sadd.s32 $0x88, s3;
	s6 =	simm.s32 @!p1 $0x1082;
	[sflag:s4] =	ssyncset.s32 $0xFFFFF086  }
0x25: {  	[simem:s6], [sflag:s4] =	dma.local [hbm:s3], $0xF7A  }
0x26: {  	[smem:$0x3F9D] =	sst s1;
	(tag) =	ssettag s2;
	_ =	strace s9  }
0x27: {  	s1 =	sld [smem:$0x3FAD]  }
0x28: {  	s2 =	sld [smem:$0x3FAE]  }
0x29: {  	s4 =	sld [smem:$0x3FB0]  }
0x2a: {  	p0 =	seq.s32 s5, $0x0;
	s5 =	sld [smem:$0x3FB1]  }
0x2b: {  	s6 =	sld [smem:$0x3FB2]  }
0x2c: {  	s7 =	sld [smem:$0x3FB3]  }
0x2d: {  	s3 =	simm.s32 $0x108;
	s8 =	sld [smem:$0x3FB4]  }
0x2e: {  	s3 =	simm.s32 @!p0 $0x1082;
	s9 =	sld [smem:$0x3FB5]  }
0x2f: {  	lr =	sadd.s32 s0, s3;
	s0 =	sld [smem:$0x3FAC]  }
0x30: {  	s3 =	sld [smem:$0x3FAF]  }
0x31: {  	[smem:$0x3FB8] =	sst s10  }
0x32: {  	s10 =	sld [smem:$0x3FB6];
	_ =	sdelay $0x3  }
0x33: {  	p0 =	seq.s32 s10, $0x1;
	s10 =	sld [smem:$0x3FB8];
	_ =	sdelay $0x3  }
0x34: {  	[smem:$0x3FB8] =	sst s10  }
0x35: {  	s10 =	sld [smem:$0x3FB7];
	_ =	sdelay $0x3  }
0x36: {  	p1 =	seq.s32 s10, $0x1;
	s10 =	sld [smem:$0x3FB8];
	_ =	sdelay $0x3  }
0x37: {  	[smem:$0x3FB8] =	sst s10  }
0x38: {  	s10 =	sld [smem:$0x3FB9]  }
0x39: {  	_ = 	snop;
	(pc) =	sbr.ind lr, $3  }
0x3a: {  	_ = 	snop  }
0x3b: {  	_ = 	snop  }
0x3c: {  	p2 =	seq.s32 s10, $0x1;
	s10 =	sld [smem:$0x3FB8]  }
0x3d: {  	_ =	shalt  }
0x3e: {  	_ =	shalt  }
0x3f: {  	_ =	shalt  }
0x40: {  	_ =	shalt  }
0x41: {  	_ =	shalt  }
0x42: {  	_ =	shalt  }
0x43: {  	_ =	shalt  }
0x44: {  	_ =	shalt  }
0x45: {  	_ =	shalt  }
0x46: {  	_ =	shalt  }
0x47: {  	_ =	shalt  }
0x48: {  	_ =	shalt  }
0x49: {  	_ =	shalt  }
0x4a: {  	_ =	shalt  }
0x4b: {  	_ =	shalt  }
0x4c: {  	_ =	shalt  }
0x4d: {  	_ =	shalt  }
0x4e: {  	_ =	shalt  }
0x4f: {  	_ =	shalt  }
0x50: {  	_ =	shalt  }
0x51: {  	_ =	shalt  }
0x52: {  	_ =	shalt  }
0x53: {  	_ =	shalt  }
0x54: {  	_ =	shalt  }
0x55: {  	_ =	shalt  }
0x56: {  	_ =	shalt  }
0x57: {  	_ =	shalt  }
0x58: {  	_ =	shalt  }
0x59: {  	_ =	shalt  }
0x5a: {  	_ =	shalt  }
0x5b: {  	_ =	shalt  }
0x5c: {  	_ =	shalt  }
0x5d: {  	_ =	shalt  }
0x5e: {  	_ =	shalt  }
0x5f: {  	_ =	shalt  }
0x60: {  	_ =	shalt  }
0x61: {  	_ =	shalt  }
0x62: {  	_ =	shalt  }
0x63: {  	_ =	shalt  }
0x64: {  	_ =	shalt  }
0x65: {  	_ =	shalt  }
0x66: {  	_ =	shalt  }
0x67: {  	_ =	shalt  }
0x68: {  	_ =	shalt  }
0x69: {  	_ =	shalt  }
0x6a: {  	_ =	shalt  }
0x6b: {  	_ =	shalt  }
0x6c: {  	_ =	shalt  }
0x6d: {  	_ =	shalt  }
0x6e: {  	_ =	shalt  }
0x6f: {  	_ =	shalt  }
0x70: {  	_ =	shalt  }
0x71: {  	_ =	shalt  }
0x72: {  	_ =	shalt  }
0x73: {  	_ =	shalt  }
0x74: {  	_ =	shalt  }
0x75: {  	_ =	shalt  }
0x76: {  	_ =	shalt  }
0x77: {  	_ =	shalt  }
0x78: {  	_ =	shalt  }
0x79: {  	_ =	shalt  }
0x7a: {  	_ =	shalt  }
0x7b: {  	_ =	shalt  }
0x7c: {  	_ =	shalt  }
0x7d: {  	_ =	shalt  }
0x7e: {  	_ =	shalt  }
0x7f: {  	_ =	shalt  }
0x80: {  	_ =	shalt  }
0x81: {  	_ =	shalt  }
0x82: {  	_ =	shalt  }
0x83: {  	_ =	shalt  }
0x84: {  	_ =	shalt  }
0x85: {  	_ =	shalt  }
0x86: {  	_ =	shalt  }
0x87: {  	_ =	shalt  }
.Lfunc_end0:
.L_simem_size_0:
called_computation_lowered:
.L_overlay_start_0:
0x88: {  	s2 =	sld [smem:$0x3FD9]  }
0x89: {  	s3 =	sld [smem:$0x3FFE];
	_ =	sdelay $0x1  }
0x8a: {  	s1 =	srdreg.scid  }
0x8b: {  	s0 =	sand.u32 $0x1, s1  }
0x8c: {  	s17 =	sshll.u32 s0, $0xA;
	s2 =	sadd.s32 s3, s2  }
0x8d: {  	s2 =	sadd.s32 s2, s17  }
0x8e: {  	[smem:$0x3FC4] =	sst s2  }
0x8f: {  	_ = 	snop  }
0x90: {  	s2 =	sld [smem:$0x3FC9]  }
0x91: {  	s18 =	sld [smem:$0x3FC7]  }
0x92: {  	s4 =	sld [smem:$0x3FC6]  }
0x93: {  	s5 =	sld [smem:$0x3FD0];
	(tm) =	ssettm $0x1  }
0x94: {  	s6 =	sld [smem:$0x3FFB];
	_ =	sdelay $0x3  }
0x95: {  	_ =	strace s6  }
0x96: {  	s6 =	sld [smem:$0x3FFC];
	_ =	sdelay $0x3  }
0x97: {  	_ =	strace s6  }
0x98: {  	s6 =	sld [smem:$0x3FFD];
	_ =	sdelay $0x3  }
0x99: {  	_ =	strace s6  }
0x9a: {  	_ =	strace $0x8FFFFFFF  }
0x9b: {  	s19 =	sld [smem:$0x3FDB];
	_ =	sdelay $0x1  }
0x9c: {  	s7 =	simm.s32 $_scs_section_size  }
0x9d: {  	s8 =	simm.s32 $_size__tile_overlayer_lowered;
	s9 =	simm.s32 $_tile_overlayer_lowered  }
0x9e: {  	s22 =	simm.s32 $0x1BFF;
	s21 =	sshll.u32 s9, $0x1;
	s6 =	sadd.s32 s7, s19  }
0x9f: {  	s10 =	simm.s32 $0x0;
	s20 =	sshll.u32 s8, $0x1;
	s8 =	sadd.s32 s21, s6  }
0xa0: {  	[timem:s10], [sflag:s22] =	dma.local [hbm:s8], s20  }
0xa1: {  	_ =	swait.ge [sflag:s22], s20  }
0xa2: {  	s7 =	ssub.s32 $0x0, s20;
	[sflag:s22] =	ssyncset.done $0x0  }
0xa3: {  	[sflag:s22] =	ssyncadd.s32 s7;
	_ =	sdelay $0x1  }
0xa4: {  	s23 =	simm.s32 $0x1B8B  }
0xa5: {  	_ =	swait.ge [sflag:s23], $0x1  }
0xa6: {  	[sflag:s23] =	ssyncset.done $0x0  }
0xa7: {  	s25 =	simm.s32 $0x1B8E;
	s24 =	sld [smem:$0x3FFE];
	[sflag:s23] =	ssyncadd.s32 $0xFFFFFFFF  }
0xa8: {  	s26 =	simm.s32 $execute0_lowered;
	[smem:$0x3FD2] =	sst s25  }
0xa9: {  	s8 =	sshll.u32 s26, $0x1;
	_ =	strace $0x80000046;
	[dreg:$0x1] =	wrdreg $0xFFFFFFFF  }
0xaa: {  	s28 =	simm.s32 $_size_execute0_lowered;
	s6 =	sadd.s32 s6, s8;
	[dreg:$0x0] =	wrdreg $0x0  }
0xab: {  	s8 =	sshll.u32 s28, $0x1;
	[dreg:$0x2] =	wrdreg s6  }
0xac: {  	[dreg:$0x3] =	wrdreg s8  }
0xad: {  	[dreg:$0x4] =	wrdreg $0xC0  }
0xae: {  	_ =	task [dreg:s10], $0x5FFFF  }
0xaf: {  	[dreg:$0x1] =	wrdreg $0xFFFFFFFF  }
0xb0: {  	[dreg:$0x0] =	wrdreg $0x60  }
0xb1: {  	[dreg:$0x2] =	wrdreg s2  }
0xb2: {  	[dreg:$0x3] =	wrdreg s5  }
0xb3: {  	[dreg:$0x4] =	wrdreg s18  }
0xb4: {  	[dreg:$0x5] =	wrdreg s4  }
0xb5: {  	[dreg:$0x6] =	wrdreg s24  }
0xb6: {  	[dreg:$0x7] =	wrdreg $0x9  }
0xb7: {  	_ =	task.clear_ibuf [dreg:s10], $0x8FFFF;
	_ =	strace $0x90000046  }
0xb8: {  	s29 =	simm.s32 $0x9;
	_ =	strace $0x80000048  }
0xb9: {  	_ =	swait.ge [sflag:s29], $0x1  }
0xba: {  	[sflag:s29] =	ssyncadd.s32 $0xFFFFFFFF  }
0xbb: {  	_ =	strace $0x90000048  }
0xbc: {  	_ =	sfence  }
0xbd: {  	s30 =	sld [smem:$0x0];
	_ =	sdelay $0x2  }
0xbe: {  	s31 =	sshll.u32 s1, $0xD;
	s1 =	sshrl.u32 s1, $0x2  }
0xbf: {  	s3 =	sand.u32 $0x4000, s31;
	s1 =	sadd.s32 s1, s30  }
0xc0: {  	s0 =	sor.u32 s3, s0;
	s1 =	sshll.u32 s1, $0x11  }
0xc1: {  	s0 =	sor.u32 s1, s0  }
0xc2: {  	s0 =	sadd.s32 $0x8F2B, s0  }
0xc3: {  	[sflag:s0] =	ssyncadd.remote.s32 $0x1  }
0xc4: {  	_ =	sfence.sel $0xFFFF  }
0xc5: {  	[dreg:$0x0] =	wrdreg $0xFFFFFFFF;
	(pc) =	sbr.abs _section_cstart, $3  }
0xc6: {  	[dreg:$0x1] =	wrdreg $0xFFFFFFFF  }
0xc7: {  	_ =	task.clear_ibuf [dreg:s10], $0x2FFFF;
	_ =	strace $0x9FFFFFFF  }
0xc8: {  	(tm) =	ssettm $0x7FFFFFFF  }
0xc9: {  	_ =	shalt  }
tec
execute0_lowered:
.L_overlay_start_1:
0x0: {  	(tag) =	ssettag $0x1  }
0x1: {  	s0 =	rddreg [dreg:$0x0]  }
0x2: {  	s7 =	rddreg [dreg:$0x1]  }
0x3: {  	s2 =	rddreg [dreg:$0x2]  }
0x4: {  	s1 =	rddreg [dreg:$0x3];
	s20 =	stileid.u32  }
0x5: {  	s3 =	srdreg.scid;
	s22 =	smul.u32 $0x4E20, s20  }
0x6: {  	s8 =	sand.u32 $0x1, s3;
	s4 =	sshll.u32 s20, $0x1;
	s20 =	smul.u32 $0x4E200, s20  }
0x7: {  	s6 =	rddreg [dreg:$0x4];
	s15 =	smul.u32 $0x2710, s8  }
0x8: {  	s4 =	sor.u32 s8, s4;
	s5 =	ssub.s32 $0x2, s8;
	s8 =	smul.u32 $0x27100, s8  }
0x9: {  	s30 =	simm.s32 $0x8;
	s3 =	simm.s32 $0x0;
	s9 =	smul.u32 $0x2710, s4  }
0xa: {  	[smem:$0x7FF] =	sst s3;
	s10 =	sshrl.u32 s5, $0x1;
	s11 =	smul.u32 $0x27100, s4  }
0xb: {  	_ =	strace $0x80000047;
	s4 =	ssub.s32 s5, s10;
	s10 =	sadd.s32 $0x50, s9  }
0xc: {  	s12 =	sadd.s32 $0xA0, s9;
	s19 =	sadd.s32 s7, s11;
	s14 =	sadd.s32 $0xF0, s9  }
0xd: {  	s16 =	sadd.s32 $0x140, s9;
	s11 =	sadd.s32 $0x190, s9;
	s18 =	sadd.s32 $0x2670, s9  }
0xe: {  	[dreg:$0xe] =	wrdreg s19;
	s21 =	sshll.u32 s10, $0x4;
	s13 =	sshll.u32 s12, $0x4  }
0xf: {  	s24 =	sshll.u32 s14, $0x4;
	s25 =	sshll.u32 s16, $0x4;
	s5 =	sadd.s32 s7, s21  }
0x10: {  	s26 =	sshll.u32 s11, $0x4;
	s23 =	sadd.s32 s7, s13;
	[dreg:$0xf] =	wrdreg s5  }
0x11: {  	s10 =	sshrl.u32 s10, $0x3;
	[dreg:$0x10] =	wrdreg s23;
	s5 =	sadd.s32 s7, s24  }
0x12: {  	s13 =	sadd.s32 s7, s25;
	[dreg:$0x11] =	wrdreg s5;
	s5 =	sadd.s32 s15, s22  }
0x13: {  	[dreg:$0x12] =	wrdreg s13;
	s13 =	sadd.s32 s7, s26;
	s15 =	sadd.s32 $0x320, s5  }
0x14: {  	[dreg:$0x13] =	wrdreg s13;
	s22 =	sshll.u32 s18, $0x4;
	s15 =	sshrl.u32 s15, $0x3  }
0x15: {  	s17 =	sadd.s32 $0x2D0, s5;
	s25 =	sadd.s32 $0x280, s5;
	s28 =	sadd.s32 s15, s1  }
0x16: {  	s31 =	sshrl.u32 s17, $0x3;
	s29 =	sadd.s32 s15, s2;
	[dreg:$0x6] =	wrdreg s28  }
0x17: {  	s17 =	sadd.s32 $0x2620, s9;
	s19 =	sadd.s32 s31, s1;
	[dreg:$0x7] =	wrdreg s29  }
0x18: {  	s26 =	sshrl.u32 s25, $0x3;
	s24 =	sadd.s32 s31, s2;
	[dreg:$0x8] =	wrdreg s19  }
0x19: {  	s21 =	sshll.u32 s17, $0x4;
	s15 =	sadd.s32 s26, s1;
	[dreg:$0x9] =	wrdreg s24  }
0x1a: {  	s13 =	sadd.s32 s7, s21;
	s19 =	sadd.s32 $0x26C0, s9;
	[dreg:$0xa] =	wrdreg s15  }
0x1b: {  	s28 =	sadd.s32 $0x230, s5;
	s21 =	sshrl.u32 s16, $0x3;
	[dreg:$0x14] =	wrdreg s13  }
0x1c: {  	s13 =	sadd.s32 s7, s22;
	s23 =	sshll.u32 s19, $0x4;
	s15 =	sshrl.u32 s28, $0x3  }
0x1d: {  	s22 =	sadd.s32 s2, s10;
	[dreg:$0x15] =	wrdreg s13;
	s13 =	sadd.s32 s7, s23  }
0x1e: {  	s7 =	sadd.s32 s20, s7;
	s29 =	sadd.s32 s15, s1;
	[dreg:$0x18] =	wrdreg s22  }
0x1f: {  	s31 =	sadd.s32 s15, s2;
	s20 =	sshrl.u32 s12, $0x3;
	[dreg:$0x16] =	wrdreg s13  }
0x20: {  	s12 =	sshrl.u32 s14, $0x3;
	s23 =	sadd.s32 s1, s10;
	[dreg:$0xc] =	wrdreg s29  }
0x21: {  	s13 =	sadd.s32 s26, s2;
	s7 =	sadd.s32 s8, s7;
	[dreg:$0xd] =	wrdreg s31  }
0x22: {  	s8 =	sshrl.u32 s9, $0x3;
	[dreg:$0x19] =	wrdreg s23;
	s24 =	sadd.s32 s2, s20  }
0x23: {  	s25 =	sadd.s32 s1, s20;
	s26 =	sadd.s32 s2, s21;
	[dreg:$0xb] =	wrdreg s13  }
0x24: {  	s29 =	sshrl.u32 s11, $0x3;
	s22 =	sadd.s32 s1, s12;
	[dreg:$0x1a] =	wrdreg s24  }
0x25: {  	s23 =	smul.u32 $0x180, s12;
	s13 =	sadd.s32 $0x400, s6;
	[dreg:$0x1b] =	wrdreg s25  }
0x26: {  	s9 =	smul.u32 $0x180, s8;
	[dreg:$0x1c] =	wrdreg s26;
	s6 =	sadd.s32 s1, s21  }
0x27: {  	s31 =	sadd.s32 s2, s29;
	s11 =	sadd.s32 s2, s8;
	[smem:$0x7EC] =	sst s22  }
0x28: {  	s16 =	sadd.s32 s1, s8;
	s21 =	sadd.s32 s2, s12;
	[dreg:$0x1d] =	wrdreg s6  }
0x29: {  	s24 =	sshrl.u32 s18, $0x3;
	s25 =	sshrl.u32 s17, $0x3;
	[dreg:$0x1f] =	wrdreg s31  }
0x2a: {  	s26 =	sshrl.u32 s19, $0x3;
	s12 =	sadd.s32 $0x190, s5;
	[smem:$0x7E7] =	sst s11  }
0x2b: {  	s17 =	sadd.s32 $0x1E0, s5;
	s22 =	smax.u32 s4, $0x1;
	[smem:$0x7E8] =	sst s16  }
0x2c: {  	s6 =	sadd.s32 s1, s29;
	[smem:$0x7EB] =	sst s21;
	s29 =	smul.u32 $0x180, s25  }
0x2d: {  	s31 =	sadd.s32 s1, s24;
	s11 =	smul.u32 $0x180, s24;
	[smem:$0x7F5] =	sst s22  }
0x2e: {  	s16 =	smul.u32 $0x180, s26;
	s19 =	sshrl.u32 s17, $0x3;
	[smem:$0x7F9] =	sst s13  }
0x2f: {  	s14 =	sadd.s32 s13, s9;
	s9 =	smul.u32 $0x180, s10;
	[smem:$0x7E5] =	sst s6  }
0x30: {  	s10 =	smul.u32 $0x180, s20;
	s20 =	sadd.s32 $0x3C, s8;
	[smem:$0x7EF] =	sst s31  }
0x31: {  	s22 =	simm.s32 $0x3;
	s8 =	sadd.s32 s2, s20;
	[dreg:$0x17] =	wrdreg s14  }
0x32: {  	s6 =	sadd.s32 s1, s20;
	s1 =	sadd.s32 s1, s26;
	[smem:$0x7E9] =	sst s8  }
0x33: {  	s20 =	smul.u32 $0x180, s19;
	s21 =	sadd.s32 s13, s16;
	[smem:$0x7EA] =	sst s6  }
0x34: {  	s31 =	sadd.s32 $0x71700, s14;
	s16 =	simm.s32 $0x1;
	[smem:$0x7F0] =	sst s1  }
0x35: {  	s28 =	sadd.s32 s13, s9;
	s10 =	sadd.s32 s13, s10;
	[smem:$0x7F4] =	sst s21  }
0x36: {  	s8 =	sshrl.u32 s12, $0x3;
	s6 =	sadd.s32 s13, s23;
	[smem:$0x7FD] =	sst s31  }
0x37: {  	s1 =	sadd.s32 s13, s11;
	s23 =	smul.u32 $0x180, s15;
	[dreg:$0x1e] =	wrdreg s28  }
0x38: {  	s11 =	simm.s32 $0x280;
	s12 =	simm.s32 $0x300;
	[smem:$0x7E6] =	sst s10  }
0x39: {  	s21 =	simm.s32 $0x2;
	s15 =	simm.s32 $0x7;
	[smem:$0x7F1] =	sst s6  }
0x3a: {  	s28 =	sadd.s32 s2, s24;
	s2 =	sadd.s32 s2, s26;
	[smem:$0x7F3] =	sst s1  }
0x3b: {  	s18 =	smul.u32 $0x180, s8;
	s24 =	sadd.s32 $0x2D00, s7;
	[smem:$0x7ED] =	sst s28  }
0x3c: {  	s1 =	sadd.s32 s20, s13;
	s10 =	simm.s32 $0x80;
	[smem:$0x7EE] =	sst s2  }
0x3d: {  	s20 =	simm.s32 $0x4;
	s6 =	simm.s32 $0xA;
	[smem:$0x7F6] =	sst s24  }
0x3e: {  	s2 =	sadd.s32 s13, s29;
	[smem:$0x7F8] =	sst s1;
	s26 =	sadd.s32 s23, s13  }
0x3f: {  	s28 =	sadd.s32 $0x140, s5;
	s29 =	sadd.s32 $0x70800, s14;
	[smem:$0x7F2] =	sst s2  }
0x40: {  	s5 =	simm.s32 $0x100;
	s1 =	simm.s32 $0x6;
	[smem:$0x7FA] =	sst s26  }
0x41: {  	v2 =	vlaneseq.u32;
	s23 =	simm.s32 $0xB;
	s25 =	sadd.s32 s18, s13;
	[smem:$0x7FB] =	sst s28  }
0x42: {  	vm0 =	vmmov $0xff;
	v1 =	vshrl.u32 v2, $0x3;
	[smem:$0x7FC] =	sst s29;
	s26 =	simm.s32 $0x5;
	s18 =	simm.s32 $0xC  }
0x43: {  	v0 =	vand.u32 $0x7, v2;
	v2 =	vor.u32 $0x8, v2;
	v1 =	vmul.u32 $0x8, v1;
	s2 =	simm.s32 $0x0;
	[smem:$0x7F7] =	sst s25;
	s25 =	simm.s32 $0x9  }
.LBB2_1:
0x44: {  	s4 =	sld [smem:$0x7E7];
	_ =	sdelay $0x1  }
0x45: {  	s17 =	sld [smem:$0x7E8]  }
0x46: {  	[tilespmem:s3], [sflag:$0x1] =	stream.linear.gather [hbm4b:s4+s3], $0x50, $0x38;
	[tilespmem:$0x1E400] =	vst v63  }
0x47: {  	[smem:$0x7E4] =	sst s2;
	s9 =	simm.s32 $0x200  }
0x48: {  	[tilespmem:s9], [sflag:$0x1] =	stream.linear.gather [hbm4b:s17+s3], $0x50, $0x38;
	[tilespmem:$0x1E400] =	vst v63  }
0x49: {  	s19 =	rddreg [dreg:$0x18]  }
0x4a: {  	[tilespmem:s10], [sflag:$0x2] =	stream.linear.gather [hbm4b:s19+s3], $0x50, $0x38;
	[tilespmem:$0x1E400] =	vst v63  }
0x4b: {  	s24 =	rddreg [dreg:$0x19]  }
0x4c: {  	[tilespmem:s11], [sflag:$0x2] =	stream.linear.gather [hbm4b:s24+s3], $0x50, $0x38;
	[tilespmem:$0x1E400] =	vst v63  }
0x4d: {  	s29 =	rddreg [dreg:$0x1a]  }
0x4e: {  	[tilespmem:s5], [sflag:$0x3] =	stream.linear.gather [hbm4b:s29+s3], $0x50, $0x38;
	[tilespmem:$0x1E400] =	vst v63  }
0x4f: {  	s2 =	rddreg [dreg:$0x1b]  }
0x50: {  	[tilespmem:s12], [sflag:$0x3] =	stream.linear.gather [hbm4b:s2+s3], $0x50, $0x38;
	[tilespmem:$0x1E400] =	vst v63  }
0x51: {  	_ =	swait.ge [sflag:s16], $0xA0  }
0x52: {  	[sflag:s16] =	ssyncset.done $0x0  }
0x53: {  	[sflag:s16] =	ssyncadd.s32 $0xFFFFFF60  }
0x54: {  	v3 =	vld [tilespmem:$0x0];
	_ =	sdelay $0x4  }
0x55: {  	v4 =	vperm.xlane v3, v0;
	_ =	sdelay $0x1  }
0x56: {  	v3 =	vperm.xlane v3, v2;
	v4 =	vadd.s32 v1, v4;
	_ =	sdelay $0x1  }
0x57: {  	v3 =	vadd.s32 v1, v3;
	_ =	sdelay $0x1  }
0x58: {  	s17 =	simm.s32 $0x400  }
0x59: {  	[tilespmem:s17], [sflag:$0x5] =	stream.indirect_vreg.gather [hbm4b:s0+s3], $0x80, v4, vm0, $0xb8;
	[tilespmem:$0x1E400] =	vst v63  }
0x5a: {  	s4 =	simm.s32 $0x1000  }
0x5b: {  	[tilespmem:s4], [sflag:$0x5] =	stream.indirect_vreg.gather [hbm4b:s0+s3], $0x80, v3, vm0, $0xb8;
	[tilespmem:$0x1E400] =	vst v63  }
0x5c: {  	v3 =	vld [tilespmem:$0x10];
	_ =	sdelay $0x4  }
0x5d: {  	v61 =	vperm.xlane v3, v0;
	_ =	sdelay $0x1  }
0x5e: {  	v3 =	vperm.xlane v3, v2;
	v4 =	vadd.s32 v1, v61;
	_ =	sdelay $0x1  }
0x5f: {  	v3 =	vadd.s32 v1, v3;
	_ =	sdelay $0x1  }
0x60: {  	s19 =	simm.s32 $0x1C00  }
0x61: {  	[tilespmem:s19], [sflag:$0x5] =	stream.indirect_vreg.gather [hbm4b:s0+s3], $0x80, v4, vm0, $0xb8;
	[tilespmem:$0x1E400] =	vst v63  }
0x62: {  	s24 =	simm.s32 $0x2800  }
0x63: {  	[tilespmem:s24], [sflag:$0x5] =	stream.indirect_vreg.gather [hbm4b:s0+s3], $0x80, v3, vm0, $0xb8;
	[tilespmem:$0x1E400] =	vst v63  }
0x64: {  	v3 =	vld [tilespmem:$0x20];
	_ =	sdelay $0x4  }
0x65: {  	v62 =	vperm.xlane v3, v0;
	_ =	sdelay $0x1  }
0x66: {  	v3 =	vperm.xlane v3, v2;
	v4 =	vadd.s32 v1, v62;
	_ =	sdelay $0x1  }
0x67: {  	v3 =	vadd.s32 v1, v3;
	_ =	sdelay $0x1  }
0x68: {  	s31 =	simm.s32 $0x3400  }
0x69: {  	[tilespmem:s31], [sflag:$0x5] =	stream.indirect_vreg.gather [hbm4b:s0+s3], $0x80, v4, vm0, $0xb8;
	[tilespmem:$0x1E400] =	vst v63  }
0x6a: {  	s7 =	simm.s32 $0x4000  }
0x6b: {  	[tilespmem:s7], [sflag:$0x5] =	stream.indirect_vreg.gather [hbm4b:s0+s3], $0x80, v3, vm0, $0xb8;
	[tilespmem:$0x1E400] =	vst v63  }
0x6c: {  	v3 =	vld [tilespmem:$0x30];
	_ =	sdelay $0x4  }
0x6d: {  	v63 =	vperm.xlane v3, v0;
	_ =	sdelay $0x1  }
0x6e: {  	v3 =	vperm.xlane v3, v2;
	v4 =	vadd.s32 v1, v63;
	_ =	sdelay $0x1  }
0x6f: {  	v3 =	vadd.s32 v1, v3;
	_ =	sdelay $0x1  }
0x70: {  	s8 =	simm.s32 $0x4C00  }
0x71: {  	[tilespmem:s8], [sflag:$0x5] =	stream.indirect_vreg.gather [hbm4b:s0+s3], $0x80, v4, vm0, $0xb8;
	[tilespmem:$0x1E400] =	vst v63  }
0x72: {  	s13 =	simm.s32 $0x5800  }
0x73: {  	[tilespmem:s13], [sflag:$0x5] =	stream.indirect_vreg.gather [hbm4b:s0+s3], $0x80, v3, vm0, $0xb8;
	[tilespmem:$0x1E400] =	vst v63  }
0x74: {  	v3 =	vld [tilespmem:$0x40];
	_ =	sdelay $0x4  }
0x75: {  	v8 =	vperm.xlane v3, v0;
	_ =	sdelay $0x1  }
0x76: {  	v3 =	vperm.xlane v3, v2;
	v4 =	vadd.s32 v1, v8;
	_ =	sdelay $0x1  }
0x77: {  	v3 =	vadd.s32 v1, v3;
	_ =	sdelay $0x1  }
0x78: {  	s14 =	simm.s32 $0x6400  }
0x79: {  	[tilespmem:s14], [sflag:$0x5] =	stream.indirect_vreg.gather [hbm4b:s0+s3], $0x80, v4, vm0, $0xb8;
	[tilespmem:$0x1E400] =	vst v63  }
0x7a: {  	s29 =	simm.s32 $0x7000  }
0x7b: {  	[tilespmem:s29], [sflag:$0x5] =	stream.indirect_vreg.gather [hbm4b:s0+s3], $0x80, v3, vm0, $0xb8;
	[tilespmem:$0x1E400] =	vst v63  }
0x7c: {  	v3 =	vld [tilespmem:$0x200];
	_ =	sdelay $0x4  }
0x7d: {  	v9 =	vperm.xlane v3, v0;
	_ =	sdelay $0x1  }
0x7e: {  	v3 =	vperm.xlane v3, v2;
	v4 =	vadd.s32 v1, v9;
	_ =	sdelay $0x1  }
0x7f: {  	v3 =	vadd.s32 v1, v3;
	_ =	sdelay $0x1  }
0x80: {  	s4 =	simm.s32 $0x800  }
0x81: {  	[tilespmem:s4], [sflag:$0x5] =	stream.indirect_vreg.gather [hbm4b:s0+s3], $0x80, v4, vm0, $0xb8;
	[tilespmem:$0x1E400] =	vst v63  }
0x82: {  	s7 =	simm.s32 $0x1400  }
0x83: {  	[tilespmem:s7], [sflag:$0x5] =	stream.indirect_vreg.gather [hbm4b:s0+s3], $0x80, v3, vm0, $0xb8;
	[tilespmem:$0x1E400] =	vst v63  }
0x84: {  	v3 =	vld [tilespmem:$0x210];
	_ =	sdelay $0x4  }
0x85: {  	v10 =	vperm.xlane v3, v0;
	_ =	sdelay $0x1  }
0x86: {  	v3 =	vperm.xlane v3, v2;
	v4 =	vadd.s32 v1, v10;
	_ =	sdelay $0x1  }
0x87: {  	v3 =	vadd.s32 v1, v3;
	_ =	sdelay $0x1  }
0x88: {  	s8 =	simm.s32 $0x2000  }
0x89: {  	[tilespmem:s8], [sflag:$0x5] =	stream.indirect_vreg.gather [hbm4b:s0+s3], $0x80, v4, vm0, $0xb8;
	[tilespmem:$0x1E400] =	vst v63  }
0x8a: {  	s13 =	simm.s32 $0x2C00  }
0x8b: {  	[tilespmem:s13], [sflag:$0x5] =	stream.indirect_vreg.gather [hbm4b:s0+s3], $0x80, v3, vm0, $0xb8;
	[tilespmem:$0x1E400] =	vst v63  }
0x8c: {  	v3 =	vld [tilespmem:$0x220];
	_ =	sdelay $0x4  }
0x8d: {  	v11 =	vperm.xlane v3, v0;
	_ =	sdelay $0x1  }
0x8e: {  	v3 =	vperm.xlane v3, v2;
	v4 =	vadd.s32 v1, v11;
	_ =	sdelay $0x1  }
0x8f: {  	v3 =	vadd.s32 v1, v3;
	_ =	sdelay $0x1  }
0x90: {  	s14 =	simm.s32 $0x3800  }
0x91: {  	[tilespmem:s14], [sflag:$0x5] =	stream.indirect_vreg.gather [hbm4b:s0+s3], $0x80, v4, vm0, $0xb8;
	[tilespmem:$0x1E400] =	vst v63  }
0x92: {  	s29 =	simm.s32 $0x4400  }
0x93: {  	[tilespmem:s29], [sflag:$0x5] =	stream.indirect_vreg.gather [hbm4b:s0+s3], $0x80, v3, vm0, $0xb8;
	[tilespmem:$0x1E400] =	vst v63  }
0x94: {  	v3 =	vld [tilespmem:$0x230];
	_ =	sdelay $0x4  }
0x95: {  	v12 =	vperm.xlane v3, v0;
	_ =	sdelay $0x1  }
0x96: {  	v3 =	vperm.xlane v3, v2;
	v4 =	vadd.s32 v1, v12;
	_ =	sdelay $0x1  }
0x97: {  	v3 =	vadd.s32 v1, v3;
	_ =	sdelay $0x1  }
0x98: {  	s4 =	simm.s32 $0x5000  }
0x99: {  	[tilespmem:s4], [sflag:$0x5] =	stream.indirect_vreg.gather [hbm4b:s0+s3], $0x80, v4, vm0, $0xb8;
	[tilespmem:$0x1E400] =	vst v63  }
0x9a: {  	s7 =	simm.s32 $0x5C00  }
0x9b: {  	[tilespmem:s7], [sflag:$0x5] =	stream.indirect_vreg.gather [hbm4b:s0+s3], $0x80, v3, vm0, $0xb8;
	[tilespmem:$0x1E400] =	vst v63  }
0x9c: {  	v3 =	vld [tilespmem:$0x240];
	_ =	sdelay $0x4  }
0x9d: {  	v13 =	vperm.xlane v3, v0;
	_ =	sdelay $0x1  }
0x9e: {  	v3 =	vperm.xlane v3, v2;
	v4 =	vadd.s32 v1, v13;
	_ =	sdelay $0x1  }
0x9f: {  	v3 =	vadd.s32 v1, v3;
	_ =	sdelay $0x1  }
0xa0: {  	s8 =	simm.s32 $0x6800  }
0xa1: {  	[tilespmem:s8], [sflag:$0x5] =	stream.indirect_vreg.gather [hbm4b:s0+s3], $0x80, v4, vm0, $0xb8;
	[tilespmem:$0x1E400] =	vst v63  }
0xa2: {  	s13 =	simm.s32 $0x7400  }
0xa3: {  	[tilespmem:s13], [sflag:$0x5] =	stream.indirect_vreg.gather [hbm4b:s0+s3], $0x80, v3, vm0, $0xb8;
	[tilespmem:$0x1E400] =	vst v63  }
0xa4: {  	s2 =	simm.s32 $0xC00;
	s4 =	rddreg [dreg:$0xe]  }
0xa5: {  	[tilespmem:s2], [sflag:$0x5] =	stream.linear.gather [hbm4b:s4+s3], $0x400, $0x38;
	[tilespmem:$0x1E400] =	vst v63  }
0xa6: {  	s7 =	sadd.s32 $0x80, s4;
	s8 =	simm.s32 $0x1800  }
0xa7: {  	[tilespmem:s8], [sflag:$0x5] =	stream.linear.gather [hbm4b:s7+s3], $0x400, $0x38;
	[tilespmem:$0x1E400] =	vst v63  }
0xa8: {  	s29 =	simm.s32 $0x2400;
	s14 =	sadd.s32 $0x100, s4  }
0xa9: {  	[tilespmem:s29], [sflag:$0x5] =	stream.linear.gather [hbm4b:s14+s3], $0x400, $0x38;
	[tilespmem:$0x1E400] =	vst v63  }
0xaa: {  	s13 =	simm.s32 $0x3000;
	s8 =	sadd.s32 $0x180, s4  }
0xab: {  	[tilespmem:s13], [sflag:$0x5] =	stream.linear.gather [hbm4b:s8+s3], $0x400, $0x38;
	[tilespmem:$0x1E400] =	vst v63  }
0xac: {  	s14 =	sadd.s32 $0x200, s4;
	s29 =	simm.s32 $0x3C00  }
0xad: {  	[tilespmem:s29], [sflag:$0x5] =	stream.linear.gather [hbm4b:s14+s3], $0x400, $0x38;
	[tilespmem:$0x1E400] =	vst v63  }
0xae: {  	s8 =	sadd.s32 $0x280, s4;
	s13 =	simm.s32 $0x4800  }
0xaf: {  	[tilespmem:s13], [sflag:$0x5] =	stream.linear.gather [hbm4b:s8+s3], $0x400, $0x38;
	[tilespmem:$0x1E400] =	vst v63  }
0xb0: {  	s14 =	sadd.s32 $0x300, s4;
	s29 =	simm.s32 $0x5400  }
0xb1: {  	[tilespmem:s29], [sflag:$0x5] =	stream.linear.gather [hbm4b:s14+s3], $0x400, $0x38;
	[tilespmem:$0x1E400] =	vst v63  }
0xb2: {  	s8 =	sadd.s32 $0x380, s4;
	s13 =	simm.s32 $0x6000  }
0xb3: {  	[tilespmem:s13], [sflag:$0x5] =	stream.linear.gather [hbm4b:s8+s3], $0x400, $0x38;
	[tilespmem:$0x1E400] =	vst v63  }
0xb4: {  	s14 =	sadd.s32 $0x400, s4;
	s29 =	simm.s32 $0x6C00  }
0xb5: {  	[tilespmem:s29], [sflag:$0x5] =	stream.linear.gather [hbm4b:s14+s3], $0x400, $0x38;
	[tilespmem:$0x1E400] =	vst v63  }
0xb6: {  	s8 =	sadd.s32 $0x480, s4;
	s13 =	simm.s32 $0x7800  }
0xb7: {  	[tilespmem:s13], [sflag:$0x5] =	stream.linear.gather [hbm4b:s8+s3], $0x400, $0x38;
	[tilespmem:$0x1E400] =	vst v63  }
0xb8: {  	_ =	swait.ge [sflag:s21], $0xA0  }
0xb9: {  	[sflag:s21] =	ssyncset.done $0x0  }
0xba: {  	[sflag:s21] =	ssyncadd.s32 $0xFFFFFF60  }
0xbb: {  	v3 =	vld [tilespmem:$0x80];
	_ =	sdelay $0x4  }
0xbc: {  	v14 =	vperm.xlane v3, v0;
	_ =	sdelay $0x1  }
0xbd: {  	v3 =	vperm.xlane v3, v2;
	v4 =	vadd.s32 v1, v14;
	_ =	sdelay $0x1  }
0xbe: {  	v3 =	vadd.s32 v1, v3;
	_ =	sdelay $0x1  }
0xbf: {  	s13 =	simm.s32 $0x7C00  }
0xc0: {  	[tilespmem:s13], [sflag:$0x6] =	stream.indirect_vreg.gather [hbm4b:s0+s3], $0x80, v4, vm0, $0xb8;
	[tilespmem:$0x1E400] =	vst v63  }
0xc1: {  	s14 =	simm.s32 $0x8800  }
0xc2: {  	[tilespmem:s14], [sflag:$0x6] =	stream.indirect_vreg.gather [hbm4b:s0+s3], $0x80, v3, vm0, $0xb8;
	[tilespmem:$0x1E400] =	vst v63  }
0xc3: {  	v3 =	vld [tilespmem:$0x90];
	_ =	sdelay $0x4  }
0xc4: {  	v15 =	vperm.xlane v3, v0;
	_ =	sdelay $0x1  }
0xc5: {  	v3 =	vperm.xlane v3, v2;
	v4 =	vadd.s32 v1, v15;
	_ =	sdelay $0x1  }
0xc6: {  	v3 =	vadd.s32 v1, v3;
	_ =	sdelay $0x1  }
0xc7: {  	s14 =	simm.s32 $0x9400  }
0xc8: {  	[tilespmem:s14], [sflag:$0x6] =	stream.indirect_vreg.gather [hbm4b:s0+s3], $0x80, v4, vm0, $0xb8;
	[tilespmem:$0x1E400] =	vst v63  }
0xc9: {  	s29 =	simm.s32 $0xA000  }
0xca: {  	[tilespmem:s29], [sflag:$0x6] =	stream.indirect_vreg.gather [hbm4b:s0+s3], $0x80, v3, vm0, $0xb8;
	[tilespmem:$0x1E400] =	vst v63  }
0xcb: {  	v3 =	vld [tilespmem:$0xA0];
	_ =	sdelay $0x4  }
0xcc: {  	v16 =	vperm.xlane v3, v0;
	_ =	sdelay $0x1  }
0xcd: {  	v3 =	vperm.xlane v3, v2;
	v4 =	vadd.s32 v1, v16;
	_ =	sdelay $0x1  }
0xce: {  	v3 =	vadd.s32 v1, v3;
	_ =	sdelay $0x1  }
0xcf: {  	s7 =	simm.s32 $0xAC00  }
0xd0: {  	[tilespmem:s7], [sflag:$0x6] =	stream.indirect_vreg.gather [hbm4b:s0+s3], $0x80, v4, vm0, $0xb8;
	[tilespmem:$0x1E400] =	vst v63  }
0xd1: {  	s8 =	simm.s32 $0xB800  }
0xd2: {  	[tilespmem:s8], [sflag:$0x6] =	stream.indirect_vreg.gather [hbm4b:s0+s3], $0x80, v3, vm0, $0xb8;
	[tilespmem:$0x1E400] =	vst v63  }
0xd3: {  	v3 =	vld [tilespmem:$0xB0];
	_ =	sdelay $0x4  }
0xd4: {  	v17 =	vperm.xlane v3, v0;
	_ =	sdelay $0x1  }
0xd5: {  	v3 =	vperm.xlane v3, v2;
	v4 =	vadd.s32 v1, v17;
	_ =	sdelay $0x1  }
0xd6: {  	v3 =	vadd.s32 v1, v3;
	_ =	sdelay $0x1  }
0xd7: {  	s29 =	simm.s32 $0xC400  }
0xd8: {  	[tilespmem:s29], [sflag:$0x6] =	stream.indirect_vreg.gather [hbm4b:s0+s3], $0x80, v4, vm0, $0xb8;
	[tilespmem:$0x1E400] =	vst v63  }
0xd9: {  	s7 =	simm.s32 $0xD000  }
0xda: {  	[tilespmem:s7], [sflag:$0x6] =	stream.indirect_vreg.gather [hbm4b:s0+s3], $0x80, v3, vm0, $0xb8;
	[tilespmem:$0x1E400] =	vst v63  }
0xdb: {  	v3 =	vld [tilespmem:$0xC0];
	_ =	sdelay $0x4  }
0xdc: {  	v18 =	vperm.xlane v3, v0;
	_ =	sdelay $0x1  }
0xdd: {  	v3 =	vperm.xlane v3, v2;
	v4 =	vadd.s32 v1, v18;
	_ =	sdelay $0x1  }
0xde: {  	v3 =	vadd.s32 v1, v3;
	_ =	sdelay $0x1  }
0xdf: {  	s8 =	simm.s32 $0xDC00  }
0xe0: {  	[tilespmem:s8], [sflag:$0x6] =	stream.indirect_vreg.gather [hbm4b:s0+s3], $0x80, v4, vm0, $0xb8;
	[tilespmem:$0x1E400] =	vst v63  }
0xe1: {  	s29 =	simm.s32 $0xE800  }
0xe2: {  	[tilespmem:s29], [sflag:$0x6] =	stream.indirect_vreg.gather [hbm4b:s0+s3], $0x80, v3, vm0, $0xb8;
	[tilespmem:$0x1E400] =	vst v63  }
0xe3: {  	v3 =	vld [tilespmem:$0x280];
	_ =	sdelay $0x4  }
0xe4: {  	v19 =	vperm.xlane v3, v0;
	_ =	sdelay $0x1  }
0xe5: {  	v3 =	vperm.xlane v3, v2;
	v4 =	vadd.s32 v1, v19;
	_ =	sdelay $0x1  }
0xe6: {  	v3 =	vadd.s32 v1, v3;
	_ =	sdelay $0x1  }
0xe7: {  	s7 =	simm.s32 $0x8000  }
0xe8: {  	[tilespmem:s7], [sflag:$0x6] =	stream.indirect_vreg.gather [hbm4b:s0+s3], $0x80, v4, vm0, $0xb8;
	[tilespmem:$0x1E400] =	vst v63  }
0xe9: {  	s8 =	simm.s32 $0x8C00  }
0xea: {  	[tilespmem:s8], [sflag:$0x6] =	stream.indirect_vreg.gather [hbm4b:s0+s3], $0x80, v3, vm0, $0xb8;
	[tilespmem:$0x1E400] =	vst v63  }
0xeb: {  	v3 =	vld [tilespmem:$0x290];
	_ =	sdelay $0x4  }
0xec: {  	v20 =	vperm.xlane v3, v0;
	_ =	sdelay $0x1  }
0xed: {  	v3 =	vperm.xlane v3, v2;
	v4 =	vadd.s32 v1, v20;
	_ =	sdelay $0x1  }
0xee: {  	v3 =	vadd.s32 v1, v3;
	_ =	sdelay $0x1  }
0xef: {  	s29 =	simm.s32 $0x9800  }
0xf0: {  	[tilespmem:s29], [sflag:$0x6] =	stream.indirect_vreg.gather [hbm4b:s0+s3], $0x80, v4, vm0, $0xb8;
	[tilespmem:$0x1E400] =	vst v63  }
0xf1: {  	s7 =	simm.s32 $0xA400  }
0xf2: {  	[tilespmem:s7], [sflag:$0x6] =	stream.indirect_vreg.gather [hbm4b:s0+s3], $0x80, v3, vm0, $0xb8;
	[tilespmem:$0x1E400] =	vst v63  }
0xf3: {  	v3 =	vld [tilespmem:$0x2A0];
	_ =	sdelay $0x4  }
0xf4: {  	v21 =	vperm.xlane v3, v0;
	_ =	sdelay $0x1  }
0xf5: {  	v3 =	vperm.xlane v3, v2;
	v4 =	vadd.s32 v1, v21;
	_ =	sdelay $0x1  }
0xf6: {  	v3 =	vadd.s32 v1, v3;
	_ =	sdelay $0x1  }
0xf7: {  	s8 =	simm.s32 $0xB000  }
0xf8: {  	[tilespmem:s8], [sflag:$0x6] =	stream.indirect_vreg.gather [hbm4b:s0+s3], $0x80, v4, vm0, $0xb8;
	[tilespmem:$0x1E400] =	vst v63  }
0xf9: {  	s29 =	simm.s32 $0xBC00  }
0xfa: {  	[tilespmem:s29], [sflag:$0x6] =	stream.indirect_vreg.gather [hbm4b:s0+s3], $0x80, v3, vm0, $0xb8;
	[tilespmem:$0x1E400] =	vst v63  }
0xfb: {  	v3 =	vld [tilespmem:$0x2B0];
	_ =	sdelay $0x4  }
0xfc: {  	v22 =	vperm.xlane v3, v0;
	_ =	sdelay $0x1  }
0xfd: {  	v3 =	vperm.xlane v3, v2;
	v4 =	vadd.s32 v1, v22;
	_ =	sdelay $0x1  }
0xfe: {  	v3 =	vadd.s32 v1, v3;
	_ =	sdelay $0x1  }
0xff: {  	s7 =	simm.s32 $0xC800  }
0x100: {  	[tilespmem:s7], [sflag:$0x6] =	stream.indirect_vreg.gather [hbm4b:s0+s3], $0x80, v4, vm0, $0xb8;
	[tilespmem:$0x1E400] =	vst v63  }
0x101: {  	s8 =	simm.s32 $0xD400  }
0x102: {  	[tilespmem:s8], [sflag:$0x6] =	stream.indirect_vreg.gather [hbm4b:s0+s3], $0x80, v3, vm0, $0xb8;
	[tilespmem:$0x1E400] =	vst v63  }
0x103: {  	v3 =	vld [tilespmem:$0x2C0];
	_ =	sdelay $0x4  }
0x104: {  	v23 =	vperm.xlane v3, v0;
	_ =	sdelay $0x1  }
0x105: {  	v3 =	vperm.xlane v3, v2;
	v4 =	vadd.s32 v1, v23;
	_ =	sdelay $0x1  }
0x106: {  	v3 =	vadd.s32 v1, v3;
	_ =	sdelay $0x1  }
0x107: {  	s29 =	simm.s32 $0xE000  }
0x108: {  	[tilespmem:s29], [sflag:$0x6] =	stream.indirect_vreg.gather [hbm4b:s0+s3], $0x80, v4, vm0, $0xb8;
	[tilespmem:$0x1E400] =	vst v63  }
0x109: {  	s7 =	simm.s32 $0xEC00  }
0x10a: {  	[tilespmem:s7], [sflag:$0x6] =	stream.indirect_vreg.gather [hbm4b:s0+s3], $0x80, v3, vm0, $0xb8;
	[tilespmem:$0x1E400] =	vst v63  }
0x10b: {  	s28 =	simm.s32 $0x8400;
	s4 =	rddreg [dreg:$0xf]  }
0x10c: {  	[tilespmem:s28], [sflag:$0x6] =	stream.linear.gather [hbm4b:s4+s3], $0x400, $0x38;
	[tilespmem:$0x1E400] =	vst v63  }
0x10d: {  	s8 =	sadd.s32 $0x80, s4;
	s29 =	simm.s32 $0x9000  }
0x10e: {  	[tilespmem:s29], [sflag:$0x6] =	stream.linear.gather [hbm4b:s8+s3], $0x400, $0x38;
	[tilespmem:$0x1E400] =	vst v63  }
0x10f: {  	s8 =	sadd.s32 $0x100, s4;
	s29 =	simm.s32 $0x9C00  }
0x110: {  	[tilespmem:s29], [sflag:$0x6] =	stream.linear.gather [hbm4b:s8+s3], $0x400, $0x38;
	[tilespmem:$0x1E400] =	vst v63  }
0x111: {  	s8 =	sadd.s32 $0x180, s4;
	s29 =	simm.s32 $0xA800  }
0x112: {  	[tilespmem:s29], [sflag:$0x6] =	stream.linear.gather [hbm4b:s8+s3], $0x400, $0x38;
	[tilespmem:$0x1E400] =	vst v63  }
0x113: {  	s8 =	sadd.s32 $0x200, s4;
	s29 =	simm.s32 $0xB400  }
0x114: {  	[tilespmem:s29], [sflag:$0x6] =	stream.linear.gather [hbm4b:s8+s3], $0x400, $0x38;
	[tilespmem:$0x1E400] =	vst v63  }
0x115: {  	s8 =	sadd.s32 $0x280, s4;
	s29 =	simm.s32 $0xC000  }
0x116: {  	[tilespmem:s29], [sflag:$0x6] =	stream.linear.gather [hbm4b:s8+s3], $0x400, $0x38;
	[tilespmem:$0x1E400] =	vst v63  }
0x117: {  	s8 =	sadd.s32 $0x300, s4;
	s29 =	simm.s32 $0xCC00  }
0x118: {  	[tilespmem:s29], [sflag:$0x6] =	stream.linear.gather [hbm4b:s8+s3], $0x400, $0x38;
	[tilespmem:$0x1E400] =	vst v63  }
0x119: {  	s8 =	sadd.s32 $0x380, s4;
	s29 =	simm.s32 $0xD800  }
0x11a: {  	[tilespmem:s29], [sflag:$0x6] =	stream.linear.gather [hbm4b:s8+s3], $0x400, $0x38;
	[tilespmem:$0x1E400] =	vst v63  }
0x11b: {  	s8 =	sadd.s32 $0x400, s4;
	s29 =	simm.s32 $0xE400  }
0x11c: {  	[tilespmem:s29], [sflag:$0x6] =	stream.linear.gather [hbm4b:s8+s3], $0x400, $0x38;
	[tilespmem:$0x1E400] =	vst v63  }
0x11d: {  	s8 =	sadd.s32 $0x480, s4;
	s29 =	simm.s32 $0xF000  }
0x11e: {  	[tilespmem:s29], [sflag:$0x6] =	stream.linear.gather [hbm4b:s8+s3], $0x400, $0x38;
	[tilespmem:$0x1E400] =	vst v63  }
0x11f: {  	s8 =	sld [smem:$0x7EB];
	_ =	sdelay $0x1  }
0x120: {  	s29 =	simm.s32 $0x180  }
0x121: {  	[tilespmem:s29], [sflag:$0x4] =	stream.linear.gather [hbm4b:s8+s3], $0x50, $0x38;
	[tilespmem:$0x1E400] =	vst v63  }
0x122: {  	s8 =	sld [smem:$0x7EC];
	_ =	sdelay $0x1  }
0x123: {  	s29 =	simm.s32 $0x380  }
0x124: {  	[tilespmem:s29], [sflag:$0x4] =	stream.linear.gather [hbm4b:s8+s3], $0x50, $0x38;
	[tilespmem:$0x1E400] =	vst v63  }
0x125: {  	_ =	swait.ge [sflag:s22], $0xA0  }
0x126: {  	[sflag:s22] =	ssyncset.done $0x0  }
0x127: {  	[sflag:s22] =	ssyncadd.s32 $0xFFFFFF60  }
0x128: {  	v3 =	vld [tilespmem:$0x100];
	_ =	sdelay $0x4  }
0x129: {  	v24 =	vperm.xlane v3, v0;
	_ =	sdelay $0x1  }
0x12a: {  	v3 =	vperm.xlane v3, v2;
	v4 =	vadd.s32 v1, v24;
	_ =	sdelay $0x1  }
0x12b: {  	v3 =	vadd.s32 v1, v3;
	_ =	sdelay $0x1  }
0x12c: {  	s8 =	simm.s32 $0xF400  }
0x12d: {  	[tilespmem:s8], [sflag:$0x7] =	stream.indirect_vreg.gather [hbm4b:s0+s3], $0x80, v4, vm0, $0xb8;
	[tilespmem:$0x1E400] =	vst v63  }
0x12e: {  	s7 =	simm.s32 $0x10000  }
0x12f: {  	[tilespmem:s7], [sflag:$0x7] =	stream.indirect_vreg.gather [hbm4b:s0+s3], $0x80, v3, vm0, $0xb8;
	[tilespmem:$0x1E400] =	vst v63  }
0x130: {  	v3 =	vld [tilespmem:$0x110];
	_ =	sdelay $0x4  }
0x131: {  	v25 =	vperm.xlane v3, v0;
	_ =	sdelay $0x1  }
0x132: {  	v3 =	vperm.xlane v3, v2;
	v4 =	vadd.s32 v1, v25;
	_ =	sdelay $0x1  }
0x133: {  	v3 =	vadd.s32 v1, v3;
	_ =	sdelay $0x1  }
0x134: {  	s29 =	simm.s32 $0x10C00  }
0x135: {  	[tilespmem:s29], [sflag:$0x7] =	stream.indirect_vreg.gather [hbm4b:s0+s3], $0x80, v4, vm0, $0xb8;
	[tilespmem:$0x1E400] =	vst v63  }
0x136: {  	s7 =	simm.s32 $0x11800  }
0x137: {  	[tilespmem:s7], [sflag:$0x7] =	stream.indirect_vreg.gather [hbm4b:s0+s3], $0x80, v3, vm0, $0xb8;
	[tilespmem:$0x1E400] =	vst v63  }
0x138: {  	v3 =	vld [tilespmem:$0x120];
	_ =	sdelay $0x4  }
0x139: {  	v26 =	vperm.xlane v3, v0;
	_ =	sdelay $0x1  }
0x13a: {  	v3 =	vperm.xlane v3, v2;
	v4 =	vadd.s32 v1, v26;
	_ =	sdelay $0x1  }
0x13b: {  	v3 =	vadd.s32 v1, v3;
	_ =	sdelay $0x1  }
0x13c: {  	s29 =	simm.s32 $0x12400  }
0x13d: {  	[tilespmem:s29], [sflag:$0x7] =	stream.indirect_vreg.gather [hbm4b:s0+s3], $0x80, v4, vm0, $0xb8;
	[tilespmem:$0x1E400] =	vst v63  }
0x13e: {  	s7 =	simm.s32 $0x13000  }
0x13f: {  	[tilespmem:s7], [sflag:$0x7] =	stream.indirect_vreg.gather [hbm4b:s0+s3], $0x80, v3, vm0, $0xb8;
	[tilespmem:$0x1E400] =	vst v63  }
0x140: {  	v3 =	vld [tilespmem:$0x130];
	_ =	sdelay $0x4  }
0x141: {  	v27 =	vperm.xlane v3, v0;
	_ =	sdelay $0x1  }
0x142: {  	v3 =	vperm.xlane v3, v2;
	v4 =	vadd.s32 v1, v27;
	_ =	sdelay $0x1  }
0x143: {  	v3 =	vadd.s32 v1, v3;
	_ =	sdelay $0x1  }
0x144: {  	s29 =	simm.s32 $0x13C00  }
0x145: {  	[tilespmem:s29], [sflag:$0x7] =	stream.indirect_vreg.gather [hbm4b:s0+s3], $0x80, v4, vm0, $0xb8;
	[tilespmem:$0x1E400] =	vst v63  }
0x146: {  	s7 =	simm.s32 $0x14800  }
0x147: {  	[tilespmem:s7], [sflag:$0x7] =	stream.indirect_vreg.gather [hbm4b:s0+s3], $0x80, v3, vm0, $0xb8;
	[tilespmem:$0x1E400] =	vst v63  }
0x148: {  	v3 =	vld [tilespmem:$0x140];
	_ =	sdelay $0x4  }
0x149: {  	v28 =	vperm.xlane v3, v0;
	_ =	sdelay $0x1  }
0x14a: {  	v3 =	vperm.xlane v3, v2;
	v4 =	vadd.s32 v1, v28;
	_ =	sdelay $0x1  }
0x14b: {  	v3 =	vadd.s32 v1, v3;
	_ =	sdelay $0x1  }
0x14c: {  	s29 =	simm.s32 $0x15400  }
0x14d: {  	[tilespmem:s29], [sflag:$0x7] =	stream.indirect_vreg.gather [hbm4b:s0+s3], $0x80, v4, vm0, $0xb8;
	[tilespmem:$0x1E400] =	vst v63  }
0x14e: {  	s7 =	simm.s32 $0x16000  }
0x14f: {  	[tilespmem:s7], [sflag:$0x7] =	stream.indirect_vreg.gather [hbm4b:s0+s3], $0x80, v3, vm0, $0xb8;
	[tilespmem:$0x1E400] =	vst v63  }
0x150: {  	v3 =	vld [tilespmem:$0x300];
	_ =	sdelay $0x4  }
0x151: {  	v29 =	vperm.xlane v3, v0;
	_ =	sdelay $0x1  }
0x152: {  	v3 =	vperm.xlane v3, v2;
	v4 =	vadd.s32 v1, v29;
	_ =	sdelay $0x1  }
0x153: {  	v3 =	vadd.s32 v1, v3;
	_ =	sdelay $0x1  }
0x154: {  	s29 =	simm.s32 $0xF800  }
0x155: {  	[tilespmem:s29], [sflag:$0x7] =	stream.indirect_vreg.gather [hbm4b:s0+s3], $0x80, v4, vm0, $0xb8;
	[tilespmem:$0x1E400] =	vst v63  }
0x156: {  	s7 =	simm.s32 $0x10400  }
0x157: {  	[tilespmem:s7], [sflag:$0x7] =	stream.indirect_vreg.gather [hbm4b:s0+s3], $0x80, v3, vm0, $0xb8;
	[tilespmem:$0x1E400] =	vst v63  }
0x158: {  	v3 =	vld [tilespmem:$0x310];
	_ =	sdelay $0x4  }
0x159: {  	v30 =	vperm.xlane v3, v0;
	_ =	sdelay $0x1  }
0x15a: {  	v3 =	vperm.xlane v3, v2;
	v4 =	vadd.s32 v1, v30;
	_ =	sdelay $0x1  }
0x15b: {  	v3 =	vadd.s32 v1, v3;
	_ =	sdelay $0x1  }
0x15c: {  	s29 =	simm.s32 $0x11000  }
0x15d: {  	[tilespmem:s29], [sflag:$0x7] =	stream.indirect_vreg.gather [hbm4b:s0+s3], $0x80, v4, vm0, $0xb8;
	[tilespmem:$0x1E400] =	vst v63  }
0x15e: {  	s7 =	simm.s32 $0x11C00  }
0x15f: {  	[tilespmem:s7], [sflag:$0x7] =	stream.indirect_vreg.gather [hbm4b:s0+s3], $0x80, v3, vm0, $0xb8;
	[tilespmem:$0x1E400] =	vst v63  }
0x160: {  	v3 =	vld [tilespmem:$0x320];
	_ =	sdelay $0x4  }
0x161: {  	v31 =	vperm.xlane v3, v0;
	_ =	sdelay $0x1  }
0x162: {  	v3 =	vperm.xlane v3, v2;
	v4 =	vadd.s32 v1, v31;
	_ =	sdelay $0x1  }
0x163: {  	v3 =	vadd.s32 v1, v3;
	_ =	sdelay $0x1  }
0x164: {  	s29 =	simm.s32 $0x12800  }
0x165: {  	[tilespmem:s29], [sflag:$0x7] =	stream.indirect_vreg.gather [hbm4b:s0+s3], $0x80, v4, vm0, $0xb8;
	[tilespmem:$0x1E400] =	vst v63  }
0x166: {  	s7 =	simm.s32 $0x13400  }
0x167: {  	[tilespmem:s7], [sflag:$0x7] =	stream.indirect_vreg.gather [hbm4b:s0+s3], $0x80, v3, vm0, $0xb8;
	[tilespmem:$0x1E400] =	vst v63  }
0x168: {  	v3 =	vld [tilespmem:$0x330];
	_ =	sdelay $0x4  }
0x169: {  	v32 =	vperm.xlane v3, v0;
	_ =	sdelay $0x1  }
0x16a: {  	v3 =	vperm.xlane v3, v2;
	v4 =	vadd.s32 v1, v32;
	_ =	sdelay $0x1  }
0x16b: {  	v3 =	vadd.s32 v1, v3;
	_ =	sdelay $0x1  }
0x16c: {  	s29 =	simm.s32 $0x14000  }
0x16d: {  	[tilespmem:s29], [sflag:$0x7] =	stream.indirect_vreg.gather [hbm4b:s0+s3], $0x80, v4, vm0, $0xb8;
	[tilespmem:$0x1E400] =	vst v63  }
0x16e: {  	s7 =	simm.s32 $0x14C00  }
0x16f: {  	[tilespmem:s7], [sflag:$0x7] =	stream.indirect_vreg.gather [hbm4b:s0+s3], $0x80, v3, vm0, $0xb8;
	[tilespmem:$0x1E400] =	vst v63  }
0x170: {  	v3 =	vld [tilespmem:$0x340];
	_ =	sdelay $0x4  }
0x171: {  	v33 =	vperm.xlane v3, v0;
	_ =	sdelay $0x1  }
0x172: {  	v3 =	vperm.xlane v3, v2;
	v4 =	vadd.s32 v1, v33;
	_ =	sdelay $0x1  }
0x173: {  	v3 =	vadd.s32 v1, v3;
	_ =	sdelay $0x1  }
0x174: {  	s29 =	simm.s32 $0x15800  }
0x175: {  	[tilespmem:s29], [sflag:$0x7] =	stream.indirect_vreg.gather [hbm4b:s0+s3], $0x80, v4, vm0, $0xb8;
	[tilespmem:$0x1E400] =	vst v63  }
0x176: {  	s7 =	simm.s32 $0x16400  }
0x177: {  	[tilespmem:s7], [sflag:$0x7] =	stream.indirect_vreg.gather [hbm4b:s0+s3], $0x80, v3, vm0, $0xb8;
	[tilespmem:$0x1E400] =	vst v63  }
0x178: {  	s4 =	rddreg [dreg:$0x10];
	s29 =	simm.s32 $0xFC00  }
0x179: {  	[tilespmem:s29], [sflag:$0x7] =	stream.linear.gather [hbm4b:s4+s3], $0x400, $0x38;
	[tilespmem:$0x1E400] =	vst v63  }
0x17a: {  	s7 =	sadd.s32 $0x80, s4;
	s29 =	simm.s32 $0x10800  }
0x17b: {  	[tilespmem:s29], [sflag:$0x7] =	stream.linear.gather [hbm4b:s7+s3], $0x400, $0x38;
	[tilespmem:$0x1E400] =	vst v63  }
0x17c: {  	s7 =	sadd.s32 $0x100, s4;
	s29 =	simm.s32 $0x11400  }
0x17d: {  	[tilespmem:s29], [sflag:$0x7] =	stream.linear.gather [hbm4b:s7+s3], $0x400, $0x38;
	[tilespmem:$0x1E400] =	vst v63  }
0x17e: {  	s7 =	sadd.s32 $0x180, s4;
	s29 =	simm.s32 $0x12000  }
0x17f: {  	[tilespmem:s29], [sflag:$0x7] =	stream.linear.gather [hbm4b:s7+s3], $0x400, $0x38;
	[tilespmem:$0x1E400] =	vst v63  }
0x180: {  	s7 =	sadd.s32 $0x200, s4;
	s29 =	simm.s32 $0x12C00  }
0x181: {  	[tilespmem:s29], [sflag:$0x7] =	stream.linear.gather [hbm4b:s7+s3], $0x400, $0x38;
	[tilespmem:$0x1E400] =	vst v63  }
0x182: {  	s7 =	sadd.s32 $0x280, s4;
	s29 =	simm.s32 $0x13800  }
0x183: {  	[tilespmem:s29], [sflag:$0x7] =	stream.linear.gather [hbm4b:s7+s3], $0x400, $0x38;
	[tilespmem:$0x1E400] =	vst v63  }
0x184: {  	s7 =	sadd.s32 $0x300, s4;
	s29 =	simm.s32 $0x14400  }
0x185: {  	[tilespmem:s29], [sflag:$0x7] =	stream.linear.gather [hbm4b:s7+s3], $0x400, $0x38;
	[tilespmem:$0x1E400] =	vst v63  }
0x186: {  	s7 =	sadd.s32 $0x380, s4;
	s29 =	simm.s32 $0x15000  }
0x187: {  	[tilespmem:s29], [sflag:$0x7] =	stream.linear.gather [hbm4b:s7+s3], $0x400, $0x38;
	[tilespmem:$0x1E400] =	vst v63  }
0x188: {  	s7 =	sadd.s32 $0x400, s4;
	s29 =	simm.s32 $0x15C00  }
0x189: {  	[tilespmem:s29], [sflag:$0x7] =	stream.linear.gather [hbm4b:s7+s3], $0x400, $0x38;
	[tilespmem:$0x1E400] =	vst v63  }
0x18a: {  	s4 =	sadd.s32 $0x480, s4;
	s29 =	simm.s32 $0x16800  }
0x18b: {  	[tilespmem:s29], [sflag:$0x7] =	stream.linear.gather [hbm4b:s4+s3], $0x400, $0x38;
	[tilespmem:$0x1E400] =	vst v63  }
0x18c: {  	_ =	swait.ge [sflag:s26], $0x2800  }
0x18d: {  	[sflag:s26] =	ssyncset.done $0x0  }
0x18e: {  	[sflag:s26] =	ssyncadd.s32 $0xFFFFD800  }
0x18f: {  	_ =	swait.ge [sflag:s26], $0x2800  }
0x190: {  	[sflag:s26] =	ssyncset.done $0x0  }
0x191: {  	[sflag:s26] =	ssyncadd.s32 $0xFFFFD800  }
0x192: {  	_ =	swait.ge [sflag:s26], $0x2800  }
0x193: {  	[sflag:s26] =	ssyncset.done $0x0  }
0x194: {  	s29 =	rddreg [dreg:$0x17];
	[sflag:s26] =	ssyncadd.s32 $0xFFFFD800  }
0x195: {  	[hbm4b:s29+s3] =	stream.linear.scatter [tilespmem:s17], [sflag:$0x9], $0x7800, $0x38;
	[tilespmem:$0x1E400] =	vst v63  }
0x196: {  	s7 =	rddreg [dreg:$0x1c]  }
0x197: {  	[tilespmem:s3], [sflag:$0x1] =	stream.linear.gather [hbm4b:s7+s3], $0x50, $0x38;
	[tilespmem:$0x1E400] =	vst v63  }
0x198: {  	s29 =	rddreg [dreg:$0x1d]  }
0x199: {  	[tilespmem:s9], [sflag:$0x1] =	stream.linear.gather [hbm4b:s29+s3], $0x50, $0x38;
	[tilespmem:$0x1E400] =	vst v63  }
0x19a: {  	_ =	swait.ge [sflag:s20], $0xA0  }
0x19b: {  	[sflag:s20] =	ssyncset.done $0x0  }
0x19c: {  	[sflag:s20] =	ssyncadd.s32 $0xFFFFFF60  }
0x19d: {  	v3 =	vld [tilespmem:$0x180];
	_ =	sdelay $0x4  }
0x19e: {  	v34 =	vperm.xlane v3, v0;
	_ =	sdelay $0x1  }
0x19f: {  	v3 =	vperm.xlane v3, v2;
	v4 =	vadd.s32 v1, v34;
	_ =	sdelay $0x1  }
0x1a0: {  	v3 =	vadd.s32 v1, v3;
	_ =	sdelay $0x1  }
0x1a1: {  	s29 =	simm.s32 $0x16C00  }
0x1a2: {  	[tilespmem:s29], [sflag:$0x8] =	stream.indirect_vreg.gather [hbm4b:s0+s3], $0x80, v4, vm0, $0xb8;
	[tilespmem:$0x1E400] =	vst v63  }
0x1a3: {  	s7 =	simm.s32 $0x17800  }
0x1a4: {  	[tilespmem:s7], [sflag:$0x8] =	stream.indirect_vreg.gather [hbm4b:s0+s3], $0x80, v3, vm0, $0xb8;
	[tilespmem:$0x1E400] =	vst v63  }
0x1a5: {  	v3 =	vld [tilespmem:$0x190];
	_ =	sdelay $0x4  }
0x1a6: {  	v35 =	vperm.xlane v3, v0;
	_ =	sdelay $0x1  }
0x1a7: {  	v3 =	vperm.xlane v3, v2;
	v4 =	vadd.s32 v1, v35;
	_ =	sdelay $0x1  }
0x1a8: {  	v3 =	vadd.s32 v1, v3;
	_ =	sdelay $0x1  }
0x1a9: {  	s9 =	simm.s32 $0x18400  }
0x1aa: {  	[tilespmem:s9], [sflag:$0x8] =	stream.indirect_vreg.gather [hbm4b:s0+s3], $0x80, v4, vm0, $0xb8;
	[tilespmem:$0x1E400] =	vst v63  }
0x1ab: {  	s7 =	simm.s32 $0x19000  }
0x1ac: {  	[tilespmem:s7], [sflag:$0x8] =	stream.indirect_vreg.gather [hbm4b:s0+s3], $0x80, v3, vm0, $0xb8;
	[tilespmem:$0x1E400] =	vst v63  }
0x1ad: {  	v3 =	vld [tilespmem:$0x1A0];
	_ =	sdelay $0x4  }
0x1ae: {  	v36 =	vperm.xlane v3, v0;
	_ =	sdelay $0x1  }
0x1af: {  	v3 =	vperm.xlane v3, v2;
	v4 =	vadd.s32 v1, v36;
	_ =	sdelay $0x1  }
0x1b0: {  	v3 =	vadd.s32 v1, v3;
	_ =	sdelay $0x1  }
0x1b1: {  	s9 =	simm.s32 $0x19C00  }
0x1b2: {  	[tilespmem:s9], [sflag:$0x8] =	stream.indirect_vreg.gather [hbm4b:s0+s3], $0x80, v4, vm0, $0xb8;
	[tilespmem:$0x1E400] =	vst v63  }
0x1b3: {  	s7 =	simm.s32 $0x1A800  }
0x1b4: {  	[tilespmem:s7], [sflag:$0x8] =	stream.indirect_vreg.gather [hbm4b:s0+s3], $0x80, v3, vm0, $0xb8;
	[tilespmem:$0x1E400] =	vst v63  }
0x1b5: {  	v3 =	vld [tilespmem:$0x1B0];
	_ =	sdelay $0x4  }
0x1b6: {  	v37 =	vperm.xlane v3, v0;
	_ =	sdelay $0x1  }
0x1b7: {  	v3 =	vperm.xlane v3, v2;
	v4 =	vadd.s32 v1, v37;
	_ =	sdelay $0x1  }
0x1b8: {  	v3 =	vadd.s32 v1, v3;
	_ =	sdelay $0x1  }
0x1b9: {  	s9 =	simm.s32 $0x1B400  }
0x1ba: {  	[tilespmem:s9], [sflag:$0x8] =	stream.indirect_vreg.gather [hbm4b:s0+s3], $0x80, v4, vm0, $0xb8;
	[tilespmem:$0x1E400] =	vst v63  }
0x1bb: {  	s7 =	simm.s32 $0x1C000  }
0x1bc: {  	[tilespmem:s7], [sflag:$0x8] =	stream.indirect_vreg.gather [hbm4b:s0+s3], $0x80, v3, vm0, $0xb8;
	[tilespmem:$0x1E400] =	vst v63  }
0x1bd: {  	v3 =	vld [tilespmem:$0x1C0];
	_ =	sdelay $0x4  }
0x1be: {  	v38 =	vperm.xlane v3, v0;
	_ =	sdelay $0x1  }
0x1bf: {  	v3 =	vperm.xlane v3, v2;
	v4 =	vadd.s32 v1, v38;
	_ =	sdelay $0x1  }
0x1c0: {  	v3 =	vadd.s32 v1, v3;
	_ =	sdelay $0x1  }
0x1c1: {  	s9 =	simm.s32 $0x1CC00  }
0x1c2: {  	[tilespmem:s9], [sflag:$0x8] =	stream.indirect_vreg.gather [hbm4b:s0+s3], $0x80, v4, vm0, $0xb8;
	[tilespmem:$0x1E400] =	vst v63  }
0x1c3: {  	s7 =	simm.s32 $0x1D800  }
0x1c4: {  	[tilespmem:s7], [sflag:$0x8] =	stream.indirect_vreg.gather [hbm4b:s0+s3], $0x80, v3, vm0, $0xb8;
	[tilespmem:$0x1E400] =	vst v63  }
0x1c5: {  	v3 =	vld [tilespmem:$0x380];
	_ =	sdelay $0x4  }
0x1c6: {  	v39 =	vperm.xlane v3, v0;
	_ =	sdelay $0x1  }
0x1c7: {  	v3 =	vperm.xlane v3, v2;
	v4 =	vadd.s32 v1, v39;
	_ =	sdelay $0x1  }
0x1c8: {  	v3 =	vadd.s32 v1, v3;
	_ =	sdelay $0x1  }
0x1c9: {  	s9 =	simm.s32 $0x17000  }
0x1ca: {  	[tilespmem:s9], [sflag:$0x8] =	stream.indirect_vreg.gather [hbm4b:s0+s3], $0x80, v4, vm0, $0xb8;
	[tilespmem:$0x1E400] =	vst v63  }
0x1cb: {  	s7 =	simm.s32 $0x17C00  }
0x1cc: {  	[tilespmem:s7], [sflag:$0x8] =	stream.indirect_vreg.gather [hbm4b:s0+s3], $0x80, v3, vm0, $0xb8;
	[tilespmem:$0x1E400] =	vst v63  }
0x1cd: {  	v3 =	vld [tilespmem:$0x390];
	_ =	sdelay $0x4  }
0x1ce: {  	v40 =	vperm.xlane v3, v0;
	_ =	sdelay $0x1  }
0x1cf: {  	v3 =	vperm.xlane v3, v2;
	v4 =	vadd.s32 v1, v40;
	_ =	sdelay $0x1  }
0x1d0: {  	v3 =	vadd.s32 v1, v3;
	_ =	sdelay $0x1  }
0x1d1: {  	s9 =	simm.s32 $0x18800  }
0x1d2: {  	[tilespmem:s9], [sflag:$0x8] =	stream.indirect_vreg.gather [hbm4b:s0+s3], $0x80, v4, vm0, $0xb8;
	[tilespmem:$0x1E400] =	vst v63  }
0x1d3: {  	s7 =	simm.s32 $0x19400  }
0x1d4: {  	[tilespmem:s7], [sflag:$0x8] =	stream.indirect_vreg.gather [hbm4b:s0+s3], $0x80, v3, vm0, $0xb8;
	[tilespmem:$0x1E400] =	vst v63  }
0x1d5: {  	v3 =	vld [tilespmem:$0x3A0];
	_ =	sdelay $0x4  }
0x1d6: {  	v41 =	vperm.xlane v3, v0;
	_ =	sdelay $0x1  }
0x1d7: {  	v3 =	vperm.xlane v3, v2;
	v4 =	vadd.s32 v1, v41;
	_ =	sdelay $0x1  }
0x1d8: {  	v3 =	vadd.s32 v1, v3;
	_ =	sdelay $0x1  }
0x1d9: {  	s9 =	simm.s32 $0x1A000  }
0x1da: {  	[tilespmem:s9], [sflag:$0x8] =	stream.indirect_vreg.gather [hbm4b:s0+s3], $0x80, v4, vm0, $0xb8;
	[tilespmem:$0x1E400] =	vst v63  }
0x1db: {  	s7 =	simm.s32 $0x1AC00  }
0x1dc: {  	[tilespmem:s7], [sflag:$0x8] =	stream.indirect_vreg.gather [hbm4b:s0+s3], $0x80, v3, vm0, $0xb8;
	[tilespmem:$0x1E400] =	vst v63  }
0x1dd: {  	v3 =	vld [tilespmem:$0x3B0];
	_ =	sdelay $0x4  }
0x1de: {  	v42 =	vperm.xlane v3, v0;
	_ =	sdelay $0x1  }
0x1df: {  	v3 =	vperm.xlane v3, v2;
	v4 =	vadd.s32 v1, v42;
	_ =	sdelay $0x1  }
0x1e0: {  	v3 =	vadd.s32 v1, v3;
	_ =	sdelay $0x1  }
0x1e1: {  	s9 =	simm.s32 $0x1B800  }
0x1e2: {  	[tilespmem:s9], [sflag:$0x8] =	stream.indirect_vreg.gather [hbm4b:s0+s3], $0x80, v4, vm0, $0xb8;
	[tilespmem:$0x1E400] =	vst v63  }
0x1e3: {  	s7 =	simm.s32 $0x1C400  }
0x1e4: {  	[tilespmem:s7], [sflag:$0x8] =	stream.indirect_vreg.gather [hbm4b:s0+s3], $0x80, v3, vm0, $0xb8;
	[tilespmem:$0x1E400] =	vst v63  }
0x1e5: {  	v3 =	vld [tilespmem:$0x3C0];
	_ =	sdelay $0x4  }
0x1e6: {  	v43 =	vperm.xlane v3, v0;
	_ =	sdelay $0x1  }
0x1e7: {  	v3 =	vperm.xlane v3, v2;
	v4 =	vadd.s32 v1, v43;
	_ =	sdelay $0x1  }
0x1e8: {  	v3 =	vadd.s32 v1, v3;
	_ =	sdelay $0x1  }
0x1e9: {  	s9 =	simm.s32 $0x1D000  }
0x1ea: {  	[tilespmem:s9], [sflag:$0x8] =	stream.indirect_vreg.gather [hbm4b:s0+s3], $0x80, v4, vm0, $0xb8;
	[tilespmem:$0x1E400] =	vst v63  }
0x1eb: {  	s7 =	simm.s32 $0x1DC00  }
0x1ec: {  	[tilespmem:s7], [sflag:$0x8] =	stream.indirect_vreg.gather [hbm4b:s0+s3], $0x80, v3, vm0, $0xb8;
	[tilespmem:$0x1E400] =	vst v63  }
0x1ed: {  	s4 =	rddreg [dreg:$0x11];
	s9 =	simm.s32 $0x17400  }
0x1ee: {  	[tilespmem:s9], [sflag:$0x8] =	stream.linear.gather [hbm4b:s4+s3], $0x400, $0x38;
	[tilespmem:$0x1E400] =	vst v63  }
0x1ef: {  	s7 =	sadd.s32 $0x80, s4;
	s9 =	simm.s32 $0x18000  }
0x1f0: {  	[tilespmem:s9], [sflag:$0x8] =	stream.linear.gather [hbm4b:s7+s3], $0x400, $0x38;
	[tilespmem:$0x1E400] =	vst v63  }
0x1f1: {  	s7 =	sadd.s32 $0x100, s4;
	s9 =	simm.s32 $0x18C00  }
0x1f2: {  	[tilespmem:s9], [sflag:$0x8] =	stream.linear.gather [hbm4b:s7+s3], $0x400, $0x38;
	[tilespmem:$0x1E400] =	vst v63  }
0x1f3: {  	s7 =	sadd.s32 $0x180, s4;
	s9 =	simm.s32 $0x19800  }
0x1f4: {  	[tilespmem:s9], [sflag:$0x8] =	stream.linear.gather [hbm4b:s7+s3], $0x400, $0x38;
	[tilespmem:$0x1E400] =	vst v63  }
0x1f5: {  	s7 =	sadd.s32 $0x200, s4;
	s9 =	simm.s32 $0x1A400  }
0x1f6: {  	[tilespmem:s9], [sflag:$0x8] =	stream.linear.gather [hbm4b:s7+s3], $0x400, $0x38;
	[tilespmem:$0x1E400] =	vst v63  }
0x1f7: {  	s7 =	sadd.s32 $0x280, s4;
	s9 =	simm.s32 $0x1B000  }
0x1f8: {  	[tilespmem:s9], [sflag:$0x8] =	stream.linear.gather [hbm4b:s7+s3], $0x400, $0x38;
	[tilespmem:$0x1E400] =	vst v63  }
0x1f9: {  	s7 =	sadd.s32 $0x300, s4;
	s9 =	simm.s32 $0x1BC00  }
0x1fa: {  	[tilespmem:s9], [sflag:$0x8] =	stream.linear.gather [hbm4b:s7+s3], $0x400, $0x38;
	[tilespmem:$0x1E400] =	vst v63  }
0x1fb: {  	s7 =	sadd.s32 $0x380, s4;
	s9 =	simm.s32 $0x1C800  }
0x1fc: {  	[tilespmem:s9], [sflag:$0x8] =	stream.linear.gather [hbm4b:s7+s3], $0x400, $0x38;
	[tilespmem:$0x1E400] =	vst v63  }
0x1fd: {  	s7 =	sadd.s32 $0x400, s4;
	s9 =	simm.s32 $0x1D400  }
0x1fe: {  	[tilespmem:s9], [sflag:$0x8] =	stream.linear.gather [hbm4b:s7+s3], $0x400, $0x38;
	[tilespmem:$0x1E400] =	vst v63  }
0x1ff: {  	s4 =	sadd.s32 $0x480, s4;
	s9 =	simm.s32 $0x1E000  }
0x200: {  	[tilespmem:s9], [sflag:$0x8] =	stream.linear.gather [hbm4b:s4+s3], $0x400, $0x38;
	[tilespmem:$0x1E400] =	vst v63  }
0x201: {  	_ =	swait.ge [sflag:s1], $0x2800  }
0x202: {  	[sflag:s1] =	ssyncset.done $0x0  }
0x203: {  	[sflag:s1] =	ssyncadd.s32 $0xFFFFD800  }
0x204: {  	_ =	swait.ge [sflag:s1], $0x2800  }
0x205: {  	[sflag:s1] =	ssyncset.done $0x0  }
0x206: {  	[sflag:s1] =	ssyncadd.s32 $0xFFFFD800  }
0x207: {  	_ =	swait.ge [sflag:s1], $0x2800  }
0x208: {  	[sflag:s1] =	ssyncset.done $0x0  }
0x209: {  	s7 =	rddreg [dreg:$0x1e];
	[sflag:s1] =	ssyncadd.s32 $0xFFFFD800  }
0x20a: {  	[hbm4b:s7+s3] =	stream.linear.scatter [tilespmem:s13], [sflag:$0xA], $0x7800, $0x38;
	[tilespmem:$0x1E400] =	vst v63  }
0x20b: {  	_ =	swait.ge [sflag:s25], $0x7800  }
0x20c: {  	[sflag:s25] =	ssyncset.done $0x0  }
0x20d: {  	s9 =	rddreg [dreg:$0x1f];
	[sflag:s25] =	ssyncadd.s32 $0xFFFF8800  }
0x20e: {  	[tilespmem:s10], [sflag:$0x2] =	stream.linear.gather [hbm4b:s9+s3], $0x50, $0x38;
	[tilespmem:$0x1E400] =	vst v63  }
0x20f: {  	s10 =	sld [smem:$0x7E5];
	_ =	sdelay $0x2  }
0x210: {  	[tilespmem:s11], [sflag:$0x2] =	stream.linear.gather [hbm4b:s10+s3], $0x50, $0x38;
	[tilespmem:$0x1E400] =	vst v63  }
0x211: {  	_ =	swait.ge [sflag:s16], $0xA0  }
0x212: {  	[sflag:s16] =	ssyncset.done $0x0  }
0x213: {  	[sflag:s16] =	ssyncadd.s32 $0xFFFFFF60  }
0x214: {  	v3 =	vld [tilespmem:$0x0];
	_ =	sdelay $0x4  }
0x215: {  	v44 =	vperm.xlane v3, v0;
	_ =	sdelay $0x1  }
0x216: {  	v3 =	vperm.xlane v3, v2;
	v4 =	vadd.s32 v1, v44;
	_ =	sdelay $0x1  }
0x217: {  	v3 =	vadd.s32 v1, v3;
	_ =	sdelay $0x2  }
0x218: {  	[tilespmem:s17], [sflag:$0x5] =	stream.indirect_vreg.gather [hbm4b:s0+s3], $0x80, v4, vm0, $0xb8;
	[tilespmem:$0x1E400] =	vst v63  }
0x219: {  	s17 =	simm.s32 $0x1000  }
0x21a: {  	[tilespmem:s17], [sflag:$0x5] =	stream.indirect_vreg.gather [hbm4b:s0+s3], $0x80, v3, vm0, $0xb8;
	[tilespmem:$0x1E400] =	vst v63  }
0x21b: {  	v3 =	vld [tilespmem:$0x10];
	_ =	sdelay $0x4  }
0x21c: {  	v45 =	vperm.xlane v3, v0;
	_ =	sdelay $0x1  }
0x21d: {  	v3 =	vperm.xlane v3, v2;
	v4 =	vadd.s32 v1, v45;
	_ =	sdelay $0x1  }
0x21e: {  	v3 =	vadd.s32 v1, v3;
	_ =	sdelay $0x2  }
0x21f: {  	[tilespmem:s19], [sflag:$0x5] =	stream.indirect_vreg.gather [hbm4b:s0+s3], $0x80, v4, vm0, $0xb8;
	[tilespmem:$0x1E400] =	vst v63  }
0x220: {  	_ = 	snop  }
0x221: {  	[tilespmem:s24], [sflag:$0x5] =	stream.indirect_vreg.gather [hbm4b:s0+s3], $0x80, v3, vm0, $0xb8;
	[tilespmem:$0x1E400] =	vst v63  }
0x222: {  	v3 =	vld [tilespmem:$0x20];
	_ =	sdelay $0x4  }
0x223: {  	v46 =	vperm.xlane v3, v0;
	_ =	sdelay $0x1  }
0x224: {  	v3 =	vperm.xlane v3, v2;
	v4 =	vadd.s32 v1, v46;
	_ =	sdelay $0x1  }
0x225: {  	v3 =	vadd.s32 v1, v3;
	_ =	sdelay $0x2  }
0x226: {  	[tilespmem:s31], [sflag:$0x5] =	stream.indirect_vreg.gather [hbm4b:s0+s3], $0x80, v4, vm0, $0xb8;
	[tilespmem:$0x1E400] =	vst v63  }
0x227: {  	s7 =	simm.s32 $0x4000  }
0x228: {  	[tilespmem:s7], [sflag:$0x5] =	stream.indirect_vreg.gather [hbm4b:s0+s3], $0x80, v3, vm0, $0xb8;
	[tilespmem:$0x1E400] =	vst v63  }
0x229: {  	v3 =	vld [tilespmem:$0x30];
	_ =	sdelay $0x4  }
0x22a: {  	v47 =	vperm.xlane v3, v0;
	_ =	sdelay $0x1  }
0x22b: {  	v3 =	vperm.xlane v3, v2;
	v4 =	vadd.s32 v1, v47;
	_ =	sdelay $0x1  }
0x22c: {  	v3 =	vadd.s32 v1, v3;
	_ =	sdelay $0x1  }
0x22d: {  	s9 =	simm.s32 $0x4C00  }
0x22e: {  	[tilespmem:s9], [sflag:$0x5] =	stream.indirect_vreg.gather [hbm4b:s0+s3], $0x80, v4, vm0, $0xb8;
	[tilespmem:$0x1E400] =	vst v63  }
0x22f: {  	s10 =	simm.s32 $0x5800  }
0x230: {  	[tilespmem:s10], [sflag:$0x5] =	stream.indirect_vreg.gather [hbm4b:s0+s3], $0x80, v3, vm0, $0xb8;
	[tilespmem:$0x1E400] =	vst v63  }
0x231: {  	v3 =	vld [tilespmem:$0x40];
	_ =	sdelay $0x4  }
0x232: {  	v48 =	vperm.xlane v3, v0;
	_ =	sdelay $0x1  }
0x233: {  	v3 =	vperm.xlane v3, v2;
	v4 =	vadd.s32 v1, v48;
	_ =	sdelay $0x1  }
0x234: {  	v3 =	vadd.s32 v1, v3;
	_ =	sdelay $0x1  }
0x235: {  	s11 =	simm.s32 $0x6400  }
0x236: {  	[tilespmem:s11], [sflag:$0x5] =	stream.indirect_vreg.gather [hbm4b:s0+s3], $0x80, v4, vm0, $0xb8;
	[tilespmem:$0x1E400] =	vst v63  }
0x237: {  	s17 =	simm.s32 $0x7000  }
0x238: {  	[tilespmem:s17], [sflag:$0x5] =	stream.indirect_vreg.gather [hbm4b:s0+s3], $0x80, v3, vm0, $0xb8;
	[tilespmem:$0x1E400] =	vst v63  }
0x239: {  	v3 =	vld [tilespmem:$0x200];
	_ =	sdelay $0x4  }
0x23a: {  	v49 =	vperm.xlane v3, v0;
	_ =	sdelay $0x1  }
0x23b: {  	v3 =	vperm.xlane v3, v2;
	v4 =	vadd.s32 v1, v49;
	_ =	sdelay $0x1  }
0x23c: {  	v3 =	vadd.s32 v1, v3;
	_ =	sdelay $0x1  }
0x23d: {  	s19 =	simm.s32 $0x800  }
0x23e: {  	[tilespmem:s19], [sflag:$0x5] =	stream.indirect_vreg.gather [hbm4b:s0+s3], $0x80, v4, vm0, $0xb8;
	[tilespmem:$0x1E400] =	vst v63  }
0x23f: {  	s24 =	simm.s32 $0x1400  }
0x240: {  	[tilespmem:s24], [sflag:$0x5] =	stream.indirect_vreg.gather [hbm4b:s0+s3], $0x80, v3, vm0, $0xb8;
	[tilespmem:$0x1E400] =	vst v63  }
0x241: {  	v3 =	vld [tilespmem:$0x210];
	_ =	sdelay $0x4  }
0x242: {  	v50 =	vperm.xlane v3, v0;
	_ =	sdelay $0x1  }
0x243: {  	v3 =	vperm.xlane v3, v2;
	v4 =	vadd.s32 v1, v50;
	_ =	sdelay $0x1  }
0x244: {  	v3 =	vadd.s32 v1, v3;
	_ =	sdelay $0x1  }
0x245: {  	s7 =	simm.s32 $0x2000  }
0x246: {  	[tilespmem:s7], [sflag:$0x5] =	stream.indirect_vreg.gather [hbm4b:s0+s3], $0x80, v4, vm0, $0xb8;
	[tilespmem:$0x1E400] =	vst v63  }
0x247: {  	s9 =	simm.s32 $0x2C00  }
0x248: {  	[tilespmem:s9], [sflag:$0x5] =	stream.indirect_vreg.gather [hbm4b:s0+s3], $0x80, v3, vm0, $0xb8;
	[tilespmem:$0x1E400] =	vst v63  }
0x249: {  	v3 =	vld [tilespmem:$0x220];
	_ =	sdelay $0x4  }
0x24a: {  	v51 =	vperm.xlane v3, v0;
	_ =	sdelay $0x1  }
0x24b: {  	v3 =	vperm.xlane v3, v2;
	v4 =	vadd.s32 v1, v51;
	_ =	sdelay $0x1  }
0x24c: {  	v3 =	vadd.s32 v1, v3;
	_ =	sdelay $0x1  }
0x24d: {  	s10 =	simm.s32 $0x3800  }
0x24e: {  	[tilespmem:s10], [sflag:$0x5] =	stream.indirect_vreg.gather [hbm4b:s0+s3], $0x80, v4, vm0, $0xb8;
	[tilespmem:$0x1E400] =	vst v63  }
0x24f: {  	s11 =	simm.s32 $0x4400  }
0x250: {  	[tilespmem:s11], [sflag:$0x5] =	stream.indirect_vreg.gather [hbm4b:s0+s3], $0x80, v3, vm0, $0xb8;
	[tilespmem:$0x1E400] =	vst v63  }
0x251: {  	v3 =	vld [tilespmem:$0x230];
	_ =	sdelay $0x4  }
0x252: {  	v52 =	vperm.xlane v3, v0;
	_ =	sdelay $0x1  }
0x253: {  	v3 =	vperm.xlane v3, v2;
	v4 =	vadd.s32 v1, v52;
	_ =	sdelay $0x1  }
0x254: {  	v3 =	vadd.s32 v1, v3;
	_ =	sdelay $0x1  }
0x255: {  	s17 =	simm.s32 $0x5000  }
0x256: {  	[tilespmem:s17], [sflag:$0x5] =	stream.indirect_vreg.gather [hbm4b:s0+s3], $0x80, v4, vm0, $0xb8;
	[tilespmem:$0x1E400] =	vst v63  }
0x257: {  	s19 =	simm.s32 $0x5C00  }
0x258: {  	[tilespmem:s19], [sflag:$0x5] =	stream.indirect_vreg.gather [hbm4b:s0+s3], $0x80, v3, vm0, $0xb8;
	[tilespmem:$0x1E400] =	vst v63  }
0x259: {  	v3 =	vld [tilespmem:$0x240];
	_ =	sdelay $0x4  }
0x25a: {  	v53 =	vperm.xlane v3, v0;
	_ =	sdelay $0x1  }
0x25b: {  	v3 =	vperm.xlane v3, v2;
	v4 =	vadd.s32 v1, v53;
	_ =	sdelay $0x1  }
0x25c: {  	v3 =	vadd.s32 v1, v3;
	_ =	sdelay $0x1  }
0x25d: {  	s24 =	simm.s32 $0x6800  }
0x25e: {  	[tilespmem:s24], [sflag:$0x5] =	stream.indirect_vreg.gather [hbm4b:s0+s3], $0x80, v4, vm0, $0xb8;
	[tilespmem:$0x1E400] =	vst v63  }
0x25f: {  	s7 =	simm.s32 $0x7400  }
0x260: {  	[tilespmem:s7], [sflag:$0x5] =	stream.indirect_vreg.gather [hbm4b:s0+s3], $0x80, v3, vm0, $0xb8;
	[tilespmem:$0x1E400] =	vst v63  }
0x261: {  	s4 =	rddreg [dreg:$0x12]  }
0x262: {  	[tilespmem:s2], [sflag:$0x5] =	stream.linear.gather [hbm4b:s4+s3], $0x400, $0x38;
	[tilespmem:$0x1E400] =	vst v63  }
0x263: {  	s9 =	sadd.s32 $0x80, s4;
	s10 =	simm.s32 $0x1800  }
0x264: {  	[tilespmem:s10], [sflag:$0x5] =	stream.linear.gather [hbm4b:s9+s3], $0x400, $0x38;
	[tilespmem:$0x1E400] =	vst v63  }
0x265: {  	s11 =	sadd.s32 $0x100, s4;
	s17 =	simm.s32 $0x2400  }
0x266: {  	[tilespmem:s17], [sflag:$0x5] =	stream.linear.gather [hbm4b:s11+s3], $0x400, $0x38;
	[tilespmem:$0x1E400] =	vst v63  }
0x267: {  	s19 =	sadd.s32 $0x180, s4;
	s24 =	simm.s32 $0x3000  }
0x268: {  	[tilespmem:s24], [sflag:$0x5] =	stream.linear.gather [hbm4b:s19+s3], $0x400, $0x38;
	[tilespmem:$0x1E400] =	vst v63  }
0x269: {  	s9 =	sadd.s32 $0x200, s4;
	s10 =	simm.s32 $0x3C00  }
0x26a: {  	[tilespmem:s10], [sflag:$0x5] =	stream.linear.gather [hbm4b:s9+s3], $0x400, $0x38;
	[tilespmem:$0x1E400] =	vst v63  }
0x26b: {  	s11 =	sadd.s32 $0x280, s4;
	s17 =	simm.s32 $0x4800  }
0x26c: {  	[tilespmem:s17], [sflag:$0x5] =	stream.linear.gather [hbm4b:s11+s3], $0x400, $0x38;
	[tilespmem:$0x1E400] =	vst v63  }
0x26d: {  	s19 =	sadd.s32 $0x300, s4;
	s24 =	simm.s32 $0x5400  }
0x26e: {  	[tilespmem:s24], [sflag:$0x5] =	stream.linear.gather [hbm4b:s19+s3], $0x400, $0x38;
	[tilespmem:$0x1E400] =	vst v63  }
0x26f: {  	s2 =	sadd.s32 $0x380, s4;
	s9 =	simm.s32 $0x6000  }
0x270: {  	[tilespmem:s9], [sflag:$0x5] =	stream.linear.gather [hbm4b:s2+s3], $0x400, $0x38;
	[tilespmem:$0x1E400] =	vst v63  }
0x271: {  	s10 =	sadd.s32 $0x400, s4;
	s11 =	simm.s32 $0x6C00  }
0x272: {  	[tilespmem:s11], [sflag:$0x5] =	stream.linear.gather [hbm4b:s10+s3], $0x400, $0x38;
	[tilespmem:$0x1E400] =	vst v63  }
0x273: {  	s17 =	sadd.s32 $0x480, s4;
	s19 =	simm.s32 $0x7800  }
0x274: {  	[tilespmem:s19], [sflag:$0x5] =	stream.linear.gather [hbm4b:s17+s3], $0x400, $0x38;
	[tilespmem:$0x1E400] =	vst v63  }
0x275: {  	_ =	swait.ge [sflag:s15], $0x2800  }
0x276: {  	[sflag:s15] =	ssyncset.done $0x0  }
0x277: {  	[sflag:s15] =	ssyncadd.s32 $0xFFFFD800  }
0x278: {  	_ =	swait.ge [sflag:s15], $0x2800  }
0x279: {  	[sflag:s15] =	ssyncset.done $0x0  }
0x27a: {  	[sflag:s15] =	ssyncadd.s32 $0xFFFFD800  }
0x27b: {  	_ =	swait.ge [sflag:s15], $0x2800  }
0x27c: {  	s24 =	sld [smem:$0x7E6]  }
0x27d: {  	[sflag:s15] =	ssyncset.done $0x0  }
0x27e: {  	[sflag:s15] =	ssyncadd.s32 $0xFFFFD800  }
0x27f: {  	[hbm4b:s24+s3] =	stream.linear.scatter [tilespmem:s8], [sflag:$0xB], $0x7800, $0x38;
	[tilespmem:$0x1E400] =	vst v63  }
0x280: {  	_ =	swait.ge [sflag:s6], $0x7800  }
0x281: {  	s2 =	sld [smem:$0x7E9]  }
0x282: {  	[sflag:s6] =	ssyncset.done $0x0  }
0x283: {  	[sflag:s6] =	ssyncadd.s32 $0xFFFF8800  }
0x284: {  	[tilespmem:s5], [sflag:$0x3] =	stream.linear.gather [hbm4b:s2+s3], $0x50, $0x38;
	[tilespmem:$0x1E400] =	vst v63  }
0x285: {  	s5 =	sld [smem:$0x7EA];
	_ =	sdelay $0x2  }
0x286: {  	[tilespmem:s12], [sflag:$0x3] =	stream.linear.gather [hbm4b:s5+s3], $0x50, $0x38;
	[tilespmem:$0x1E400] =	vst v63  }
0x287: {  	_ =	swait.ge [sflag:s21], $0xA0  }
0x288: {  	[sflag:s21] =	ssyncset.done $0x0  }
0x289: {  	[sflag:s21] =	ssyncadd.s32 $0xFFFFFF60  }
0x28a: {  	v3 =	vld [tilespmem:$0x80];
	_ =	sdelay $0x4  }
0x28b: {  	v54 =	vperm.xlane v3, v0;
	_ =	sdelay $0x1  }
0x28c: {  	v3 =	vperm.xlane v3, v2;
	v4 =	vadd.s32 v1, v54;
	_ =	sdelay $0x1  }
0x28d: {  	v3 =	vadd.s32 v1, v3;
	_ =	sdelay $0x2  }
0x28e: {  	[tilespmem:s13], [sflag:$0x6] =	stream.indirect_vreg.gather [hbm4b:s0+s3], $0x80, v4, vm0, $0xb8;
	[tilespmem:$0x1E400] =	vst v63  }
0x28f: {  	s7 =	simm.s32 $0x8800  }
0x290: {  	[tilespmem:s7], [sflag:$0x6] =	stream.indirect_vreg.gather [hbm4b:s0+s3], $0x80, v3, vm0, $0xb8;
	[tilespmem:$0x1E400] =	vst v63  }
0x291: {  	v3 =	vld [tilespmem:$0x90];
	_ =	sdelay $0x4  }
0x292: {  	v55 =	vperm.xlane v3, v0;
	_ =	sdelay $0x1  }
0x293: {  	v3 =	vperm.xlane v3, v2;
	v4 =	vadd.s32 v1, v55;
	_ =	sdelay $0x1  }
0x294: {  	v3 =	vadd.s32 v1, v3;
	_ =	sdelay $0x2  }
0x295: {  	[tilespmem:s14], [sflag:$0x6] =	stream.indirect_vreg.gather [hbm4b:s0+s3], $0x80, v4, vm0, $0xb8;
	[tilespmem:$0x1E400] =	vst v63  }
0x296: {  	s8 =	simm.s32 $0xA000  }
0x297: {  	[tilespmem:s8], [sflag:$0x6] =	stream.indirect_vreg.gather [hbm4b:s0+s3], $0x80, v3, vm0, $0xb8;
	[tilespmem:$0x1E400] =	vst v63  }
0x298: {  	v3 =	vld [tilespmem:$0xA0];
	_ =	sdelay $0x4  }
0x299: {  	v56 =	vperm.xlane v3, v0;
	_ =	sdelay $0x1  }
0x29a: {  	v3 =	vperm.xlane v3, v2;
	v4 =	vadd.s32 v1, v56;
	_ =	sdelay $0x1  }
0x29b: {  	v3 =	vadd.s32 v1, v3;
	_ =	sdelay $0x1  }
0x29c: {  	s9 =	simm.s32 $0xAC00  }
0x29d: {  	[tilespmem:s9], [sflag:$0x6] =	stream.indirect_vreg.gather [hbm4b:s0+s3], $0x80, v4, vm0, $0xb8;
	[tilespmem:$0x1E400] =	vst v63  }
0x29e: {  	s10 =	simm.s32 $0xB800  }
0x29f: {  	[tilespmem:s10], [sflag:$0x6] =	stream.indirect_vreg.gather [hbm4b:s0+s3], $0x80, v3, vm0, $0xb8;
	[tilespmem:$0x1E400] =	vst v63  }
0x2a0: {  	v3 =	vld [tilespmem:$0xB0];
	_ =	sdelay $0x4  }
0x2a1: {  	v57 =	vperm.xlane v3, v0;
	_ =	sdelay $0x1  }
0x2a2: {  	v3 =	vperm.xlane v3, v2;
	v4 =	vadd.s32 v1, v57;
	_ =	sdelay $0x1  }
0x2a3: {  	v3 =	vadd.s32 v1, v3;
	_ =	sdelay $0x1  }
0x2a4: {  	s11 =	simm.s32 $0xC400  }
0x2a5: {  	[tilespmem:s11], [sflag:$0x6] =	stream.indirect_vreg.gather [hbm4b:s0+s3], $0x80, v4, vm0, $0xb8;
	[tilespmem:$0x1E400] =	vst v63  }
0x2a6: {  	s12 =	simm.s32 $0xD000  }
0x2a7: {  	[tilespmem:s12], [sflag:$0x6] =	stream.indirect_vreg.gather [hbm4b:s0+s3], $0x80, v3, vm0, $0xb8;
	[tilespmem:$0x1E400] =	vst v63  }
0x2a8: {  	v3 =	vld [tilespmem:$0xC0];
	_ =	sdelay $0x4  }
0x2a9: {  	v58 =	vperm.xlane v3, v0;
	_ =	sdelay $0x1  }
0x2aa: {  	v3 =	vperm.xlane v3, v2;
	v4 =	vadd.s32 v1, v58;
	_ =	sdelay $0x1  }
0x2ab: {  	v3 =	vadd.s32 v1, v3;
	_ =	sdelay $0x1  }
0x2ac: {  	s13 =	simm.s32 $0xDC00  }
0x2ad: {  	[tilespmem:s13], [sflag:$0x6] =	stream.indirect_vreg.gather [hbm4b:s0+s3], $0x80, v4, vm0, $0xb8;
	[tilespmem:$0x1E400] =	vst v63  }
0x2ae: {  	s14 =	simm.s32 $0xE800  }
0x2af: {  	[tilespmem:s14], [sflag:$0x6] =	stream.indirect_vreg.gather [hbm4b:s0+s3], $0x80, v3, vm0, $0xb8;
	[tilespmem:$0x1E400] =	vst v63  }
0x2b0: {  	v3 =	vld [tilespmem:$0x280];
	_ =	sdelay $0x4  }
0x2b1: {  	v59 =	vperm.xlane v3, v0;
	_ =	sdelay $0x1  }
0x2b2: {  	v3 =	vperm.xlane v3, v2;
	v4 =	vadd.s32 v1, v59;
	_ =	sdelay $0x1  }
0x2b3: {  	v3 =	vadd.s32 v1, v3;
	_ =	sdelay $0x1  }
0x2b4: {  	s17 =	simm.s32 $0x8000  }
0x2b5: {  	[tilespmem:s17], [sflag:$0x6] =	stream.indirect_vreg.gather [hbm4b:s0+s3], $0x80, v4, vm0, $0xb8;
	[tilespmem:$0x1E400] =	vst v63  }
0x2b6: {  	s19 =	simm.s32 $0x8C00  }
0x2b7: {  	[tilespmem:s19], [sflag:$0x6] =	stream.indirect_vreg.gather [hbm4b:s0+s3], $0x80, v3, vm0, $0xb8;
	[tilespmem:$0x1E400] =	vst v63  }
0x2b8: {  	v3 =	vld [tilespmem:$0x290];
	_ =	sdelay $0x4  }
0x2b9: {  	v60 =	vperm.xlane v3, v0;
	_ =	sdelay $0x1  }
0x2ba: {  	v3 =	vperm.xlane v3, v2;
	v4 =	vadd.s32 v1, v60;
	_ =	sdelay $0x1  }
0x2bb: {  	v3 =	vadd.s32 v1, v3;
	_ =	sdelay $0x1  }
0x2bc: {  	s21 =	simm.s32 $0x9800  }
0x2bd: {  	[tilespmem:s21], [sflag:$0x6] =	stream.indirect_vreg.gather [hbm4b:s0+s3], $0x80, v4, vm0, $0xb8;
	[tilespmem:$0x1E400] =	vst v63  }
0x2be: {  	s24 =	simm.s32 $0xA400  }
0x2bf: {  	[tilespmem:s24], [sflag:$0x6] =	stream.indirect_vreg.gather [hbm4b:s0+s3], $0x80, v3, vm0, $0xb8;
	[tilespmem:$0x1E400] =	vst v63  }
0x2c0: {  	v3 =	vld [tilespmem:$0x2A0];
	_ =	sdelay $0x4  }
0x2c1: {  	v61 =	vperm.xlane v3, v0;
	_ =	sdelay $0x1  }
0x2c2: {  	v3 =	vperm.xlane v3, v2;
	v4 =	vadd.s32 v1, v61;
	_ =	sdelay $0x1  }
0x2c3: {  	v3 =	vadd.s32 v1, v3;
	_ =	sdelay $0x1  }
0x2c4: {  	s4 =	simm.s32 $0xB000  }
0x2c5: {  	[tilespmem:s4], [sflag:$0x6] =	stream.indirect_vreg.gather [hbm4b:s0+s3], $0x80, v4, vm0, $0xb8;
	[tilespmem:$0x1E400] =	vst v63  }
0x2c6: {  	s5 =	simm.s32 $0xBC00  }
0x2c7: {  	[tilespmem:s5], [sflag:$0x6] =	stream.indirect_vreg.gather [hbm4b:s0+s3], $0x80, v3, vm0, $0xb8;
	[tilespmem:$0x1E400] =	vst v63  }
0x2c8: {  	v3 =	vld [tilespmem:$0x2B0];
	_ =	sdelay $0x4  }
0x2c9: {  	v62 =	vperm.xlane v3, v0;
	_ =	sdelay $0x1  }
0x2ca: {  	v3 =	vperm.xlane v3, v2;
	v4 =	vadd.s32 v1, v62;
	_ =	sdelay $0x1  }
0x2cb: {  	v3 =	vadd.s32 v1, v3;
	_ =	sdelay $0x1  }
0x2cc: {  	s7 =	simm.s32 $0xC800  }
0x2cd: {  	[tilespmem:s7], [sflag:$0x6] =	stream.indirect_vreg.gather [hbm4b:s0+s3], $0x80, v4, vm0, $0xb8;
	[tilespmem:$0x1E400] =	vst v63  }
0x2ce: {  	s8 =	simm.s32 $0xD400  }
0x2cf: {  	[tilespmem:s8], [sflag:$0x6] =	stream.indirect_vreg.gather [hbm4b:s0+s3], $0x80, v3, vm0, $0xb8;
	[tilespmem:$0x1E400] =	vst v63  }
0x2d0: {  	v3 =	vld [tilespmem:$0x2C0];
	_ =	sdelay $0x4  }
0x2d1: {  	v63 =	vperm.xlane v3, v0;
	_ =	sdelay $0x1  }
0x2d2: {  	v3 =	vperm.xlane v3, v2;
	v4 =	vadd.s32 v1, v63;
	_ =	sdelay $0x1  }
0x2d3: {  	v3 =	vadd.s32 v1, v3;
	_ =	sdelay $0x1  }
0x2d4: {  	s9 =	simm.s32 $0xE000  }
0x2d5: {  	[tilespmem:s9], [sflag:$0x6] =	stream.indirect_vreg.gather [hbm4b:s0+s3], $0x80, v4, vm0, $0xb8;
	[tilespmem:$0x1E400] =	vst v63  }
0x2d6: {  	s10 =	simm.s32 $0xEC00  }
0x2d7: {  	[tilespmem:s10], [sflag:$0x6] =	stream.indirect_vreg.gather [hbm4b:s0+s3], $0x80, v3, vm0, $0xb8;
	[tilespmem:$0x1E400] =	vst v63  }
0x2d8: {  	s4 =	rddreg [dreg:$0x13]  }
0x2d9: {  	[tilespmem:s28], [sflag:$0x6] =	stream.linear.gather [hbm4b:s4+s3], $0x400, $0x38;
	[tilespmem:$0x1E400] =	vst v63  }
0x2da: {  	s12 =	simm.s32 $0x9000;
	s11 =	sadd.s32 $0x80, s4  }
0x2db: {  	[tilespmem:s12], [sflag:$0x6] =	stream.linear.gather [hbm4b:s11+s3], $0x400, $0x38;
	[tilespmem:$0x1E400] =	vst v63  }
0x2dc: {  	s14 =	simm.s32 $0x9C00;
	s13 =	sadd.s32 $0x100, s4  }
0x2dd: {  	[tilespmem:s14], [sflag:$0x6] =	stream.linear.gather [hbm4b:s13+s3], $0x400, $0x38;
	[tilespmem:$0x1E400] =	vst v63  }
0x2de: {  	s19 =	simm.s32 $0xA800;
	s17 =	sadd.s32 $0x180, s4  }
0x2df: {  	[tilespmem:s19], [sflag:$0x6] =	stream.linear.gather [hbm4b:s17+s3], $0x400, $0x38;
	[tilespmem:$0x1E400] =	vst v63  }
0x2e0: {  	s24 =	simm.s32 $0xB400;
	s21 =	sadd.s32 $0x200, s4  }
0x2e1: {  	[tilespmem:s24], [sflag:$0x6] =	stream.linear.gather [hbm4b:s21+s3], $0x400, $0x38;
	[tilespmem:$0x1E400] =	vst v63  }
0x2e2: {  	s2 =	sadd.s32 $0x280, s4;
	s5 =	simm.s32 $0xC000  }
0x2e3: {  	[tilespmem:s5], [sflag:$0x6] =	stream.linear.gather [hbm4b:s2+s3], $0x400, $0x38;
	[tilespmem:$0x1E400] =	vst v63  }
0x2e4: {  	s8 =	sadd.s32 $0x300, s4;
	s9 =	simm.s32 $0xCC00  }
0x2e5: {  	[tilespmem:s9], [sflag:$0x6] =	stream.linear.gather [hbm4b:s8+s3], $0x400, $0x38;
	[tilespmem:$0x1E400] =	vst v63  }
0x2e6: {  	s10 =	sadd.s32 $0x380, s4;
	s11 =	simm.s32 $0xD800  }
0x2e7: {  	[tilespmem:s11], [sflag:$0x6] =	stream.linear.gather [hbm4b:s10+s3], $0x400, $0x38;
	[tilespmem:$0x1E400] =	vst v63  }
0x2e8: {  	s12 =	sadd.s32 $0x400, s4;
	s13 =	simm.s32 $0xE400  }
0x2e9: {  	[tilespmem:s13], [sflag:$0x6] =	stream.linear.gather [hbm4b:s12+s3], $0x400, $0x38;
	[tilespmem:$0x1E400] =	vst v63  }
0x2ea: {  	s17 =	sadd.s32 $0x480, s4;
	s19 =	simm.s32 $0xF000  }
0x2eb: {  	[tilespmem:s19], [sflag:$0x6] =	stream.linear.gather [hbm4b:s17+s3], $0x400, $0x38;
	[tilespmem:$0x1E400] =	vst v63  }
0x2ec: {  	_ =	swait.ge [sflag:s30], $0x2800  }
0x2ed: {  	[sflag:s30] =	ssyncset.done $0x0  }
0x2ee: {  	[sflag:s30] =	ssyncadd.s32 $0xFFFFD800  }
0x2ef: {  	_ =	swait.ge [sflag:s30], $0x2800  }
0x2f0: {  	[sflag:s30] =	ssyncset.done $0x0  }
0x2f1: {  	[sflag:s30] =	ssyncadd.s32 $0xFFFFD800  }
0x2f2: {  	_ =	swait.ge [sflag:s30], $0x2800  }
0x2f3: {  	s24 =	sld [smem:$0x7F1]  }
0x2f4: {  	s7 =	sld [smem:$0x7FB]  }
0x2f5: {  	s19 =	sld [smem:$0x7FA]  }
0x2f6: {  	s31 =	simm.s32 $0x80;
	s14 =	simm.s32 $0x2;
	s9 =	sld [smem:$0x7F8]  }
0x2f7: {  	s21 =	simm.s32 $0xF000;
	[sflag:s30] =	ssyncset.done $0x0;
	s10 =	sld [smem:$0x7F7]  }
0x2f8: {  	s2 =	simm.s32 $0x100;
	s28 =	sld [smem:$0x7F9];
	[sflag:s30] =	ssyncadd.s32 $0xFFFFD800  }
0x2f9: {  	[hbm4b:s24+s3] =	stream.linear.scatter [tilespmem:s29], [sflag:$0xC], $0x7800, $0x38;
	[tilespmem:$0x1E400] =	vst v63  }
0x2fa: {  	s5 =	simm.s32 $0x280;
	s11 =	simm.s32 $0x0;
	s24 =	sld [smem:$0x7F6]  }
.LBB2_2:
0x2fb: {  	_ =	swait.ge [sflag:s23], $0x7800  }
0x2fc: {  	s29 =	simm.s32 $0x180;
	s4 =	rddreg [dreg:$0xd];
	[sflag:s23] =	ssyncset.done $0x0  }
0x2fd: {  	s12 =	rddreg [dreg:$0xc];
	[sflag:s23] =	ssyncadd.s32 $0xFFFF8800;
	s4 =	sadd.s32 s11, s4  }
0x2fe: {  	[tilespmem:s29], [sflag:$0x4] =	stream.linear.gather [hbm4b:s4+s3], $0x50, $0x38;
	[tilespmem:$0x1E400] =	vst v63  }
0x2ff: {  	s8 =	simm.s32 $0x380;
	s17 =	sadd.s32 s11, s12  }
0x300: {  	[tilespmem:s8], [sflag:$0x4] =	stream.linear.gather [hbm4b:s17+s3], $0x50, $0x38;
	[tilespmem:$0x1E400] =	vst v63  }
0x301: {  	_ =	swait.ge [sflag:s22], $0xA0  }
0x302: {  	[sflag:s22] =	ssyncset.done $0x0  }
0x303: {  	[sflag:s22] =	ssyncadd.s32 $0xFFFFFF60  }
0x304: {  	v3 =	vld [tilespmem:$0x100];
	_ =	sdelay $0x4  }
0x305: {  	v4 =	vperm.xlane v3, v0;
	_ =	sdelay $0x1  }
0x306: {  	v3 =	vperm.xlane v3, v2;
	v4 =	vadd.s32 v1, v4;
	_ =	sdelay $0x1  }
0x307: {  	v3 =	vadd.s32 v1, v3;
	_ =	sdelay $0x1  }
0x308: {  	s8 =	simm.s32 $0xF400  }
0x309: {  	[tilespmem:s8], [sflag:$0x7] =	stream.indirect_vreg.gather [hbm4b:s0+s3], $0x80, v4, vm0, $0xb8;
	[tilespmem:$0x1E400] =	vst v63  }
0x30a: {  	s12 =	simm.s32 $0x10000  }
0x30b: {  	[tilespmem:s12], [sflag:$0x7] =	stream.indirect_vreg.gather [hbm4b:s0+s3], $0x80, v3, vm0, $0xb8;
	[tilespmem:$0x1E400] =	vst v63  }
0x30c: {  	v3 =	vld [tilespmem:$0x110];
	_ =	sdelay $0x4  }
0x30d: {  	v25 =	vperm.xlane v3, v0;
	_ =	sdelay $0x1  }
0x30e: {  	v3 =	vperm.xlane v3, v2;
	v4 =	vadd.s32 v1, v25;
	_ =	sdelay $0x1  }
0x30f: {  	v3 =	vadd.s32 v1, v3;
	_ =	sdelay $0x1  }
0x310: {  	s13 =	simm.s32 $0x10C00  }
0x311: {  	[tilespmem:s13], [sflag:$0x7] =	stream.indirect_vreg.gather [hbm4b:s0+s3], $0x80, v4, vm0, $0xb8;
	[tilespmem:$0x1E400] =	vst v63  }
0x312: {  	s17 =	simm.s32 $0x11800  }
0x313: {  	[tilespmem:s17], [sflag:$0x7] =	stream.indirect_vreg.gather [hbm4b:s0+s3], $0x80, v3, vm0, $0xb8;
	[tilespmem:$0x1E400] =	vst v63  }
0x314: {  	v3 =	vld [tilespmem:$0x120];
	_ =	sdelay $0x4  }
0x315: {  	v26 =	vperm.xlane v3, v0;
	_ =	sdelay $0x1  }
0x316: {  	v3 =	vperm.xlane v3, v2;
	v4 =	vadd.s32 v1, v26;
	_ =	sdelay $0x1  }
0x317: {  	v3 =	vadd.s32 v1, v3;
	_ =	sdelay $0x1  }
0x318: {  	s12 =	simm.s32 $0x12400  }
0x319: {  	[tilespmem:s12], [sflag:$0x7] =	stream.indirect_vreg.gather [hbm4b:s0+s3], $0x80, v4, vm0, $0xb8;
	[tilespmem:$0x1E400] =	vst v63  }
0x31a: {  	s13 =	simm.s32 $0x13000  }
0x31b: {  	[tilespmem:s13], [sflag:$0x7] =	stream.indirect_vreg.gather [hbm4b:s0+s3], $0x80, v3, vm0, $0xb8;
	[tilespmem:$0x1E400] =	vst v63  }
0x31c: {  	v3 =	vld [tilespmem:$0x130];
	_ =	sdelay $0x4  }
0x31d: {  	v27 =	vperm.xlane v3, v0;
	_ =	sdelay $0x1  }
0x31e: {  	v3 =	vperm.xlane v3, v2;
	v4 =	vadd.s32 v1, v27;
	_ =	sdelay $0x1  }
0x31f: {  	v3 =	vadd.s32 v1, v3;
	_ =	sdelay $0x1  }
0x320: {  	s17 =	simm.s32 $0x13C00  }
0x321: {  	[tilespmem:s17], [sflag:$0x7] =	stream.indirect_vreg.gather [hbm4b:s0+s3], $0x80, v4, vm0, $0xb8;
	[tilespmem:$0x1E400] =	vst v63  }
0x322: {  	s12 =	simm.s32 $0x14800  }
0x323: {  	[tilespmem:s12], [sflag:$0x7] =	stream.indirect_vreg.gather [hbm4b:s0+s3], $0x80, v3, vm0, $0xb8;
	[tilespmem:$0x1E400] =	vst v63  }
0x324: {  	v3 =	vld [tilespmem:$0x140];
	_ =	sdelay $0x4  }
0x325: {  	v28 =	vperm.xlane v3, v0;
	_ =	sdelay $0x1  }
0x326: {  	v3 =	vperm.xlane v3, v2;
	v4 =	vadd.s32 v1, v28;
	_ =	sdelay $0x1  }
0x327: {  	v3 =	vadd.s32 v1, v3;
	_ =	sdelay $0x1  }
0x328: {  	s13 =	simm.s32 $0x15400  }
0x329: {  	[tilespmem:s13], [sflag:$0x7] =	stream.indirect_vreg.gather [hbm4b:s0+s3], $0x80, v4, vm0, $0xb8;
	[tilespmem:$0x1E400] =	vst v63  }
0x32a: {  	s17 =	simm.s32 $0x16000  }
0x32b: {  	[tilespmem:s17], [sflag:$0x7] =	stream.indirect_vreg.gather [hbm4b:s0+s3], $0x80, v3, vm0, $0xb8;
	[tilespmem:$0x1E400] =	vst v63  }
0x32c: {  	v3 =	vld [tilespmem:$0x300];
	_ =	sdelay $0x4  }
0x32d: {  	v29 =	vperm.xlane v3, v0;
	_ =	sdelay $0x1  }
0x32e: {  	v3 =	vperm.xlane v3, v2;
	v4 =	vadd.s32 v1, v29;
	_ =	sdelay $0x1  }
0x32f: {  	v3 =	vadd.s32 v1, v3;
	_ =	sdelay $0x1  }
0x330: {  	s12 =	simm.s32 $0xF800  }
0x331: {  	[tilespmem:s12], [sflag:$0x7] =	stream.indirect_vreg.gather [hbm4b:s0+s3], $0x80, v4, vm0, $0xb8;
	[tilespmem:$0x1E400] =	vst v63  }
0x332: {  	s13 =	simm.s32 $0x10400  }
0x333: {  	[tilespmem:s13], [sflag:$0x7] =	stream.indirect_vreg.gather [hbm4b:s0+s3], $0x80, v3, vm0, $0xb8;
	[tilespmem:$0x1E400] =	vst v63  }
0x334: {  	v3 =	vld [tilespmem:$0x310];
	_ =	sdelay $0x4  }
0x335: {  	v30 =	vperm.xlane v3, v0;
	_ =	sdelay $0x1  }
0x336: {  	v3 =	vperm.xlane v3, v2;
	v4 =	vadd.s32 v1, v30;
	_ =	sdelay $0x1  }
0x337: {  	v3 =	vadd.s32 v1, v3;
	_ =	sdelay $0x1  }
0x338: {  	s17 =	simm.s32 $0x11000  }
0x339: {  	[tilespmem:s17], [sflag:$0x7] =	stream.indirect_vreg.gather [hbm4b:s0+s3], $0x80, v4, vm0, $0xb8;
	[tilespmem:$0x1E400] =	vst v63  }
0x33a: {  	s12 =	simm.s32 $0x11C00  }
0x33b: {  	[tilespmem:s12], [sflag:$0x7] =	stream.indirect_vreg.gather [hbm4b:s0+s3], $0x80, v3, vm0, $0xb8;
	[tilespmem:$0x1E400] =	vst v63  }
0x33c: {  	v3 =	vld [tilespmem:$0x320];
	_ =	sdelay $0x4  }
0x33d: {  	v31 =	vperm.xlane v3, v0;
	_ =	sdelay $0x1  }
0x33e: {  	v3 =	vperm.xlane v3, v2;
	v4 =	vadd.s32 v1, v31;
	_ =	sdelay $0x1  }
0x33f: {  	v3 =	vadd.s32 v1, v3;
	_ =	sdelay $0x1  }
0x340: {  	s13 =	simm.s32 $0x12800  }
0x341: {  	[tilespmem:s13], [sflag:$0x7] =	stream.indirect_vreg.gather [hbm4b:s0+s3], $0x80, v4, vm0, $0xb8;
	[tilespmem:$0x1E400] =	vst v63  }
0x342: {  	s17 =	simm.s32 $0x13400  }
0x343: {  	[tilespmem:s17], [sflag:$0x7] =	stream.indirect_vreg.gather [hbm4b:s0+s3], $0x80, v3, vm0, $0xb8;
	[tilespmem:$0x1E400] =	vst v63  }
0x344: {  	v3 =	vld [tilespmem:$0x330];
	_ =	sdelay $0x4  }
0x345: {  	v32 =	vperm.xlane v3, v0;
	_ =	sdelay $0x1  }
0x346: {  	v3 =	vperm.xlane v3, v2;
	v4 =	vadd.s32 v1, v32;
	_ =	sdelay $0x1  }
0x347: {  	v3 =	vadd.s32 v1, v3;
	_ =	sdelay $0x1  }
0x348: {  	s12 =	simm.s32 $0x14000  }
0x349: {  	[tilespmem:s12], [sflag:$0x7] =	stream.indirect_vreg.gather [hbm4b:s0+s3], $0x80, v4, vm0, $0xb8;
	[tilespmem:$0x1E400] =	vst v63  }
0x34a: {  	s13 =	simm.s32 $0x14C00  }
0x34b: {  	[tilespmem:s13], [sflag:$0x7] =	stream.indirect_vreg.gather [hbm4b:s0+s3], $0x80, v3, vm0, $0xb8;
	[tilespmem:$0x1E400] =	vst v63  }
0x34c: {  	v3 =	vld [tilespmem:$0x340];
	_ =	sdelay $0x4  }
0x34d: {  	v33 =	vperm.xlane v3, v0;
	_ =	sdelay $0x1  }
0x34e: {  	v3 =	vperm.xlane v3, v2;
	v4 =	vadd.s32 v1, v33;
	_ =	sdelay $0x1  }
0x34f: {  	v3 =	vadd.s32 v1, v3;
	_ =	sdelay $0x1  }
0x350: {  	s17 =	simm.s32 $0x15800  }
0x351: {  	[tilespmem:s17], [sflag:$0x7] =	stream.indirect_vreg.gather [hbm4b:s0+s3], $0x80, v4, vm0, $0xb8;
	[tilespmem:$0x1E400] =	vst v63  }
0x352: {  	s12 =	simm.s32 $0x16400  }
0x353: {  	[tilespmem:s12], [sflag:$0x7] =	stream.indirect_vreg.gather [hbm4b:s0+s3], $0x80, v3, vm0, $0xb8;
	[tilespmem:$0x1E400] =	vst v63  }
0x354: {  	s13 =	sadd.s32 $0xFFFFF100, s24;
	s17 =	simm.s32 $0xFC00  }
0x355: {  	[tilespmem:s17], [sflag:$0x7] =	stream.linear.gather [hbm4b:s13+s3], $0x400, $0x38;
	[tilespmem:$0x1E400] =	vst v63  }
0x356: {  	s13 =	sadd.s32 $0xFFFFF180, s24;
	s17 =	simm.s32 $0x10800  }
0x357: {  	[tilespmem:s17], [sflag:$0x7] =	stream.linear.gather [hbm4b:s13+s3], $0x400, $0x38;
	[tilespmem:$0x1E400] =	vst v63  }
0x358: {  	s13 =	sadd.s32 $0xFFFFF200, s24;
	s17 =	simm.s32 $0x11400  }
0x359: {  	[tilespmem:s17], [sflag:$0x7] =	stream.linear.gather [hbm4b:s13+s3], $0x400, $0x38;
	[tilespmem:$0x1E400] =	vst v63  }
0x35a: {  	s13 =	sadd.s32 $0xFFFFF280, s24;
	s17 =	simm.s32 $0x12000  }
0x35b: {  	[tilespmem:s17], [sflag:$0x7] =	stream.linear.gather [hbm4b:s13+s3], $0x400, $0x38;
	[tilespmem:$0x1E400] =	vst v63  }
0x35c: {  	s13 =	sadd.s32 $0xFFFFF300, s24;
	s17 =	simm.s32 $0x12C00  }
0x35d: {  	[tilespmem:s17], [sflag:$0x7] =	stream.linear.gather [hbm4b:s13+s3], $0x400, $0x38;
	[tilespmem:$0x1E400] =	vst v63  }
0x35e: {  	s13 =	sadd.s32 $0xFFFFF380, s24;
	s17 =	simm.s32 $0x13800  }
0x35f: {  	[tilespmem:s17], [sflag:$0x7] =	stream.linear.gather [hbm4b:s13+s3], $0x400, $0x38;
	[tilespmem:$0x1E400] =	vst v63  }
0x360: {  	s13 =	sadd.s32 $0xFFFFF400, s24;
	s17 =	simm.s32 $0x14400  }
0x361: {  	[tilespmem:s17], [sflag:$0x7] =	stream.linear.gather [hbm4b:s13+s3], $0x400, $0x38;
	[tilespmem:$0x1E400] =	vst v63  }
0x362: {  	s13 =	sadd.s32 $0xFFFFF480, s24;
	s17 =	simm.s32 $0x15000  }
0x363: {  	[tilespmem:s17], [sflag:$0x7] =	stream.linear.gather [hbm4b:s13+s3], $0x400, $0x38;
	[tilespmem:$0x1E400] =	vst v63  }
0x364: {  	s13 =	sadd.s32 $0xFFFFF500, s24;
	s17 =	simm.s32 $0x15C00  }
0x365: {  	[tilespmem:s17], [sflag:$0x7] =	stream.linear.gather [hbm4b:s13+s3], $0x400, $0x38;
	[tilespmem:$0x1E400] =	vst v63  }
0x366: {  	s13 =	sadd.s32 $0xFFFFF580, s24;
	s17 =	simm.s32 $0x16800  }
0x367: {  	[tilespmem:s17], [sflag:$0x7] =	stream.linear.gather [hbm4b:s13+s3], $0x400, $0x38;
	[tilespmem:$0x1E400] =	vst v63  }
0x368: {  	_ =	swait.ge [sflag:s26], $0x2800  }
0x369: {  	[sflag:s26] =	ssyncset.done $0x0  }
0x36a: {  	[sflag:s26] =	ssyncadd.s32 $0xFFFFD800  }
0x36b: {  	_ =	swait.ge [sflag:s26], $0x2800  }
0x36c: {  	[sflag:s26] =	ssyncset.done $0x0  }
0x36d: {  	s12 =	sshrl.u32 s7, $0x3;
	[sflag:s26] =	ssyncadd.s32 $0xFFFFD800  }
0x36e: {  	s4 =	smul.u32 $0x180, s12;
	_ =	swait.ge [sflag:s26], $0x2800  }
0x36f: {  	[sflag:s26] =	ssyncset.done $0x0  }
0x370: {  	s29 =	simm.s32 $0x400;
	s4 =	sadd.s32 s28, s4;
	[sflag:s26] =	ssyncadd.s32 $0xFFFFD800  }
0x371: {  	[hbm4b:s4+s3] =	stream.linear.scatter [tilespmem:s29], [sflag:$0x9], $0x7800, $0x38;
	[tilespmem:$0x1E400] =	vst v63  }
0x372: {  	_ =	swait.ge [sflag:s18], $0x7800  }
0x373: {  	s13 =	rddreg [dreg:$0xb];
	[sflag:s18] =	ssyncset.done $0x0  }
0x374: {  	s17 =	rddreg [dreg:$0xa];
	[sflag:s18] =	ssyncadd.s32 $0xFFFF8800;
	s4 =	sadd.s32 s11, s13  }
0x375: {  	[tilespmem:s3], [sflag:$0x1] =	stream.linear.gather [hbm4b:s4+s3], $0x50, $0x38;
	[tilespmem:$0x1E400] =	vst v63  }
0x376: {  	s12 =	sadd.s32 s11, s17;
	s13 =	simm.s32 $0x200  }
0x377: {  	[tilespmem:s13], [sflag:$0x1] =	stream.linear.gather [hbm4b:s12+s3], $0x50, $0x38;
	[tilespmem:$0x1E400] =	vst v63  }
0x378: {  	_ =	swait.ge [sflag:s20], $0xA0  }
0x379: {  	[sflag:s20] =	ssyncset.done $0x0  }
0x37a: {  	[sflag:s20] =	ssyncadd.s32 $0xFFFFFF60  }
0x37b: {  	v3 =	vld [tilespmem:$0x180];
	_ =	sdelay $0x4  }
0x37c: {  	v34 =	vperm.xlane v3, v0;
	_ =	sdelay $0x1  }
0x37d: {  	v3 =	vperm.xlane v3, v2;
	v4 =	vadd.s32 v1, v34;
	_ =	sdelay $0x1  }
0x37e: {  	v3 =	vadd.s32 v1, v3;
	_ =	sdelay $0x1  }
0x37f: {  	s13 =	simm.s32 $0x16C00  }
0x380: {  	[tilespmem:s13], [sflag:$0x8] =	stream.indirect_vreg.gather [hbm4b:s0+s3], $0x80, v4, vm0, $0xb8;
	[tilespmem:$0x1E400] =	vst v63  }
0x381: {  	s17 =	simm.s32 $0x17800  }
0x382: {  	[tilespmem:s17], [sflag:$0x8] =	stream.indirect_vreg.gather [hbm4b:s0+s3], $0x80, v3, vm0, $0xb8;
	[tilespmem:$0x1E400] =	vst v63  }
0x383: {  	v3 =	vld [tilespmem:$0x190];
	_ =	sdelay $0x4  }
0x384: {  	v35 =	vperm.xlane v3, v0;
	_ =	sdelay $0x1  }
0x385: {  	v3 =	vperm.xlane v3, v2;
	v4 =	vadd.s32 v1, v35;
	_ =	sdelay $0x1  }
0x386: {  	v3 =	vadd.s32 v1, v3;
	_ =	sdelay $0x1  }
0x387: {  	s12 =	simm.s32 $0x18400  }
0x388: {  	[tilespmem:s12], [sflag:$0x8] =	stream.indirect_vreg.gather [hbm4b:s0+s3], $0x80, v4, vm0, $0xb8;
	[tilespmem:$0x1E400] =	vst v63  }
0x389: {  	s17 =	simm.s32 $0x19000  }
0x38a: {  	[tilespmem:s17], [sflag:$0x8] =	stream.indirect_vreg.gather [hbm4b:s0+s3], $0x80, v3, vm0, $0xb8;
	[tilespmem:$0x1E400] =	vst v63  }
0x38b: {  	v3 =	vld [tilespmem:$0x1A0];
	_ =	sdelay $0x4  }
0x38c: {  	v36 =	vperm.xlane v3, v0;
	_ =	sdelay $0x1  }
0x38d: {  	v3 =	vperm.xlane v3, v2;
	v4 =	vadd.s32 v1, v36;
	_ =	sdelay $0x1  }
0x38e: {  	v3 =	vadd.s32 v1, v3;
	_ =	sdelay $0x1  }
0x38f: {  	s12 =	simm.s32 $0x19C00  }
0x390: {  	[tilespmem:s12], [sflag:$0x8] =	stream.indirect_vreg.gather [hbm4b:s0+s3], $0x80, v4, vm0, $0xb8;
	[tilespmem:$0x1E400] =	vst v63  }
0x391: {  	s17 =	simm.s32 $0x1A800  }
0x392: {  	[tilespmem:s17], [sflag:$0x8] =	stream.indirect_vreg.gather [hbm4b:s0+s3], $0x80, v3, vm0, $0xb8;
	[tilespmem:$0x1E400] =	vst v63  }
0x393: {  	v3 =	vld [tilespmem:$0x1B0];
	_ =	sdelay $0x4  }
0x394: {  	v37 =	vperm.xlane v3, v0;
	_ =	sdelay $0x1  }
0x395: {  	v3 =	vperm.xlane v3, v2;
	v4 =	vadd.s32 v1, v37;
	_ =	sdelay $0x1  }
0x396: {  	v3 =	vadd.s32 v1, v3;
	_ =	sdelay $0x1  }
0x397: {  	s12 =	simm.s32 $0x1B400  }
0x398: {  	[tilespmem:s12], [sflag:$0x8] =	stream.indirect_vreg.gather [hbm4b:s0+s3], $0x80, v4, vm0, $0xb8;
	[tilespmem:$0x1E400] =	vst v63  }
0x399: {  	s17 =	simm.s32 $0x1C000  }
0x39a: {  	[tilespmem:s17], [sflag:$0x8] =	stream.indirect_vreg.gather [hbm4b:s0+s3], $0x80, v3, vm0, $0xb8;
	[tilespmem:$0x1E400] =	vst v63  }
0x39b: {  	v3 =	vld [tilespmem:$0x1C0];
	_ =	sdelay $0x4  }
0x39c: {  	v38 =	vperm.xlane v3, v0;
	_ =	sdelay $0x1  }
0x39d: {  	v3 =	vperm.xlane v3, v2;
	v4 =	vadd.s32 v1, v38;
	_ =	sdelay $0x1  }
0x39e: {  	v3 =	vadd.s32 v1, v3;
	_ =	sdelay $0x1  }
0x39f: {  	s12 =	simm.s32 $0x1CC00  }
0x3a0: {  	[tilespmem:s12], [sflag:$0x8] =	stream.indirect_vreg.gather [hbm4b:s0+s3], $0x80, v4, vm0, $0xb8;
	[tilespmem:$0x1E400] =	vst v63  }
0x3a1: {  	s17 =	simm.s32 $0x1D800  }
0x3a2: {  	[tilespmem:s17], [sflag:$0x8] =	stream.indirect_vreg.gather [hbm4b:s0+s3], $0x80, v3, vm0, $0xb8;
	[tilespmem:$0x1E400] =	vst v63  }
0x3a3: {  	v3 =	vld [tilespmem:$0x380];
	_ =	sdelay $0x4  }
0x3a4: {  	v39 =	vperm.xlane v3, v0;
	_ =	sdelay $0x1  }
0x3a5: {  	v3 =	vperm.xlane v3, v2;
	v4 =	vadd.s32 v1, v39;
	_ =	sdelay $0x1  }
0x3a6: {  	v3 =	vadd.s32 v1, v3;
	_ =	sdelay $0x1  }
0x3a7: {  	s12 =	simm.s32 $0x17000  }
0x3a8: {  	[tilespmem:s12], [sflag:$0x8] =	stream.indirect_vreg.gather [hbm4b:s0+s3], $0x80, v4, vm0, $0xb8;
	[tilespmem:$0x1E400] =	vst v63  }
0x3a9: {  	s17 =	simm.s32 $0x17C00  }
0x3aa: {  	[tilespmem:s17], [sflag:$0x8] =	stream.indirect_vreg.gather [hbm4b:s0+s3], $0x80, v3, vm0, $0xb8;
	[tilespmem:$0x1E400] =	vst v63  }
0x3ab: {  	v3 =	vld [tilespmem:$0x390];
	_ =	sdelay $0x4  }
0x3ac: {  	v40 =	vperm.xlane v3, v0;
	_ =	sdelay $0x1  }
0x3ad: {  	v3 =	vperm.xlane v3, v2;
	v4 =	vadd.s32 v1, v40;
	_ =	sdelay $0x1  }
0x3ae: {  	v3 =	vadd.s32 v1, v3;
	_ =	sdelay $0x1  }
0x3af: {  	s12 =	simm.s32 $0x18800  }
0x3b0: {  	[tilespmem:s12], [sflag:$0x8] =	stream.indirect_vreg.gather [hbm4b:s0+s3], $0x80, v4, vm0, $0xb8;
	[tilespmem:$0x1E400] =	vst v63  }
0x3b1: {  	s17 =	simm.s32 $0x19400  }
0x3b2: {  	[tilespmem:s17], [sflag:$0x8] =	stream.indirect_vreg.gather [hbm4b:s0+s3], $0x80, v3, vm0, $0xb8;
	[tilespmem:$0x1E400] =	vst v63  }
0x3b3: {  	v3 =	vld [tilespmem:$0x3A0];
	_ =	sdelay $0x4  }
0x3b4: {  	v41 =	vperm.xlane v3, v0;
	_ =	sdelay $0x1  }
0x3b5: {  	v3 =	vperm.xlane v3, v2;
	v4 =	vadd.s32 v1, v41;
	_ =	sdelay $0x1  }
0x3b6: {  	v3 =	vadd.s32 v1, v3;
	_ =	sdelay $0x1  }
0x3b7: {  	s12 =	simm.s32 $0x1A000  }
0x3b8: {  	[tilespmem:s12], [sflag:$0x8] =	stream.indirect_vreg.gather [hbm4b:s0+s3], $0x80, v4, vm0, $0xb8;
	[tilespmem:$0x1E400] =	vst v63  }
0x3b9: {  	s17 =	simm.s32 $0x1AC00  }
0x3ba: {  	[tilespmem:s17], [sflag:$0x8] =	stream.indirect_vreg.gather [hbm4b:s0+s3], $0x80, v3, vm0, $0xb8;
	[tilespmem:$0x1E400] =	vst v63  }
0x3bb: {  	v3 =	vld [tilespmem:$0x3B0];
	_ =	sdelay $0x4  }
0x3bc: {  	v42 =	vperm.xlane v3, v0;
	_ =	sdelay $0x1  }
0x3bd: {  	v3 =	vperm.xlane v3, v2;
	v4 =	vadd.s32 v1, v42;
	_ =	sdelay $0x1  }
0x3be: {  	v3 =	vadd.s32 v1, v3;
	_ =	sdelay $0x1  }
0x3bf: {  	s12 =	simm.s32 $0x1B800  }
0x3c0: {  	[tilespmem:s12], [sflag:$0x8] =	stream.indirect_vreg.gather [hbm4b:s0+s3], $0x80, v4, vm0, $0xb8;
	[tilespmem:$0x1E400] =	vst v63  }
0x3c1: {  	s17 =	simm.s32 $0x1C400  }
0x3c2: {  	[tilespmem:s17], [sflag:$0x8] =	stream.indirect_vreg.gather [hbm4b:s0+s3], $0x80, v3, vm0, $0xb8;
	[tilespmem:$0x1E400] =	vst v63  }
0x3c3: {  	v3 =	vld [tilespmem:$0x3C0];
	_ =	sdelay $0x4  }
0x3c4: {  	v43 =	vperm.xlane v3, v0;
	_ =	sdelay $0x1  }
0x3c5: {  	v3 =	vperm.xlane v3, v2;
	v4 =	vadd.s32 v1, v43;
	_ =	sdelay $0x1  }
0x3c6: {  	v3 =	vadd.s32 v1, v3;
	_ =	sdelay $0x1  }
0x3c7: {  	s12 =	simm.s32 $0x1D000  }
0x3c8: {  	[tilespmem:s12], [sflag:$0x8] =	stream.indirect_vreg.gather [hbm4b:s0+s3], $0x80, v4, vm0, $0xb8;
	[tilespmem:$0x1E400] =	vst v63  }
0x3c9: {  	s17 =	simm.s32 $0x1DC00  }
0x3ca: {  	[tilespmem:s17], [sflag:$0x8] =	stream.indirect_vreg.gather [hbm4b:s0+s3], $0x80, v3, vm0, $0xb8;
	[tilespmem:$0x1E400] =	vst v63  }
0x3cb: {  	s12 =	sadd.s32 $0xFFFFF600, s24;
	s17 =	simm.s32 $0x17400  }
0x3cc: {  	[tilespmem:s17], [sflag:$0x8] =	stream.linear.gather [hbm4b:s12+s3], $0x400, $0x38;
	[tilespmem:$0x1E400] =	vst v63  }
0x3cd: {  	s12 =	sadd.s32 $0xFFFFF680, s24;
	s17 =	simm.s32 $0x18000  }
0x3ce: {  	[tilespmem:s17], [sflag:$0x8] =	stream.linear.gather [hbm4b:s12+s3], $0x400, $0x38;
	[tilespmem:$0x1E400] =	vst v63  }
0x3cf: {  	s12 =	sadd.s32 $0xFFFFF700, s24;
	s17 =	simm.s32 $0x18C00  }
0x3d0: {  	[tilespmem:s17], [sflag:$0x8] =	stream.linear.gather [hbm4b:s12+s3], $0x400, $0x38;
	[tilespmem:$0x1E400] =	vst v63  }
0x3d1: {  	s12 =	sadd.s32 $0xFFFFF780, s24;
	s17 =	simm.s32 $0x19800  }
0x3d2: {  	[tilespmem:s17], [sflag:$0x8] =	stream.linear.gather [hbm4b:s12+s3], $0x400, $0x38;
	[tilespmem:$0x1E400] =	vst v63  }
0x3d3: {  	s12 =	sadd.s32 $0xFFFFF800, s24;
	s17 =	simm.s32 $0x1A400  }
0x3d4: {  	[tilespmem:s17], [sflag:$0x8] =	stream.linear.gather [hbm4b:s12+s3], $0x400, $0x38;
	[tilespmem:$0x1E400] =	vst v63  }
0x3d5: {  	s12 =	sadd.s32 $0xFFFFF880, s24;
	s17 =	simm.s32 $0x1B000  }
0x3d6: {  	[tilespmem:s17], [sflag:$0x8] =	stream.linear.gather [hbm4b:s12+s3], $0x400, $0x38;
	[tilespmem:$0x1E400] =	vst v63  }
0x3d7: {  	s12 =	sadd.s32 $0xFFFFF900, s24;
	s17 =	simm.s32 $0x1BC00  }
0x3d8: {  	[tilespmem:s17], [sflag:$0x8] =	stream.linear.gather [hbm4b:s12+s3], $0x400, $0x38;
	[tilespmem:$0x1E400] =	vst v63  }
0x3d9: {  	s12 =	sadd.s32 $0xFFFFF980, s24;
	s17 =	simm.s32 $0x1C800  }
0x3da: {  	[tilespmem:s17], [sflag:$0x8] =	stream.linear.gather [hbm4b:s12+s3], $0x400, $0x38;
	[tilespmem:$0x1E400] =	vst v63  }
0x3db: {  	s12 =	sadd.s32 $0xFFFFFA00, s24;
	s17 =	simm.s32 $0x1D400  }
0x3dc: {  	[tilespmem:s17], [sflag:$0x8] =	stream.linear.gather [hbm4b:s12+s3], $0x400, $0x38;
	[tilespmem:$0x1E400] =	vst v63  }
0x3dd: {  	s12 =	sadd.s32 $0xFFFFFA80, s24;
	s17 =	simm.s32 $0x1E000  }
0x3de: {  	[tilespmem:s17], [sflag:$0x8] =	stream.linear.gather [hbm4b:s12+s3], $0x400, $0x38;
	[tilespmem:$0x1E400] =	vst v63  }
0x3df: {  	_ =	swait.ge [sflag:s1], $0x2800  }
0x3e0: {  	[sflag:s1] =	ssyncset.done $0x0  }
0x3e1: {  	[sflag:s1] =	ssyncadd.s32 $0xFFFFD800  }
0x3e2: {  	_ =	swait.ge [sflag:s1], $0x2800  }
0x3e3: {  	[sflag:s1] =	ssyncset.done $0x0  }
0x3e4: {  	[sflag:s1] =	ssyncadd.s32 $0xFFFFD800  }
0x3e5: {  	_ =	swait.ge [sflag:s1], $0x2800  }
0x3e6: {  	[sflag:s1] =	ssyncset.done $0x0  }
0x3e7: {  	s17 =	simm.s32 $0x7C00;
	[sflag:s1] =	ssyncadd.s32 $0xFFFFD800  }
0x3e8: {  	[hbm4b:s10+s3] =	stream.linear.scatter [tilespmem:s17], [sflag:$0xA], $0x7800, $0x38;
	[tilespmem:$0x1E400] =	vst v63  }
0x3e9: {  	_ =	swait.ge [sflag:s25], $0x7800  }
0x3ea: {  	s4 =	rddreg [dreg:$0x9];
	[sflag:s25] =	ssyncset.done $0x0  }
0x3eb: {  	s12 =	rddreg [dreg:$0x8];
	[sflag:s25] =	ssyncadd.s32 $0xFFFF8800;
	s4 =	sadd.s32 s11, s4  }
0x3ec: {  	[tilespmem:s31], [sflag:$0x2] =	stream.linear.gather [hbm4b:s4+s3], $0x50, $0x38;
	[tilespmem:$0x1E400] =	vst v63  }
0x3ed: {  	s12 =	sadd.s32 s11, s12  }
0x3ee: {  	[tilespmem:s5], [sflag:$0x2] =	stream.linear.gather [hbm4b:s12+s3], $0x50, $0x38;
	[tilespmem:$0x1E400] =	vst v63  }
0x3ef: {  	_ =	swait.ge [sflag:s16], $0xA0  }
0x3f0: {  	[sflag:s16] =	ssyncset.done $0x0  }
0x3f1: {  	[sflag:s16] =	ssyncadd.s32 $0xFFFFFF60  }
0x3f2: {  	v3 =	vld [tilespmem:$0x0];
	_ =	sdelay $0x4  }
0x3f3: {  	v44 =	vperm.xlane v3, v0;
	_ =	sdelay $0x1  }
0x3f4: {  	v3 =	vperm.xlane v3, v2;
	v4 =	vadd.s32 v1, v44;
	_ =	sdelay $0x1  }
0x3f5: {  	v3 =	vadd.s32 v1, v3;
	_ =	sdelay $0x2  }
0x3f6: {  	[tilespmem:s29], [sflag:$0x5] =	stream.indirect_vreg.gather [hbm4b:s0+s3], $0x80, v4, vm0, $0xb8;
	[tilespmem:$0x1E400] =	vst v63  }
0x3f7: {  	s12 =	simm.s32 $0x1000  }
0x3f8: {  	[tilespmem:s12], [sflag:$0x5] =	stream.indirect_vreg.gather [hbm4b:s0+s3], $0x80, v3, vm0, $0xb8;
	[tilespmem:$0x1E400] =	vst v63  }
0x3f9: {  	v3 =	vld [tilespmem:$0x10];
	_ =	sdelay $0x4  }
0x3fa: {  	v45 =	vperm.xlane v3, v0;
	_ =	sdelay $0x1  }
0x3fb: {  	v3 =	vperm.xlane v3, v2;
	v4 =	vadd.s32 v1, v45;
	_ =	sdelay $0x1  }
0x3fc: {  	v3 =	vadd.s32 v1, v3;
	_ =	sdelay $0x1  }
0x3fd: {  	s12 =	simm.s32 $0x1C00  }
0x3fe: {  	[tilespmem:s12], [sflag:$0x5] =	stream.indirect_vreg.gather [hbm4b:s0+s3], $0x80, v4, vm0, $0xb8;
	[tilespmem:$0x1E400] =	vst v63  }
0x3ff: {  	s12 =	simm.s32 $0x2800  }
0x400: {  	[tilespmem:s12], [sflag:$0x5] =	stream.indirect_vreg.gather [hbm4b:s0+s3], $0x80, v3, vm0, $0xb8;
	[tilespmem:$0x1E400] =	vst v63  }
0x401: {  	v3 =	vld [tilespmem:$0x20];
	_ =	sdelay $0x4  }
0x402: {  	v46 =	vperm.xlane v3, v0;
	_ =	sdelay $0x1  }
0x403: {  	v3 =	vperm.xlane v3, v2;
	v4 =	vadd.s32 v1, v46;
	_ =	sdelay $0x1  }
0x404: {  	v3 =	vadd.s32 v1, v3;
	_ =	sdelay $0x1  }
0x405: {  	s12 =	simm.s32 $0x3400  }
0x406: {  	[tilespmem:s12], [sflag:$0x5] =	stream.indirect_vreg.gather [hbm4b:s0+s3], $0x80, v4, vm0, $0xb8;
	[tilespmem:$0x1E400] =	vst v63  }
0x407: {  	s12 =	simm.s32 $0x4000  }
0x408: {  	[tilespmem:s12], [sflag:$0x5] =	stream.indirect_vreg.gather [hbm4b:s0+s3], $0x80, v3, vm0, $0xb8;
	[tilespmem:$0x1E400] =	vst v63  }
0x409: {  	v3 =	vld [tilespmem:$0x30];
	_ =	sdelay $0x4  }
0x40a: {  	v47 =	vperm.xlane v3, v0;
	_ =	sdelay $0x1  }
0x40b: {  	v3 =	vperm.xlane v3, v2;
	v4 =	vadd.s32 v1, v47;
	_ =	sdelay $0x1  }
0x40c: {  	v3 =	vadd.s32 v1, v3;
	_ =	sdelay $0x1  }
0x40d: {  	s12 =	simm.s32 $0x4C00  }
0x40e: {  	[tilespmem:s12], [sflag:$0x5] =	stream.indirect_vreg.gather [hbm4b:s0+s3], $0x80, v4, vm0, $0xb8;
	[tilespmem:$0x1E400] =	vst v63  }
0x40f: {  	s12 =	simm.s32 $0x5800  }
0x410: {  	[tilespmem:s12], [sflag:$0x5] =	stream.indirect_vreg.gather [hbm4b:s0+s3], $0x80, v3, vm0, $0xb8;
	[tilespmem:$0x1E400] =	vst v63  }
0x411: {  	v3 =	vld [tilespmem:$0x40];
	_ =	sdelay $0x4  }
0x412: {  	v48 =	vperm.xlane v3, v0;
	_ =	sdelay $0x1  }
0x413: {  	v3 =	vperm.xlane v3, v2;
	v4 =	vadd.s32 v1, v48;
	_ =	sdelay $0x1  }
0x414: {  	v3 =	vadd.s32 v1, v3;
	_ =	sdelay $0x1  }
0x415: {  	s12 =	simm.s32 $0x6400  }
0x416: {  	[tilespmem:s12], [sflag:$0x5] =	stream.indirect_vreg.gather [hbm4b:s0+s3], $0x80, v4, vm0, $0xb8;
	[tilespmem:$0x1E400] =	vst v63  }
0x417: {  	s12 =	simm.s32 $0x7000  }
0x418: {  	[tilespmem:s12], [sflag:$0x5] =	stream.indirect_vreg.gather [hbm4b:s0+s3], $0x80, v3, vm0, $0xb8;
	[tilespmem:$0x1E400] =	vst v63  }
0x419: {  	v3 =	vld [tilespmem:$0x200];
	_ =	sdelay $0x4  }
0x41a: {  	v49 =	vperm.xlane v3, v0;
	_ =	sdelay $0x1  }
0x41b: {  	v3 =	vperm.xlane v3, v2;
	v4 =	vadd.s32 v1, v49;
	_ =	sdelay $0x1  }
0x41c: {  	v3 =	vadd.s32 v1, v3;
	_ =	sdelay $0x1  }
0x41d: {  	s12 =	simm.s32 $0x800  }
0x41e: {  	[tilespmem:s12], [sflag:$0x5] =	stream.indirect_vreg.gather [hbm4b:s0+s3], $0x80, v4, vm0, $0xb8;
	[tilespmem:$0x1E400] =	vst v63  }
0x41f: {  	s12 =	simm.s32 $0x1400  }
0x420: {  	[tilespmem:s12], [sflag:$0x5] =	stream.indirect_vreg.gather [hbm4b:s0+s3], $0x80, v3, vm0, $0xb8;
	[tilespmem:$0x1E400] =	vst v63  }
0x421: {  	v3 =	vld [tilespmem:$0x210];
	_ =	sdelay $0x4  }
0x422: {  	v50 =	vperm.xlane v3, v0;
	_ =	sdelay $0x1  }
0x423: {  	v3 =	vperm.xlane v3, v2;
	v4 =	vadd.s32 v1, v50;
	_ =	sdelay $0x1  }
0x424: {  	v3 =	vadd.s32 v1, v3;
	_ =	sdelay $0x1  }
0x425: {  	s12 =	simm.s32 $0x2000  }
0x426: {  	[tilespmem:s12], [sflag:$0x5] =	stream.indirect_vreg.gather [hbm4b:s0+s3], $0x80, v4, vm0, $0xb8;
	[tilespmem:$0x1E400] =	vst v63  }
0x427: {  	s12 =	simm.s32 $0x2C00  }
0x428: {  	[tilespmem:s12], [sflag:$0x5] =	stream.indirect_vreg.gather [hbm4b:s0+s3], $0x80, v3, vm0, $0xb8;
	[tilespmem:$0x1E400] =	vst v63  }
0x429: {  	v3 =	vld [tilespmem:$0x220];
	_ =	sdelay $0x4  }
0x42a: {  	v51 =	vperm.xlane v3, v0;
	_ =	sdelay $0x1  }
0x42b: {  	v3 =	vperm.xlane v3, v2;
	v4 =	vadd.s32 v1, v51;
	_ =	sdelay $0x1  }
0x42c: {  	v3 =	vadd.s32 v1, v3;
	_ =	sdelay $0x1  }
0x42d: {  	s12 =	simm.s32 $0x3800  }
0x42e: {  	[tilespmem:s12], [sflag:$0x5] =	stream.indirect_vreg.gather [hbm4b:s0+s3], $0x80, v4, vm0, $0xb8;
	[tilespmem:$0x1E400] =	vst v63  }
0x42f: {  	s12 =	simm.s32 $0x4400  }
0x430: {  	[tilespmem:s12], [sflag:$0x5] =	stream.indirect_vreg.gather [hbm4b:s0+s3], $0x80, v3, vm0, $0xb8;
	[tilespmem:$0x1E400] =	vst v63  }
0x431: {  	v3 =	vld [tilespmem:$0x230];
	_ =	sdelay $0x4  }
0x432: {  	v52 =	vperm.xlane v3, v0;
	_ =	sdelay $0x1  }
0x433: {  	v3 =	vperm.xlane v3, v2;
	v4 =	vadd.s32 v1, v52;
	_ =	sdelay $0x1  }
0x434: {  	v3 =	vadd.s32 v1, v3;
	_ =	sdelay $0x1  }
0x435: {  	s12 =	simm.s32 $0x5000  }
0x436: {  	[tilespmem:s12], [sflag:$0x5] =	stream.indirect_vreg.gather [hbm4b:s0+s3], $0x80, v4, vm0, $0xb8;
	[tilespmem:$0x1E400] =	vst v63  }
0x437: {  	s12 =	simm.s32 $0x5C00  }
0x438: {  	[tilespmem:s12], [sflag:$0x5] =	stream.indirect_vreg.gather [hbm4b:s0+s3], $0x80, v3, vm0, $0xb8;
	[tilespmem:$0x1E400] =	vst v63  }
0x439: {  	v3 =	vld [tilespmem:$0x240];
	_ =	sdelay $0x4  }
0x43a: {  	v53 =	vperm.xlane v3, v0;
	_ =	sdelay $0x1  }
0x43b: {  	v3 =	vperm.xlane v3, v2;
	v4 =	vadd.s32 v1, v53;
	_ =	sdelay $0x1  }
0x43c: {  	v3 =	vadd.s32 v1, v3;
	_ =	sdelay $0x1  }
0x43d: {  	s12 =	simm.s32 $0x6800  }
0x43e: {  	[tilespmem:s12], [sflag:$0x5] =	stream.indirect_vreg.gather [hbm4b:s0+s3], $0x80, v4, vm0, $0xb8;
	[tilespmem:$0x1E400] =	vst v63  }
0x43f: {  	s12 =	simm.s32 $0x7400  }
0x440: {  	[tilespmem:s12], [sflag:$0x5] =	stream.indirect_vreg.gather [hbm4b:s0+s3], $0x80, v3, vm0, $0xb8;
	[tilespmem:$0x1E400] =	vst v63  }
0x441: {  	s4 =	sadd.s32 $0xFFFFFB00, s24;
	s12 =	simm.s32 $0xC00  }
0x442: {  	[tilespmem:s12], [sflag:$0x5] =	stream.linear.gather [hbm4b:s4+s3], $0x400, $0x38;
	[tilespmem:$0x1E400] =	vst v63  }
0x443: {  	s4 =	sadd.s32 $0xFFFFFB80, s24;
	s12 =	simm.s32 $0x1800  }
0x444: {  	[tilespmem:s12], [sflag:$0x5] =	stream.linear.gather [hbm4b:s4+s3], $0x400, $0x38;
	[tilespmem:$0x1E400] =	vst v63  }
0x445: {  	s4 =	sadd.s32 $0xFFFFFC00, s24;
	s12 =	simm.s32 $0x2400  }
0x446: {  	[tilespmem:s12], [sflag:$0x5] =	stream.linear.gather [hbm4b:s4+s3], $0x400, $0x38;
	[tilespmem:$0x1E400] =	vst v63  }
0x447: {  	s4 =	sadd.s32 $0xFFFFFC80, s24;
	s12 =	simm.s32 $0x3000  }
0x448: {  	[tilespmem:s12], [sflag:$0x5] =	stream.linear.gather [hbm4b:s4+s3], $0x400, $0x38;
	[tilespmem:$0x1E400] =	vst v63  }
0x449: {  	s4 =	sadd.s32 $0xFFFFFD00, s24;
	s12 =	simm.s32 $0x3C00  }
0x44a: {  	[tilespmem:s12], [sflag:$0x5] =	stream.linear.gather [hbm4b:s4+s3], $0x400, $0x38;
	[tilespmem:$0x1E400] =	vst v63  }
0x44b: {  	s4 =	sadd.s32 $0xFFFFFD80, s24;
	s12 =	simm.s32 $0x4800  }
0x44c: {  	[tilespmem:s12], [sflag:$0x5] =	stream.linear.gather [hbm4b:s4+s3], $0x400, $0x38;
	[tilespmem:$0x1E400] =	vst v63  }
0x44d: {  	s4 =	sadd.s32 $0xFFFFFE00, s24;
	s12 =	simm.s32 $0x5400  }
0x44e: {  	[tilespmem:s12], [sflag:$0x5] =	stream.linear.gather [hbm4b:s4+s3], $0x400, $0x38;
	[tilespmem:$0x1E400] =	vst v63  }
0x44f: {  	s4 =	sadd.s32 $0xFFFFFE80, s24;
	s12 =	simm.s32 $0x6000  }
0x450: {  	[tilespmem:s12], [sflag:$0x5] =	stream.linear.gather [hbm4b:s4+s3], $0x400, $0x38;
	[tilespmem:$0x1E400] =	vst v63  }
0x451: {  	s4 =	sadd.s32 $0xFFFFFF00, s24;
	s12 =	simm.s32 $0x6C00  }
0x452: {  	[tilespmem:s12], [sflag:$0x5] =	stream.linear.gather [hbm4b:s4+s3], $0x400, $0x38;
	[tilespmem:$0x1E400] =	vst v63  }
0x453: {  	s4 =	sadd.s32 $0xFFFFFF80, s24;
	s12 =	simm.s32 $0x7800  }
0x454: {  	[tilespmem:s12], [sflag:$0x5] =	stream.linear.gather [hbm4b:s4+s3], $0x400, $0x38;
	[tilespmem:$0x1E400] =	vst v63  }
0x455: {  	_ =	swait.ge [sflag:s15], $0x2800  }
0x456: {  	[sflag:s15] =	ssyncset.done $0x0  }
0x457: {  	[sflag:s15] =	ssyncadd.s32 $0xFFFFD800  }
0x458: {  	_ =	swait.ge [sflag:s15], $0x2800  }
0x459: {  	[sflag:s15] =	ssyncset.done $0x0  }
0x45a: {  	[sflag:s15] =	ssyncadd.s32 $0xFFFFD800  }
0x45b: {  	_ =	swait.ge [sflag:s15], $0x2800  }
0x45c: {  	[sflag:s15] =	ssyncset.done $0x0  }
0x45d: {  	[sflag:s15] =	ssyncadd.s32 $0xFFFFD800  }
0x45e: {  	[hbm4b:s9+s3] =	stream.linear.scatter [tilespmem:s8], [sflag:$0xB], $0x7800, $0x38;
	[tilespmem:$0x1E400] =	vst v63  }
0x45f: {  	_ =	swait.ge [sflag:s6], $0x7800  }
0x460: {  	s12 =	rddreg [dreg:$0x7];
	[sflag:s6] =	ssyncset.done $0x0  }
0x461: {  	s8 =	rddreg [dreg:$0x6];
	[sflag:s6] =	ssyncadd.s32 $0xFFFF8800;
	s4 =	sadd.s32 s11, s12  }
0x462: {  	[tilespmem:s2], [sflag:$0x3] =	stream.linear.gather [hbm4b:s4+s3], $0x50, $0x38;
	[tilespmem:$0x1E400] =	vst v63  }
0x463: {  	s8 =	sadd.s32 s11, s8;
	s12 =	simm.s32 $0x300  }
0x464: {  	[tilespmem:s12], [sflag:$0x3] =	stream.linear.gather [hbm4b:s8+s3], $0x50, $0x38;
	[tilespmem:$0x1E400] =	vst v63  }
0x465: {  	_ =	swait.ge [sflag:s14], $0xA0  }
0x466: {  	[sflag:s14] =	ssyncset.done $0x0  }
0x467: {  	[sflag:s14] =	ssyncadd.s32 $0xFFFFFF60  }
0x468: {  	v3 =	vld [tilespmem:$0x80];
	_ =	sdelay $0x4  }
0x469: {  	v54 =	vperm.xlane v3, v0;
	_ =	sdelay $0x1  }
0x46a: {  	v3 =	vperm.xlane v3, v2;
	v4 =	vadd.s32 v1, v54;
	_ =	sdelay $0x1  }
0x46b: {  	v3 =	vadd.s32 v1, v3;
	_ =	sdelay $0x2  }
0x46c: {  	[tilespmem:s17], [sflag:$0x6] =	stream.indirect_vreg.gather [hbm4b:s0+s3], $0x80, v4, vm0, $0xb8;
	[tilespmem:$0x1E400] =	vst v63  }
0x46d: {  	s8 =	simm.s32 $0x8800  }
0x46e: {  	[tilespmem:s8], [sflag:$0x6] =	stream.indirect_vreg.gather [hbm4b:s0+s3], $0x80, v3, vm0, $0xb8;
	[tilespmem:$0x1E400] =	vst v63  }
0x46f: {  	v3 =	vld [tilespmem:$0x90];
	_ =	sdelay $0x4  }
0x470: {  	v55 =	vperm.xlane v3, v0;
	_ =	sdelay $0x1  }
0x471: {  	v3 =	vperm.xlane v3, v2;
	v4 =	vadd.s32 v1, v55;
	_ =	sdelay $0x1  }
0x472: {  	v3 =	vadd.s32 v1, v3;
	_ =	sdelay $0x1  }
0x473: {  	s17 =	simm.s32 $0x9400  }
0x474: {  	[tilespmem:s17], [sflag:$0x6] =	stream.indirect_vreg.gather [hbm4b:s0+s3], $0x80, v4, vm0, $0xb8;
	[tilespmem:$0x1E400] =	vst v63  }
0x475: {  	s8 =	simm.s32 $0xA000  }
0x476: {  	[tilespmem:s8], [sflag:$0x6] =	stream.indirect_vreg.gather [hbm4b:s0+s3], $0x80, v3, vm0, $0xb8;
	[tilespmem:$0x1E400] =	vst v63  }
0x477: {  	v3 =	vld [tilespmem:$0xA0];
	_ =	sdelay $0x4  }
0x478: {  	v56 =	vperm.xlane v3, v0;
	_ =	sdelay $0x1  }
0x479: {  	v3 =	vperm.xlane v3, v2;
	v4 =	vadd.s32 v1, v56;
	_ =	sdelay $0x1  }
0x47a: {  	v3 =	vadd.s32 v1, v3;
	_ =	sdelay $0x1  }
0x47b: {  	s17 =	simm.s32 $0xAC00  }
0x47c: {  	[tilespmem:s17], [sflag:$0x6] =	stream.indirect_vreg.gather [hbm4b:s0+s3], $0x80, v4, vm0, $0xb8;
	[tilespmem:$0x1E400] =	vst v63  }
0x47d: {  	s8 =	simm.s32 $0xB800  }
0x47e: {  	[tilespmem:s8], [sflag:$0x6] =	stream.indirect_vreg.gather [hbm4b:s0+s3], $0x80, v3, vm0, $0xb8;
	[tilespmem:$0x1E400] =	vst v63  }
0x47f: {  	v3 =	vld [tilespmem:$0xB0];
	_ =	sdelay $0x4  }
0x480: {  	v57 =	vperm.xlane v3, v0;
	_ =	sdelay $0x1  }
0x481: {  	v3 =	vperm.xlane v3, v2;
	v4 =	vadd.s32 v1, v57;
	_ =	sdelay $0x1  }
0x482: {  	v3 =	vadd.s32 v1, v3;
	_ =	sdelay $0x1  }
0x483: {  	s17 =	simm.s32 $0xC400  }
0x484: {  	[tilespmem:s17], [sflag:$0x6] =	stream.indirect_vreg.gather [hbm4b:s0+s3], $0x80, v4, vm0, $0xb8;
	[tilespmem:$0x1E400] =	vst v63  }
0x485: {  	s8 =	simm.s32 $0xD000  }
0x486: {  	[tilespmem:s8], [sflag:$0x6] =	stream.indirect_vreg.gather [hbm4b:s0+s3], $0x80, v3, vm0, $0xb8;
	[tilespmem:$0x1E400] =	vst v63  }
0x487: {  	v3 =	vld [tilespmem:$0xC0];
	_ =	sdelay $0x4  }
0x488: {  	v58 =	vperm.xlane v3, v0;
	_ =	sdelay $0x1  }
0x489: {  	v3 =	vperm.xlane v3, v2;
	v4 =	vadd.s32 v1, v58;
	_ =	sdelay $0x1  }
0x48a: {  	v3 =	vadd.s32 v1, v3;
	_ =	sdelay $0x1  }
0x48b: {  	s17 =	simm.s32 $0xDC00  }
0x48c: {  	[tilespmem:s17], [sflag:$0x6] =	stream.indirect_vreg.gather [hbm4b:s0+s3], $0x80, v4, vm0, $0xb8;
	[tilespmem:$0x1E400] =	vst v63  }
0x48d: {  	s8 =	simm.s32 $0xE800  }
0x48e: {  	[tilespmem:s8], [sflag:$0x6] =	stream.indirect_vreg.gather [hbm4b:s0+s3], $0x80, v3, vm0, $0xb8;
	[tilespmem:$0x1E400] =	vst v63  }
0x48f: {  	v3 =	vld [tilespmem:$0x280];
	_ =	sdelay $0x4  }
0x490: {  	v59 =	vperm.xlane v3, v0;
	_ =	sdelay $0x1  }
0x491: {  	v3 =	vperm.xlane v3, v2;
	v4 =	vadd.s32 v1, v59;
	_ =	sdelay $0x1  }
0x492: {  	v3 =	vadd.s32 v1, v3;
	_ =	sdelay $0x1  }
0x493: {  	s17 =	simm.s32 $0x8000  }
0x494: {  	[tilespmem:s17], [sflag:$0x6] =	stream.indirect_vreg.gather [hbm4b:s0+s3], $0x80, v4, vm0, $0xb8;
	[tilespmem:$0x1E400] =	vst v63  }
0x495: {  	s8 =	simm.s32 $0x8C00  }
0x496: {  	[tilespmem:s8], [sflag:$0x6] =	stream.indirect_vreg.gather [hbm4b:s0+s3], $0x80, v3, vm0, $0xb8;
	[tilespmem:$0x1E400] =	vst v63  }
0x497: {  	v3 =	vld [tilespmem:$0x290];
	_ =	sdelay $0x4  }
0x498: {  	v60 =	vperm.xlane v3, v0;
	_ =	sdelay $0x1  }
0x499: {  	v3 =	vperm.xlane v3, v2;
	v4 =	vadd.s32 v1, v60;
	_ =	sdelay $0x1  }
0x49a: {  	v3 =	vadd.s32 v1, v3;
	_ =	sdelay $0x1  }
0x49b: {  	s17 =	simm.s32 $0x9800  }
0x49c: {  	[tilespmem:s17], [sflag:$0x6] =	stream.indirect_vreg.gather [hbm4b:s0+s3], $0x80, v4, vm0, $0xb8;
	[tilespmem:$0x1E400] =	vst v63  }
0x49d: {  	s8 =	simm.s32 $0xA400  }
0x49e: {  	[tilespmem:s8], [sflag:$0x6] =	stream.indirect_vreg.gather [hbm4b:s0+s3], $0x80, v3, vm0, $0xb8;
	[tilespmem:$0x1E400] =	vst v63  }
0x49f: {  	v3 =	vld [tilespmem:$0x2A0];
	_ =	sdelay $0x4  }
0x4a0: {  	v61 =	vperm.xlane v3, v0;
	_ =	sdelay $0x1  }
0x4a1: {  	v3 =	vperm.xlane v3, v2;
	v4 =	vadd.s32 v1, v61;
	_ =	sdelay $0x1  }
0x4a2: {  	v3 =	vadd.s32 v1, v3;
	_ =	sdelay $0x1  }
0x4a3: {  	s17 =	simm.s32 $0xB000  }
0x4a4: {  	[tilespmem:s17], [sflag:$0x6] =	stream.indirect_vreg.gather [hbm4b:s0+s3], $0x80, v4, vm0, $0xb8;
	[tilespmem:$0x1E400] =	vst v63  }
0x4a5: {  	s8 =	simm.s32 $0xBC00  }
0x4a6: {  	[tilespmem:s8], [sflag:$0x6] =	stream.indirect_vreg.gather [hbm4b:s0+s3], $0x80, v3, vm0, $0xb8;
	[tilespmem:$0x1E400] =	vst v63  }
0x4a7: {  	v3 =	vld [tilespmem:$0x2B0];
	_ =	sdelay $0x4  }
0x4a8: {  	v62 =	vperm.xlane v3, v0;
	_ =	sdelay $0x1  }
0x4a9: {  	v3 =	vperm.xlane v3, v2;
	v4 =	vadd.s32 v1, v62;
	_ =	sdelay $0x1  }
0x4aa: {  	v3 =	vadd.s32 v1, v3;
	_ =	sdelay $0x1  }
0x4ab: {  	s17 =	simm.s32 $0xC800  }
0x4ac: {  	[tilespmem:s17], [sflag:$0x6] =	stream.indirect_vreg.gather [hbm4b:s0+s3], $0x80, v4, vm0, $0xb8;
	[tilespmem:$0x1E400] =	vst v63  }
0x4ad: {  	s8 =	simm.s32 $0xD400  }
0x4ae: {  	[tilespmem:s8], [sflag:$0x6] =	stream.indirect_vreg.gather [hbm4b:s0+s3], $0x80, v3, vm0, $0xb8;
	[tilespmem:$0x1E400] =	vst v63  }
0x4af: {  	v3 =	vld [tilespmem:$0x2C0];
	_ =	sdelay $0x4  }
0x4b0: {  	v63 =	vperm.xlane v3, v0;
	_ =	sdelay $0x1  }
0x4b1: {  	v3 =	vperm.xlane v3, v2;
	v4 =	vadd.s32 v1, v63;
	_ =	sdelay $0x1  }
0x4b2: {  	v3 =	vadd.s32 v1, v3;
	_ =	sdelay $0x1  }
0x4b3: {  	s17 =	simm.s32 $0xE000  }
0x4b4: {  	[tilespmem:s17], [sflag:$0x6] =	stream.indirect_vreg.gather [hbm4b:s0+s3], $0x80, v4, vm0, $0xb8;
	[tilespmem:$0x1E400] =	vst v63  }
0x4b5: {  	s8 =	simm.s32 $0xEC00  }
0x4b6: {  	[tilespmem:s8], [sflag:$0x6] =	stream.indirect_vreg.gather [hbm4b:s0+s3], $0x80, v3, vm0, $0xb8;
	[tilespmem:$0x1E400] =	vst v63  }
0x4b7: {  	s17 =	simm.s32 $0x8400  }
0x4b8: {  	[tilespmem:s17], [sflag:$0x6] =	stream.linear.gather [hbm4b:s24+s3], $0x400, $0x38;
	[tilespmem:$0x1E400] =	vst v63  }
0x4b9: {  	s8 =	sadd.s32 $0x80, s24;
	s17 =	simm.s32 $0x9000  }
0x4ba: {  	[tilespmem:s17], [sflag:$0x6] =	stream.linear.gather [hbm4b:s8+s3], $0x400, $0x38;
	[tilespmem:$0x1E400] =	vst v63  }
0x4bb: {  	s8 =	sadd.s32 $0x100, s24;
	s17 =	simm.s32 $0x9C00  }
0x4bc: {  	[tilespmem:s17], [sflag:$0x6] =	stream.linear.gather [hbm4b:s8+s3], $0x400, $0x38;
	[tilespmem:$0x1E400] =	vst v63  }
0x4bd: {  	s8 =	sadd.s32 $0x180, s24;
	s17 =	simm.s32 $0xA800  }
0x4be: {  	[tilespmem:s17], [sflag:$0x6] =	stream.linear.gather [hbm4b:s8+s3], $0x400, $0x38;
	[tilespmem:$0x1E400] =	vst v63  }
0x4bf: {  	s8 =	sadd.s32 $0x200, s24;
	s17 =	simm.s32 $0xB400  }
0x4c0: {  	[tilespmem:s17], [sflag:$0x6] =	stream.linear.gather [hbm4b:s8+s3], $0x400, $0x38;
	[tilespmem:$0x1E400] =	vst v63  }
0x4c1: {  	s8 =	sadd.s32 $0x280, s24;
	s17 =	simm.s32 $0xC000  }
0x4c2: {  	[tilespmem:s17], [sflag:$0x6] =	stream.linear.gather [hbm4b:s8+s3], $0x400, $0x38;
	[tilespmem:$0x1E400] =	vst v63  }
0x4c3: {  	s8 =	sadd.s32 $0x300, s24;
	s17 =	simm.s32 $0xCC00  }
0x4c4: {  	[tilespmem:s17], [sflag:$0x6] =	stream.linear.gather [hbm4b:s8+s3], $0x400, $0x38;
	[tilespmem:$0x1E400] =	vst v63  }
0x4c5: {  	s8 =	sadd.s32 $0x380, s24;
	s17 =	simm.s32 $0xD800  }
0x4c6: {  	[tilespmem:s17], [sflag:$0x6] =	stream.linear.gather [hbm4b:s8+s3], $0x400, $0x38;
	[tilespmem:$0x1E400] =	vst v63  }
0x4c7: {  	s8 =	sadd.s32 $0x400, s24;
	s17 =	simm.s32 $0xE400  }
0x4c8: {  	[tilespmem:s17], [sflag:$0x6] =	stream.linear.gather [hbm4b:s8+s3], $0x400, $0x38;
	[tilespmem:$0x1E400] =	vst v63  }
0x4c9: {  	s17 =	sadd.s32 $0x480, s24  }
0x4ca: {  	[tilespmem:s21], [sflag:$0x6] =	stream.linear.gather [hbm4b:s17+s3], $0x400, $0x38;
	[tilespmem:$0x1E400] =	vst v63  }
0x4cb: {  	_ =	swait.ge [sflag:s30], $0x2800  }
0x4cc: {  	[sflag:s30] =	ssyncset.done $0x0  }
0x4cd: {  	[sflag:s30] =	ssyncadd.s32 $0xFFFFD800  }
0x4ce: {  	_ =	swait.ge [sflag:s30], $0x2800  }
0x4cf: {  	[sflag:s30] =	ssyncset.done $0x0  }
0x4d0: {  	p0 =	sne.s32 s11, $0x460;
	[sflag:s30] =	ssyncadd.s32 $0xFFFFD800  }
.Ltmp0:
0x4d1: {  	_ =	swait.ge [sflag:s30], $0x2800;
	(pc) =	sbr.rel @p0 .LBB2_2-.Ltmp0, $4  }
0x4d2: {  	s7 =	sadd.s32 $0x140, s7;
	s10 =	sadd.s32 $0x3C00, s10;
	[sflag:s30] =	ssyncset.done $0x0  }
0x4d3: {  	s29 =	simm.s32 $0x7C00;
	s9 =	sadd.s32 $0x3C00, s9;
	[sflag:s30] =	ssyncadd.s32 $0xFFFFD800  }
0x4d4: {  	[hbm4b:s19+s3] =	stream.linear.scatter [tilespmem:s13], [sflag:$0xC], $0x7800, $0x38;
	[tilespmem:$0x1E400] =	vst v63  }
0x4d5: {  	s11 =	sadd.s32 $0x28, s11;
	s24 =	sadd.s32 $0x1400, s24;
	s19 =	sadd.s32 $0x3C00, s19  }
0x4d6: {  	_ =	swait.ge [sflag:s23], $0x7800  }
0x4d7: {  	s4 =	sld [smem:$0x7ED]  }
0x4d8: {  	[sflag:s23] =	ssyncset.done $0x0  }
0x4d9: {  	s2 =	simm.s32 $0x180;
	s21 =	sld [smem:$0x7EF];
	[sflag:s23] =	ssyncadd.s32 $0xFFFF8800  }
0x4da: {  	[tilespmem:s2], [sflag:$0x4] =	stream.linear.gather [hbm4b:s4+s3], $0x50, $0x38;
	[tilespmem:$0x1E400] =	vst v63  }
0x4db: {  	s24 =	simm.s32 $0x380  }
0x4dc: {  	[tilespmem:s24], [sflag:$0x4] =	stream.linear.gather [hbm4b:s21+s3], $0x50, $0x38;
	[tilespmem:$0x1E400] =	vst v63  }
0x4dd: {  	_ =	swait.ge [sflag:s22], $0xA0  }
0x4de: {  	[sflag:s22] =	ssyncset.done $0x0  }
0x4df: {  	[sflag:s22] =	ssyncadd.s32 $0xFFFFFF60  }
0x4e0: {  	v3 =	vld [tilespmem:$0x100];
	_ =	sdelay $0x4  }
0x4e1: {  	v4 =	vperm.xlane v3, v0;
	_ =	sdelay $0x1  }
0x4e2: {  	v3 =	vperm.xlane v3, v2;
	v4 =	vadd.s32 v1, v4;
	_ =	sdelay $0x1  }
0x4e3: {  	v3 =	vadd.s32 v1, v3;
	_ =	sdelay $0x1  }
0x4e4: {  	s8 =	simm.s32 $0xF400  }
0x4e5: {  	[tilespmem:s8], [sflag:$0x7] =	stream.indirect_vreg.gather [hbm4b:s0+s3], $0x80, v4, vm0, $0xb8;
	[tilespmem:$0x1E400] =	vst v63  }
0x4e6: {  	s28 =	simm.s32 $0x10000  }
0x4e7: {  	[tilespmem:s28], [sflag:$0x7] =	stream.indirect_vreg.gather [hbm4b:s0+s3], $0x80, v3, vm0, $0xb8;
	[tilespmem:$0x1E400] =	vst v63  }
0x4e8: {  	v3 =	vld [tilespmem:$0x110];
	_ =	sdelay $0x4  }
0x4e9: {  	v35 =	vperm.xlane v3, v0;
	_ =	sdelay $0x1  }
0x4ea: {  	v3 =	vperm.xlane v3, v2;
	v4 =	vadd.s32 v1, v35;
	_ =	sdelay $0x1  }
0x4eb: {  	v3 =	vadd.s32 v1, v3;
	_ =	sdelay $0x1  }
0x4ec: {  	s31 =	simm.s32 $0x10C00  }
0x4ed: {  	[tilespmem:s31], [sflag:$0x7] =	stream.indirect_vreg.gather [hbm4b:s0+s3], $0x80, v4, vm0, $0xb8;
	[tilespmem:$0x1E400] =	vst v63  }
0x4ee: {  	s4 =	simm.s32 $0x11800  }
0x4ef: {  	[tilespmem:s4], [sflag:$0x7] =	stream.indirect_vreg.gather [hbm4b:s0+s3], $0x80, v3, vm0, $0xb8;
	[tilespmem:$0x1E400] =	vst v63  }
0x4f0: {  	v3 =	vld [tilespmem:$0x120];
	_ =	sdelay $0x4  }
0x4f1: {  	v36 =	vperm.xlane v3, v0;
	_ =	sdelay $0x1  }
0x4f2: {  	v3 =	vperm.xlane v3, v2;
	v4 =	vadd.s32 v1, v36;
	_ =	sdelay $0x1  }
0x4f3: {  	v3 =	vadd.s32 v1, v3;
	_ =	sdelay $0x1  }
0x4f4: {  	s5 =	simm.s32 $0x12400  }
0x4f5: {  	[tilespmem:s5], [sflag:$0x7] =	stream.indirect_vreg.gather [hbm4b:s0+s3], $0x80, v4, vm0, $0xb8;
	[tilespmem:$0x1E400] =	vst v63  }
0x4f6: {  	s7 =	simm.s32 $0x13000  }
0x4f7: {  	[tilespmem:s7], [sflag:$0x7] =	stream.indirect_vreg.gather [hbm4b:s0+s3], $0x80, v3, vm0, $0xb8;
	[tilespmem:$0x1E400] =	vst v63  }
0x4f8: {  	v3 =	vld [tilespmem:$0x130];
	_ =	sdelay $0x4  }
0x4f9: {  	v37 =	vperm.xlane v3, v0;
	_ =	sdelay $0x1  }
0x4fa: {  	v3 =	vperm.xlane v3, v2;
	v4 =	vadd.s32 v1, v37;
	_ =	sdelay $0x1  }
0x4fb: {  	v3 =	vadd.s32 v1, v3;
	_ =	sdelay $0x1  }
0x4fc: {  	s9 =	simm.s32 $0x13C00  }
0x4fd: {  	[tilespmem:s9], [sflag:$0x7] =	stream.indirect_vreg.gather [hbm4b:s0+s3], $0x80, v4, vm0, $0xb8;
	[tilespmem:$0x1E400] =	vst v63  }
0x4fe: {  	s10 =	simm.s32 $0x14800  }
0x4ff: {  	[tilespmem:s10], [sflag:$0x7] =	stream.indirect_vreg.gather [hbm4b:s0+s3], $0x80, v3, vm0, $0xb8;
	[tilespmem:$0x1E400] =	vst v63  }
0x500: {  	v3 =	vld [tilespmem:$0x140];
	_ =	sdelay $0x4  }
0x501: {  	v38 =	vperm.xlane v3, v0;
	_ =	sdelay $0x1  }
0x502: {  	v3 =	vperm.xlane v3, v2;
	v4 =	vadd.s32 v1, v38;
	_ =	sdelay $0x1  }
0x503: {  	v3 =	vadd.s32 v1, v3;
	_ =	sdelay $0x1  }
0x504: {  	s11 =	simm.s32 $0x15400  }
0x505: {  	[tilespmem:s11], [sflag:$0x7] =	stream.indirect_vreg.gather [hbm4b:s0+s3], $0x80, v4, vm0, $0xb8;
	[tilespmem:$0x1E400] =	vst v63  }
0x506: {  	s13 =	simm.s32 $0x16000  }
0x507: {  	[tilespmem:s13], [sflag:$0x7] =	stream.indirect_vreg.gather [hbm4b:s0+s3], $0x80, v3, vm0, $0xb8;
	[tilespmem:$0x1E400] =	vst v63  }
0x508: {  	v3 =	vld [tilespmem:$0x300];
	_ =	sdelay $0x4  }
0x509: {  	v39 =	vperm.xlane v3, v0;
	_ =	sdelay $0x1  }
0x50a: {  	v3 =	vperm.xlane v3, v2;
	v4 =	vadd.s32 v1, v39;
	_ =	sdelay $0x1  }
0x50b: {  	v3 =	vadd.s32 v1, v3;
	_ =	sdelay $0x1  }
0x50c: {  	s14 =	simm.s32 $0xF800  }
0x50d: {  	[tilespmem:s14], [sflag:$0x7] =	stream.indirect_vreg.gather [hbm4b:s0+s3], $0x80, v4, vm0, $0xb8;
	[tilespmem:$0x1E400] =	vst v63  }
0x50e: {  	s17 =	simm.s32 $0x10400  }
0x50f: {  	[tilespmem:s17], [sflag:$0x7] =	stream.indirect_vreg.gather [hbm4b:s0+s3], $0x80, v3, vm0, $0xb8;
	[tilespmem:$0x1E400] =	vst v63  }
0x510: {  	v3 =	vld [tilespmem:$0x310];
	_ =	sdelay $0x4  }
0x511: {  	v40 =	vperm.xlane v3, v0;
	_ =	sdelay $0x1  }
0x512: {  	v3 =	vperm.xlane v3, v2;
	v4 =	vadd.s32 v1, v40;
	_ =	sdelay $0x1  }
0x513: {  	v3 =	vadd.s32 v1, v3;
	_ =	sdelay $0x1  }
0x514: {  	s19 =	simm.s32 $0x11000  }
0x515: {  	[tilespmem:s19], [sflag:$0x7] =	stream.indirect_vreg.gather [hbm4b:s0+s3], $0x80, v4, vm0, $0xb8;
	[tilespmem:$0x1E400] =	vst v63  }
0x516: {  	s21 =	simm.s32 $0x11C00  }
0x517: {  	[tilespmem:s21], [sflag:$0x7] =	stream.indirect_vreg.gather [hbm4b:s0+s3], $0x80, v3, vm0, $0xb8;
	[tilespmem:$0x1E400] =	vst v63  }
0x518: {  	v3 =	vld [tilespmem:$0x320];
	_ =	sdelay $0x4  }
0x519: {  	v41 =	vperm.xlane v3, v0;
	_ =	sdelay $0x1  }
0x51a: {  	v3 =	vperm.xlane v3, v2;
	v4 =	vadd.s32 v1, v41;
	_ =	sdelay $0x1  }
0x51b: {  	v3 =	vadd.s32 v1, v3;
	_ =	sdelay $0x1  }
0x51c: {  	s24 =	simm.s32 $0x12800  }
0x51d: {  	[tilespmem:s24], [sflag:$0x7] =	stream.indirect_vreg.gather [hbm4b:s0+s3], $0x80, v4, vm0, $0xb8;
	[tilespmem:$0x1E400] =	vst v63  }
0x51e: {  	s28 =	simm.s32 $0x13400  }
0x51f: {  	[tilespmem:s28], [sflag:$0x7] =	stream.indirect_vreg.gather [hbm4b:s0+s3], $0x80, v3, vm0, $0xb8;
	[tilespmem:$0x1E400] =	vst v63  }
0x520: {  	v3 =	vld [tilespmem:$0x330];
	_ =	sdelay $0x4  }
0x521: {  	v42 =	vperm.xlane v3, v0;
	_ =	sdelay $0x1  }
0x522: {  	v3 =	vperm.xlane v3, v2;
	v4 =	vadd.s32 v1, v42;
	_ =	sdelay $0x1  }
0x523: {  	v3 =	vadd.s32 v1, v3;
	_ =	sdelay $0x1  }
0x524: {  	s31 =	simm.s32 $0x14000  }
0x525: {  	[tilespmem:s31], [sflag:$0x7] =	stream.indirect_vreg.gather [hbm4b:s0+s3], $0x80, v4, vm0, $0xb8;
	[tilespmem:$0x1E400] =	vst v63  }
0x526: {  	s4 =	simm.s32 $0x14C00  }
0x527: {  	[tilespmem:s4], [sflag:$0x7] =	stream.indirect_vreg.gather [hbm4b:s0+s3], $0x80, v3, vm0, $0xb8;
	[tilespmem:$0x1E400] =	vst v63  }
0x528: {  	v3 =	vld [tilespmem:$0x340];
	_ =	sdelay $0x4  }
0x529: {  	v43 =	vperm.xlane v3, v0;
	_ =	sdelay $0x1  }
0x52a: {  	v3 =	vperm.xlane v3, v2;
	v4 =	vadd.s32 v1, v43;
	_ =	sdelay $0x1  }
0x52b: {  	v3 =	vadd.s32 v1, v3;
	_ =	sdelay $0x1  }
0x52c: {  	s5 =	simm.s32 $0x15800  }
0x52d: {  	[tilespmem:s5], [sflag:$0x7] =	stream.indirect_vreg.gather [hbm4b:s0+s3], $0x80, v4, vm0, $0xb8;
	[tilespmem:$0x1E400] =	vst v63  }
0x52e: {  	s7 =	simm.s32 $0x16400  }
0x52f: {  	[tilespmem:s7], [sflag:$0x7] =	stream.indirect_vreg.gather [hbm4b:s0+s3], $0x80, v3, vm0, $0xb8;
	[tilespmem:$0x1E400] =	vst v63  }
0x530: {  	s9 =	simm.s32 $0xFC00;
	s7 =	rddreg [dreg:$0x14]  }
0x531: {  	[tilespmem:s9], [sflag:$0x7] =	stream.linear.gather [hbm4b:s7+s3], $0x400, $0x38;
	[tilespmem:$0x1E400] =	vst v63  }
0x532: {  	s11 =	simm.s32 $0x10800;
	s10 =	sadd.s32 $0x80, s7  }
0x533: {  	[tilespmem:s11], [sflag:$0x7] =	stream.linear.gather [hbm4b:s10+s3], $0x400, $0x38;
	[tilespmem:$0x1E400] =	vst v63  }
0x534: {  	s14 =	simm.s32 $0x11400;
	s13 =	sadd.s32 $0x100, s7  }
0x535: {  	[tilespmem:s14], [sflag:$0x7] =	stream.linear.gather [hbm4b:s13+s3], $0x400, $0x38;
	[tilespmem:$0x1E400] =	vst v63  }
0x536: {  	s19 =	simm.s32 $0x12000;
	s17 =	sadd.s32 $0x180, s7  }
0x537: {  	[tilespmem:s19], [sflag:$0x7] =	stream.linear.gather [hbm4b:s17+s3], $0x400, $0x38;
	[tilespmem:$0x1E400] =	vst v63  }
0x538: {  	s24 =	simm.s32 $0x12C00;
	s21 =	sadd.s32 $0x200, s7  }
0x539: {  	[tilespmem:s24], [sflag:$0x7] =	stream.linear.gather [hbm4b:s21+s3], $0x400, $0x38;
	[tilespmem:$0x1E400] =	vst v63  }
0x53a: {  	s31 =	simm.s32 $0x13800;
	s28 =	sadd.s32 $0x280, s7  }
0x53b: {  	[tilespmem:s31], [sflag:$0x7] =	stream.linear.gather [hbm4b:s28+s3], $0x400, $0x38;
	[tilespmem:$0x1E400] =	vst v63  }
0x53c: {  	s5 =	sadd.s32 $0x300, s7;
	s9 =	simm.s32 $0x14400  }
0x53d: {  	[tilespmem:s9], [sflag:$0x7] =	stream.linear.gather [hbm4b:s5+s3], $0x400, $0x38;
	[tilespmem:$0x1E400] =	vst v63  }
0x53e: {  	s10 =	sadd.s32 $0x380, s7;
	s11 =	simm.s32 $0x15000  }
0x53f: {  	[tilespmem:s11], [sflag:$0x7] =	stream.linear.gather [hbm4b:s10+s3], $0x400, $0x38;
	[tilespmem:$0x1E400] =	vst v63  }
0x540: {  	s13 =	sadd.s32 $0x400, s7;
	s14 =	simm.s32 $0x15C00  }
0x541: {  	[tilespmem:s14], [sflag:$0x7] =	stream.linear.gather [hbm4b:s13+s3], $0x400, $0x38;
	[tilespmem:$0x1E400] =	vst v63  }
0x542: {  	s17 =	sadd.s32 $0x480, s7;
	s19 =	simm.s32 $0x16800  }
0x543: {  	[tilespmem:s19], [sflag:$0x7] =	stream.linear.gather [hbm4b:s17+s3], $0x400, $0x38;
	[tilespmem:$0x1E400] =	vst v63  }
0x544: {  	_ =	swait.ge [sflag:s26], $0x2800  }
0x545: {  	[sflag:s26] =	ssyncset.done $0x0  }
0x546: {  	[sflag:s26] =	ssyncadd.s32 $0xFFFFD800  }
0x547: {  	_ =	swait.ge [sflag:s26], $0x2800  }
0x548: {  	[sflag:s26] =	ssyncset.done $0x0  }
0x549: {  	[sflag:s26] =	ssyncadd.s32 $0xFFFFD800  }
0x54a: {  	_ =	swait.ge [sflag:s26], $0x2800  }
0x54b: {  	s21 =	sld [smem:$0x7FC]  }
0x54c: {  	[sflag:s26] =	ssyncset.done $0x0  }
0x54d: {  	s5 =	simm.s32 $0x400;
	[sflag:s26] =	ssyncadd.s32 $0xFFFFD800  }
0x54e: {  	[hbm4b:s21+s3] =	stream.linear.scatter [tilespmem:s5], [sflag:$0x9], $0x7800, $0x38;
	[tilespmem:$0x1E400] =	vst v63  }
0x54f: {  	_ =	swait.ge [sflag:s18], $0x7800  }
0x550: {  	s24 =	sld [smem:$0x7EE]  }
0x551: {  	[sflag:s18] =	ssyncset.done $0x0  }
0x552: {  	s28 =	sld [smem:$0x7F0];
	[sflag:s18] =	ssyncadd.s32 $0xFFFF8800  }
0x553: {  	[tilespmem:s3], [sflag:$0x1] =	stream.linear.gather [hbm4b:s24+s3], $0x50, $0x38;
	[tilespmem:$0x1E400] =	vst v63  }
0x554: {  	s31 =	simm.s32 $0x200  }
0x555: {  	[tilespmem:s31], [sflag:$0x1] =	stream.linear.gather [hbm4b:s28+s3], $0x50, $0x38;
	[tilespmem:$0x1E400] =	vst v63  }
0x556: {  	_ =	swait.ge [sflag:s20], $0xA0  }
0x557: {  	[sflag:s20] =	ssyncset.done $0x0  }
0x558: {  	[sflag:s20] =	ssyncadd.s32 $0xFFFFFF60  }
0x559: {  	v3 =	vld [tilespmem:$0x180];
	_ =	sdelay $0x4  }
0x55a: {  	v44 =	vperm.xlane v3, v0;
	_ =	sdelay $0x1  }
0x55b: {  	v3 =	vperm.xlane v3, v2;
	v4 =	vadd.s32 v1, v44;
	_ =	sdelay $0x1  }
0x55c: {  	v3 =	vadd.s32 v1, v3;
	_ =	sdelay $0x1  }
0x55d: {  	s9 =	simm.s32 $0x16C00  }
0x55e: {  	[tilespmem:s9], [sflag:$0x8] =	stream.indirect_vreg.gather [hbm4b:s0+s3], $0x80, v4, vm0, $0xb8;
	[tilespmem:$0x1E400] =	vst v63  }
0x55f: {  	s4 =	simm.s32 $0x17800  }
0x560: {  	[tilespmem:s4], [sflag:$0x8] =	stream.indirect_vreg.gather [hbm4b:s0+s3], $0x80, v3, vm0, $0xb8;
	[tilespmem:$0x1E400] =	vst v63  }
0x561: {  	v3 =	vld [tilespmem:$0x190];
	_ =	sdelay $0x4  }
0x562: {  	v45 =	vperm.xlane v3, v0;
	_ =	sdelay $0x1  }
0x563: {  	v3 =	vperm.xlane v3, v2;
	v4 =	vadd.s32 v1, v45;
	_ =	sdelay $0x1  }
0x564: {  	v3 =	vadd.s32 v1, v3;
	_ =	sdelay $0x1  }
0x565: {  	s7 =	simm.s32 $0x18400  }
0x566: {  	[tilespmem:s7], [sflag:$0x8] =	stream.indirect_vreg.gather [hbm4b:s0+s3], $0x80, v4, vm0, $0xb8;
	[tilespmem:$0x1E400] =	vst v63  }
0x567: {  	s10 =	simm.s32 $0x19000  }
0x568: {  	[tilespmem:s10], [sflag:$0x8] =	stream.indirect_vreg.gather [hbm4b:s0+s3], $0x80, v3, vm0, $0xb8;
	[tilespmem:$0x1E400] =	vst v63  }
0x569: {  	v3 =	vld [tilespmem:$0x1A0];
	_ =	sdelay $0x4  }
0x56a: {  	v46 =	vperm.xlane v3, v0;
	_ =	sdelay $0x1  }
0x56b: {  	v3 =	vperm.xlane v3, v2;
	v4 =	vadd.s32 v1, v46;
	_ =	sdelay $0x1  }
0x56c: {  	v3 =	vadd.s32 v1, v3;
	_ =	sdelay $0x1  }
0x56d: {  	s11 =	simm.s32 $0x19C00  }
0x56e: {  	[tilespmem:s11], [sflag:$0x8] =	stream.indirect_vreg.gather [hbm4b:s0+s3], $0x80, v4, vm0, $0xb8;
	[tilespmem:$0x1E400] =	vst v63  }
0x56f: {  	s13 =	simm.s32 $0x1A800  }
0x570: {  	[tilespmem:s13], [sflag:$0x8] =	stream.indirect_vreg.gather [hbm4b:s0+s3], $0x80, v3, vm0, $0xb8;
	[tilespmem:$0x1E400] =	vst v63  }
0x571: {  	v3 =	vld [tilespmem:$0x1B0];
	_ =	sdelay $0x4  }
0x572: {  	v47 =	vperm.xlane v3, v0;
	_ =	sdelay $0x1  }
0x573: {  	v3 =	vperm.xlane v3, v2;
	v4 =	vadd.s32 v1, v47;
	_ =	sdelay $0x1  }
0x574: {  	v3 =	vadd.s32 v1, v3;
	_ =	sdelay $0x1  }
0x575: {  	s14 =	simm.s32 $0x1B400  }
0x576: {  	[tilespmem:s14], [sflag:$0x8] =	stream.indirect_vreg.gather [hbm4b:s0+s3], $0x80, v4, vm0, $0xb8;
	[tilespmem:$0x1E400] =	vst v63  }
0x577: {  	s17 =	simm.s32 $0x1C000  }
0x578: {  	[tilespmem:s17], [sflag:$0x8] =	stream.indirect_vreg.gather [hbm4b:s0+s3], $0x80, v3, vm0, $0xb8;
	[tilespmem:$0x1E400] =	vst v63  }
0x579: {  	v3 =	vld [tilespmem:$0x1C0];
	_ =	sdelay $0x4  }
0x57a: {  	v48 =	vperm.xlane v3, v0;
	_ =	sdelay $0x1  }
0x57b: {  	v3 =	vperm.xlane v3, v2;
	v4 =	vadd.s32 v1, v48;
	_ =	sdelay $0x1  }
0x57c: {  	v3 =	vadd.s32 v1, v3;
	_ =	sdelay $0x1  }
0x57d: {  	s19 =	simm.s32 $0x1CC00  }
0x57e: {  	[tilespmem:s19], [sflag:$0x8] =	stream.indirect_vreg.gather [hbm4b:s0+s3], $0x80, v4, vm0, $0xb8;
	[tilespmem:$0x1E400] =	vst v63  }
0x57f: {  	s21 =	simm.s32 $0x1D800  }
0x580: {  	[tilespmem:s21], [sflag:$0x8] =	stream.indirect_vreg.gather [hbm4b:s0+s3], $0x80, v3, vm0, $0xb8;
	[tilespmem:$0x1E400] =	vst v63  }
0x581: {  	v3 =	vld [tilespmem:$0x380];
	_ =	sdelay $0x4  }
0x582: {  	v49 =	vperm.xlane v3, v0;
	_ =	sdelay $0x1  }
0x583: {  	v3 =	vperm.xlane v3, v2;
	v4 =	vadd.s32 v1, v49;
	_ =	sdelay $0x1  }
0x584: {  	v3 =	vadd.s32 v1, v3;
	_ =	sdelay $0x1  }
0x585: {  	s24 =	simm.s32 $0x17000  }
0x586: {  	[tilespmem:s24], [sflag:$0x8] =	stream.indirect_vreg.gather [hbm4b:s0+s3], $0x80, v4, vm0, $0xb8;
	[tilespmem:$0x1E400] =	vst v63  }
0x587: {  	s28 =	simm.s32 $0x17C00  }
0x588: {  	[tilespmem:s28], [sflag:$0x8] =	stream.indirect_vreg.gather [hbm4b:s0+s3], $0x80, v3, vm0, $0xb8;
	[tilespmem:$0x1E400] =	vst v63  }
0x589: {  	v3 =	vld [tilespmem:$0x390];
	_ =	sdelay $0x4  }
0x58a: {  	v50 =	vperm.xlane v3, v0;
	_ =	sdelay $0x1  }
0x58b: {  	v3 =	vperm.xlane v3, v2;
	v4 =	vadd.s32 v1, v50;
	_ =	sdelay $0x1  }
0x58c: {  	v3 =	vadd.s32 v1, v3;
	_ =	sdelay $0x1  }
0x58d: {  	s31 =	simm.s32 $0x18800  }
0x58e: {  	[tilespmem:s31], [sflag:$0x8] =	stream.indirect_vreg.gather [hbm4b:s0+s3], $0x80, v4, vm0, $0xb8;
	[tilespmem:$0x1E400] =	vst v63  }
0x58f: {  	s4 =	simm.s32 $0x19400  }
0x590: {  	[tilespmem:s4], [sflag:$0x8] =	stream.indirect_vreg.gather [hbm4b:s0+s3], $0x80, v3, vm0, $0xb8;
	[tilespmem:$0x1E400] =	vst v63  }
0x591: {  	v3 =	vld [tilespmem:$0x3A0];
	_ =	sdelay $0x4  }
0x592: {  	v51 =	vperm.xlane v3, v0;
	_ =	sdelay $0x1  }
0x593: {  	v3 =	vperm.xlane v3, v2;
	v4 =	vadd.s32 v1, v51;
	_ =	sdelay $0x1  }
0x594: {  	v3 =	vadd.s32 v1, v3;
	_ =	sdelay $0x1  }
0x595: {  	s7 =	simm.s32 $0x1A000  }
0x596: {  	[tilespmem:s7], [sflag:$0x8] =	stream.indirect_vreg.gather [hbm4b:s0+s3], $0x80, v4, vm0, $0xb8;
	[tilespmem:$0x1E400] =	vst v63  }
0x597: {  	s10 =	simm.s32 $0x1AC00  }
0x598: {  	[tilespmem:s10], [sflag:$0x8] =	stream.indirect_vreg.gather [hbm4b:s0+s3], $0x80, v3, vm0, $0xb8;
	[tilespmem:$0x1E400] =	vst v63  }
0x599: {  	v3 =	vld [tilespmem:$0x3B0];
	_ =	sdelay $0x4  }
0x59a: {  	v52 =	vperm.xlane v3, v0;
	_ =	sdelay $0x1  }
0x59b: {  	v3 =	vperm.xlane v3, v2;
	v4 =	vadd.s32 v1, v52;
	_ =	sdelay $0x1  }
0x59c: {  	v3 =	vadd.s32 v1, v3;
	_ =	sdelay $0x1  }
0x59d: {  	s11 =	simm.s32 $0x1B800  }
0x59e: {  	[tilespmem:s11], [sflag:$0x8] =	stream.indirect_vreg.gather [hbm4b:s0+s3], $0x80, v4, vm0, $0xb8;
	[tilespmem:$0x1E400] =	vst v63  }
0x59f: {  	s13 =	simm.s32 $0x1C400  }
0x5a0: {  	[tilespmem:s13], [sflag:$0x8] =	stream.indirect_vreg.gather [hbm4b:s0+s3], $0x80, v3, vm0, $0xb8;
	[tilespmem:$0x1E400] =	vst v63  }
0x5a1: {  	v3 =	vld [tilespmem:$0x3C0];
	_ =	sdelay $0x4  }
0x5a2: {  	v53 =	vperm.xlane v3, v0;
	_ =	sdelay $0x1  }
0x5a3: {  	v3 =	vperm.xlane v3, v2;
	v4 =	vadd.s32 v1, v53;
	_ =	sdelay $0x1  }
0x5a4: {  	v3 =	vadd.s32 v1, v3;
	_ =	sdelay $0x1  }
0x5a5: {  	s14 =	simm.s32 $0x1D000  }
0x5a6: {  	[tilespmem:s14], [sflag:$0x8] =	stream.indirect_vreg.gather [hbm4b:s0+s3], $0x80, v4, vm0, $0xb8;
	[tilespmem:$0x1E400] =	vst v63  }
0x5a7: {  	s17 =	simm.s32 $0x1DC00  }
0x5a8: {  	[tilespmem:s17], [sflag:$0x8] =	stream.indirect_vreg.gather [hbm4b:s0+s3], $0x80, v3, vm0, $0xb8;
	[tilespmem:$0x1E400] =	vst v63  }
0x5a9: {  	s19 =	simm.s32 $0x17400;
	s7 =	rddreg [dreg:$0x15]  }
0x5aa: {  	[tilespmem:s19], [sflag:$0x8] =	stream.linear.gather [hbm4b:s7+s3], $0x400, $0x38;
	[tilespmem:$0x1E400] =	vst v63  }
0x5ab: {  	s24 =	simm.s32 $0x18000;
	s21 =	sadd.s32 $0x80, s7  }
0x5ac: {  	[tilespmem:s24], [sflag:$0x8] =	stream.linear.gather [hbm4b:s21+s3], $0x400, $0x38;
	[tilespmem:$0x1E400] =	vst v63  }
0x5ad: {  	s31 =	simm.s32 $0x18C00;
	s28 =	sadd.s32 $0x100, s7  }
0x5ae: {  	[tilespmem:s31], [sflag:$0x8] =	stream.linear.gather [hbm4b:s28+s3], $0x400, $0x38;
	[tilespmem:$0x1E400] =	vst v63  }
0x5af: {  	s10 =	sadd.s32 $0x180, s7;
	s11 =	simm.s32 $0x19800  }
0x5b0: {  	[tilespmem:s11], [sflag:$0x8] =	stream.linear.gather [hbm4b:s10+s3], $0x400, $0x38;
	[tilespmem:$0x1E400] =	vst v63  }
0x5b1: {  	s13 =	sadd.s32 $0x200, s7;
	s14 =	simm.s32 $0x1A400  }
0x5b2: {  	[tilespmem:s14], [sflag:$0x8] =	stream.linear.gather [hbm4b:s13+s3], $0x400, $0x38;
	[tilespmem:$0x1E400] =	vst v63  }
0x5b3: {  	s17 =	sadd.s32 $0x280, s7;
	s19 =	simm.s32 $0x1B000  }
0x5b4: {  	[tilespmem:s19], [sflag:$0x8] =	stream.linear.gather [hbm4b:s17+s3], $0x400, $0x38;
	[tilespmem:$0x1E400] =	vst v63  }
0x5b5: {  	s21 =	sadd.s32 $0x300, s7;
	s24 =	simm.s32 $0x1BC00  }
0x5b6: {  	[tilespmem:s24], [sflag:$0x8] =	stream.linear.gather [hbm4b:s21+s3], $0x400, $0x38;
	[tilespmem:$0x1E400] =	vst v63  }
0x5b7: {  	s28 =	sadd.s32 $0x380, s7;
	s31 =	simm.s32 $0x1C800  }
0x5b8: {  	[tilespmem:s31], [sflag:$0x8] =	stream.linear.gather [hbm4b:s28+s3], $0x400, $0x38;
	[tilespmem:$0x1E400] =	vst v63  }
0x5b9: {  	s2 =	sadd.s32 $0x400, s7;
	s10 =	simm.s32 $0x1D400  }
0x5ba: {  	[tilespmem:s10], [sflag:$0x8] =	stream.linear.gather [hbm4b:s2+s3], $0x400, $0x38;
	[tilespmem:$0x1E400] =	vst v63  }
0x5bb: {  	s11 =	sadd.s32 $0x480, s7;
	s13 =	simm.s32 $0x1E000  }
0x5bc: {  	[tilespmem:s13], [sflag:$0x8] =	stream.linear.gather [hbm4b:s11+s3], $0x400, $0x38;
	[tilespmem:$0x1E400] =	vst v63  }
0x5bd: {  	_ =	swait.ge [sflag:s1], $0x2800  }
0x5be: {  	[sflag:s1] =	ssyncset.done $0x0  }
0x5bf: {  	[sflag:s1] =	ssyncadd.s32 $0xFFFFD800  }
0x5c0: {  	_ =	swait.ge [sflag:s1], $0x2800  }
0x5c1: {  	[sflag:s1] =	ssyncset.done $0x0  }
0x5c2: {  	[sflag:s1] =	ssyncadd.s32 $0xFFFFD800  }
0x5c3: {  	_ =	swait.ge [sflag:s1], $0x2800  }
0x5c4: {  	s14 =	sld [smem:$0x7FD]  }
0x5c5: {  	[sflag:s1] =	ssyncset.done $0x0  }
0x5c6: {  	[sflag:s1] =	ssyncadd.s32 $0xFFFFD800  }
0x5c7: {  	[hbm4b:s14+s3] =	stream.linear.scatter [tilespmem:s29], [sflag:$0xA], $0x7800, $0x38;
	[tilespmem:$0x1E400] =	vst v63  }
0x5c8: {  	_ =	swait.ge [sflag:s25], $0x7800  }
0x5c9: {  	[sflag:s25] =	ssyncset.done $0x0  }
0x5ca: {  	[sflag:s25] =	ssyncadd.s32 $0xFFFF8800  }
0x5cb: {  	_ =	swait.ge [sflag:s16], $0xA0  }
0x5cc: {  	[sflag:s16] =	ssyncset.done $0x0  }
0x5cd: {  	[sflag:s16] =	ssyncadd.s32 $0xFFFFFF60  }
0x5ce: {  	v3 =	vld [tilespmem:$0x0];
	_ =	sdelay $0x4  }
0x5cf: {  	v54 =	vperm.xlane v3, v0;
	_ =	sdelay $0x1  }
0x5d0: {  	v3 =	vperm.xlane v3, v2;
	v4 =	vadd.s32 v1, v54;
	_ =	sdelay $0x1  }
0x5d1: {  	v3 =	vadd.s32 v1, v3;
	_ =	sdelay $0x2  }
0x5d2: {  	[tilespmem:s5], [sflag:$0x5] =	stream.indirect_vreg.gather [hbm4b:s0+s3], $0x80, v4, vm0, $0xb8;
	[tilespmem:$0x1E400] =	vst v63  }
0x5d3: {  	s17 =	simm.s32 $0x1000  }
0x5d4: {  	[tilespmem:s17], [sflag:$0x5] =	stream.indirect_vreg.gather [hbm4b:s0+s3], $0x80, v3, vm0, $0xb8;
	[tilespmem:$0x1E400] =	vst v63  }
0x5d5: {  	v3 =	vld [tilespmem:$0x10];
	_ =	sdelay $0x4  }
0x5d6: {  	v55 =	vperm.xlane v3, v0;
	_ =	sdelay $0x1  }
0x5d7: {  	v3 =	vperm.xlane v3, v2;
	v4 =	vadd.s32 v1, v55;
	_ =	sdelay $0x1  }
0x5d8: {  	v3 =	vadd.s32 v1, v3;
	_ =	sdelay $0x1  }
0x5d9: {  	s19 =	simm.s32 $0x1C00  }
0x5da: {  	[tilespmem:s19], [sflag:$0x5] =	stream.indirect_vreg.gather [hbm4b:s0+s3], $0x80, v4, vm0, $0xb8;
	[tilespmem:$0x1E400] =	vst v63  }
0x5db: {  	s21 =	simm.s32 $0x2800  }
0x5dc: {  	[tilespmem:s21], [sflag:$0x5] =	stream.indirect_vreg.gather [hbm4b:s0+s3], $0x80, v3, vm0, $0xb8;
	[tilespmem:$0x1E400] =	vst v63  }
0x5dd: {  	v3 =	vld [tilespmem:$0x20];
	_ =	sdelay $0x4  }
0x5de: {  	v56 =	vperm.xlane v3, v0;
	_ =	sdelay $0x1  }
0x5df: {  	v3 =	vperm.xlane v3, v2;
	v4 =	vadd.s32 v1, v56;
	_ =	sdelay $0x1  }
0x5e0: {  	v3 =	vadd.s32 v1, v3;
	_ =	sdelay $0x1  }
0x5e1: {  	s24 =	simm.s32 $0x3400  }
0x5e2: {  	[tilespmem:s24], [sflag:$0x5] =	stream.indirect_vreg.gather [hbm4b:s0+s3], $0x80, v4, vm0, $0xb8;
	[tilespmem:$0x1E400] =	vst v63  }
0x5e3: {  	s28 =	simm.s32 $0x4000  }
0x5e4: {  	[tilespmem:s28], [sflag:$0x5] =	stream.indirect_vreg.gather [hbm4b:s0+s3], $0x80, v3, vm0, $0xb8;
	[tilespmem:$0x1E400] =	vst v63  }
0x5e5: {  	v3 =	vld [tilespmem:$0x30];
	_ =	sdelay $0x4  }
0x5e6: {  	v57 =	vperm.xlane v3, v0;
	_ =	sdelay $0x1  }
0x5e7: {  	v3 =	vperm.xlane v3, v2;
	v4 =	vadd.s32 v1, v57;
	_ =	sdelay $0x1  }
0x5e8: {  	v3 =	vadd.s32 v1, v3;
	_ =	sdelay $0x1  }
0x5e9: {  	s29 =	simm.s32 $0x4C00  }
0x5ea: {  	[tilespmem:s29], [sflag:$0x5] =	stream.indirect_vreg.gather [hbm4b:s0+s3], $0x80, v4, vm0, $0xb8;
	[tilespmem:$0x1E400] =	vst v63  }
0x5eb: {  	s31 =	simm.s32 $0x5800  }
0x5ec: {  	[tilespmem:s31], [sflag:$0x5] =	stream.indirect_vreg.gather [hbm4b:s0+s3], $0x80, v3, vm0, $0xb8;
	[tilespmem:$0x1E400] =	vst v63  }
0x5ed: {  	v3 =	vld [tilespmem:$0x40];
	_ =	sdelay $0x4  }
0x5ee: {  	v58 =	vperm.xlane v3, v0;
	_ =	sdelay $0x1  }
0x5ef: {  	v3 =	vperm.xlane v3, v2;
	v4 =	vadd.s32 v1, v58;
	_ =	sdelay $0x1  }
0x5f0: {  	v3 =	vadd.s32 v1, v3;
	_ =	sdelay $0x1  }
0x5f1: {  	s4 =	simm.s32 $0x6400  }
0x5f2: {  	[tilespmem:s4], [sflag:$0x5] =	stream.indirect_vreg.gather [hbm4b:s0+s3], $0x80, v4, vm0, $0xb8;
	[tilespmem:$0x1E400] =	vst v63  }
0x5f3: {  	s7 =	simm.s32 $0x7000  }
0x5f4: {  	[tilespmem:s7], [sflag:$0x5] =	stream.indirect_vreg.gather [hbm4b:s0+s3], $0x80, v3, vm0, $0xb8;
	[tilespmem:$0x1E400] =	vst v63  }
0x5f5: {  	v3 =	vld [tilespmem:$0x200];
	_ =	sdelay $0x4  }
0x5f6: {  	v59 =	vperm.xlane v3, v0;
	_ =	sdelay $0x1  }
0x5f7: {  	v3 =	vperm.xlane v3, v2;
	v4 =	vadd.s32 v1, v59;
	_ =	sdelay $0x1  }
0x5f8: {  	v3 =	vadd.s32 v1, v3;
	_ =	sdelay $0x1  }
0x5f9: {  	s10 =	simm.s32 $0x800  }
0x5fa: {  	[tilespmem:s10], [sflag:$0x5] =	stream.indirect_vreg.gather [hbm4b:s0+s3], $0x80, v4, vm0, $0xb8;
	[tilespmem:$0x1E400] =	vst v63  }
0x5fb: {  	s11 =	simm.s32 $0x1400  }
0x5fc: {  	[tilespmem:s11], [sflag:$0x5] =	stream.indirect_vreg.gather [hbm4b:s0+s3], $0x80, v3, vm0, $0xb8;
	[tilespmem:$0x1E400] =	vst v63  }
0x5fd: {  	v3 =	vld [tilespmem:$0x210];
	_ =	sdelay $0x4  }
0x5fe: {  	v60 =	vperm.xlane v3, v0;
	_ =	sdelay $0x1  }
0x5ff: {  	v3 =	vperm.xlane v3, v2;
	v4 =	vadd.s32 v1, v60;
	_ =	sdelay $0x1  }
0x600: {  	v3 =	vadd.s32 v1, v3;
	_ =	sdelay $0x1  }
0x601: {  	s13 =	simm.s32 $0x2000  }
0x602: {  	[tilespmem:s13], [sflag:$0x5] =	stream.indirect_vreg.gather [hbm4b:s0+s3], $0x80, v4, vm0, $0xb8;
	[tilespmem:$0x1E400] =	vst v63  }
0x603: {  	s14 =	simm.s32 $0x2C00  }
0x604: {  	[tilespmem:s14], [sflag:$0x5] =	stream.indirect_vreg.gather [hbm4b:s0+s3], $0x80, v3, vm0, $0xb8;
	[tilespmem:$0x1E400] =	vst v63  }
0x605: {  	v3 =	vld [tilespmem:$0x220];
	_ =	sdelay $0x4  }
0x606: {  	v61 =	vperm.xlane v3, v0;
	_ =	sdelay $0x1  }
0x607: {  	v3 =	vperm.xlane v3, v2;
	v4 =	vadd.s32 v1, v61;
	_ =	sdelay $0x1  }
0x608: {  	v3 =	vadd.s32 v1, v3;
	_ =	sdelay $0x1  }
0x609: {  	s17 =	simm.s32 $0x3800  }
0x60a: {  	[tilespmem:s17], [sflag:$0x5] =	stream.indirect_vreg.gather [hbm4b:s0+s3], $0x80, v4, vm0, $0xb8;
	[tilespmem:$0x1E400] =	vst v63  }
0x60b: {  	s19 =	simm.s32 $0x4400  }
0x60c: {  	[tilespmem:s19], [sflag:$0x5] =	stream.indirect_vreg.gather [hbm4b:s0+s3], $0x80, v3, vm0, $0xb8;
	[tilespmem:$0x1E400] =	vst v63  }
0x60d: {  	v3 =	vld [tilespmem:$0x230];
	_ =	sdelay $0x4  }
0x60e: {  	v62 =	vperm.xlane v3, v0;
	_ =	sdelay $0x1  }
0x60f: {  	v3 =	vperm.xlane v3, v2;
	v4 =	vadd.s32 v1, v62;
	_ =	sdelay $0x1  }
0x610: {  	v3 =	vadd.s32 v1, v3;
	_ =	sdelay $0x1  }
0x611: {  	s21 =	simm.s32 $0x5000  }
0x612: {  	[tilespmem:s21], [sflag:$0x5] =	stream.indirect_vreg.gather [hbm4b:s0+s3], $0x80, v4, vm0, $0xb8;
	[tilespmem:$0x1E400] =	vst v63  }
0x613: {  	s24 =	simm.s32 $0x5C00  }
0x614: {  	[tilespmem:s24], [sflag:$0x5] =	stream.indirect_vreg.gather [hbm4b:s0+s3], $0x80, v3, vm0, $0xb8;
	[tilespmem:$0x1E400] =	vst v63  }
0x615: {  	v3 =	vld [tilespmem:$0x240];
	_ =	sdelay $0x4  }
0x616: {  	v63 =	vperm.xlane v3, v0;
	_ =	sdelay $0x1  }
0x617: {  	v3 =	vperm.xlane v3, v2;
	v4 =	vadd.s32 v1, v63;
	_ =	sdelay $0x1  }
0x618: {  	v3 =	vadd.s32 v1, v3;
	_ =	sdelay $0x1  }
0x619: {  	s28 =	simm.s32 $0x6800  }
0x61a: {  	[tilespmem:s28], [sflag:$0x5] =	stream.indirect_vreg.gather [hbm4b:s0+s3], $0x80, v4, vm0, $0xb8;
	[tilespmem:$0x1E400] =	vst v63  }
0x61b: {  	s29 =	simm.s32 $0x7400  }
0x61c: {  	[tilespmem:s29], [sflag:$0x5] =	stream.indirect_vreg.gather [hbm4b:s0+s3], $0x80, v3, vm0, $0xb8;
	[tilespmem:$0x1E400] =	vst v63  }
0x61d: {  	s31 =	simm.s32 $0xC00;
	s7 =	rddreg [dreg:$0x16]  }
0x61e: {  	[tilespmem:s31], [sflag:$0x5] =	stream.linear.gather [hbm4b:s7+s3], $0x400, $0x38;
	[tilespmem:$0x1E400] =	vst v63  }
0x61f: {  	s2 =	sadd.s32 $0x80, s7;
	s10 =	simm.s32 $0x1800  }
0x620: {  	[tilespmem:s10], [sflag:$0x5] =	stream.linear.gather [hbm4b:s2+s3], $0x400, $0x38;
	[tilespmem:$0x1E400] =	vst v63  }
0x621: {  	s11 =	sadd.s32 $0x100, s7;
	s13 =	simm.s32 $0x2400  }
0x622: {  	[tilespmem:s13], [sflag:$0x5] =	stream.linear.gather [hbm4b:s11+s3], $0x400, $0x38;
	[tilespmem:$0x1E400] =	vst v63  }
0x623: {  	s14 =	sadd.s32 $0x180, s7;
	s17 =	simm.s32 $0x3000  }
0x624: {  	[tilespmem:s17], [sflag:$0x5] =	stream.linear.gather [hbm4b:s14+s3], $0x400, $0x38;
	[tilespmem:$0x1E400] =	vst v63  }
0x625: {  	s19 =	sadd.s32 $0x200, s7;
	s21 =	simm.s32 $0x3C00  }
0x626: {  	[tilespmem:s21], [sflag:$0x5] =	stream.linear.gather [hbm4b:s19+s3], $0x400, $0x38;
	[tilespmem:$0x1E400] =	vst v63  }
0x627: {  	s24 =	sadd.s32 $0x280, s7;
	s28 =	simm.s32 $0x4800  }
0x628: {  	[tilespmem:s28], [sflag:$0x5] =	stream.linear.gather [hbm4b:s24+s3], $0x400, $0x38;
	[tilespmem:$0x1E400] =	vst v63  }
0x629: {  	s29 =	sadd.s32 $0x300, s7;
	s31 =	simm.s32 $0x5400  }
0x62a: {  	[tilespmem:s31], [sflag:$0x5] =	stream.linear.gather [hbm4b:s29+s3], $0x400, $0x38;
	[tilespmem:$0x1E400] =	vst v63  }
0x62b: {  	s10 =	sadd.s32 $0x380, s7;
	s11 =	simm.s32 $0x6000  }
0x62c: {  	[tilespmem:s11], [sflag:$0x5] =	stream.linear.gather [hbm4b:s10+s3], $0x400, $0x38;
	[tilespmem:$0x1E400] =	vst v63  }
0x62d: {  	s13 =	sadd.s32 $0x400, s7;
	s14 =	simm.s32 $0x6C00  }
0x62e: {  	[tilespmem:s14], [sflag:$0x5] =	stream.linear.gather [hbm4b:s13+s3], $0x400, $0x38;
	[tilespmem:$0x1E400] =	vst v63  }
0x62f: {  	s17 =	sadd.s32 $0x480, s7;
	s19 =	simm.s32 $0x7800  }
0x630: {  	[tilespmem:s19], [sflag:$0x5] =	stream.linear.gather [hbm4b:s17+s3], $0x400, $0x38;
	[tilespmem:$0x1E400] =	vst v63  }
0x631: {  	_ =	swait.ge [sflag:s15], $0x2800  }
0x632: {  	[sflag:s15] =	ssyncset.done $0x0  }
0x633: {  	[sflag:s15] =	ssyncadd.s32 $0xFFFFD800  }
0x634: {  	_ =	swait.ge [sflag:s15], $0x2800  }
0x635: {  	[sflag:s15] =	ssyncset.done $0x0  }
0x636: {  	[sflag:s15] =	ssyncadd.s32 $0xFFFFD800  }
0x637: {  	_ =	swait.ge [sflag:s15], $0x2800  }
0x638: {  	s21 =	sld [smem:$0x7F2]  }
0x639: {  	[sflag:s15] =	ssyncset.done $0x0  }
0x63a: {  	[sflag:s15] =	ssyncadd.s32 $0xFFFFD800  }
0x63b: {  	[hbm4b:s21+s3] =	stream.linear.scatter [tilespmem:s8], [sflag:$0xB], $0x7800, $0x38;
	[tilespmem:$0x1E400] =	vst v63  }
0x63c: {  	_ =	swait.ge [sflag:s6], $0x7800  }
0x63d: {  	[sflag:s6] =	ssyncset.done $0x0  }
0x63e: {  	[sflag:s6] =	ssyncadd.s32 $0xFFFF8800  }
0x63f: {  	_ =	swait.ge [sflag:s30], $0x2800  }
0x640: {  	[sflag:s30] =	ssyncset.done $0x0  }
0x641: {  	[sflag:s30] =	ssyncadd.s32 $0xFFFFD800  }
0x642: {  	_ =	swait.ge [sflag:s30], $0x2800  }
0x643: {  	[sflag:s30] =	ssyncset.done $0x0  }
0x644: {  	[sflag:s30] =	ssyncadd.s32 $0xFFFFD800  }
0x645: {  	_ =	swait.ge [sflag:s30], $0x2800  }
0x646: {  	s24 =	sld [smem:$0x7F3]  }
0x647: {  	[sflag:s30] =	ssyncset.done $0x0  }
0x648: {  	[sflag:s30] =	ssyncadd.s32 $0xFFFFD800  }
0x649: {  	[hbm4b:s24+s3] =	stream.linear.scatter [tilespmem:s9], [sflag:$0xC], $0x7800, $0x38;
	[tilespmem:$0x1E400] =	vst v63  }
0x64a: {  	_ =	swait.ge [sflag:s23], $0x7800  }
0x64b: {  	[sflag:s23] =	ssyncset.done $0x0  }
0x64c: {  	[sflag:s23] =	ssyncadd.s32 $0xFFFF8800  }
0x64d: {  	_ =	swait.ge [sflag:s26], $0x2800  }
0x64e: {  	[sflag:s26] =	ssyncset.done $0x0  }
0x64f: {  	[sflag:s26] =	ssyncadd.s32 $0xFFFFD800  }
0x650: {  	_ =	swait.ge [sflag:s26], $0x2800  }
0x651: {  	[sflag:s26] =	ssyncset.done $0x0  }
0x652: {  	[sflag:s26] =	ssyncadd.s32 $0xFFFFD800  }
0x653: {  	_ =	swait.ge [sflag:s26], $0x2800  }
0x654: {  	s28 =	sld [smem:$0x7F4]  }
0x655: {  	[sflag:s26] =	ssyncset.done $0x0  }
0x656: {  	[sflag:s26] =	ssyncadd.s32 $0xFFFFD800  }
0x657: {  	[hbm4b:s28+s3] =	stream.linear.scatter [tilespmem:s5], [sflag:$0x9], $0x7800, $0x38;
	[tilespmem:$0x1E400] =	vst v63  }
0x658: {  	_ =	swait.ge [sflag:s18], $0x7800  }
0x659: {  	[sflag:s18] =	ssyncset.done $0x0  }
0x65a: {  	[sflag:s18] =	ssyncadd.s32 $0xFFFF8800  }
0x65b: {  	_ =	swait.ge [sflag:s25], $0x7800  }
0x65c: {  	s29 =	sld [smem:$0x7E4]  }
0x65d: {  	s31 =	sld [smem:$0x7F5];
	_ =	sdelay $0x1  }
0x65e: {  	s2 =	sadd.s32 $0x1, s29  }
0x65f: {  	p0 =	sne.s32 s2, s31  }
.Ltmp1:
0x660: {  	_ = 	snop;
	(pc) =	sbr.rel @p0 .LBB2_1-.Ltmp1, $3  }
0x661: {  	_ =	sdelay $0x1  }
0x662: {  	s10 =	simm.s32 $0x80;
	s11 =	simm.s32 $0x280;
	[sflag:s25] =	ssyncset.done $0x0  }
0x663: {  	s21 =	simm.s32 $0x2;
	s5 =	simm.s32 $0x100;
	[sflag:s25] =	ssyncadd.s32 $0xFFFF8800  }
0x664: {  	_ =	sfence.sel $0x180000  }
0x665: {  	[bflag:$0x0] =	sbarrier.arrive $0xFFFF  }
0x666: {  	_ =	strace $0x90000047  }
0x667: {  	s0 =	stileid.u32;
	[bflag:$0x2] =	sbarrier.arrive $0xFFFF  }
0x668: {  	p0 =	sne.s32 s0, $0x0;
	s0 =	rddreg [dreg:$0x5]  }
0x669: {  	s0 =	sadd.s32 @!p0 $0x100000, s0  }
0x66a: {  	[sflag:s0] =	ssyncadd.tile.s32 @!p0 $0x1;
	_ =	shalt  }
.Lfunc_end2:
_tile_overlayer_lowered:
.L_overlay_start_2:
0x66b: {  	(tag) =	ssettag $0x2  }
0x66c: {  	s0 =	rddreg [dreg:$0x0];
	s2 =	stileid.u32  }
0x66d: {  	s1 =	rddreg [dreg:$0x1];
	p0 =	sne.s32 s2, $0x0  }
0x66e: {  	s3 =	rddreg [dreg:$0x2];
	[bflag:$0x3] =	sbarrier.arrive $0xFFFF;
	s2 =	simm.s32 @!p0 $0x1C0D  }
0x66f: {  	[timem:s3], [sflag:s2] =	dma.local @!p0 [hbm:s0], s1  }
0x670: {  	s0 =	simm.s32 @!p0 $0xD  }
0x671: {  	_ =	swait.ge @!p0 [sflag:s0], s1  }
0x672: {  	s1 =	ssub.s32 @!p0 $0x0, s1;
	[sflag:s0] =	ssyncset.done @!p0 $0x0  }
0x673: {  	[sflag:s0] =	ssyncadd.s32 @!p0 s1  }
0x674: {  	[bflag:$0x3] =	sbarrier.arrive $0xFFFF  }
0x675: {  	_ =	shalt  }

</sc_bundles>
